<compile_context>
chip_gen: v7x
topology: tpu7x:2x2x1
jax: 0.10.2.dev20260603
libtpu: 0.0.44.dev20260713+nightly
codegen_flags: <defaults>
</compile_context>

<pallas_src>
import functools

import jax
import jax.numpy as jnp
from jax import lax
from jax.experimental import pallas as pl
from jax.experimental.pallas import tpu as pltpu
from jax.experimental.pallas import tpu_sc as plsc

N = 10000
E = 160000
D = 256
DE = 16
H = 128

NT = 16
EPT = E // NT
C = 80
CH = EPT // C
RPB = 624

C2 = 128
NCH2 = E // C2
CH2 = NCH2 // 32

_NODE_BLK = 2000
_EDGE_BLK = 4000



def _tc_node_pre_body(h_ref, phT_ref, wuT_ref, wvT_ref, hp_ref, wu_ref, wv_ref):
    hblk = h_ref[...]
    hp = jnp.dot(hblk, phT_ref[...], preferred_element_type=jnp.float32)
    hp_ref[0] = hp[:, :H]
    hp_ref[1] = hp[:, H:]
    wu_ref[...] = jnp.dot(hblk, wuT_ref[...], preferred_element_type=jnp.float32)
    wv_ref[...] = jnp.dot(hblk, wvT_ref[...], preferred_element_type=jnp.float32)


def _tc_node_pre(h, phT, wuT, wvT):
    nb = N // _NODE_BLK
    return pl.pallas_call(
        _tc_node_pre_body,
        grid=(nb,),
        in_specs=[
            pl.BlockSpec((_NODE_BLK, D), lambda i: (i, 0)),
            pl.BlockSpec((D, D), lambda i: (0, 0)),
            pl.BlockSpec((D, DE), lambda i: (0, 0)),
            pl.BlockSpec((D, DE), lambda i: (0, 0)),
        ],
        out_specs=[
            pl.BlockSpec((2, _NODE_BLK, H), lambda i: (0, i, 0)),
            pl.BlockSpec((_NODE_BLK, DE), lambda i: (i, 0)),
            pl.BlockSpec((_NODE_BLK, DE), lambda i: (i, 0)),
        ],
        out_shape=[
            jax.ShapeDtypeStruct((2, N, H), jnp.float32),
            jax.ShapeDtypeStruct((N, DE), jnp.float32),
            jax.ShapeDtypeStruct((N, DE), jnp.float32),
        ],
    )(h, phT, wuT, wvT)


def _tc_edge_pre_body(e_ref, peT_ref, pb_ref, ep_ref):
    ep = (jnp.dot(e_ref[...], peT_ref[...], preferred_element_type=jnp.float32)
          + pb_ref[...])
    ep_ref[0] = ep[:, :H]
    ep_ref[1] = ep[:, H:]


def _tc_edge_pre(e, peT, pb):
    nb = E // _EDGE_BLK
    return pl.pallas_call(
        _tc_edge_pre_body,
        grid=(nb,),
        in_specs=[
            pl.BlockSpec((_EDGE_BLK, DE), lambda i: (i, 0)),
            pl.BlockSpec((DE, D), lambda i: (0, 0)),
            pl.BlockSpec((1, D), lambda i: (0, 0)),
        ],
        out_specs=pl.BlockSpec((2, _EDGE_BLK, H), lambda i: (0, i, 0)),
        out_shape=jax.ShapeDtypeStruct((2, E, H), jnp.float32),
    )(e, peT, pb)


def _tc_edge_w_body(e_ref, weT_ref, wb_ref, ew_ref):
    ew_ref[...] = (jnp.dot(e_ref[...], weT_ref[...],
                           preferred_element_type=jnp.float32) + wb_ref[...])


def _tc_edge_w(e, weT, wb):
    nb = E // _EDGE_BLK
    return pl.pallas_call(
        _tc_edge_w_body,
        grid=(nb,),
        in_specs=[
            pl.BlockSpec((_EDGE_BLK, DE), lambda i: (i, 0)),
            pl.BlockSpec((DE, DE), lambda i: (0, 0)),
            pl.BlockSpec((1, DE), lambda i: (0, 0)),
        ],
        out_specs=pl.BlockSpec((_EDGE_BLK, DE), lambda i: (i, 0)),
        out_shape=jax.ShapeDtypeStruct((E, DE), jnp.float32),
    )(e, weT, wb)


def _tc_node_out_body(h_ref, a0_ref, a1_ref, d0_ref, d1_ref, qhT_ref, qaT_ref,
                      qb_ref, out_ref):
    agg = jnp.concatenate([a0_ref[...], a1_ref[...]], axis=-1)
    deg = d0_ref[:, 0:1] + d1_ref[:, 0:1]
    degc = jnp.maximum(deg, 1.0)
    aggn = agg / degc
    acc = (jnp.dot(h_ref[...], qhT_ref[...], preferred_element_type=jnp.float32)
           + jnp.dot(aggn, qaT_ref[...], preferred_element_type=jnp.float32)
           + qb_ref[...])
    out_ref[...] = jnp.maximum(acc, 0.0)


def _tc_node_out(h, agg, deg2, qhT, qaT, qb):
    nb = N // _NODE_BLK
    return pl.pallas_call(
        _tc_node_out_body,
        grid=(nb,),
        in_specs=[
            pl.BlockSpec((_NODE_BLK, D), lambda i: (i, 0)),
            pl.BlockSpec((_NODE_BLK, H), lambda i: (i, 0)),
            pl.BlockSpec((_NODE_BLK, H), lambda i, nb=nb: (i + nb, 0)),
            pl.BlockSpec((_NODE_BLK, DE), lambda i: (i, 0)),
            pl.BlockSpec((_NODE_BLK, DE), lambda i, nb=nb: (i + nb, 0)),
            pl.BlockSpec((D, D), lambda i: (0, 0)),
            pl.BlockSpec((D, D), lambda i: (0, 0)),
            pl.BlockSpec((1, D), lambda i: (0, 0)),
        ],
        out_specs=pl.BlockSpec((_NODE_BLK, D), lambda i: (i, 0)),
        out_shape=jax.ShapeDtypeStruct((N, D), jnp.float32),
    )(h, agg, agg, deg2, deg2, qhT, qaT, qb)



def _sc1_body(hp_hbm, ep_hbm, eidx_hbm, agg_hbm,
              agg_sh,
              idx20, src20, hrows0, erows0, sem0, isem0,
              idx21, src21, hrows1, erows1, sem1, isem1,
              zbuf):
    c = lax.axis_index("c")
    s = lax.axis_index("s")
    zero16 = jnp.zeros((16,), jnp.float32)

    def zb_body(i, carry):
        for j in range(H // 16):
            zbuf[i, pl.ds(j * 16, 16)] = zero16
        return carry
    lax.fori_loop(0, 16, zb_body, 0)

    row0 = s * RPB
    ncopy = jnp.where(s == NT - 1, (RPB + 16) // 16, RPB // 16)

    def zinit(i, carry):
        pltpu.sync_copy(zbuf, agg_sh.at[pl.ds(row0 + i * 16, 16)])
        return carry
    lax.fori_loop(0, ncopy, zinit, 0)
    plsc.subcore_barrier()

    tile_base = s * EPT
    hp_off = c * N
    bufs = ((idx20, src20, hrows0, erows0, sem0, isem0),
            (idx21, src21, hrows1, erows1, sem1, isem1))

    def prefetch(k, b):
        idx2_v, _, _, _, _, isem = b
        pltpu.async_copy(eidx_hbm.at[s * CH + k], idx2_v, isem)

    def fire(k, b):
        idx2_v, src2_v, hr, er, sem, isem = b
        base = tile_base + k * C
        pltpu.make_async_copy(eidx_hbm.at[s * CH + k], idx2_v, isem).wait()
        for j in range(C // 16):
            sl = pl.ds(j * 16, 16)
            src2_v[sl] = idx2_v[0, sl] + hp_off
        pltpu.async_copy(hp_hbm.at[src2_v], hr, sem)
        pltpu.async_copy(ep_hbm.at[pl.ds(c * E + base, C)], er, sem)

    def consume(k, b):
        idx2_v, src2_v, hr, er, sem, isem = b
        base = tile_base + k * C
        pltpu.make_async_copy(hp_hbm.at[src2_v], hr, sem).wait()
        pltpu.make_async_copy(ep_hbm.at[pl.ds(c * E + base, C)], er, sem).wait()

        def row(i, carry2):
            for jj in range(4):
                for j in range(H // 16):
                    sl = pl.ds(j * 16, 16)
                    hr[4 * i + jj, sl] = jnp.maximum(
                        hr[4 * i + jj, sl] + er[4 * i + jj, sl], 0.0)
            return carry2
        lax.fori_loop(0, C // 4, row, 0)
        pltpu.sync_copy(hr, agg_sh.at[idx2_v.at[1]], add=True)

    prefetch(0, bufs[0])
    prefetch(1, bufs[1])
    fire(0, bufs[0])
    PAIRS = (CH - 1) // 2

    def pair(i, carry):
        k0 = 2 * i
        fire(k0 + 1, bufs[1])
        consume(k0, bufs[0])
        prefetch(k0 + 2, bufs[0])

        @pl.when(i < PAIRS - 1)
        def _():
            fire(k0 + 2, bufs[0])
        consume(k0 + 1, bufs[1])

        @pl.when(i < PAIRS - 1)
        def _():
            prefetch(k0 + 3, bufs[1])
        return carry
    lax.fori_loop(0, PAIRS, pair, 0)

    for k in range(2 * PAIRS, CH):
        fire(k, bufs[k % 2])
        consume(k, bufs[k % 2])
    plsc.subcore_barrier()

    @pl.when(s < NT - 1)
    def _():
        pltpu.sync_copy(agg_sh.at[pl.ds(row0, RPB)],
                        agg_hbm.at[pl.ds(c * N + row0, RPB)])

    @pl.when(s == NT - 1)
    def _():
        last0 = (NT - 1) * RPB
        nlast = N - last0
        pltpu.sync_copy(agg_sh.at[pl.ds(last0, nlast)],
                        agg_hbm.at[pl.ds(c * N + last0, nlast)])


_sc_aggregate = functools.partial(
    pl.kernel,
    out_type=jax.ShapeDtypeStruct((2 * N, H), jnp.float32),
    mesh=plsc.VectorSubcoreMesh(core_axis_name="c", subcore_axis_name="s"),
    compiler_params=pltpu.CompilerParams(use_tc_tiling_on_sc=False),
    scratch_types=(
        pltpu.VMEM_SHARED((N, H), jnp.float32),
        pltpu.VMEM((2, C), jnp.int32),
        pltpu.VMEM((C,), jnp.int32),
        pltpu.VMEM((C, H), jnp.float32),
        pltpu.VMEM((C, H), jnp.float32),
        pltpu.SemaphoreType.DMA,
        pltpu.SemaphoreType.DMA,
        pltpu.VMEM((2, C), jnp.int32),
        pltpu.VMEM((C,), jnp.int32),
        pltpu.VMEM((C, H), jnp.float32),
        pltpu.VMEM((C, H), jnp.float32),
        pltpu.SemaphoreType.DMA,
        pltpu.SemaphoreType.DMA,
        pltpu.VMEM((16, H), jnp.float32),
    ),
)(_sc1_body)



def _sc2_body(eidx_hbm, wu_hbm, wv_hbm, ew_hbm,
              enew_hbm, deg_hbm,
              deg_sh,
              idx20, urows0, vrows0, wrows0, sem0, isem0,
              idx21, urows1, vrows1, wrows1, sem1, isem1,
              ones_v, zdeg):
    c = lax.axis_index("c")
    s = lax.axis_index("s")
    zero16 = jnp.zeros((16,), jnp.float32)
    one16 = jnp.full((16,), 1.0, jnp.float32)

    def zd_body(i, carry):
        zdeg[i, :] = zero16
        return carry
    lax.fori_loop(0, 16, zd_body, 0)

    def ones_body(i, carry):
        ones_v[i, :] = one16
        return carry
    lax.fori_loop(0, C2, ones_body, 0)

    row0 = s * RPB
    ncopy = jnp.where(s == NT - 1, (RPB + 16) // 16, RPB // 16)

    def zinit(i, carry):
        pltpu.sync_copy(zdeg, deg_sh.at[pl.ds(row0 + i * 16, 16)])
        return carry
    lax.fori_loop(0, ncopy, zinit, 0)
    plsc.subcore_barrier()

    w = c * NT + s
    bufs = ((idx20, urows0, vrows0, wrows0, sem0, isem0),
            (idx21, urows1, vrows1, wrows1, sem1, isem1))

    def prefetch(k, b):
        idx2_v, _, _, _, _, isem = b
        pltpu.async_copy(eidx_hbm.at[w + 32 * k], idx2_v, isem)

    def fire(k, b):
        idx2_v, ur, vr, wr, sem, isem = b
        cid = w + 32 * k
        base = cid * C2
        pltpu.make_async_copy(eidx_hbm.at[cid], idx2_v, isem).wait()
        pltpu.async_copy(wu_hbm.at[idx2_v.at[0]], ur, sem)
        pltpu.async_copy(wv_hbm.at[idx2_v.at[1]], vr, sem)
        pltpu.async_copy(ew_hbm.at[pl.ds(base, C2)], wr, sem)

    def consume(k, b):
        idx2_v, ur, vr, wr, sem, isem = b
        cid = w + 32 * k
        base = cid * C2
        pltpu.make_async_copy(wu_hbm.at[idx2_v.at[0]], ur, sem).wait()
        pltpu.make_async_copy(wv_hbm.at[idx2_v.at[1]], vr, sem).wait()
        pltpu.make_async_copy(ew_hbm.at[pl.ds(base, C2)], wr, sem).wait()

        def erow(i, carry2):
            wr[i, :] = jnp.maximum(wr[i, :] + ur[i, :] + vr[i, :], 0.0)
            return carry2
        lax.fori_loop(0, C2, erow, 0)
        pltpu.sync_copy(wr, enew_hbm.at[pl.ds(base, C2)])
        pltpu.sync_copy(ones_v, deg_sh.at[idx2_v.at[1]], add=True)

    prefetch(0, bufs[0])
    prefetch(1, bufs[1])
    fire(0, bufs[0])
    PAIRS = (CH2 - 1) // 2

    def pair(i, carry):
        k0 = 2 * i
        fire(k0 + 1, bufs[1])
        consume(k0, bufs[0])
        prefetch(k0 + 2, bufs[0])

        @pl.when(i < PAIRS - 1)
        def _():
            fire(k0 + 2, bufs[0])
        consume(k0 + 1, bufs[1])

        @pl.when(i < PAIRS - 1)
        def _():
            prefetch(k0 + 3, bufs[1])
        return carry
    lax.fori_loop(0, PAIRS, pair, 0)

    for k in range(2 * PAIRS, CH2):
        fire(k, bufs[k % 2])
        consume(k, bufs[k % 2])

    @pl.when(w < NCH2 - 32 * CH2)
    def _():
        prefetch(CH2, bufs[CH2 % 2])
        fire(CH2, bufs[CH2 % 2])
        consume(CH2, bufs[CH2 % 2])
    plsc.subcore_barrier()

    @pl.when(s < NT - 1)
    def _():
        pltpu.sync_copy(deg_sh.at[pl.ds(row0, RPB)],
                        deg_hbm.at[pl.ds(c * N + row0, RPB)])

    @pl.when(s == NT - 1)
    def _():
        last0 = (NT - 1) * RPB
        nlast = N - last0
        pltpu.sync_copy(deg_sh.at[pl.ds(last0, nlast)],
                        deg_hbm.at[pl.ds(c * N + last0, nlast)])


_sc_edge_new = functools.partial(
    pl.kernel,
    out_type=(
        jax.ShapeDtypeStruct((E, DE), jnp.float32),
        jax.ShapeDtypeStruct((2 * N, DE), jnp.float32),
    ),
    mesh=plsc.VectorSubcoreMesh(core_axis_name="c", subcore_axis_name="s"),
    compiler_params=pltpu.CompilerParams(use_tc_tiling_on_sc=False),
    scratch_types=(
        pltpu.VMEM_SHARED((N, DE), jnp.float32),
        pltpu.VMEM((2, C2), jnp.int32),
        pltpu.VMEM((C2, DE), jnp.float32),
        pltpu.VMEM((C2, DE), jnp.float32),
        pltpu.VMEM((C2, DE), jnp.float32),
        pltpu.SemaphoreType.DMA,
        pltpu.SemaphoreType.DMA,
        pltpu.VMEM((2, C2), jnp.int32),
        pltpu.VMEM((C2, DE), jnp.float32),
        pltpu.VMEM((C2, DE), jnp.float32),
        pltpu.VMEM((C2, DE), jnp.float32),
        pltpu.SemaphoreType.DMA,
        pltpu.SemaphoreType.DMA,
        pltpu.VMEM((C2, DE), jnp.float32),
        pltpu.VMEM((16, DE), jnp.float32),
    ),
)(_sc2_body)



def kernel(h, e, edge_index, P_w, P_b, Q_w, Q_b, W_w, W_b):
    src = edge_index[0].astype(jnp.int32)
    tgt = edge_index[1].astype(jnp.int32)

    phT = P_w[:, :D].T
    peT = P_w[:, D:].T
    weT = W_w[:, :DE].T
    wuT = W_w[:, DE:DE + D].T
    wvT = W_w[:, DE + D:].T
    qhT = Q_w[:, :D].T
    qaT = Q_w[:, D:].T

    ei = jnp.stack([src, tgt])
    eidx1 = ei.reshape(2, E // C, C).transpose(1, 0, 2)
    eidx2 = ei.reshape(2, E // C2, C2).transpose(1, 0, 2)

    hp, wu, wv = _tc_node_pre(h, phT, wuT, wvT)
    ew = _tc_edge_w(e, weT, W_b.reshape(1, DE))
    ep = _tc_edge_pre(e, peT, P_b.reshape(1, D))

    e_new, deg2 = _sc_edge_new(eidx2, wu, wv, ew)
    agg = _sc_aggregate(hp.reshape(2 * N, H), ep.reshape(2 * E, H), eidx1)

    h_new = _tc_node_out(h, agg, deg2, qhT, qaT, Q_b.reshape(1, D))
    return (h_new, e_new)

# --- scband reference (transcript-rebuilt; emitter-appended) ---
"""Pipeline reference for scband-grapelayer-42030549958838 (READ-ONLY COPY).

The authoritative reference and input builder live on the scoring server;
editing this copy changes nothing except your own understanding.
"""

import jax, jax.numpy as jnp
import numpy as np

N_NODES = 10000
N_EDGES = 160000
D_NODE_IN = 256
D_EDGE_IN = 16
D_NODE_OUT = 256
D_EDGE_OUT = 16


def setup_inputs(seed: int = 0) -> dict:
    key = jax.random.key(seed)
    ks = jax.random.split(key, 10)
    h = jax.random.normal(ks[0], (N_NODES, D_NODE_IN), dtype=jnp.float32)
    e = jax.random.normal(ks[1], (N_EDGES, D_EDGE_IN), dtype=jnp.float32)
    edge_index = jax.random.randint(ks[2], (2, N_EDGES), 0, N_NODES, dtype=jnp.int64)
    # Linear P: in = node_dim_in + edge_dim_in, out = node_dim_out
    p_in = D_NODE_IN + D_EDGE_IN
    P_w = jax.random.normal(ks[3], (D_NODE_OUT, p_in), dtype=jnp.float32) * (1.0 / np.sqrt(p_in))
    P_b = jnp.zeros((D_NODE_OUT,), dtype=jnp.float32)
    # Linear Q: in = node_dim_in + node_dim_out, out = node_dim_out
    q_in = D_NODE_IN + D_NODE_OUT
    Q_w = jax.random.normal(ks[4], (D_NODE_OUT, q_in), dtype=jnp.float32) * (1.0 / np.sqrt(q_in))
    Q_b = jnp.zeros((D_NODE_OUT,), dtype=jnp.float32)
    # Linear W: in = 2*node_dim_in + edge_dim_in, out = edge_dim_out
    w_in = 2 * D_NODE_IN + D_EDGE_IN
    W_w = jax.random.normal(ks[5], (D_EDGE_OUT, w_in), dtype=jnp.float32) * (1.0 / np.sqrt(w_in))
    W_b = jnp.zeros((D_EDGE_OUT,), dtype=jnp.float32)
    return {"h": h, "e": e, "edge_index": edge_index,
            "P_w": P_w, "P_b": P_b, "Q_w": Q_w, "Q_b": Q_b, "W_w": W_w, "W_b": W_b}


def reference(h, e, edge_index, P_w, P_b, Q_w, Q_b, W_w, W_b):
    source = edge_index[0]
    target = edge_index[1]
    h_u = h[source]
    h_v = h[target]
    message_input = jnp.concatenate([h_u, e], axis=-1)
    messages = jax.nn.relu(message_input @ P_w.T + P_b)
    N = h.shape[0]
    n_out = messages.shape[-1]
    aggregated = jnp.zeros((N, n_out), dtype=h.dtype).at[target].add(messages)
    deg = jnp.bincount(target, minlength=N, length=N)
    deg = jnp.clip(deg, 1, None).astype(h.dtype)[:, None]
    aggregated = aggregated / deg
    node_input = jnp.concatenate([h, aggregated], axis=-1)
    h_new = jax.nn.relu(node_input @ Q_w.T + Q_b)
    edge_input = jnp.concatenate([e, h_u, h_v], axis=-1)
    e_new = jax.nn.relu(edge_input @ W_w.T + W_b)
    return (h_new, e_new)

if __name__ == "__main__":
    import jax
    _d = setup_inputs()
    print(jax.jit(kernel)(*tuple(_d.values())))

</pallas_src>

<mosaic_0001>
#map = affine_map<(d0, d1) -> (0, 0, 0)>
#map1 = affine_map<(d0, d1) -> (0, 0)>
module attributes {stable_mosaic.version = 14 : i64} {
  func.func @_sc2_body(%arg0: i32, %arg1: i32, %arg2: memref<1250x2x128xi32, #tpu.memory_space<hbm>>, %arg3: memref<10000x16xf32, #tpu.memory_space<hbm>>, %arg4: memref<10000x16xf32, #tpu.memory_space<hbm>>, %arg5: memref<160000x16xf32, #tpu.memory_space<hbm>>, %arg6: memref<160000x16xf32, #tpu.memory_space<hbm>>, %arg7: memref<20000x16xf32, #tpu.memory_space<hbm>>, %arg8: memref<10000x16xf32, #tpu.memory_space<vmem_shared>>, %arg9: memref<2x128xi32, #tpu.memory_space<vmem>>, %arg10: memref<128x16xf32, #tpu.memory_space<vmem>>, %arg11: memref<128x16xf32, #tpu.memory_space<vmem>>, %arg12: memref<128x16xf32, #tpu.memory_space<vmem>>, %arg13: memref<!tpu.dma_semaphore, #tpu.memory_space<semaphore_mem>>, %arg14: memref<!tpu.dma_semaphore, #tpu.memory_space<semaphore_mem>>, %arg15: memref<2x128xi32, #tpu.memory_space<vmem>>, %arg16: memref<128x16xf32, #tpu.memory_space<vmem>>, %arg17: memref<128x16xf32, #tpu.memory_space<vmem>>, %arg18: memref<128x16xf32, #tpu.memory_space<vmem>>, %arg19: memref<!tpu.dma_semaphore, #tpu.memory_space<semaphore_mem>>, %arg20: memref<!tpu.dma_semaphore, #tpu.memory_space<semaphore_mem>>, %arg21: memref<128x16xf32, #tpu.memory_space<vmem>>, %arg22: memref<16x16xf32, #tpu.memory_space<vmem>>) attributes {dimension_semantics = [#tpu.dimension_semantics<core_parallel>, #tpu.dimension_semantics<subcore_parallel>], iteration_bounds = array<i64: 2, 16>, scalar_prefetch = 0 : i64, scratch_operands = 15 : i64, tpu.core_type = #tpu.core_type<sc_vector_subcore>, window_params = [{transform_indices = #map}, {transform_indices = #map1}, {transform_indices = #map1}, {transform_indices = #map1}, {transform_indices = #map1}, {transform_indices = #map1}]} {
    %broadcast_in_dim3A = arith.constant 0.000000e+00 : f32
    %broadcast_in_dim3A_0 = vector.broadcast %broadcast_in_dim3A : f32 to vector<16xf32>
    %broadcast_in_dim3A_1 = arith.constant 1.000000e+00 : f32
    %broadcast_in_dim3A_2 = vector.broadcast %broadcast_in_dim3A_1 : f32 to vector<16xf32>
    %scan3A = arith.constant 0 : i32
    %scan3A_3 = arith.constant 0 : i32
    %scan3A_4 = arith.constant 16 : i32
    %scan3A_5 = arith.addi %scan3A_3, %scan3A_4 : i32
    %scan3A_6 = arith.constant 1 : i32
    scf.for %scan3A_153 = %scan3A_3 to %scan3A_5 step %scan3A_6  : i32 {
      %swap3A = arith.index_cast %scan3A_153 : i32 to index
      %swap3A_154 = arith.constant 0 : index
      %swap3A_155 = tpu.vector_load %arg22[%swap3A, %swap3A_154] {strides = array<i32>} : memref<16x16xf32, #tpu.memory_space<vmem>>, vector<1x16xf32>,
      %swap3A_156 = vector.shape_cast %swap3A_155 : vector<1x16xf32> to vector<16xf32>
      %swap3A_157 = vector.shape_cast %broadcast_in_dim3A_0 : vector<16xf32> to vector<1x16xf32>
      tpu.vector_store %arg22[%swap3A, %swap3A_154], %swap3A_157 {strides = array<i32>} : memref<16x16xf32, #tpu.memory_space<vmem>>, vector<1x16xf32>,
    }
    %scan3A_7 = arith.constant 16 : i32
    %scan3A_8 = arith.constant 0 : i32
    %scan3A_9 = arith.constant 0 : i32
    %scan3A_10 = arith.constant 128 : i32
    %scan3A_11 = arith.addi %scan3A_9, %scan3A_10 : i32
    %scan3A_12 = arith.constant 1 : i32
    scf.for %scan3A_153 = %scan3A_9 to %scan3A_11 step %scan3A_12  : i32 {
      %swap3A = arith.index_cast %scan3A_153 : i32 to index
      %swap3A_154 = arith.constant 0 : index
      %swap3A_155 = tpu.vector_load %arg21[%swap3A, %swap3A_154] {strides = array<i32>} : memref<128x16xf32, #tpu.memory_space<vmem>>, vector<1x16xf32>,
      %swap3A_156 = vector.shape_cast %swap3A_155 : vector<1x16xf32> to vector<16xf32>
      %swap3A_157 = vector.shape_cast %broadcast_in_dim3A_2 : vector<16xf32> to vector<1x16xf32>
      tpu.vector_store %arg21[%swap3A, %swap3A_154], %swap3A_157 {strides = array<i32>} : memref<128x16xf32, #tpu.memory_space<vmem>>, vector<1x16xf32>,
    }
    %scan3A_13 = arith.constant 128 : i32
    %mul3A = arith.constant 624 : i32
    %mul3A_14 = arith.muli %arg1, %mul3A : i32
    %eq3A = arith.constant 15 : i32
    %eq3A_15 = arith.cmpi eq, %arg1, %eq3A : i32
    %jit3A = arith.constant 40 : i32
    %jit3A_16 = arith.constant 39 : i32
    %select_n3A = arith.select %eq3A_15, %jit3A, %jit3A_16 : i32
    %while3A = arith.constant 0 : i32
    %while3A_17 = arith.constant 0 : i32
    %while3A_18 = arith.subi %select_n3A, %while3A_17 : i32
    %while3A_19 = arith.addi %while3A_17, %while3A_18 : i32
    %while3A_20 = arith.constant 1 : i32
    %while3A_21 = arith.divsi %while3A_18, %while3A_20 : i32
    %while3A_22 = arith.muli %while3A_21, %while3A_20 : i32
    %while3A_23 = arith.addi %while3A_17, %while3A_22 : i32
    %while3A_24 = arith.constant 1 : i32
    scf.for %while3A_153 = %while3A_17 to %while3A_23 step %while3A_24  : i32 {
      %mul3A_154 = arith.constant 16 : i32
      %mul3A_155 = arith.muli %while3A_153, %mul3A_154 : i32
      %add3A_156 = arith.addi %mul3A_14, %mul3A_155 : i32
      "tpu.region"() ({
        %run_scoped3A_157 = tpu.sem_alloc : memref<!tpu.dma_semaphore, #tpu.memory_space<semaphore_mem>>
        %dma_start3A_158 = arith.constant 0 : i32
        %dma_start3A_159 = tpu.memref_slice %arg8[%add3A_156, %dma_start3A_158] : memref<10000x16xf32, #tpu.memory_space<vmem_shared>> -> memref<16x16xf32, #tpu.memory_space<vmem_shared>>
        %dma_start3A_160 = arith.constant 0 : i32
        %dma_start3A_161 = tpu.memref_slice %arg8[%add3A_156, %dma_start3A_160] : memref<10000x16xf32, #tpu.memory_space<vmem_shared>> -> memref<16x16xf32, #tpu.memory_space<vmem_shared>>
        tpu.enqueue_dma source(%arg22 : memref<16x16xf32, #tpu.memory_space<vmem>>) target(%dma_start3A_161 : memref<16x16xf32, #tpu.memory_space<vmem_shared>>) target_semaphore(%run_scoped3A_157 : memref<!tpu.dma_semaphore, #tpu.memory_space<semaphore_mem>>)
        %dma_wait3A_162 = arith.constant 0 : i32
        %dma_wait3A_163 = tpu.memref_slice %arg8[%add3A_156, %dma_wait3A_162] : memref<10000x16xf32, #tpu.memory_space<vmem_shared>> -> memref<16x16xf32, #tpu.memory_space<vmem_shared>>
        %dma_wait3A_164 = arith.constant 0 : i32
        %dma_wait3A_165 = tpu.memref_slice %arg8[%add3A_156, %dma_wait3A_164] : memref<10000x16xf32, #tpu.memory_space<vmem_shared>> -> memref<16x16xf32, #tpu.memory_space<vmem_shared>>
        tpu.wait_dma2 semaphore(%run_scoped3A_157 : memref<!tpu.dma_semaphore, #tpu.memory_space<semaphore_mem>>) src(%arg22 : memref<16x16xf32, #tpu.memory_space<vmem>>) dst(%dma_wait3A_165 : memref<16x16xf32, #tpu.memory_space<vmem_shared>>)
        tpu.yield
      }) : () -> ()
    }
    %while3A_25 = arith.constant 1 : i32
    scf.for %while3A_153 = %while3A_23 to %while3A_19 step %while3A_25  : i32 {
      %mul3A_154 = arith.constant 16 : i32
      %mul3A_155 = arith.muli %while3A_153, %mul3A_154 : i32
      %add3A_156 = arith.addi %mul3A_14, %mul3A_155 : i32
      "tpu.region"() ({
        %run_scoped3A_157 = tpu.sem_alloc : memref<!tpu.dma_semaphore, #tpu.memory_space<semaphore_mem>>
        %dma_start3A_158 = arith.constant 0 : i32
        %dma_start3A_159 = tpu.memref_slice %arg8[%add3A_156, %dma_start3A_158] : memref<10000x16xf32, #tpu.memory_space<vmem_shared>> -> memref<16x16xf32, #tpu.memory_space<vmem_shared>>
        %dma_start3A_160 = arith.constant 0 : i32
        %dma_start3A_161 = tpu.memref_slice %arg8[%add3A_156, %dma_start3A_160] : memref<10000x16xf32, #tpu.memory_space<vmem_shared>> -> memref<16x16xf32, #tpu.memory_space<vmem_shared>>
        tpu.enqueue_dma source(%arg22 : memref<16x16xf32, #tpu.memory_space<vmem>>) target(%dma_start3A_161 : memref<16x16xf32, #tpu.memory_space<vmem_shared>>) target_semaphore(%run_scoped3A_157 : memref<!tpu.dma_semaphore, #tpu.memory_space<semaphore_mem>>)
        %dma_wait3A_162 = arith.constant 0 : i32
        %dma_wait3A_163 = tpu.memref_slice %arg8[%add3A_156, %dma_wait3A_162] : memref<10000x16xf32, #tpu.memory_space<vmem_shared>> -> memref<16x16xf32, #tpu.memory_space<vmem_shared>>
        %dma_wait3A_164 = arith.constant 0 : i32
        %dma_wait3A_165 = tpu.memref_slice %arg8[%add3A_156, %dma_wait3A_164] : memref<10000x16xf32, #tpu.memory_space<vmem_shared>> -> memref<16x16xf32, #tpu.memory_space<vmem_shared>>
        tpu.wait_dma2 semaphore(%run_scoped3A_157 : memref<!tpu.dma_semaphore, #tpu.memory_space<semaphore_mem>>) src(%arg22 : memref<16x16xf32, #tpu.memory_space<vmem>>) dst(%dma_wait3A_165 : memref<16x16xf32, #tpu.memory_space<vmem_shared>>)
        tpu.yield
      }) : () -> ()
    }
    %barrier3A = arith.constant 0 : index
    tpu.barrier barrier_id(%barrier3A)
    %mul3A_26 = arith.constant 16 : i32
    %mul3A_27 = arith.muli %arg0, %mul3A_26 : i32
    %add3A = arith.addi %mul3A_27, %arg1 : i32
    %add3A_28 = arith.constant 0 : i32
    %add3A_29 = arith.addi %add3A, %add3A_28 : i32
    %dma_start3A = arith.constant 0 : i32
    %dma_start3A_30 = arith.constant 0 : i32
    %dma_start3A_31 = tpu.memref_slice %arg2[%add3A_29, %dma_start3A, %dma_start3A_30] : memref<1250x2x128xi32, #tpu.memory_space<hbm>> -> memref<1x2x128xi32, #tpu.memory_space<hbm>>
    %dma_start3A_32 = tpu.memref_squeeze %dma_start3A_31 : memref<1x2x128xi32, #tpu.memory_space<hbm>> -> memref<2x128xi32, #tpu.memory_space<hbm>>
    %dma_start3A_33 = arith.constant 0 : i32
    %dma_start3A_34 = arith.constant 0 : i32
    %dma_start3A_35 = tpu.memref_slice %arg2[%add3A_29, %dma_start3A_33, %dma_start3A_34] : memref<1250x2x128xi32, #tpu.memory_space<hbm>> -> memref<1x2x128xi32, #tpu.memory_space<hbm>>
    %dma_start3A_36 = tpu.memref_squeeze %dma_start3A_35 : memref<1x2x128xi32, #tpu.memory_space<hbm>> -> memref<2x128xi32, #tpu.memory_space<hbm>>
    tpu.enqueue_dma source(%dma_start3A_36 : memref<2x128xi32, #tpu.memory_space<hbm>>) target(%arg9 : memref<2x128xi32, #tpu.memory_space<vmem>>) target_semaphore(%arg14 : memref<!tpu.dma_semaphore, #tpu.memory_space<semaphore_mem>>)
    %add3A_37 = arith.constant 32 : i32
    %add3A_38 = arith.addi %add3A, %add3A_37 : i32
    %dma_start3A_39 = arith.constant 0 : i32
    %dma_start3A_40 = arith.constant 0 : i32
    %dma_start3A_41 = tpu.memref_slice %arg2[%add3A_38, %dma_start3A_39, %dma_start3A_40] : memref<1250x2x128xi32, #tpu.memory_space<hbm>> -> memref<1x2x128xi32, #tpu.memory_space<hbm>>
    %dma_start3A_42 = tpu.memref_squeeze %dma_start3A_41 : memref<1x2x128xi32, #tpu.memory_space<hbm>> -> memref<2x128xi32, #tpu.memory_space<hbm>>
    %dma_start3A_43 = arith.constant 0 : i32
    %dma_start3A_44 = arith.constant 0 : i32
    %dma_start3A_45 = tpu.memref_slice %arg2[%add3A_38, %dma_start3A_43, %dma_start3A_44] : memref<1250x2x128xi32, #tpu.memory_space<hbm>> -> memref<1x2x128xi32, #tpu.memory_space<hbm>>
    %dma_start3A_46 = tpu.memref_squeeze %dma_start3A_45 : memref<1x2x128xi32, #tpu.memory_space<hbm>> -> memref<2x128xi32, #tpu.memory_space<hbm>>
    tpu.enqueue_dma source(%dma_start3A_46 : memref<2x128xi32, #tpu.memory_space<hbm>>) target(%arg15 : memref<2x128xi32, #tpu.memory_space<vmem>>) target_semaphore(%arg20 : memref<!tpu.dma_semaphore, #tpu.memory_space<semaphore_mem>>)
    %add3A_47 = arith.constant 0 : i32
    %add3A_48 = arith.addi %add3A, %add3A_47 : i32
    %mul3A_49 = arith.constant 128 : i32
    %mul3A_50 = arith.muli %add3A_48, %mul3A_49 : i32
    %dma_wait3A = arith.constant 0 : i32
    %dma_wait3A_51 = arith.constant 0 : i32
    %dma_wait3A_52 = tpu.memref_slice %arg2[%add3A_48, %dma_wait3A, %dma_wait3A_51] : memref<1250x2x128xi32, #tpu.memory_space<hbm>> -> memref<1x2x128xi32, #tpu.memory_space<hbm>>
    %dma_wait3A_53 = tpu.memref_squeeze %dma_wait3A_52 : memref<1x2x128xi32, #tpu.memory_space<hbm>> -> memref<2x128xi32, #tpu.memory_space<hbm>>
    %dma_wait3A_54 = arith.constant 0 : i32
    %dma_wait3A_55 = arith.constant 0 : i32
    %dma_wait3A_56 = tpu.memref_slice %arg2[%add3A_48, %dma_wait3A_54, %dma_wait3A_55] : memref<1250x2x128xi32, #tpu.memory_space<hbm>> -> memref<1x2x128xi32, #tpu.memory_space<hbm>>
    %dma_wait3A_57 = tpu.memref_squeeze %dma_wait3A_56 : memref<1x2x128xi32, #tpu.memory_space<hbm>> -> memref<2x128xi32, #tpu.memory_space<hbm>>
    tpu.wait_dma2 semaphore(%arg14 : memref<!tpu.dma_semaphore, #tpu.memory_space<semaphore_mem>>) src(%dma_wait3A_57 : memref<2x128xi32, #tpu.memory_space<hbm>>) dst(%arg9 : memref<2x128xi32, #tpu.memory_space<vmem>>)
    %dma_start3A_58 = arith.constant 0 : i32
    %dma_start3A_59 = arith.constant 0 : i32
    %dma_start3A_60 = tpu.memref_slice %arg9[%dma_start3A_58, %dma_start3A_59] : memref<2x128xi32, #tpu.memory_space<vmem>> -> memref<1x128xi32, #tpu.memory_space<vmem>>
    %dma_start3A_61 = tpu.memref_squeeze %dma_start3A_60 : memref<1x128xi32, #tpu.memory_space<vmem>> -> memref<128xi32, #tpu.memory_space<vmem>>
    %dma_start3A_62 = arith.constant 0 : i32
    %dma_start3A_63 = arith.constant 0 : i32
    %dma_start3A_64 = tpu.memref_slice %arg3[%dma_start3A_62, %dma_start3A_63] : memref<10000x16xf32, #tpu.memory_space<hbm>> -> memref<10000x16xf32, #tpu.memory_space<hbm>>
    tpu.enqueue_indirect_dma source(%dma_start3A_64 : memref<10000x16xf32, #tpu.memory_space<hbm>>) target(%arg10 : memref<128x16xf32, #tpu.memory_space<vmem>>) offsets(%dma_start3A_61 : memref<128xi32, #tpu.memory_space<vmem>>) semaphore(%arg13 : memref<!tpu.dma_semaphore, #tpu.memory_space<semaphore_mem>>)
    %dma_start3A_65 = arith.constant 1 : i32
    %dma_start3A_66 = arith.constant 0 : i32
    %dma_start3A_67 = tpu.memref_slice %arg9[%dma_start3A_65, %dma_start3A_66] : memref<2x128xi32, #tpu.memory_space<vmem>> -> memref<1x128xi32, #tpu.memory_space<vmem>>
    %dma_start3A_68 = tpu.memref_squeeze %dma_start3A_67 : memref<1x128xi32, #tpu.memory_space<vmem>> -> memref<128xi32, #tpu.memory_space<vmem>>
    %dma_start3A_69 = arith.constant 0 : i32
    %dma_start3A_70 = arith.constant 0 : i32
    %dma_start3A_71 = tpu.memref_slice %arg4[%dma_start3A_69, %dma_start3A_70] : memref<10000x16xf32, #tpu.memory_space<hbm>> -> memref<10000x16xf32, #tpu.memory_space<hbm>>
    tpu.enqueue_indirect_dma source(%dma_start3A_71 : memref<10000x16xf32, #tpu.memory_space<hbm>>) target(%arg11 : memref<128x16xf32, #tpu.memory_space<vmem>>) offsets(%dma_start3A_68 : memref<128xi32, #tpu.memory_space<vmem>>) semaphore(%arg13 : memref<!tpu.dma_semaphore, #tpu.memory_space<semaphore_mem>>)
    %dma_start3A_72 = arith.constant 0 : i32
    %dma_start3A_73 = tpu.memref_slice %arg5[%mul3A_50, %dma_start3A_72] : memref<160000x16xf32, #tpu.memory_space<hbm>> -> memref<128x16xf32, #tpu.memory_space<hbm>>
    %dma_start3A_74 = arith.constant 0 : i32
    %dma_start3A_75 = tpu.memref_slice %arg5[%mul3A_50, %dma_start3A_74] : memref<160000x16xf32, #tpu.memory_space<hbm>> -> memref<128x16xf32, #tpu.memory_space<hbm>>
    tpu.enqueue_dma source(%dma_start3A_75 : memref<128x16xf32, #tpu.memory_space<hbm>>) target(%arg12 : memref<128x16xf32, #tpu.memory_space<vmem>>) target_semaphore(%arg13 : memref<!tpu.dma_semaphore, #tpu.memory_space<semaphore_mem>>)
    %scan3A_76 = arith.constant 0 : i32
    %scan3A_77 = arith.constant 0 : i32
    %scan3A_78 = arith.constant 19 : i32
    %scan3A_79 = arith.addi %scan3A_77, %scan3A_78 : i32
    %scan3A_80 = arith.constant 1 : i32
    scf.for %scan3A_153 = %scan3A_77 to %scan3A_79 step %scan3A_80  : i32 {
      %mul3A_154 = arith.constant 2 : i32
      %mul3A_155 = arith.muli %mul3A_154, %scan3A_153 : i32
      %add3A_156 = arith.constant 1 : i32
      %add3A_157 = arith.addi %mul3A_155, %add3A_156 : i32
      %mul3A_158 = arith.constant 32 : i32
      %mul3A_159 = arith.muli %mul3A_158, %add3A_157 : i32
      %add3A_160 = arith.addi %add3A, %mul3A_159 : i32
      %mul3A_161 = arith.constant 128 : i32
      %mul3A_162 = arith.muli %add3A_160, %mul3A_161 : i32
      %dma_wait3A_163 = arith.constant 0 : i32
      %dma_wait3A_164 = arith.constant 0 : i32
      %dma_wait3A_165 = tpu.memref_slice %arg2[%add3A_160, %dma_wait3A_163, %dma_wait3A_164] : memref<1250x2x128xi32, #tpu.memory_space<hbm>> -> memref<1x2x128xi32, #tpu.memory_space<hbm>>
      %dma_wait3A_166 = tpu.memref_squeeze %dma_wait3A_165 : memref<1x2x128xi32, #tpu.memory_space<hbm>> -> memref<2x128xi32, #tpu.memory_space<hbm>>
      %dma_wait3A_167 = arith.constant 0 : i32
      %dma_wait3A_168 = arith.constant 0 : i32
      %dma_wait3A_169 = tpu.memref_slice %arg2[%add3A_160, %dma_wait3A_167, %dma_wait3A_168] : memref<1250x2x128xi32, #tpu.memory_space<hbm>> -> memref<1x2x128xi32, #tpu.memory_space<hbm>>
      %dma_wait3A_170 = tpu.memref_squeeze %dma_wait3A_169 : memref<1x2x128xi32, #tpu.memory_space<hbm>> -> memref<2x128xi32, #tpu.memory_space<hbm>>
      tpu.wait_dma2 semaphore(%arg20 : memref<!tpu.dma_semaphore, #tpu.memory_space<semaphore_mem>>) src(%dma_wait3A_170 : memref<2x128xi32, #tpu.memory_space<hbm>>) dst(%arg15 : memref<2x128xi32, #tpu.memory_space<vmem>>)
      %dma_start3A_171 = arith.constant 0 : i32
      %dma_start3A_172 = arith.constant 0 : i32
      %dma_start3A_173 = tpu.memref_slice %arg15[%dma_start3A_171, %dma_start3A_172] : memref<2x128xi32, #tpu.memory_space<vmem>> -> memref<1x128xi32, #tpu.memory_space<vmem>>
      %dma_start3A_174 = tpu.memref_squeeze %dma_start3A_173 : memref<1x128xi32, #tpu.memory_space<vmem>> -> memref<128xi32, #tpu.memory_space<vmem>>
      %dma_start3A_175 = arith.constant 0 : i32
      %dma_start3A_176 = arith.constant 0 : i32
      %dma_start3A_177 = tpu.memref_slice %arg3[%dma_start3A_175, %dma_start3A_176] : memref<10000x16xf32, #tpu.memory_space<hbm>> -> memref<10000x16xf32, #tpu.memory_space<hbm>>
      tpu.enqueue_indirect_dma source(%dma_start3A_177 : memref<10000x16xf32, #tpu.memory_space<hbm>>) target(%arg16 : memref<128x16xf32, #tpu.memory_space<vmem>>) offsets(%dma_start3A_174 : memref<128xi32, #tpu.memory_space<vmem>>) semaphore(%arg19 : memref<!tpu.dma_semaphore, #tpu.memory_space<semaphore_mem>>)
      %dma_start3A_178 = arith.constant 1 : i32
      %dma_start3A_179 = arith.constant 0 : i32
      %dma_start3A_180 = tpu.memref_slice %arg15[%dma_start3A_178, %dma_start3A_179] : memref<2x128xi32, #tpu.memory_space<vmem>> -> memref<1x128xi32, #tpu.memory_space<vmem>>
      %dma_start3A_181 = tpu.memref_squeeze %dma_start3A_180 : memref<1x128xi32, #tpu.memory_space<vmem>> -> memref<128xi32, #tpu.memory_space<vmem>>
      %dma_start3A_182 = arith.constant 0 : i32
      %dma_start3A_183 = arith.constant 0 : i32
      %dma_start3A_184 = tpu.memref_slice %arg4[%dma_start3A_182, %dma_start3A_183] : memref<10000x16xf32, #tpu.memory_space<hbm>> -> memref<10000x16xf32, #tpu.memory_space<hbm>>
      tpu.enqueue_indirect_dma source(%dma_start3A_184 : memref<10000x16xf32, #tpu.memory_space<hbm>>) target(%arg17 : memref<128x16xf32, #tpu.memory_space<vmem>>) offsets(%dma_start3A_181 : memref<128xi32, #tpu.memory_space<vmem>>) semaphore(%arg19 : memref<!tpu.dma_semaphore, #tpu.memory_space<semaphore_mem>>)
      %dma_start3A_185 = arith.constant 0 : i32
      %dma_start3A_186 = tpu.memref_slice %arg5[%mul3A_162, %dma_start3A_185] : memref<160000x16xf32, #tpu.memory_space<hbm>> -> memref<128x16xf32, #tpu.memory_space<hbm>>
      %dma_start3A_187 = arith.constant 0 : i32
      %dma_start3A_188 = tpu.memref_slice %arg5[%mul3A_162, %dma_start3A_187] : memref<160000x16xf32, #tpu.memory_space<hbm>> -> memref<128x16xf32, #tpu.memory_space<hbm>>
      tpu.enqueue_dma source(%dma_start3A_188 : memref<128x16xf32, #tpu.memory_space<hbm>>) target(%arg18 : memref<128x16xf32, #tpu.memory_space<vmem>>) target_semaphore(%arg19 : memref<!tpu.dma_semaphore, #tpu.memory_space<semaphore_mem>>)
      %mul3A_189 = arith.constant 32 : i32
      %mul3A_190 = arith.muli %mul3A_189, %mul3A_155 : i32
      %add3A_191 = arith.addi %add3A, %mul3A_190 : i32
      %mul3A_192 = arith.constant 128 : i32
      %mul3A_193 = arith.muli %add3A_191, %mul3A_192 : i32
      %dma_wait3A_194 = arith.constant 0 : i32
      %dma_wait3A_195 = arith.constant 0 : i32
      %dma_wait3A_196 = tpu.memref_slice %arg9[%dma_wait3A_194, %dma_wait3A_195] : memref<2x128xi32, #tpu.memory_space<vmem>> -> memref<1x128xi32, #tpu.memory_space<vmem>>
      %dma_wait3A_197 = tpu.memref_squeeze %dma_wait3A_196 : memref<1x128xi32, #tpu.memory_space<vmem>> -> memref<128xi32, #tpu.memory_space<vmem>>
      %dma_wait3A_198 = arith.constant 0 : i32
      %dma_wait3A_199 = arith.constant 0 : i32
      %dma_wait3A_200 = tpu.memref_slice %arg3[%dma_wait3A_198, %dma_wait3A_199] : memref<10000x16xf32, #tpu.memory_space<hbm>> -> memref<10000x16xf32, #tpu.memory_space<hbm>>
      tpu.wait_indirect_dma semaphore(%arg13 : memref<!tpu.dma_semaphore, #tpu.memory_space<semaphore_mem>>) src(%dma_wait3A_200 : memref<10000x16xf32, #tpu.memory_space<hbm>>) dst(%arg10 : memref<128x16xf32, #tpu.memory_space<vmem>>)
      %dma_wait3A_201 = arith.constant 1 : i32
      %dma_wait3A_202 = arith.constant 0 : i32
      %dma_wait3A_203 = tpu.memref_slice %arg9[%dma_wait3A_201, %dma_wait3A_202] : memref<2x128xi32, #tpu.memory_space<vmem>> -> memref<1x128xi32, #tpu.memory_space<vmem>>
      %dma_wait3A_204 = tpu.memref_squeeze %dma_wait3A_203 : memref<1x128xi32, #tpu.memory_space<vmem>> -> memref<128xi32, #tpu.memory_space<vmem>>
      %dma_wait3A_205 = arith.constant 0 : i32
      %dma_wait3A_206 = arith.constant 0 : i32
      %dma_wait3A_207 = tpu.memref_slice %arg4[%dma_wait3A_205, %dma_wait3A_206] : memref<10000x16xf32, #tpu.memory_space<hbm>> -> memref<10000x16xf32, #tpu.memory_space<hbm>>
      tpu.wait_indirect_dma semaphore(%arg13 : memref<!tpu.dma_semaphore, #tpu.memory_space<semaphore_mem>>) src(%dma_wait3A_207 : memref<10000x16xf32, #tpu.memory_space<hbm>>) dst(%arg11 : memref<128x16xf32, #tpu.memory_space<vmem>>)
      %dma_wait3A_208 = arith.constant 0 : i32
      %dma_wait3A_209 = tpu.memref_slice %arg5[%mul3A_193, %dma_wait3A_208] : memref<160000x16xf32, #tpu.memory_space<hbm>> -> memref<128x16xf32, #tpu.memory_space<hbm>>
      %dma_wait3A_210 = arith.constant 0 : i32
      %dma_wait3A_211 = tpu.memref_slice %arg5[%mul3A_193, %dma_wait3A_210] : memref<160000x16xf32, #tpu.memory_space<hbm>> -> memref<128x16xf32, #tpu.memory_space<hbm>>
      tpu.wait_dma2 semaphore(%arg13 : memref<!tpu.dma_semaphore, #tpu.memory_space<semaphore_mem>>) src(%dma_wait3A_211 : memref<128x16xf32, #tpu.memory_space<hbm>>) dst(%arg12 : memref<128x16xf32, #tpu.memory_space<vmem>>)
      %scan3A_212 = arith.constant 0 : i32
      %scan3A_213 = arith.constant 0 : i32
      %scan3A_214 = arith.constant 128 : i32
      %scan3A_215 = arith.addi %scan3A_213, %scan3A_214 : i32
      %scan3A_216 = arith.constant 1 : i32
      scf.for %scan3A_274 = %scan3A_213 to %scan3A_215 step %scan3A_216  : i32 {
        %get3A = arith.index_cast %scan3A_274 : i32 to index
        %get3A_275 = arith.constant 0 : index
        %get3A_276 = tpu.vector_load %arg12[%get3A, %get3A_275] {strides = array<i32>} : memref<128x16xf32, #tpu.memory_space<vmem>>, vector<1x16xf32>,
        %get3A_277 = vector.shape_cast %get3A_276 : vector<1x16xf32> to vector<16xf32>
        %get3A_278 = arith.index_cast %scan3A_274 : i32 to index
        %get3A_279 = arith.constant 0 : index
        %get3A_280 = tpu.vector_load %arg10[%get3A_278, %get3A_279] {strides = array<i32>} : memref<128x16xf32, #tpu.memory_space<vmem>>, vector<1x16xf32>,
        %get3A_281 = vector.shape_cast %get3A_280 : vector<1x16xf32> to vector<16xf32>
        %add3A_282 = arith.addf %get3A_277, %get3A_281 : vector<16xf32>
        %get3A_283 = arith.index_cast %scan3A_274 : i32 to index
        %get3A_284 = arith.constant 0 : index
        %get3A_285 = tpu.vector_load %arg11[%get3A_283, %get3A_284] {strides = array<i32>} : memref<128x16xf32, #tpu.memory_space<vmem>>, vector<1x16xf32>,
        %get3A_286 = vector.shape_cast %get3A_285 : vector<1x16xf32> to vector<16xf32>
        %add3A_287 = arith.addf %add3A_282, %get3A_286 : vector<16xf32>
        %max3A = arith.constant 0.000000e+00 : f32
        %max3A_288 = vector.broadcast %max3A : f32 to vector<16xf32>
        %max3A_289 = arith.maximumf %add3A_287, %max3A_288 : vector<16xf32>
        %swap3A = arith.index_cast %scan3A_274 : i32 to index
        %swap3A_290 = arith.constant 0 : index
        %swap3A_291 = tpu.vector_load %arg12[%swap3A, %swap3A_290] {strides = array<i32>} : memref<128x16xf32, #tpu.memory_space<vmem>>, vector<1x16xf32>,
        %swap3A_292 = vector.shape_cast %swap3A_291 : vector<1x16xf32> to vector<16xf32>
        %swap3A_293 = vector.shape_cast %max3A_289 : vector<16xf32> to vector<1x16xf32>
        tpu.vector_store %arg12[%swap3A, %swap3A_290], %swap3A_293 {strides = array<i32>} : memref<128x16xf32, #tpu.memory_space<vmem>>, vector<1x16xf32>,
      }
      %scan3A_217 = arith.constant 128 : i32
      "tpu.region"() ({
        %run_scoped3A_274 = tpu.sem_alloc : memref<!tpu.dma_semaphore, #tpu.memory_space<semaphore_mem>>
        %dma_start3A_275 = arith.constant 0 : i32
        %dma_start3A_276 = tpu.memref_slice %arg6[%mul3A_193, %dma_start3A_275] : memref<160000x16xf32, #tpu.memory_space<hbm>> -> memref<128x16xf32, #tpu.memory_space<hbm>>
        %dma_start3A_277 = arith.constant 0 : i32
        %dma_start3A_278 = tpu.memref_slice %arg6[%mul3A_193, %dma_start3A_277] : memref<160000x16xf32, #tpu.memory_space<hbm>> -> memref<128x16xf32, #tpu.memory_space<hbm>>
        tpu.enqueue_dma source(%arg12 : memref<128x16xf32, #tpu.memory_space<vmem>>) target(%dma_start3A_278 : memref<128x16xf32, #tpu.memory_space<hbm>>) target_semaphore(%run_scoped3A_274 : memref<!tpu.dma_semaphore, #tpu.memory_space<semaphore_mem>>)
        %dma_wait3A_279 = arith.constant 0 : i32
        %dma_wait3A_280 = tpu.memref_slice %arg6[%mul3A_193, %dma_wait3A_279] : memref<160000x16xf32, #tpu.memory_space<hbm>> -> memref<128x16xf32, #tpu.memory_space<hbm>>
        %dma_wait3A_281 = arith.constant 0 : i32
        %dma_wait3A_282 = tpu.memref_slice %arg6[%mul3A_193, %dma_wait3A_281] : memref<160000x16xf32, #tpu.memory_space<hbm>> -> memref<128x16xf32, #tpu.memory_space<hbm>>
        tpu.wait_dma2 semaphore(%run_scoped3A_274 : memref<!tpu.dma_semaphore, #tpu.memory_space<semaphore_mem>>) src(%arg12 : memref<128x16xf32, #tpu.memory_space<vmem>>) dst(%dma_wait3A_282 : memref<128x16xf32, #tpu.memory_space<hbm>>)
        tpu.yield
      }) : () -> ()
      %run_scoped3A_218 = arith.constant 1 : i32
      "tpu.region"() ({
        %run_scoped3A_274 = tpu.sem_alloc : memref<!tpu.dma_semaphore, #tpu.memory_space<semaphore_mem>>
        %dma_start3A_275 = arith.constant 0 : i32
        %dma_start3A_276 = tpu.memref_slice %arg9[%run_scoped3A_218, %dma_start3A_275] : memref<2x128xi32, #tpu.memory_space<vmem>> -> memref<1x128xi32, #tpu.memory_space<vmem>>
        %dma_start3A_277 = tpu.memref_squeeze %dma_start3A_276 : memref<1x128xi32, #tpu.memory_space<vmem>> -> memref<128xi32, #tpu.memory_space<vmem>>
        %dma_start3A_278 = arith.constant 0 : i32
        %dma_start3A_279 = arith.constant 0 : i32
        %dma_start3A_280 = tpu.memref_slice %arg8[%dma_start3A_278, %dma_start3A_279] : memref<10000x16xf32, #tpu.memory_space<vmem_shared>> -> memref<10000x16xf32, #tpu.memory_space<vmem_shared>>
        tpu.enqueue_indirect_dma source(%arg21 : memref<128x16xf32, #tpu.memory_space<vmem>>) target(%dma_start3A_280 : memref<10000x16xf32, #tpu.memory_space<vmem_shared>>) offsets(%dma_start3A_277 : memref<128xi32, #tpu.memory_space<vmem>>) semaphore(%run_scoped3A_274 : memref<!tpu.dma_semaphore, #tpu.memory_space<semaphore_mem>>) {add = true}
        %dma_wait3A_281 = arith.constant 0 : i32
        %dma_wait3A_282 = tpu.memref_slice %arg9[%run_scoped3A_218, %dma_wait3A_281] : memref<2x128xi32, #tpu.memory_space<vmem>> -> memref<1x128xi32, #tpu.memory_space<vmem>>
        %dma_wait3A_283 = tpu.memref_squeeze %dma_wait3A_282 : memref<1x128xi32, #tpu.memory_space<vmem>> -> memref<128xi32, #tpu.memory_space<vmem>>
        %dma_wait3A_284 = arith.constant 0 : i32
        %dma_wait3A_285 = arith.constant 0 : i32
        %dma_wait3A_286 = tpu.memref_slice %arg8[%dma_wait3A_284, %dma_wait3A_285] : memref<10000x16xf32, #tpu.memory_space<vmem_shared>> -> memref<10000x16xf32, #tpu.memory_space<vmem_shared>>
        tpu.wait_indirect_dma semaphore(%run_scoped3A_274 : memref<!tpu.dma_semaphore, #tpu.memory_space<semaphore_mem>>) src(%arg21 : memref<128x16xf32, #tpu.memory_space<vmem>>) dst(%dma_wait3A_286 : memref<10000x16xf32, #tpu.memory_space<vmem_shared>>)
        tpu.yield
      }) : () -> ()
      %add3A_219 = arith.constant 2 : i32
      %add3A_220 = arith.addi %mul3A_155, %add3A_219 : i32
      %mul3A_221 = arith.constant 32 : i32
      %mul3A_222 = arith.muli %mul3A_221, %add3A_220 : i32
      %add3A_223 = arith.addi %add3A, %mul3A_222 : i32
      %dma_start3A_224 = arith.constant 0 : i32
      %dma_start3A_225 = arith.constant 0 : i32
      %dma_start3A_226 = tpu.memref_slice %arg2[%add3A_223, %dma_start3A_224, %dma_start3A_225] : memref<1250x2x128xi32, #tpu.memory_space<hbm>> -> memref<1x2x128xi32, #tpu.memory_space<hbm>>
      %dma_start3A_227 = tpu.memref_squeeze %dma_start3A_226 : memref<1x2x128xi32, #tpu.memory_space<hbm>> -> memref<2x128xi32, #tpu.memory_space<hbm>>
      %dma_start3A_228 = arith.constant 0 : i32
      %dma_start3A_229 = arith.constant 0 : i32
      %dma_start3A_230 = tpu.memref_slice %arg2[%add3A_223, %dma_start3A_228, %dma_start3A_229] : memref<1250x2x128xi32, #tpu.memory_space<hbm>> -> memref<1x2x128xi32, #tpu.memory_space<hbm>>
      %dma_start3A_231 = tpu.memref_squeeze %dma_start3A_230 : memref<1x2x128xi32, #tpu.memory_space<hbm>> -> memref<2x128xi32, #tpu.memory_space<hbm>>
      tpu.enqueue_dma source(%dma_start3A_231 : memref<2x128xi32, #tpu.memory_space<hbm>>) target(%arg9 : memref<2x128xi32, #tpu.memory_space<vmem>>) target_semaphore(%arg14 : memref<!tpu.dma_semaphore, #tpu.memory_space<semaphore_mem>>)
      %lt3A_232 = arith.constant 18 : i32
      %lt3A_233 = arith.cmpi slt, %scan3A_153, %lt3A_232 : i32
      %convert_element_type3A_234 = arith.extui %lt3A_233 : i1 to i32
      %cond3A_235 = arith.constant 0 : i32
      %cond3A_236 = arith.cmpi ne, %convert_element_type3A_234, %cond3A_235 : i32
      scf.if %cond3A_236 {
        %add3A_274 = arith.constant 2 : i32
        %add3A_275 = arith.addi %mul3A_155, %add3A_274 : i32
        %mul3A_276 = arith.constant 32 : i32
        %mul3A_277 = arith.muli %mul3A_276, %add3A_275 : i32
        %add3A_278 = arith.addi %add3A, %mul3A_277 : i32
        %mul3A_279 = arith.constant 128 : i32
        %mul3A_280 = arith.muli %add3A_278, %mul3A_279 : i32
        %dma_wait3A_281 = arith.constant 0 : i32
        %dma_wait3A_282 = arith.constant 0 : i32
        %dma_wait3A_283 = tpu.memref_slice %arg2[%add3A_278, %dma_wait3A_281, %dma_wait3A_282] : memref<1250x2x128xi32, #tpu.memory_space<hbm>> -> memref<1x2x128xi32, #tpu.memory_space<hbm>>
        %dma_wait3A_284 = tpu.memref_squeeze %dma_wait3A_283 : memref<1x2x128xi32, #tpu.memory_space<hbm>> -> memref<2x128xi32, #tpu.memory_space<hbm>>
        %dma_wait3A_285 = arith.constant 0 : i32
        %dma_wait3A_286 = arith.constant 0 : i32
        %dma_wait3A_287 = tpu.memref_slice %arg2[%add3A_278, %dma_wait3A_285, %dma_wait3A_286] : memref<1250x2x128xi32, #tpu.memory_space<hbm>> -> memref<1x2x128xi32, #tpu.memory_space<hbm>>
        %dma_wait3A_288 = tpu.memref_squeeze %dma_wait3A_287 : memref<1x2x128xi32, #tpu.memory_space<hbm>> -> memref<2x128xi32, #tpu.memory_space<hbm>>
        tpu.wait_dma2 semaphore(%arg14 : memref<!tpu.dma_semaphore, #tpu.memory_space<semaphore_mem>>) src(%dma_wait3A_288 : memref<2x128xi32, #tpu.memory_space<hbm>>) dst(%arg9 : memref<2x128xi32, #tpu.memory_space<vmem>>)
        %dma_start3A_289 = arith.constant 0 : i32
        %dma_start3A_290 = arith.constant 0 : i32
        %dma_start3A_291 = tpu.memref_slice %arg9[%dma_start3A_289, %dma_start3A_290] : memref<2x128xi32, #tpu.memory_space<vmem>> -> memref<1x128xi32, #tpu.memory_space<vmem>>
        %dma_start3A_292 = tpu.memref_squeeze %dma_start3A_291 : memref<1x128xi32, #tpu.memory_space<vmem>> -> memref<128xi32, #tpu.memory_space<vmem>>
        %dma_start3A_293 = arith.constant 0 : i32
        %dma_start3A_294 = arith.constant 0 : i32
        %dma_start3A_295 = tpu.memref_slice %arg3[%dma_start3A_293, %dma_start3A_294] : memref<10000x16xf32, #tpu.memory_space<hbm>> -> memref<10000x16xf32, #tpu.memory_space<hbm>>
        tpu.enqueue_indirect_dma source(%dma_start3A_295 : memref<10000x16xf32, #tpu.memory_space<hbm>>) target(%arg10 : memref<128x16xf32, #tpu.memory_space<vmem>>) offsets(%dma_start3A_292 : memref<128xi32, #tpu.memory_space<vmem>>) semaphore(%arg13 : memref<!tpu.dma_semaphore, #tpu.memory_space<semaphore_mem>>)
        %dma_start3A_296 = arith.constant 1 : i32
        %dma_start3A_297 = arith.constant 0 : i32
        %dma_start3A_298 = tpu.memref_slice %arg9[%dma_start3A_296, %dma_start3A_297] : memref<2x128xi32, #tpu.memory_space<vmem>> -> memref<1x128xi32, #tpu.memory_space<vmem>>
        %dma_start3A_299 = tpu.memref_squeeze %dma_start3A_298 : memref<1x128xi32, #tpu.memory_space<vmem>> -> memref<128xi32, #tpu.memory_space<vmem>>
        %dma_start3A_300 = arith.constant 0 : i32
        %dma_start3A_301 = arith.constant 0 : i32
        %dma_start3A_302 = tpu.memref_slice %arg4[%dma_start3A_300, %dma_start3A_301] : memref<10000x16xf32, #tpu.memory_space<hbm>> -> memref<10000x16xf32, #tpu.memory_space<hbm>>
        tpu.enqueue_indirect_dma source(%dma_start3A_302 : memref<10000x16xf32, #tpu.memory_space<hbm>>) target(%arg11 : memref<128x16xf32, #tpu.memory_space<vmem>>) offsets(%dma_start3A_299 : memref<128xi32, #tpu.memory_space<vmem>>) semaphore(%arg13 : memref<!tpu.dma_semaphore, #tpu.memory_space<semaphore_mem>>)
        %dma_start3A_303 = arith.constant 0 : i32
        %dma_start3A_304 = tpu.memref_slice %arg5[%mul3A_280, %dma_start3A_303] : memref<160000x16xf32, #tpu.memory_space<hbm>> -> memref<128x16xf32, #tpu.memory_space<hbm>>
        %dma_start3A_305 = arith.constant 0 : i32
        %dma_start3A_306 = tpu.memref_slice %arg5[%mul3A_280, %dma_start3A_305] : memref<160000x16xf32, #tpu.memory_space<hbm>> -> memref<128x16xf32, #tpu.memory_space<hbm>>
        tpu.enqueue_dma source(%dma_start3A_306 : memref<128x16xf32, #tpu.memory_space<hbm>>) target(%arg12 : memref<128x16xf32, #tpu.memory_space<vmem>>) target_semaphore(%arg13 : memref<!tpu.dma_semaphore, #tpu.memory_space<semaphore_mem>>)
      } else {
      }
      %add3A_237 = arith.constant 1 : i32
      %add3A_238 = arith.addi %mul3A_155, %add3A_237 : i32
      %mul3A_239 = arith.constant 32 : i32
      %mul3A_240 = arith.muli %mul3A_239, %add3A_238 : i32
      %add3A_241 = arith.addi %add3A, %mul3A_240 : i32
      %mul3A_242 = arith.constant 128 : i32
      %mul3A_243 = arith.muli %add3A_241, %mul3A_242 : i32
      %dma_wait3A_244 = arith.constant 0 : i32
      %dma_wait3A_245 = arith.constant 0 : i32
      %dma_wait3A_246 = tpu.memref_slice %arg15[%dma_wait3A_244, %dma_wait3A_245] : memref<2x128xi32, #tpu.memory_space<vmem>> -> memref<1x128xi32, #tpu.memory_space<vmem>>
      %dma_wait3A_247 = tpu.memref_squeeze %dma_wait3A_246 : memref<1x128xi32, #tpu.memory_space<vmem>> -> memref<128xi32, #tpu.memory_space<vmem>>
      %dma_wait3A_248 = arith.constant 0 : i32
      %dma_wait3A_249 = arith.constant 0 : i32
      %dma_wait3A_250 = tpu.memref_slice %arg3[%dma_wait3A_248, %dma_wait3A_249] : memref<10000x16xf32, #tpu.memory_space<hbm>> -> memref<10000x16xf32, #tpu.memory_space<hbm>>
      tpu.wait_indirect_dma semaphore(%arg19 : memref<!tpu.dma_semaphore, #tpu.memory_space<semaphore_mem>>) src(%dma_wait3A_250 : memref<10000x16xf32, #tpu.memory_space<hbm>>) dst(%arg16 : memref<128x16xf32, #tpu.memory_space<vmem>>)
      %dma_wait3A_251 = arith.constant 1 : i32
      %dma_wait3A_252 = arith.constant 0 : i32
      %dma_wait3A_253 = tpu.memref_slice %arg15[%dma_wait3A_251, %dma_wait3A_252] : memref<2x128xi32, #tpu.memory_space<vmem>> -> memref<1x128xi32, #tpu.memory_space<vmem>>
      %dma_wait3A_254 = tpu.memref_squeeze %dma_wait3A_253 : memref<1x128xi32, #tpu.memory_space<vmem>> -> memref<128xi32, #tpu.memory_space<vmem>>
      %dma_wait3A_255 = arith.constant 0 : i32
      %dma_wait3A_256 = arith.constant 0 : i32
      %dma_wait3A_257 = tpu.memref_slice %arg4[%dma_wait3A_255, %dma_wait3A_256] : memref<10000x16xf32, #tpu.memory_space<hbm>> -> memref<10000x16xf32, #tpu.memory_space<hbm>>
      tpu.wait_indirect_dma semaphore(%arg19 : memref<!tpu.dma_semaphore, #tpu.memory_space<semaphore_mem>>) src(%dma_wait3A_257 : memref<10000x16xf32, #tpu.memory_space<hbm>>) dst(%arg17 : memref<128x16xf32, #tpu.memory_space<vmem>>)
      %dma_wait3A_258 = arith.constant 0 : i32
      %dma_wait3A_259 = tpu.memref_slice %arg5[%mul3A_243, %dma_wait3A_258] : memref<160000x16xf32, #tpu.memory_space<hbm>> -> memref<128x16xf32, #tpu.memory_space<hbm>>
      %dma_wait3A_260 = arith.constant 0 : i32
      %dma_wait3A_261 = tpu.memref_slice %arg5[%mul3A_243, %dma_wait3A_260] : memref<160000x16xf32, #tpu.memory_space<hbm>> -> memref<128x16xf32, #tpu.memory_space<hbm>>
      tpu.wait_dma2 semaphore(%arg19 : memref<!tpu.dma_semaphore, #tpu.memory_space<semaphore_mem>>) src(%dma_wait3A_261 : memref<128x16xf32, #tpu.memory_space<hbm>>) dst(%arg18 : memref<128x16xf32, #tpu.memory_space<vmem>>)
      %scan3A_262 = arith.constant 0 : i32
      %scan3A_263 = arith.constant 0 : i32
      %scan3A_264 = arith.constant 128 : i32
      %scan3A_265 = arith.addi %scan3A_263, %scan3A_264 : i32
      %scan3A_266 = arith.constant 1 : i32
      scf.for %scan3A_274 = %scan3A_263 to %scan3A_265 step %scan3A_266  : i32 {
        %get3A = arith.index_cast %scan3A_274 : i32 to index
        %get3A_275 = arith.constant 0 : index
        %get3A_276 = tpu.vector_load %arg18[%get3A, %get3A_275] {strides = array<i32>} : memref<128x16xf32, #tpu.memory_space<vmem>>, vector<1x16xf32>,
        %get3A_277 = vector.shape_cast %get3A_276 : vector<1x16xf32> to vector<16xf32>
        %get3A_278 = arith.index_cast %scan3A_274 : i32 to index
        %get3A_279 = arith.constant 0 : index
        %get3A_280 = tpu.vector_load %arg16[%get3A_278, %get3A_279] {strides = array<i32>} : memref<128x16xf32, #tpu.memory_space<vmem>>, vector<1x16xf32>,
        %get3A_281 = vector.shape_cast %get3A_280 : vector<1x16xf32> to vector<16xf32>
        %add3A_282 = arith.addf %get3A_277, %get3A_281 : vector<16xf32>
        %get3A_283 = arith.index_cast %scan3A_274 : i32 to index
        %get3A_284 = arith.constant 0 : index
        %get3A_285 = tpu.vector_load %arg17[%get3A_283, %get3A_284] {strides = array<i32>} : memref<128x16xf32, #tpu.memory_space<vmem>>, vector<1x16xf32>,
        %get3A_286 = vector.shape_cast %get3A_285 : vector<1x16xf32> to vector<16xf32>
        %add3A_287 = arith.addf %add3A_282, %get3A_286 : vector<16xf32>
        %max3A = arith.constant 0.000000e+00 : f32
        %max3A_288 = vector.broadcast %max3A : f32 to vector<16xf32>
        %max3A_289 = arith.maximumf %add3A_287, %max3A_288 : vector<16xf32>
        %swap3A = arith.index_cast %scan3A_274 : i32 to index
        %swap3A_290 = arith.constant 0 : index
        %swap3A_291 = tpu.vector_load %arg18[%swap3A, %swap3A_290] {strides = array<i32>} : memref<128x16xf32, #tpu.memory_space<vmem>>, vector<1x16xf32>,
        %swap3A_292 = vector.shape_cast %swap3A_291 : vector<1x16xf32> to vector<16xf32>
        %swap3A_293 = vector.shape_cast %max3A_289 : vector<16xf32> to vector<1x16xf32>
        tpu.vector_store %arg18[%swap3A, %swap3A_290], %swap3A_293 {strides = array<i32>} : memref<128x16xf32, #tpu.memory_space<vmem>>, vector<1x16xf32>,
      }
      %scan3A_267 = arith.constant 128 : i32
      "tpu.region"() ({
        %run_scoped3A_274 = tpu.sem_alloc : memref<!tpu.dma_semaphore, #tpu.memory_space<semaphore_mem>>
        %dma_start3A_275 = arith.constant 0 : i32
        %dma_start3A_276 = tpu.memref_slice %arg6[%mul3A_243, %dma_start3A_275] : memref<160000x16xf32, #tpu.memory_space<hbm>> -> memref<128x16xf32, #tpu.memory_space<hbm>>
        %dma_start3A_277 = arith.constant 0 : i32
        %dma_start3A_278 = tpu.memref_slice %arg6[%mul3A_243, %dma_start3A_277] : memref<160000x16xf32, #tpu.memory_space<hbm>> -> memref<128x16xf32, #tpu.memory_space<hbm>>
        tpu.enqueue_dma source(%arg18 : memref<128x16xf32, #tpu.memory_space<vmem>>) target(%dma_start3A_278 : memref<128x16xf32, #tpu.memory_space<hbm>>) target_semaphore(%run_scoped3A_274 : memref<!tpu.dma_semaphore, #tpu.memory_space<semaphore_mem>>)
        %dma_wait3A_279 = arith.constant 0 : i32
        %dma_wait3A_280 = tpu.memref_slice %arg6[%mul3A_243, %dma_wait3A_279] : memref<160000x16xf32, #tpu.memory_space<hbm>> -> memref<128x16xf32, #tpu.memory_space<hbm>>
        %dma_wait3A_281 = arith.constant 0 : i32
        %dma_wait3A_282 = tpu.memref_slice %arg6[%mul3A_243, %dma_wait3A_281] : memref<160000x16xf32, #tpu.memory_space<hbm>> -> memref<128x16xf32, #tpu.memory_space<hbm>>
        tpu.wait_dma2 semaphore(%run_scoped3A_274 : memref<!tpu.dma_semaphore, #tpu.memory_space<semaphore_mem>>) src(%arg18 : memref<128x16xf32, #tpu.memory_space<vmem>>) dst(%dma_wait3A_282 : memref<128x16xf32, #tpu.memory_space<hbm>>)
        tpu.yield
      }) : () -> ()
      %run_scoped3A_268 = arith.constant 1 : i32
      "tpu.region"() ({
        %run_scoped3A_274 = tpu.sem_alloc : memref<!tpu.dma_semaphore, #tpu.memory_space<semaphore_mem>>
        %dma_start3A_275 = arith.constant 0 : i32
        %dma_start3A_276 = tpu.memref_slice %arg15[%run_scoped3A_268, %dma_start3A_275] : memref<2x128xi32, #tpu.memory_space<vmem>> -> memref<1x128xi32, #tpu.memory_space<vmem>>
        %dma_start3A_277 = tpu.memref_squeeze %dma_start3A_276 : memref<1x128xi32, #tpu.memory_space<vmem>> -> memref<128xi32, #tpu.memory_space<vmem>>
        %dma_start3A_278 = arith.constant 0 : i32
        %dma_start3A_279 = arith.constant 0 : i32
        %dma_start3A_280 = tpu.memref_slice %arg8[%dma_start3A_278, %dma_start3A_279] : memref<10000x16xf32, #tpu.memory_space<vmem_shared>> -> memref<10000x16xf32, #tpu.memory_space<vmem_shared>>
        tpu.enqueue_indirect_dma source(%arg21 : memref<128x16xf32, #tpu.memory_space<vmem>>) target(%dma_start3A_280 : memref<10000x16xf32, #tpu.memory_space<vmem_shared>>) offsets(%dma_start3A_277 : memref<128xi32, #tpu.memory_space<vmem>>) semaphore(%run_scoped3A_274 : memref<!tpu.dma_semaphore, #tpu.memory_space<semaphore_mem>>) {add = true}
        %dma_wait3A_281 = arith.constant 0 : i32
        %dma_wait3A_282 = tpu.memref_slice %arg15[%run_scoped3A_268, %dma_wait3A_281] : memref<2x128xi32, #tpu.memory_space<vmem>> -> memref<1x128xi32, #tpu.memory_space<vmem>>
        %dma_wait3A_283 = tpu.memref_squeeze %dma_wait3A_282 : memref<1x128xi32, #tpu.memory_space<vmem>> -> memref<128xi32, #tpu.memory_space<vmem>>
        %dma_wait3A_284 = arith.constant 0 : i32
        %dma_wait3A_285 = arith.constant 0 : i32
        %dma_wait3A_286 = tpu.memref_slice %arg8[%dma_wait3A_284, %dma_wait3A_285] : memref<10000x16xf32, #tpu.memory_space<vmem_shared>> -> memref<10000x16xf32, #tpu.memory_space<vmem_shared>>
        tpu.wait_indirect_dma semaphore(%run_scoped3A_274 : memref<!tpu.dma_semaphore, #tpu.memory_space<semaphore_mem>>) src(%arg21 : memref<128x16xf32, #tpu.memory_space<vmem>>) dst(%dma_wait3A_286 : memref<10000x16xf32, #tpu.memory_space<vmem_shared>>)
        tpu.yield
      }) : () -> ()
      %lt3A_269 = arith.constant 18 : i32
      %lt3A_270 = arith.cmpi slt, %scan3A_153, %lt3A_269 : i32
      %convert_element_type3A_271 = arith.extui %lt3A_270 : i1 to i32
      %cond3A_272 = arith.constant 0 : i32
      %cond3A_273 = arith.cmpi ne, %convert_element_type3A_271, %cond3A_272 : i32
      scf.if %cond3A_273 {
        %add3A_274 = arith.constant 3 : i32
        %add3A_275 = arith.addi %mul3A_155, %add3A_274 : i32
        %mul3A_276 = arith.constant 32 : i32
        %mul3A_277 = arith.muli %mul3A_276, %add3A_275 : i32
        %add3A_278 = arith.addi %add3A, %mul3A_277 : i32
        %dma_start3A_279 = arith.constant 0 : i32
        %dma_start3A_280 = arith.constant 0 : i32
        %dma_start3A_281 = tpu.memref_slice %arg2[%add3A_278, %dma_start3A_279, %dma_start3A_280] : memref<1250x2x128xi32, #tpu.memory_space<hbm>> -> memref<1x2x128xi32, #tpu.memory_space<hbm>>
        %dma_start3A_282 = tpu.memref_squeeze %dma_start3A_281 : memref<1x2x128xi32, #tpu.memory_space<hbm>> -> memref<2x128xi32, #tpu.memory_space<hbm>>
        %dma_start3A_283 = arith.constant 0 : i32
        %dma_start3A_284 = arith.constant 0 : i32
        %dma_start3A_285 = tpu.memref_slice %arg2[%add3A_278, %dma_start3A_283, %dma_start3A_284] : memref<1250x2x128xi32, #tpu.memory_space<hbm>> -> memref<1x2x128xi32, #tpu.memory_space<hbm>>
        %dma_start3A_286 = tpu.memref_squeeze %dma_start3A_285 : memref<1x2x128xi32, #tpu.memory_space<hbm>> -> memref<2x128xi32, #tpu.memory_space<hbm>>
        tpu.enqueue_dma source(%dma_start3A_286 : memref<2x128xi32, #tpu.memory_space<hbm>>) target(%arg15 : memref<2x128xi32, #tpu.memory_space<vmem>>) target_semaphore(%arg20 : memref<!tpu.dma_semaphore, #tpu.memory_space<semaphore_mem>>)
      } else {
      }
    }
    %scan3A_81 = arith.constant 19 : i32
    %add3A_82 = arith.constant 1216 : i32
    %add3A_83 = arith.addi %add3A, %add3A_82 : i32
    %mul3A_84 = arith.constant 128 : i32
    %mul3A_85 = arith.muli %add3A_83, %mul3A_84 : i32
    %dma_wait3A_86 = arith.constant 0 : i32
    %dma_wait3A_87 = arith.constant 0 : i32
    %dma_wait3A_88 = tpu.memref_slice %arg2[%add3A_83, %dma_wait3A_86, %dma_wait3A_87] : memref<1250x2x128xi32, #tpu.memory_space<hbm>> -> memref<1x2x128xi32, #tpu.memory_space<hbm>>
    %dma_wait3A_89 = tpu.memref_squeeze %dma_wait3A_88 : memref<1x2x128xi32, #tpu.memory_space<hbm>> -> memref<2x128xi32, #tpu.memory_space<hbm>>
    %dma_wait3A_90 = arith.constant 0 : i32
    %dma_wait3A_91 = arith.constant 0 : i32
    %dma_wait3A_92 = tpu.memref_slice %arg2[%add3A_83, %dma_wait3A_90, %dma_wait3A_91] : memref<1250x2x128xi32, #tpu.memory_space<hbm>> -> memref<1x2x128xi32, #tpu.memory_space<hbm>>
    %dma_wait3A_93 = tpu.memref_squeeze %dma_wait3A_92 : memref<1x2x128xi32, #tpu.memory_space<hbm>> -> memref<2x128xi32, #tpu.memory_space<hbm>>
    tpu.wait_dma2 semaphore(%arg14 : memref<!tpu.dma_semaphore, #tpu.memory_space<semaphore_mem>>) src(%dma_wait3A_93 : memref<2x128xi32, #tpu.memory_space<hbm>>) dst(%arg9 : memref<2x128xi32, #tpu.memory_space<vmem>>)
    %dma_start3A_94 = arith.constant 0 : i32
    %dma_start3A_95 = arith.constant 0 : i32
    %dma_start3A_96 = tpu.memref_slice %arg9[%dma_start3A_94, %dma_start3A_95] : memref<2x128xi32, #tpu.memory_space<vmem>> -> memref<1x128xi32, #tpu.memory_space<vmem>>
    %dma_start3A_97 = tpu.memref_squeeze %dma_start3A_96 : memref<1x128xi32, #tpu.memory_space<vmem>> -> memref<128xi32, #tpu.memory_space<vmem>>
    %dma_start3A_98 = arith.constant 0 : i32
    %dma_start3A_99 = arith.constant 0 : i32
    %dma_start3A_100 = tpu.memref_slice %arg3[%dma_start3A_98, %dma_start3A_99] : memref<10000x16xf32, #tpu.memory_space<hbm>> -> memref<10000x16xf32, #tpu.memory_space<hbm>>
    tpu.enqueue_indirect_dma source(%dma_start3A_100 : memref<10000x16xf32, #tpu.memory_space<hbm>>) target(%arg10 : memref<128x16xf32, #tpu.memory_space<vmem>>) offsets(%dma_start3A_97 : memref<128xi32, #tpu.memory_space<vmem>>) semaphore(%arg13 : memref<!tpu.dma_semaphore, #tpu.memory_space<semaphore_mem>>)
    %dma_start3A_101 = arith.constant 1 : i32
    %dma_start3A_102 = arith.constant 0 : i32
    %dma_start3A_103 = tpu.memref_slice %arg9[%dma_start3A_101, %dma_start3A_102] : memref<2x128xi32, #tpu.memory_space<vmem>> -> memref<1x128xi32, #tpu.memory_space<vmem>>
    %dma_start3A_104 = tpu.memref_squeeze %dma_start3A_103 : memref<1x128xi32, #tpu.memory_space<vmem>> -> memref<128xi32, #tpu.memory_space<vmem>>
    %dma_start3A_105 = arith.constant 0 : i32
    %dma_start3A_106 = arith.constant 0 : i32
    %dma_start3A_107 = tpu.memref_slice %arg4[%dma_start3A_105, %dma_start3A_106] : memref<10000x16xf32, #tpu.memory_space<hbm>> -> memref<10000x16xf32, #tpu.memory_space<hbm>>
    tpu.enqueue_indirect_dma source(%dma_start3A_107 : memref<10000x16xf32, #tpu.memory_space<hbm>>) target(%arg11 : memref<128x16xf32, #tpu.memory_space<vmem>>) offsets(%dma_start3A_104 : memref<128xi32, #tpu.memory_space<vmem>>) semaphore(%arg13 : memref<!tpu.dma_semaphore, #tpu.memory_space<semaphore_mem>>)
    %dma_start3A_108 = arith.constant 0 : i32
    %dma_start3A_109 = tpu.memref_slice %arg5[%mul3A_85, %dma_start3A_108] : memref<160000x16xf32, #tpu.memory_space<hbm>> -> memref<128x16xf32, #tpu.memory_space<hbm>>
    %dma_start3A_110 = arith.constant 0 : i32
    %dma_start3A_111 = tpu.memref_slice %arg5[%mul3A_85, %dma_start3A_110] : memref<160000x16xf32, #tpu.memory_space<hbm>> -> memref<128x16xf32, #tpu.memory_space<hbm>>
    tpu.enqueue_dma source(%dma_start3A_111 : memref<128x16xf32, #tpu.memory_space<hbm>>) target(%arg12 : memref<128x16xf32, #tpu.memory_space<vmem>>) target_semaphore(%arg13 : memref<!tpu.dma_semaphore, #tpu.memory_space<semaphore_mem>>)
    %add3A_112 = arith.constant 1216 : i32
    %add3A_113 = arith.addi %add3A, %add3A_112 : i32
    %mul3A_114 = arith.constant 128 : i32
    %mul3A_115 = arith.muli %add3A_113, %mul3A_114 : i32
    %dma_wait3A_116 = arith.constant 0 : i32
    %dma_wait3A_117 = arith.constant 0 : i32
    %dma_wait3A_118 = tpu.memref_slice %arg9[%dma_wait3A_116, %dma_wait3A_117] : memref<2x128xi32, #tpu.memory_space<vmem>> -> memref<1x128xi32, #tpu.memory_space<vmem>>
    %dma_wait3A_119 = tpu.memref_squeeze %dma_wait3A_118 : memref<1x128xi32, #tpu.memory_space<vmem>> -> memref<128xi32, #tpu.memory_space<vmem>>
    %dma_wait3A_120 = arith.constant 0 : i32
    %dma_wait3A_121 = arith.constant 0 : i32
    %dma_wait3A_122 = tpu.memref_slice %arg3[%dma_wait3A_120, %dma_wait3A_121] : memref<10000x16xf32, #tpu.memory_space<hbm>> -> memref<10000x16xf32, #tpu.memory_space<hbm>>
    tpu.wait_indirect_dma semaphore(%arg13 : memref<!tpu.dma_semaphore, #tpu.memory_space<semaphore_mem>>) src(%dma_wait3A_122 : memref<10000x16xf32, #tpu.memory_space<hbm>>) dst(%arg10 : memref<128x16xf32, #tpu.memory_space<vmem>>)
    %dma_wait3A_123 = arith.constant 1 : i32
    %dma_wait3A_124 = arith.constant 0 : i32
    %dma_wait3A_125 = tpu.memref_slice %arg9[%dma_wait3A_123, %dma_wait3A_124] : memref<2x128xi32, #tpu.memory_space<vmem>> -> memref<1x128xi32, #tpu.memory_space<vmem>>
    %dma_wait3A_126 = tpu.memref_squeeze %dma_wait3A_125 : memref<1x128xi32, #tpu.memory_space<vmem>> -> memref<128xi32, #tpu.memory_space<vmem>>
    %dma_wait3A_127 = arith.constant 0 : i32
    %dma_wait3A_128 = arith.constant 0 : i32
    %dma_wait3A_129 = tpu.memref_slice %arg4[%dma_wait3A_127, %dma_wait3A_128] : memref<10000x16xf32, #tpu.memory_space<hbm>> -> memref<10000x16xf32, #tpu.memory_space<hbm>>
    tpu.wait_indirect_dma semaphore(%arg13 : memref<!tpu.dma_semaphore, #tpu.memory_space<semaphore_mem>>) src(%dma_wait3A_129 : memref<10000x16xf32, #tpu.memory_space<hbm>>) dst(%arg11 : memref<128x16xf32, #tpu.memory_space<vmem>>)
    %dma_wait3A_130 = arith.constant 0 : i32
    %dma_wait3A_131 = tpu.memref_slice %arg5[%mul3A_115, %dma_wait3A_130] : memref<160000x16xf32, #tpu.memory_space<hbm>> -> memref<128x16xf32, #tpu.memory_space<hbm>>
    %dma_wait3A_132 = arith.constant 0 : i32
    %dma_wait3A_133 = tpu.memref_slice %arg5[%mul3A_115, %dma_wait3A_132] : memref<160000x16xf32, #tpu.memory_space<hbm>> -> memref<128x16xf32, #tpu.memory_space<hbm>>
    tpu.wait_dma2 semaphore(%arg13 : memref<!tpu.dma_semaphore, #tpu.memory_space<semaphore_mem>>) src(%dma_wait3A_133 : memref<128x16xf32, #tpu.memory_space<hbm>>) dst(%arg12 : memref<128x16xf32, #tpu.memory_space<vmem>>)
    %scan3A_134 = arith.constant 0 : i32
    %scan3A_135 = arith.constant 0 : i32
    %scan3A_136 = arith.constant 128 : i32
    %scan3A_137 = arith.addi %scan3A_135, %scan3A_136 : i32
    %scan3A_138 = arith.constant 1 : i32
    scf.for %scan3A_153 = %scan3A_135 to %scan3A_137 step %scan3A_138  : i32 {
      %get3A = arith.index_cast %scan3A_153 : i32 to index
      %get3A_154 = arith.constant 0 : index
      %get3A_155 = tpu.vector_load %arg12[%get3A, %get3A_154] {strides = array<i32>} : memref<128x16xf32, #tpu.memory_space<vmem>>, vector<1x16xf32>,
      %get3A_156 = vector.shape_cast %get3A_155 : vector<1x16xf32> to vector<16xf32>
      %get3A_157 = arith.index_cast %scan3A_153 : i32 to index
      %get3A_158 = arith.constant 0 : index
      %get3A_159 = tpu.vector_load %arg10[%get3A_157, %get3A_158] {strides = array<i32>} : memref<128x16xf32, #tpu.memory_space<vmem>>, vector<1x16xf32>,
      %get3A_160 = vector.shape_cast %get3A_159 : vector<1x16xf32> to vector<16xf32>
      %add3A_161 = arith.addf %get3A_156, %get3A_160 : vector<16xf32>
      %get3A_162 = arith.index_cast %scan3A_153 : i32 to index
      %get3A_163 = arith.constant 0 : index
      %get3A_164 = tpu.vector_load %arg11[%get3A_162, %get3A_163] {strides = array<i32>} : memref<128x16xf32, #tpu.memory_space<vmem>>, vector<1x16xf32>,
      %get3A_165 = vector.shape_cast %get3A_164 : vector<1x16xf32> to vector<16xf32>
      %add3A_166 = arith.addf %add3A_161, %get3A_165 : vector<16xf32>
      %max3A = arith.constant 0.000000e+00 : f32
      %max3A_167 = vector.broadcast %max3A : f32 to vector<16xf32>
      %max3A_168 = arith.maximumf %add3A_166, %max3A_167 : vector<16xf32>
      %swap3A = arith.index_cast %scan3A_153 : i32 to index
      %swap3A_169 = arith.constant 0 : index
      %swap3A_170 = tpu.vector_load %arg12[%swap3A, %swap3A_169] {strides = array<i32>} : memref<128x16xf32, #tpu.memory_space<vmem>>, vector<1x16xf32>,
      %swap3A_171 = vector.shape_cast %swap3A_170 : vector<1x16xf32> to vector<16xf32>
      %swap3A_172 = vector.shape_cast %max3A_168 : vector<16xf32> to vector<1x16xf32>
      tpu.vector_store %arg12[%swap3A, %swap3A_169], %swap3A_172 {strides = array<i32>} : memref<128x16xf32, #tpu.memory_space<vmem>>, vector<1x16xf32>,
    }
    %scan3A_139 = arith.constant 128 : i32
    "tpu.region"() ({
      %run_scoped3A_153 = tpu.sem_alloc : memref<!tpu.dma_semaphore, #tpu.memory_space<semaphore_mem>>
      %dma_start3A_154 = arith.constant 0 : i32
      %dma_start3A_155 = tpu.memref_slice %arg6[%mul3A_115, %dma_start3A_154] : memref<160000x16xf32, #tpu.memory_space<hbm>> -> memref<128x16xf32, #tpu.memory_space<hbm>>
      %dma_start3A_156 = arith.constant 0 : i32
      %dma_start3A_157 = tpu.memref_slice %arg6[%mul3A_115, %dma_start3A_156] : memref<160000x16xf32, #tpu.memory_space<hbm>> -> memref<128x16xf32, #tpu.memory_space<hbm>>
      tpu.enqueue_dma source(%arg12 : memref<128x16xf32, #tpu.memory_space<vmem>>) target(%dma_start3A_157 : memref<128x16xf32, #tpu.memory_space<hbm>>) target_semaphore(%run_scoped3A_153 : memref<!tpu.dma_semaphore, #tpu.memory_space<semaphore_mem>>)
      %dma_wait3A_158 = arith.constant 0 : i32
      %dma_wait3A_159 = tpu.memref_slice %arg6[%mul3A_115, %dma_wait3A_158] : memref<160000x16xf32, #tpu.memory_space<hbm>> -> memref<128x16xf32, #tpu.memory_space<hbm>>
      %dma_wait3A_160 = arith.constant 0 : i32
      %dma_wait3A_161 = tpu.memref_slice %arg6[%mul3A_115, %dma_wait3A_160] : memref<160000x16xf32, #tpu.memory_space<hbm>> -> memref<128x16xf32, #tpu.memory_space<hbm>>
      tpu.wait_dma2 semaphore(%run_scoped3A_153 : memref<!tpu.dma_semaphore, #tpu.memory_space<semaphore_mem>>) src(%arg12 : memref<128x16xf32, #tpu.memory_space<vmem>>) dst(%dma_wait3A_161 : memref<128x16xf32, #tpu.memory_space<hbm>>)
      tpu.yield
    }) : () -> ()
    %run_scoped3A = arith.constant 1 : i32
    "tpu.region"() ({
      %run_scoped3A_153 = tpu.sem_alloc : memref<!tpu.dma_semaphore, #tpu.memory_space<semaphore_mem>>
      %dma_start3A_154 = arith.constant 0 : i32
      %dma_start3A_155 = tpu.memref_slice %arg9[%run_scoped3A, %dma_start3A_154] : memref<2x128xi32, #tpu.memory_space<vmem>> -> memref<1x128xi32, #tpu.memory_space<vmem>>
      %dma_start3A_156 = tpu.memref_squeeze %dma_start3A_155 : memref<1x128xi32, #tpu.memory_space<vmem>> -> memref<128xi32, #tpu.memory_space<vmem>>
      %dma_start3A_157 = arith.constant 0 : i32
      %dma_start3A_158 = arith.constant 0 : i32
      %dma_start3A_159 = tpu.memref_slice %arg8[%dma_start3A_157, %dma_start3A_158] : memref<10000x16xf32, #tpu.memory_space<vmem_shared>> -> memref<10000x16xf32, #tpu.memory_space<vmem_shared>>
      tpu.enqueue_indirect_dma source(%arg21 : memref<128x16xf32, #tpu.memory_space<vmem>>) target(%dma_start3A_159 : memref<10000x16xf32, #tpu.memory_space<vmem_shared>>) offsets(%dma_start3A_156 : memref<128xi32, #tpu.memory_space<vmem>>) semaphore(%run_scoped3A_153 : memref<!tpu.dma_semaphore, #tpu.memory_space<semaphore_mem>>) {add = true}
      %dma_wait3A_160 = arith.constant 0 : i32
      %dma_wait3A_161 = tpu.memref_slice %arg9[%run_scoped3A, %dma_wait3A_160] : memref<2x128xi32, #tpu.memory_space<vmem>> -> memref<1x128xi32, #tpu.memory_space<vmem>>
      %dma_wait3A_162 = tpu.memref_squeeze %dma_wait3A_161 : memref<1x128xi32, #tpu.memory_space<vmem>> -> memref<128xi32, #tpu.memory_space<vmem>>
      %dma_wait3A_163 = arith.constant 0 : i32
      %dma_wait3A_164 = arith.constant 0 : i32
      %dma_wait3A_165 = tpu.memref_slice %arg8[%dma_wait3A_163, %dma_wait3A_164] : memref<10000x16xf32, #tpu.memory_space<vmem_shared>> -> memref<10000x16xf32, #tpu.memory_space<vmem_shared>>
      tpu.wait_indirect_dma semaphore(%run_scoped3A_153 : memref<!tpu.dma_semaphore, #tpu.memory_space<semaphore_mem>>) src(%arg21 : memref<128x16xf32, #tpu.memory_space<vmem>>) dst(%dma_wait3A_165 : memref<10000x16xf32, #tpu.memory_space<vmem_shared>>)
      tpu.yield
    }) : () -> ()
    %lt3A = arith.constant 2 : i32
    %lt3A_140 = arith.cmpi slt, %add3A, %lt3A : i32
    %convert_element_type3A = arith.extui %lt3A_140 : i1 to i32
    %cond3A = arith.constant 0 : i32
    %cond3A_141 = arith.cmpi ne, %convert_element_type3A, %cond3A : i32
    scf.if %cond3A_141 {
      %add3A_153 = arith.constant 1248 : i32
      %add3A_154 = arith.addi %add3A, %add3A_153 : i32
      %dma_start3A_155 = arith.constant 0 : i32
      %dma_start3A_156 = arith.constant 0 : i32
      %dma_start3A_157 = tpu.memref_slice %arg2[%add3A_154, %dma_start3A_155, %dma_start3A_156] : memref<1250x2x128xi32, #tpu.memory_space<hbm>> -> memref<1x2x128xi32, #tpu.memory_space<hbm>>
      %dma_start3A_158 = tpu.memref_squeeze %dma_start3A_157 : memref<1x2x128xi32, #tpu.memory_space<hbm>> -> memref<2x128xi32, #tpu.memory_space<hbm>>
      %dma_start3A_159 = arith.constant 0 : i32
      %dma_start3A_160 = arith.constant 0 : i32
      %dma_start3A_161 = tpu.memref_slice %arg2[%add3A_154, %dma_start3A_159, %dma_start3A_160] : memref<1250x2x128xi32, #tpu.memory_space<hbm>> -> memref<1x2x128xi32, #tpu.memory_space<hbm>>
      %dma_start3A_162 = tpu.memref_squeeze %dma_start3A_161 : memref<1x2x128xi32, #tpu.memory_space<hbm>> -> memref<2x128xi32, #tpu.memory_space<hbm>>
      tpu.enqueue_dma source(%dma_start3A_162 : memref<2x128xi32, #tpu.memory_space<hbm>>) target(%arg15 : memref<2x128xi32, #tpu.memory_space<vmem>>) target_semaphore(%arg20 : memref<!tpu.dma_semaphore, #tpu.memory_space<semaphore_mem>>)
      %add3A_163 = arith.constant 1248 : i32
      %add3A_164 = arith.addi %add3A, %add3A_163 : i32
      %mul3A_165 = arith.constant 128 : i32
      %mul3A_166 = arith.muli %add3A_164, %mul3A_165 : i32
      %dma_wait3A_167 = arith.constant 0 : i32
      %dma_wait3A_168 = arith.constant 0 : i32
      %dma_wait3A_169 = tpu.memref_slice %arg2[%add3A_164, %dma_wait3A_167, %dma_wait3A_168] : memref<1250x2x128xi32, #tpu.memory_space<hbm>> -> memref<1x2x128xi32, #tpu.memory_space<hbm>>
      %dma_wait3A_170 = tpu.memref_squeeze %dma_wait3A_169 : memref<1x2x128xi32, #tpu.memory_space<hbm>> -> memref<2x128xi32, #tpu.memory_space<hbm>>
      %dma_wait3A_171 = arith.constant 0 : i32
      %dma_wait3A_172 = arith.constant 0 : i32
      %dma_wait3A_173 = tpu.memref_slice %arg2[%add3A_164, %dma_wait3A_171, %dma_wait3A_172] : memref<1250x2x128xi32, #tpu.memory_space<hbm>> -> memref<1x2x128xi32, #tpu.memory_space<hbm>>
      %dma_wait3A_174 = tpu.memref_squeeze %dma_wait3A_173 : memref<1x2x128xi32, #tpu.memory_space<hbm>> -> memref<2x128xi32, #tpu.memory_space<hbm>>
      tpu.wait_dma2 semaphore(%arg20 : memref<!tpu.dma_semaphore, #tpu.memory_space<semaphore_mem>>) src(%dma_wait3A_174 : memref<2x128xi32, #tpu.memory_space<hbm>>) dst(%arg15 : memref<2x128xi32, #tpu.memory_space<vmem>>)
      %dma_start3A_175 = arith.constant 0 : i32
      %dma_start3A_176 = arith.constant 0 : i32
      %dma_start3A_177 = tpu.memref_slice %arg15[%dma_start3A_175, %dma_start3A_176] : memref<2x128xi32, #tpu.memory_space<vmem>> -> memref<1x128xi32, #tpu.memory_space<vmem>>
      %dma_start3A_178 = tpu.memref_squeeze %dma_start3A_177 : memref<1x128xi32, #tpu.memory_space<vmem>> -> memref<128xi32, #tpu.memory_space<vmem>>
      %dma_start3A_179 = arith.constant 0 : i32
      %dma_start3A_180 = arith.constant 0 : i32
      %dma_start3A_181 = tpu.memref_slice %arg3[%dma_start3A_179, %dma_start3A_180] : memref<10000x16xf32, #tpu.memory_space<hbm>> -> memref<10000x16xf32, #tpu.memory_space<hbm>>
      tpu.enqueue_indirect_dma source(%dma_start3A_181 : memref<10000x16xf32, #tpu.memory_space<hbm>>) target(%arg16 : memref<128x16xf32, #tpu.memory_space<vmem>>) offsets(%dma_start3A_178 : memref<128xi32, #tpu.memory_space<vmem>>) semaphore(%arg19 : memref<!tpu.dma_semaphore, #tpu.memory_space<semaphore_mem>>)
      %dma_start3A_182 = arith.constant 1 : i32
      %dma_start3A_183 = arith.constant 0 : i32
      %dma_start3A_184 = tpu.memref_slice %arg15[%dma_start3A_182, %dma_start3A_183] : memref<2x128xi32, #tpu.memory_space<vmem>> -> memref<1x128xi32, #tpu.memory_space<vmem>>
      %dma_start3A_185 = tpu.memref_squeeze %dma_start3A_184 : memref<1x128xi32, #tpu.memory_space<vmem>> -> memref<128xi32, #tpu.memory_space<vmem>>
      %dma_start3A_186 = arith.constant 0 : i32
      %dma_start3A_187 = arith.constant 0 : i32
      %dma_start3A_188 = tpu.memref_slice %arg4[%dma_start3A_186, %dma_start3A_187] : memref<10000x16xf32, #tpu.memory_space<hbm>> -> memref<10000x16xf32, #tpu.memory_space<hbm>>
      tpu.enqueue_indirect_dma source(%dma_start3A_188 : memref<10000x16xf32, #tpu.memory_space<hbm>>) target(%arg17 : memref<128x16xf32, #tpu.memory_space<vmem>>) offsets(%dma_start3A_185 : memref<128xi32, #tpu.memory_space<vmem>>) semaphore(%arg19 : memref<!tpu.dma_semaphore, #tpu.memory_space<semaphore_mem>>)
      %dma_start3A_189 = arith.constant 0 : i32
      %dma_start3A_190 = tpu.memref_slice %arg5[%mul3A_166, %dma_start3A_189] : memref<160000x16xf32, #tpu.memory_space<hbm>> -> memref<128x16xf32, #tpu.memory_space<hbm>>
      %dma_start3A_191 = arith.constant 0 : i32
      %dma_start3A_192 = tpu.memref_slice %arg5[%mul3A_166, %dma_start3A_191] : memref<160000x16xf32, #tpu.memory_space<hbm>> -> memref<128x16xf32, #tpu.memory_space<hbm>>
      tpu.enqueue_dma source(%dma_start3A_192 : memref<128x16xf32, #tpu.memory_space<hbm>>) target(%arg18 : memref<128x16xf32, #tpu.memory_space<vmem>>) target_semaphore(%arg19 : memref<!tpu.dma_semaphore, #tpu.memory_space<semaphore_mem>>)
      %add3A_193 = arith.constant 1248 : i32
      %add3A_194 = arith.addi %add3A, %add3A_193 : i32
      %mul3A_195 = arith.constant 128 : i32
      %mul3A_196 = arith.muli %add3A_194, %mul3A_195 : i32
      %dma_wait3A_197 = arith.constant 0 : i32
      %dma_wait3A_198 = arith.constant 0 : i32
      %dma_wait3A_199 = tpu.memref_slice %arg15[%dma_wait3A_197, %dma_wait3A_198] : memref<2x128xi32, #tpu.memory_space<vmem>> -> memref<1x128xi32, #tpu.memory_space<vmem>>
      %dma_wait3A_200 = tpu.memref_squeeze %dma_wait3A_199 : memref<1x128xi32, #tpu.memory_space<vmem>> -> memref<128xi32, #tpu.memory_space<vmem>>
      %dma_wait3A_201 = arith.constant 0 : i32
      %dma_wait3A_202 = arith.constant 0 : i32
      %dma_wait3A_203 = tpu.memref_slice %arg3[%dma_wait3A_201, %dma_wait3A_202] : memref<10000x16xf32, #tpu.memory_space<hbm>> -> memref<10000x16xf32, #tpu.memory_space<hbm>>
      tpu.wait_indirect_dma semaphore(%arg19 : memref<!tpu.dma_semaphore, #tpu.memory_space<semaphore_mem>>) src(%dma_wait3A_203 : memref<10000x16xf32, #tpu.memory_space<hbm>>) dst(%arg16 : memref<128x16xf32, #tpu.memory_space<vmem>>)
      %dma_wait3A_204 = arith.constant 1 : i32
      %dma_wait3A_205 = arith.constant 0 : i32
      %dma_wait3A_206 = tpu.memref_slice %arg15[%dma_wait3A_204, %dma_wait3A_205] : memref<2x128xi32, #tpu.memory_space<vmem>> -> memref<1x128xi32, #tpu.memory_space<vmem>>
      %dma_wait3A_207 = tpu.memref_squeeze %dma_wait3A_206 : memref<1x128xi32, #tpu.memory_space<vmem>> -> memref<128xi32, #tpu.memory_space<vmem>>
      %dma_wait3A_208 = arith.constant 0 : i32
      %dma_wait3A_209 = arith.constant 0 : i32
      %dma_wait3A_210 = tpu.memref_slice %arg4[%dma_wait3A_208, %dma_wait3A_209] : memref<10000x16xf32, #tpu.memory_space<hbm>> -> memref<10000x16xf32, #tpu.memory_space<hbm>>
      tpu.wait_indirect_dma semaphore(%arg19 : memref<!tpu.dma_semaphore, #tpu.memory_space<semaphore_mem>>) src(%dma_wait3A_210 : memref<10000x16xf32, #tpu.memory_space<hbm>>) dst(%arg17 : memref<128x16xf32, #tpu.memory_space<vmem>>)
      %dma_wait3A_211 = arith.constant 0 : i32
      %dma_wait3A_212 = tpu.memref_slice %arg5[%mul3A_196, %dma_wait3A_211] : memref<160000x16xf32, #tpu.memory_space<hbm>> -> memref<128x16xf32, #tpu.memory_space<hbm>>
      %dma_wait3A_213 = arith.constant 0 : i32
      %dma_wait3A_214 = tpu.memref_slice %arg5[%mul3A_196, %dma_wait3A_213] : memref<160000x16xf32, #tpu.memory_space<hbm>> -> memref<128x16xf32, #tpu.memory_space<hbm>>
      tpu.wait_dma2 semaphore(%arg19 : memref<!tpu.dma_semaphore, #tpu.memory_space<semaphore_mem>>) src(%dma_wait3A_214 : memref<128x16xf32, #tpu.memory_space<hbm>>) dst(%arg18 : memref<128x16xf32, #tpu.memory_space<vmem>>)
      %scan3A_215 = arith.constant 0 : i32
      %scan3A_216 = arith.constant 0 : i32
      %scan3A_217 = arith.constant 128 : i32
      %scan3A_218 = arith.addi %scan3A_216, %scan3A_217 : i32
      %scan3A_219 = arith.constant 1 : i32
      scf.for %scan3A_222 = %scan3A_216 to %scan3A_218 step %scan3A_219  : i32 {
        %get3A = arith.index_cast %scan3A_222 : i32 to index
        %get3A_223 = arith.constant 0 : index
        %get3A_224 = tpu.vector_load %arg18[%get3A, %get3A_223] {strides = array<i32>} : memref<128x16xf32, #tpu.memory_space<vmem>>, vector<1x16xf32>,
        %get3A_225 = vector.shape_cast %get3A_224 : vector<1x16xf32> to vector<16xf32>
        %get3A_226 = arith.index_cast %scan3A_222 : i32 to index
        %get3A_227 = arith.constant 0 : index
        %get3A_228 = tpu.vector_load %arg16[%get3A_226, %get3A_227] {strides = array<i32>} : memref<128x16xf32, #tpu.memory_space<vmem>>, vector<1x16xf32>,
        %get3A_229 = vector.shape_cast %get3A_228 : vector<1x16xf32> to vector<16xf32>
        %add3A_230 = arith.addf %get3A_225, %get3A_229 : vector<16xf32>
        %get3A_231 = arith.index_cast %scan3A_222 : i32 to index
        %get3A_232 = arith.constant 0 : index
        %get3A_233 = tpu.vector_load %arg17[%get3A_231, %get3A_232] {strides = array<i32>} : memref<128x16xf32, #tpu.memory_space<vmem>>, vector<1x16xf32>,
        %get3A_234 = vector.shape_cast %get3A_233 : vector<1x16xf32> to vector<16xf32>
        %add3A_235 = arith.addf %add3A_230, %get3A_234 : vector<16xf32>
        %max3A = arith.constant 0.000000e+00 : f32
        %max3A_236 = vector.broadcast %max3A : f32 to vector<16xf32>
        %max3A_237 = arith.maximumf %add3A_235, %max3A_236 : vector<16xf32>
        %swap3A = arith.index_cast %scan3A_222 : i32 to index
        %swap3A_238 = arith.constant 0 : index
        %swap3A_239 = tpu.vector_load %arg18[%swap3A, %swap3A_238] {strides = array<i32>} : memref<128x16xf32, #tpu.memory_space<vmem>>, vector<1x16xf32>,
        %swap3A_240 = vector.shape_cast %swap3A_239 : vector<1x16xf32> to vector<16xf32>
        %swap3A_241 = vector.shape_cast %max3A_237 : vector<16xf32> to vector<1x16xf32>
        tpu.vector_store %arg18[%swap3A, %swap3A_238], %swap3A_241 {strides = array<i32>} : memref<128x16xf32, #tpu.memory_space<vmem>>, vector<1x16xf32>,
      }
      %scan3A_220 = arith.constant 128 : i32
      "tpu.region"() ({
        %run_scoped3A_222 = tpu.sem_alloc : memref<!tpu.dma_semaphore, #tpu.memory_space<semaphore_mem>>
        %dma_start3A_223 = arith.constant 0 : i32
        %dma_start3A_224 = tpu.memref_slice %arg6[%mul3A_196, %dma_start3A_223] : memref<160000x16xf32, #tpu.memory_space<hbm>> -> memref<128x16xf32, #tpu.memory_space<hbm>>
        %dma_start3A_225 = arith.constant 0 : i32
        %dma_start3A_226 = tpu.memref_slice %arg6[%mul3A_196, %dma_start3A_225] : memref<160000x16xf32, #tpu.memory_space<hbm>> -> memref<128x16xf32, #tpu.memory_space<hbm>>
        tpu.enqueue_dma source(%arg18 : memref<128x16xf32, #tpu.memory_space<vmem>>) target(%dma_start3A_226 : memref<128x16xf32, #tpu.memory_space<hbm>>) target_semaphore(%run_scoped3A_222 : memref<!tpu.dma_semaphore, #tpu.memory_space<semaphore_mem>>)
        %dma_wait3A_227 = arith.constant 0 : i32
        %dma_wait3A_228 = tpu.memref_slice %arg6[%mul3A_196, %dma_wait3A_227] : memref<160000x16xf32, #tpu.memory_space<hbm>> -> memref<128x16xf32, #tpu.memory_space<hbm>>
        %dma_wait3A_229 = arith.constant 0 : i32
        %dma_wait3A_230 = tpu.memref_slice %arg6[%mul3A_196, %dma_wait3A_229] : memref<160000x16xf32, #tpu.memory_space<hbm>> -> memref<128x16xf32, #tpu.memory_space<hbm>>
        tpu.wait_dma2 semaphore(%run_scoped3A_222 : memref<!tpu.dma_semaphore, #tpu.memory_space<semaphore_mem>>) src(%arg18 : memref<128x16xf32, #tpu.memory_space<vmem>>) dst(%dma_wait3A_230 : memref<128x16xf32, #tpu.memory_space<hbm>>)
        tpu.yield
      }) : () -> ()
      %run_scoped3A_221 = arith.constant 1 : i32
      "tpu.region"() ({
        %run_scoped3A_222 = tpu.sem_alloc : memref<!tpu.dma_semaphore, #tpu.memory_space<semaphore_mem>>
        %dma_start3A_223 = arith.constant 0 : i32
        %dma_start3A_224 = tpu.memref_slice %arg15[%run_scoped3A_221, %dma_start3A_223] : memref<2x128xi32, #tpu.memory_space<vmem>> -> memref<1x128xi32, #tpu.memory_space<vmem>>
        %dma_start3A_225 = tpu.memref_squeeze %dma_start3A_224 : memref<1x128xi32, #tpu.memory_space<vmem>> -> memref<128xi32, #tpu.memory_space<vmem>>
        %dma_start3A_226 = arith.constant 0 : i32
        %dma_start3A_227 = arith.constant 0 : i32
        %dma_start3A_228 = tpu.memref_slice %arg8[%dma_start3A_226, %dma_start3A_227] : memref<10000x16xf32, #tpu.memory_space<vmem_shared>> -> memref<10000x16xf32, #tpu.memory_space<vmem_shared>>
        tpu.enqueue_indirect_dma source(%arg21 : memref<128x16xf32, #tpu.memory_space<vmem>>) target(%dma_start3A_228 : memref<10000x16xf32, #tpu.memory_space<vmem_shared>>) offsets(%dma_start3A_225 : memref<128xi32, #tpu.memory_space<vmem>>) semaphore(%run_scoped3A_222 : memref<!tpu.dma_semaphore, #tpu.memory_space<semaphore_mem>>) {add = true}
        %dma_wait3A_229 = arith.constant 0 : i32
        %dma_wait3A_230 = tpu.memref_slice %arg15[%run_scoped3A_221, %dma_wait3A_229] : memref<2x128xi32, #tpu.memory_space<vmem>> -> memref<1x128xi32, #tpu.memory_space<vmem>>
        %dma_wait3A_231 = tpu.memref_squeeze %dma_wait3A_230 : memref<1x128xi32, #tpu.memory_space<vmem>> -> memref<128xi32, #tpu.memory_space<vmem>>
        %dma_wait3A_232 = arith.constant 0 : i32
        %dma_wait3A_233 = arith.constant 0 : i32
        %dma_wait3A_234 = tpu.memref_slice %arg8[%dma_wait3A_232, %dma_wait3A_233] : memref<10000x16xf32, #tpu.memory_space<vmem_shared>> -> memref<10000x16xf32, #tpu.memory_space<vmem_shared>>
        tpu.wait_indirect_dma semaphore(%run_scoped3A_222 : memref<!tpu.dma_semaphore, #tpu.memory_space<semaphore_mem>>) src(%arg21 : memref<128x16xf32, #tpu.memory_space<vmem>>) dst(%dma_wait3A_234 : memref<10000x16xf32, #tpu.memory_space<vmem_shared>>)
        tpu.yield
      }) : () -> ()
    } else {
    }
    %barrier3A_142 = arith.constant 0 : index
    tpu.barrier barrier_id(%barrier3A_142)
    %lt3A_143 = arith.constant 15 : i32
    %lt3A_144 = arith.cmpi slt, %arg1, %lt3A_143 : i32
    %convert_element_type3A_145 = arith.extui %lt3A_144 : i1 to i32
    %cond3A_146 = arith.constant 0 : i32
    %cond3A_147 = arith.cmpi ne, %convert_element_type3A_145, %cond3A_146 : i32
    scf.if %cond3A_147 {
      %mul3A_153 = arith.constant 10000 : i32
      %mul3A_154 = arith.muli %arg0, %mul3A_153 : i32
      %add3A_155 = arith.addi %mul3A_154, %mul3A_14 : i32
      "tpu.region"() ({
        %run_scoped3A_156 = tpu.sem_alloc : memref<!tpu.dma_semaphore, #tpu.memory_space<semaphore_mem>>
        %dma_start3A_157 = arith.constant 0 : i32
        %dma_start3A_158 = tpu.memref_slice %arg7[%add3A_155, %dma_start3A_157] : memref<20000x16xf32, #tpu.memory_space<hbm>> -> memref<624x16xf32, #tpu.memory_space<hbm>>
        %dma_start3A_159 = arith.constant 0 : i32
        %dma_start3A_160 = tpu.memref_slice %arg8[%mul3A_14, %dma_start3A_159] : memref<10000x16xf32, #tpu.memory_space<vmem_shared>> -> memref<624x16xf32, #tpu.memory_space<vmem_shared>>
        tpu.enqueue_dma source(%dma_start3A_160 : memref<624x16xf32, #tpu.memory_space<vmem_shared>>) target(%dma_start3A_158 : memref<624x16xf32, #tpu.memory_space<hbm>>) target_semaphore(%run_scoped3A_156 : memref<!tpu.dma_semaphore, #tpu.memory_space<semaphore_mem>>)
        %dma_wait3A_161 = arith.constant 0 : i32
        %dma_wait3A_162 = tpu.memref_slice %arg7[%add3A_155, %dma_wait3A_161] : memref<20000x16xf32, #tpu.memory_space<hbm>> -> memref<624x16xf32, #tpu.memory_space<hbm>>
        %dma_wait3A_163 = arith.constant 0 : i32
        %dma_wait3A_164 = tpu.memref_slice %arg8[%mul3A_14, %dma_wait3A_163] : memref<10000x16xf32, #tpu.memory_space<vmem_shared>> -> memref<624x16xf32, #tpu.memory_space<vmem_shared>>
        tpu.wait_dma2 semaphore(%run_scoped3A_156 : memref<!tpu.dma_semaphore, #tpu.memory_space<semaphore_mem>>) src(%dma_wait3A_164 : memref<624x16xf32, #tpu.memory_space<vmem_shared>>) dst(%dma_wait3A_162 : memref<624x16xf32, #tpu.memory_space<hbm>>)
        tpu.yield
      }) : () -> ()
    } else {
    }
    %eq3A_148 = arith.constant 15 : i32
    %eq3A_149 = arith.cmpi eq, %arg1, %eq3A_148 : i32
    %convert_element_type3A_150 = arith.extui %eq3A_149 : i1 to i32
    %cond3A_151 = arith.constant 0 : i32
    %cond3A_152 = arith.cmpi ne, %convert_element_type3A_150, %cond3A_151 : i32
    scf.if %cond3A_152 {
      %mul3A_153 = arith.constant 10000 : i32
      %mul3A_154 = arith.muli %arg0, %mul3A_153 : i32
      %add3A_155 = arith.constant 9360 : i32
      %add3A_156 = arith.addi %mul3A_154, %add3A_155 : i32
      "tpu.region"() ({
        %run_scoped3A_157 = tpu.sem_alloc : memref<!tpu.dma_semaphore, #tpu.memory_space<semaphore_mem>>
        %dma_start3A_158 = arith.constant 0 : i32
        %dma_start3A_159 = tpu.memref_slice %arg7[%add3A_156, %dma_start3A_158] : memref<20000x16xf32, #tpu.memory_space<hbm>> -> memref<640x16xf32, #tpu.memory_space<hbm>>
        %dma_start3A_160 = arith.constant 9360 : i32
        %dma_start3A_161 = arith.constant 0 : i32
        %dma_start3A_162 = tpu.memref_slice %arg8[%dma_start3A_160, %dma_start3A_161] : memref<10000x16xf32, #tpu.memory_space<vmem_shared>> -> memref<640x16xf32, #tpu.memory_space<vmem_shared>>
        tpu.enqueue_dma source(%dma_start3A_162 : memref<640x16xf32, #tpu.memory_space<vmem_shared>>) target(%dma_start3A_159 : memref<640x16xf32, #tpu.memory_space<hbm>>) target_semaphore(%run_scoped3A_157 : memref<!tpu.dma_semaphore, #tpu.memory_space<semaphore_mem>>)
        %dma_wait3A_163 = arith.constant 0 : i32
        %dma_wait3A_164 = tpu.memref_slice %arg7[%add3A_156, %dma_wait3A_163] : memref<20000x16xf32, #tpu.memory_space<hbm>> -> memref<640x16xf32, #tpu.memory_space<hbm>>
        %dma_wait3A_165 = arith.constant 9360 : i32
        %dma_wait3A_166 = arith.constant 0 : i32
        %dma_wait3A_167 = tpu.memref_slice %arg8[%dma_wait3A_165, %dma_wait3A_166] : memref<10000x16xf32, #tpu.memory_space<vmem_shared>> -> memref<640x16xf32, #tpu.memory_space<vmem_shared>>
        tpu.wait_dma2 semaphore(%run_scoped3A_157 : memref<!tpu.dma_semaphore, #tpu.memory_space<semaphore_mem>>) src(%dma_wait3A_167 : memref<640x16xf32, #tpu.memory_space<vmem_shared>>) dst(%dma_wait3A_164 : memref<640x16xf32, #tpu.memory_space<hbm>>)
        tpu.yield
      }) : () -> ()
    } else {
    }
    return
  }
}

#map = affine_map<(d0, d1) -> (0, 0)>
#map1 = affine_map<(d0, d1) -> (0, 0, 0)>
module attributes {stable_mosaic.version = 14 : i64} {
  func.func @_sc1_body(%arg0: i32, %arg1: i32, %arg2: memref<20000x128xf32, #tpu.memory_space<hbm>>, %arg3: memref<320000x128xf32, #tpu.memory_space<hbm>>, %arg4: memref<2000x2x80xi32, #tpu.memory_space<hbm>>, %arg5: memref<20000x128xf32, #tpu.memory_space<hbm>>, %arg6: memref<10000x128xf32, #tpu.memory_space<vmem_shared>>, %arg7: memref<2x80xi32, #tpu.memory_space<vmem>>, %arg8: memref<80xi32, #tpu.memory_space<vmem>>, %arg9: memref<80x128xf32, #tpu.memory_space<vmem>>, %arg10: memref<80x128xf32, #tpu.memory_space<vmem>>, %arg11: memref<!tpu.dma_semaphore, #tpu.memory_space<semaphore_mem>>, %arg12: memref<!tpu.dma_semaphore, #tpu.memory_space<semaphore_mem>>, %arg13: memref<2x80xi32, #tpu.memory_space<vmem>>, %arg14: memref<80xi32, #tpu.memory_space<vmem>>, %arg15: memref<80x128xf32, #tpu.memory_space<vmem>>, %arg16: memref<80x128xf32, #tpu.memory_space<vmem>>, %arg17: memref<!tpu.dma_semaphore, #tpu.memory_space<semaphore_mem>>, %arg18: memref<!tpu.dma_semaphore, #tpu.memory_space<semaphore_mem>>, %arg19: memref<16x128xf32, #tpu.memory_space<vmem>>) attributes {dimension_semantics = [#tpu.dimension_semantics<core_parallel>, #tpu.dimension_semantics<subcore_parallel>], iteration_bounds = array<i64: 2, 16>, scalar_prefetch = 0 : i64, scratch_operands = 14 : i64, tpu.core_type = #tpu.core_type<sc_vector_subcore>, window_params = [{transform_indices = #map}, {transform_indices = #map}, {transform_indices = #map1}, {transform_indices = #map}]} {
    %broadcast_in_dim3A = arith.constant 0.000000e+00 : f32
    %broadcast_in_dim3A_0 = vector.broadcast %broadcast_in_dim3A : f32 to vector<16xf32>
    %scan3A = arith.constant 0 : i32
    %scan3A_1 = arith.constant 0 : i32
    %scan3A_2 = arith.constant 16 : i32
    %scan3A_3 = arith.addi %scan3A_1, %scan3A_2 : i32
    %scan3A_4 = arith.constant 1 : i32
    scf.for %scan3A_231 = %scan3A_1 to %scan3A_3 step %scan3A_4  : i32 {
      %swap3A_232 = arith.index_cast %scan3A_231 : i32 to index
      %swap3A_233 = arith.constant 0 : index
      %swap3A_234 = tpu.vector_load %arg19[%swap3A_232, %swap3A_233] {strides = array<i32>} : memref<16x128xf32, #tpu.memory_space<vmem>>, vector<1x16xf32>,
      %swap3A_235 = vector.shape_cast %swap3A_234 : vector<1x16xf32> to vector<16xf32>
      %swap3A_236 = vector.shape_cast %broadcast_in_dim3A_0 : vector<16xf32> to vector<1x16xf32>
      tpu.vector_store %arg19[%swap3A_232, %swap3A_233], %swap3A_236 {strides = array<i32>} : memref<16x128xf32, #tpu.memory_space<vmem>>, vector<1x16xf32>,
      %swap3A_237 = arith.index_cast %scan3A_231 : i32 to index
      %swap3A_238 = arith.constant 16 : index
      %swap3A_239 = tpu.vector_load %arg19[%swap3A_237, %swap3A_238] {strides = array<i32>} : memref<16x128xf32, #tpu.memory_space<vmem>>, vector<1x16xf32>,
      %swap3A_240 = vector.shape_cast %swap3A_239 : vector<1x16xf32> to vector<16xf32>
      %swap3A_241 = vector.shape_cast %broadcast_in_dim3A_0 : vector<16xf32> to vector<1x16xf32>
      tpu.vector_store %arg19[%swap3A_237, %swap3A_238], %swap3A_241 {strides = array<i32>} : memref<16x128xf32, #tpu.memory_space<vmem>>, vector<1x16xf32>,
      %swap3A_242 = arith.index_cast %scan3A_231 : i32 to index
      %swap3A_243 = arith.constant 32 : index
      %swap3A_244 = tpu.vector_load %arg19[%swap3A_242, %swap3A_243] {strides = array<i32>} : memref<16x128xf32, #tpu.memory_space<vmem>>, vector<1x16xf32>,
      %swap3A_245 = vector.shape_cast %swap3A_244 : vector<1x16xf32> to vector<16xf32>
      %swap3A_246 = vector.shape_cast %broadcast_in_dim3A_0 : vector<16xf32> to vector<1x16xf32>
      tpu.vector_store %arg19[%swap3A_242, %swap3A_243], %swap3A_246 {strides = array<i32>} : memref<16x128xf32, #tpu.memory_space<vmem>>, vector<1x16xf32>,
      %swap3A_247 = arith.index_cast %scan3A_231 : i32 to index
      %swap3A_248 = arith.constant 48 : index
      %swap3A_249 = tpu.vector_load %arg19[%swap3A_247, %swap3A_248] {strides = array<i32>} : memref<16x128xf32, #tpu.memory_space<vmem>>, vector<1x16xf32>,
      %swap3A_250 = vector.shape_cast %swap3A_249 : vector<1x16xf32> to vector<16xf32>
      %swap3A_251 = vector.shape_cast %broadcast_in_dim3A_0 : vector<16xf32> to vector<1x16xf32>
      tpu.vector_store %arg19[%swap3A_247, %swap3A_248], %swap3A_251 {strides = array<i32>} : memref<16x128xf32, #tpu.memory_space<vmem>>, vector<1x16xf32>,
      %swap3A_252 = arith.index_cast %scan3A_231 : i32 to index
      %swap3A_253 = arith.constant 64 : index
      %swap3A_254 = tpu.vector_load %arg19[%swap3A_252, %swap3A_253] {strides = array<i32>} : memref<16x128xf32, #tpu.memory_space<vmem>>, vector<1x16xf32>,
      %swap3A_255 = vector.shape_cast %swap3A_254 : vector<1x16xf32> to vector<16xf32>
      %swap3A_256 = vector.shape_cast %broadcast_in_dim3A_0 : vector<16xf32> to vector<1x16xf32>
      tpu.vector_store %arg19[%swap3A_252, %swap3A_253], %swap3A_256 {strides = array<i32>} : memref<16x128xf32, #tpu.memory_space<vmem>>, vector<1x16xf32>,
      %swap3A_257 = arith.index_cast %scan3A_231 : i32 to index
      %swap3A_258 = arith.constant 80 : index
      %swap3A_259 = tpu.vector_load %arg19[%swap3A_257, %swap3A_258] {strides = array<i32>} : memref<16x128xf32, #tpu.memory_space<vmem>>, vector<1x16xf32>,
      %swap3A_260 = vector.shape_cast %swap3A_259 : vector<1x16xf32> to vector<16xf32>
      %swap3A_261 = vector.shape_cast %broadcast_in_dim3A_0 : vector<16xf32> to vector<1x16xf32>
      tpu.vector_store %arg19[%swap3A_257, %swap3A_258], %swap3A_261 {strides = array<i32>} : memref<16x128xf32, #tpu.memory_space<vmem>>, vector<1x16xf32>,
      %swap3A_262 = arith.index_cast %scan3A_231 : i32 to index
      %swap3A_263 = arith.constant 96 : index
      %swap3A_264 = tpu.vector_load %arg19[%swap3A_262, %swap3A_263] {strides = array<i32>} : memref<16x128xf32, #tpu.memory_space<vmem>>, vector<1x16xf32>,
      %swap3A_265 = vector.shape_cast %swap3A_264 : vector<1x16xf32> to vector<16xf32>
      %swap3A_266 = vector.shape_cast %broadcast_in_dim3A_0 : vector<16xf32> to vector<1x16xf32>
      tpu.vector_store %arg19[%swap3A_262, %swap3A_263], %swap3A_266 {strides = array<i32>} : memref<16x128xf32, #tpu.memory_space<vmem>>, vector<1x16xf32>,
      %swap3A_267 = arith.index_cast %scan3A_231 : i32 to index
      %swap3A_268 = arith.constant 112 : index
      %swap3A_269 = tpu.vector_load %arg19[%swap3A_267, %swap3A_268] {strides = array<i32>} : memref<16x128xf32, #tpu.memory_space<vmem>>, vector<1x16xf32>,
      %swap3A_270 = vector.shape_cast %swap3A_269 : vector<1x16xf32> to vector<16xf32>
      %swap3A_271 = vector.shape_cast %broadcast_in_dim3A_0 : vector<16xf32> to vector<1x16xf32>
      tpu.vector_store %arg19[%swap3A_267, %swap3A_268], %swap3A_271 {strides = array<i32>} : memref<16x128xf32, #tpu.memory_space<vmem>>, vector<1x16xf32>,
    }
    %scan3A_5 = arith.constant 16 : i32
    %mul3A = arith.constant 624 : i32
    %mul3A_6 = arith.muli %arg1, %mul3A : i32
    %eq3A = arith.constant 15 : i32
    %eq3A_7 = arith.cmpi eq, %arg1, %eq3A : i32
    %jit3A = arith.constant 40 : i32
    %jit3A_8 = arith.constant 39 : i32
    %select_n3A = arith.select %eq3A_7, %jit3A, %jit3A_8 : i32
    %while3A = arith.constant 0 : i32
    %while3A_9 = arith.constant 0 : i32
    %while3A_10 = arith.subi %select_n3A, %while3A_9 : i32
    %while3A_11 = arith.addi %while3A_9, %while3A_10 : i32
    %while3A_12 = arith.constant 1 : i32
    %while3A_13 = arith.divsi %while3A_10, %while3A_12 : i32
    %while3A_14 = arith.muli %while3A_13, %while3A_12 : i32
    %while3A_15 = arith.addi %while3A_9, %while3A_14 : i32
    %while3A_16 = arith.constant 1 : i32
    scf.for %while3A_231 = %while3A_9 to %while3A_15 step %while3A_16  : i32 {
      %mul3A_232 = arith.constant 16 : i32
      %mul3A_233 = arith.muli %while3A_231, %mul3A_232 : i32
      %add3A_234 = arith.addi %mul3A_6, %mul3A_233 : i32
      "tpu.region"() ({
        %run_scoped3A_235 = tpu.sem_alloc : memref<!tpu.dma_semaphore, #tpu.memory_space<semaphore_mem>>
        %dma_start3A_236 = arith.constant 0 : i32
        %dma_start3A_237 = tpu.memref_slice %arg6[%add3A_234, %dma_start3A_236] : memref<10000x128xf32, #tpu.memory_space<vmem_shared>> -> memref<16x128xf32, #tpu.memory_space<vmem_shared>>
        %dma_start3A_238 = arith.constant 0 : i32
        %dma_start3A_239 = tpu.memref_slice %arg6[%add3A_234, %dma_start3A_238] : memref<10000x128xf32, #tpu.memory_space<vmem_shared>> -> memref<16x128xf32, #tpu.memory_space<vmem_shared>>
        tpu.enqueue_dma source(%arg19 : memref<16x128xf32, #tpu.memory_space<vmem>>) target(%dma_start3A_239 : memref<16x128xf32, #tpu.memory_space<vmem_shared>>) target_semaphore(%run_scoped3A_235 : memref<!tpu.dma_semaphore, #tpu.memory_space<semaphore_mem>>)
        %dma_wait3A_240 = arith.constant 0 : i32
        %dma_wait3A_241 = tpu.memref_slice %arg6[%add3A_234, %dma_wait3A_240] : memref<10000x128xf32, #tpu.memory_space<vmem_shared>> -> memref<16x128xf32, #tpu.memory_space<vmem_shared>>
        %dma_wait3A_242 = arith.constant 0 : i32
        %dma_wait3A_243 = tpu.memref_slice %arg6[%add3A_234, %dma_wait3A_242] : memref<10000x128xf32, #tpu.memory_space<vmem_shared>> -> memref<16x128xf32, #tpu.memory_space<vmem_shared>>
        tpu.wait_dma2 semaphore(%run_scoped3A_235 : memref<!tpu.dma_semaphore, #tpu.memory_space<semaphore_mem>>) src(%arg19 : memref<16x128xf32, #tpu.memory_space<vmem>>) dst(%dma_wait3A_243 : memref<16x128xf32, #tpu.memory_space<vmem_shared>>)
        tpu.yield
      }) : () -> ()
    }
    %while3A_17 = arith.constant 1 : i32
    scf.for %while3A_231 = %while3A_15 to %while3A_11 step %while3A_17  : i32 {
      %mul3A_232 = arith.constant 16 : i32
      %mul3A_233 = arith.muli %while3A_231, %mul3A_232 : i32
      %add3A_234 = arith.addi %mul3A_6, %mul3A_233 : i32
      "tpu.region"() ({
        %run_scoped3A_235 = tpu.sem_alloc : memref<!tpu.dma_semaphore, #tpu.memory_space<semaphore_mem>>
        %dma_start3A_236 = arith.constant 0 : i32
        %dma_start3A_237 = tpu.memref_slice %arg6[%add3A_234, %dma_start3A_236] : memref<10000x128xf32, #tpu.memory_space<vmem_shared>> -> memref<16x128xf32, #tpu.memory_space<vmem_shared>>
        %dma_start3A_238 = arith.constant 0 : i32
        %dma_start3A_239 = tpu.memref_slice %arg6[%add3A_234, %dma_start3A_238] : memref<10000x128xf32, #tpu.memory_space<vmem_shared>> -> memref<16x128xf32, #tpu.memory_space<vmem_shared>>
        tpu.enqueue_dma source(%arg19 : memref<16x128xf32, #tpu.memory_space<vmem>>) target(%dma_start3A_239 : memref<16x128xf32, #tpu.memory_space<vmem_shared>>) target_semaphore(%run_scoped3A_235 : memref<!tpu.dma_semaphore, #tpu.memory_space<semaphore_mem>>)
        %dma_wait3A_240 = arith.constant 0 : i32
        %dma_wait3A_241 = tpu.memref_slice %arg6[%add3A_234, %dma_wait3A_240] : memref<10000x128xf32, #tpu.memory_space<vmem_shared>> -> memref<16x128xf32, #tpu.memory_space<vmem_shared>>
        %dma_wait3A_242 = arith.constant 0 : i32
        %dma_wait3A_243 = tpu.memref_slice %arg6[%add3A_234, %dma_wait3A_242] : memref<10000x128xf32, #tpu.memory_space<vmem_shared>> -> memref<16x128xf32, #tpu.memory_space<vmem_shared>>
        tpu.wait_dma2 semaphore(%run_scoped3A_235 : memref<!tpu.dma_semaphore, #tpu.memory_space<semaphore_mem>>) src(%arg19 : memref<16x128xf32, #tpu.memory_space<vmem>>) dst(%dma_wait3A_243 : memref<16x128xf32, #tpu.memory_space<vmem_shared>>)
        tpu.yield
      }) : () -> ()
    }
    %barrier3A = arith.constant 0 : index
    tpu.barrier barrier_id(%barrier3A)
    %mul3A_18 = arith.constant 10000 : i32
    %mul3A_19 = arith.muli %arg1, %mul3A_18 : i32
    %mul3A_20 = arith.constant 10000 : i32
    %mul3A_21 = arith.muli %arg0, %mul3A_20 : i32
    %mul3A_22 = arith.constant 125 : i32
    %mul3A_23 = arith.muli %arg1, %mul3A_22 : i32
    %add3A = arith.constant 0 : i32
    %add3A_24 = arith.addi %mul3A_23, %add3A : i32
    %dma_start3A = arith.constant 0 : i32
    %dma_start3A_25 = arith.constant 0 : i32
    %dma_start3A_26 = tpu.memref_slice %arg4[%add3A_24, %dma_start3A, %dma_start3A_25] : memref<2000x2x80xi32, #tpu.memory_space<hbm>> -> memref<1x2x80xi32, #tpu.memory_space<hbm>>
    %dma_start3A_27 = tpu.memref_squeeze %dma_start3A_26 : memref<1x2x80xi32, #tpu.memory_space<hbm>> -> memref<2x80xi32, #tpu.memory_space<hbm>>
    %dma_start3A_28 = arith.constant 0 : i32
    %dma_start3A_29 = arith.constant 0 : i32
    %dma_start3A_30 = tpu.memref_slice %arg4[%add3A_24, %dma_start3A_28, %dma_start3A_29] : memref<2000x2x80xi32, #tpu.memory_space<hbm>> -> memref<1x2x80xi32, #tpu.memory_space<hbm>>
    %dma_start3A_31 = tpu.memref_squeeze %dma_start3A_30 : memref<1x2x80xi32, #tpu.memory_space<hbm>> -> memref<2x80xi32, #tpu.memory_space<hbm>>
    tpu.enqueue_dma source(%dma_start3A_31 : memref<2x80xi32, #tpu.memory_space<hbm>>) target(%arg7 : memref<2x80xi32, #tpu.memory_space<vmem>>) target_semaphore(%arg12 : memref<!tpu.dma_semaphore, #tpu.memory_space<semaphore_mem>>)
    %mul3A_32 = arith.constant 125 : i32
    %mul3A_33 = arith.muli %arg1, %mul3A_32 : i32
    %add3A_34 = arith.constant 1 : i32
    %add3A_35 = arith.addi %mul3A_33, %add3A_34 : i32
    %dma_start3A_36 = arith.constant 0 : i32
    %dma_start3A_37 = arith.constant 0 : i32
    %dma_start3A_38 = tpu.memref_slice %arg4[%add3A_35, %dma_start3A_36, %dma_start3A_37] : memref<2000x2x80xi32, #tpu.memory_space<hbm>> -> memref<1x2x80xi32, #tpu.memory_space<hbm>>
    %dma_start3A_39 = tpu.memref_squeeze %dma_start3A_38 : memref<1x2x80xi32, #tpu.memory_space<hbm>> -> memref<2x80xi32, #tpu.memory_space<hbm>>
    %dma_start3A_40 = arith.constant 0 : i32
    %dma_start3A_41 = arith.constant 0 : i32
    %dma_start3A_42 = tpu.memref_slice %arg4[%add3A_35, %dma_start3A_40, %dma_start3A_41] : memref<2000x2x80xi32, #tpu.memory_space<hbm>> -> memref<1x2x80xi32, #tpu.memory_space<hbm>>
    %dma_start3A_43 = tpu.memref_squeeze %dma_start3A_42 : memref<1x2x80xi32, #tpu.memory_space<hbm>> -> memref<2x80xi32, #tpu.memory_space<hbm>>
    tpu.enqueue_dma source(%dma_start3A_43 : memref<2x80xi32, #tpu.memory_space<hbm>>) target(%arg13 : memref<2x80xi32, #tpu.memory_space<vmem>>) target_semaphore(%arg18 : memref<!tpu.dma_semaphore, #tpu.memory_space<semaphore_mem>>)
    %add3A_44 = arith.constant 0 : i32
    %add3A_45 = arith.addi %mul3A_19, %add3A_44 : i32
    %mul3A_46 = arith.constant 125 : i32
    %mul3A_47 = arith.muli %arg1, %mul3A_46 : i32
    %add3A_48 = arith.constant 0 : i32
    %add3A_49 = arith.addi %mul3A_47, %add3A_48 : i32
    %dma_wait3A = arith.constant 0 : i32
    %dma_wait3A_50 = arith.constant 0 : i32
    %dma_wait3A_51 = tpu.memref_slice %arg4[%add3A_49, %dma_wait3A, %dma_wait3A_50] : memref<2000x2x80xi32, #tpu.memory_space<hbm>> -> memref<1x2x80xi32, #tpu.memory_space<hbm>>
    %dma_wait3A_52 = tpu.memref_squeeze %dma_wait3A_51 : memref<1x2x80xi32, #tpu.memory_space<hbm>> -> memref<2x80xi32, #tpu.memory_space<hbm>>
    %dma_wait3A_53 = arith.constant 0 : i32
    %dma_wait3A_54 = arith.constant 0 : i32
    %dma_wait3A_55 = tpu.memref_slice %arg4[%add3A_49, %dma_wait3A_53, %dma_wait3A_54] : memref<2000x2x80xi32, #tpu.memory_space<hbm>> -> memref<1x2x80xi32, #tpu.memory_space<hbm>>
    %dma_wait3A_56 = tpu.memref_squeeze %dma_wait3A_55 : memref<1x2x80xi32, #tpu.memory_space<hbm>> -> memref<2x80xi32, #tpu.memory_space<hbm>>
    tpu.wait_dma2 semaphore(%arg12 : memref<!tpu.dma_semaphore, #tpu.memory_space<semaphore_mem>>) src(%dma_wait3A_56 : memref<2x80xi32, #tpu.memory_space<hbm>>) dst(%arg7 : memref<2x80xi32, #tpu.memory_space<vmem>>)
    %get3A = arith.constant 0 : i32
    %get3A_57 = arith.index_cast %get3A : i32 to index
    %get3A_58 = arith.constant 0 : index
    %get3A_59 = tpu.vector_load %arg7[%get3A_57, %get3A_58] {strides = array<i32>} : memref<2x80xi32, #tpu.memory_space<vmem>>, vector<1x16xi32>,
    %get3A_60 = vector.shape_cast %get3A_59 : vector<1x16xi32> to vector<16xi32>
    %add3A_61 = vector.broadcast %mul3A_21 : i32 to vector<16xi32>
    %add3A_62 = arith.addi %get3A_60, %add3A_61 : vector<16xi32>
    %swap3A = arith.constant 0 : index
    %swap3A_63 = tpu.vector_load %arg8[%swap3A] {strides = array<i32>} : memref<80xi32, #tpu.memory_space<vmem>>, vector<16xi32>,
    %swap3A_64 = vector.shape_cast %swap3A_63 : vector<16xi32> to vector<16xi32>
    %swap3A_65 = vector.shape_cast %add3A_62 : vector<16xi32> to vector<16xi32>
    tpu.vector_store %arg8[%swap3A], %swap3A_65 {strides = array<i32>} : memref<80xi32, #tpu.memory_space<vmem>>, vector<16xi32>,
    %get3A_66 = arith.constant 0 : i32
    %get3A_67 = arith.index_cast %get3A_66 : i32 to index
    %get3A_68 = arith.constant 16 : index
    %get3A_69 = tpu.vector_load %arg7[%get3A_67, %get3A_68] {strides = array<i32>} : memref<2x80xi32, #tpu.memory_space<vmem>>, vector<1x16xi32>,
    %get3A_70 = vector.shape_cast %get3A_69 : vector<1x16xi32> to vector<16xi32>
    %add3A_71 = vector.broadcast %mul3A_21 : i32 to vector<16xi32>
    %add3A_72 = arith.addi %get3A_70, %add3A_71 : vector<16xi32>
    %swap3A_73 = arith.constant 16 : index
    %swap3A_74 = tpu.vector_load %arg8[%swap3A_73] {strides = array<i32>} : memref<80xi32, #tpu.memory_space<vmem>>, vector<16xi32>,
    %swap3A_75 = vector.shape_cast %swap3A_74 : vector<16xi32> to vector<16xi32>
    %swap3A_76 = vector.shape_cast %add3A_72 : vector<16xi32> to vector<16xi32>
    tpu.vector_store %arg8[%swap3A_73], %swap3A_76 {strides = array<i32>} : memref<80xi32, #tpu.memory_space<vmem>>, vector<16xi32>,
    %get3A_77 = arith.constant 0 : i32
    %get3A_78 = arith.index_cast %get3A_77 : i32 to index
    %get3A_79 = arith.constant 32 : index
    %get3A_80 = tpu.vector_load %arg7[%get3A_78, %get3A_79] {strides = array<i32>} : memref<2x80xi32, #tpu.memory_space<vmem>>, vector<1x16xi32>,
    %get3A_81 = vector.shape_cast %get3A_80 : vector<1x16xi32> to vector<16xi32>
    %add3A_82 = vector.broadcast %mul3A_21 : i32 to vector<16xi32>
    %add3A_83 = arith.addi %get3A_81, %add3A_82 : vector<16xi32>
    %swap3A_84 = arith.constant 32 : index
    %swap3A_85 = tpu.vector_load %arg8[%swap3A_84] {strides = array<i32>} : memref<80xi32, #tpu.memory_space<vmem>>, vector<16xi32>,
    %swap3A_86 = vector.shape_cast %swap3A_85 : vector<16xi32> to vector<16xi32>
    %swap3A_87 = vector.shape_cast %add3A_83 : vector<16xi32> to vector<16xi32>
    tpu.vector_store %arg8[%swap3A_84], %swap3A_87 {strides = array<i32>} : memref<80xi32, #tpu.memory_space<vmem>>, vector<16xi32>,
    %get3A_88 = arith.constant 0 : i32
    %get3A_89 = arith.index_cast %get3A_88 : i32 to index
    %get3A_90 = arith.constant 48 : index
    %get3A_91 = tpu.vector_load %arg7[%get3A_89, %get3A_90] {strides = array<i32>} : memref<2x80xi32, #tpu.memory_space<vmem>>, vector<1x16xi32>,
    %get3A_92 = vector.shape_cast %get3A_91 : vector<1x16xi32> to vector<16xi32>
    %add3A_93 = vector.broadcast %mul3A_21 : i32 to vector<16xi32>
    %add3A_94 = arith.addi %get3A_92, %add3A_93 : vector<16xi32>
    %swap3A_95 = arith.constant 48 : index
    %swap3A_96 = tpu.vector_load %arg8[%swap3A_95] {strides = array<i32>} : memref<80xi32, #tpu.memory_space<vmem>>, vector<16xi32>,
    %swap3A_97 = vector.shape_cast %swap3A_96 : vector<16xi32> to vector<16xi32>
    %swap3A_98 = vector.shape_cast %add3A_94 : vector<16xi32> to vector<16xi32>
    tpu.vector_store %arg8[%swap3A_95], %swap3A_98 {strides = array<i32>} : memref<80xi32, #tpu.memory_space<vmem>>, vector<16xi32>,
    %get3A_99 = arith.constant 0 : i32
    %get3A_100 = arith.index_cast %get3A_99 : i32 to index
    %get3A_101 = arith.constant 64 : index
    %get3A_102 = tpu.vector_load %arg7[%get3A_100, %get3A_101] {strides = array<i32>} : memref<2x80xi32, #tpu.memory_space<vmem>>, vector<1x16xi32>,
    %get3A_103 = vector.shape_cast %get3A_102 : vector<1x16xi32> to vector<16xi32>
    %add3A_104 = vector.broadcast %mul3A_21 : i32 to vector<16xi32>
    %add3A_105 = arith.addi %get3A_103, %add3A_104 : vector<16xi32>
    %swap3A_106 = arith.constant 64 : index
    %swap3A_107 = tpu.vector_load %arg8[%swap3A_106] {strides = array<i32>} : memref<80xi32, #tpu.memory_space<vmem>>, vector<16xi32>,
    %swap3A_108 = vector.shape_cast %swap3A_107 : vector<16xi32> to vector<16xi32>
    %swap3A_109 = vector.shape_cast %add3A_105 : vector<16xi32> to vector<16xi32>
    tpu.vector_store %arg8[%swap3A_106], %swap3A_109 {strides = array<i32>} : memref<80xi32, #tpu.memory_space<vmem>>, vector<16xi32>,
    %dma_start3A_110 = arith.constant 0 : i32
    %dma_start3A_111 = arith.constant 0 : i32
    %dma_start3A_112 = tpu.memref_slice %arg2[%dma_start3A_110, %dma_start3A_111] : memref<20000x128xf32, #tpu.memory_space<hbm>> -> memref<20000x128xf32, #tpu.memory_space<hbm>>
    tpu.enqueue_indirect_dma source(%dma_start3A_112 : memref<20000x128xf32, #tpu.memory_space<hbm>>) target(%arg9 : memref<80x128xf32, #tpu.memory_space<vmem>>) offsets(%arg8 : memref<80xi32, #tpu.memory_space<vmem>>) semaphore(%arg11 : memref<!tpu.dma_semaphore, #tpu.memory_space<semaphore_mem>>)
    %mul3A_113 = arith.constant 160000 : i32
    %mul3A_114 = arith.muli %arg0, %mul3A_113 : i32
    %add3A_115 = arith.addi %mul3A_114, %add3A_45 : i32
    %dma_start3A_116 = arith.constant 0 : i32
    %dma_start3A_117 = tpu.memref_slice %arg3[%add3A_115, %dma_start3A_116] : memref<320000x128xf32, #tpu.memory_space<hbm>> -> memref<80x128xf32, #tpu.memory_space<hbm>>
    %dma_start3A_118 = arith.constant 0 : i32
    %dma_start3A_119 = tpu.memref_slice %arg3[%add3A_115, %dma_start3A_118] : memref<320000x128xf32, #tpu.memory_space<hbm>> -> memref<80x128xf32, #tpu.memory_space<hbm>>
    tpu.enqueue_dma source(%dma_start3A_119 : memref<80x128xf32, #tpu.memory_space<hbm>>) target(%arg10 : memref<80x128xf32, #tpu.memory_space<vmem>>) target_semaphore(%arg11 : memref<!tpu.dma_semaphore, #tpu.memory_space<semaphore_mem>>)
    %scan3A_120 = arith.constant 0 : i32
    %scan3A_121 = arith.constant 0 : i32
    %scan3A_122 = arith.constant 62 : i32
    %scan3A_123 = arith.addi %scan3A_121, %scan3A_122 : i32
    %scan3A_124 = arith.constant 1 : i32
    scf.for %scan3A_231 = %scan3A_121 to %scan3A_123 step %scan3A_124  : i32 {
      %mul3A_232 = arith.constant 2 : i32
      %mul3A_233 = arith.muli %mul3A_232, %scan3A_231 : i32
      %add3A_234 = arith.constant 1 : i32
      %add3A_235 = arith.addi %mul3A_233, %add3A_234 : i32
      %mul3A_236 = arith.constant 80 : i32
      %mul3A_237 = arith.muli %add3A_235, %mul3A_236 : i32
      %add3A_238 = arith.addi %mul3A_19, %mul3A_237 : i32
      %mul3A_239 = arith.constant 125 : i32
      %mul3A_240 = arith.muli %arg1, %mul3A_239 : i32
      %add3A_241 = arith.addi %mul3A_240, %add3A_235 : i32
      %dma_wait3A_242 = arith.constant 0 : i32
      %dma_wait3A_243 = arith.constant 0 : i32
      %dma_wait3A_244 = tpu.memref_slice %arg4[%add3A_241, %dma_wait3A_242, %dma_wait3A_243] : memref<2000x2x80xi32, #tpu.memory_space<hbm>> -> memref<1x2x80xi32, #tpu.memory_space<hbm>>
      %dma_wait3A_245 = tpu.memref_squeeze %dma_wait3A_244 : memref<1x2x80xi32, #tpu.memory_space<hbm>> -> memref<2x80xi32, #tpu.memory_space<hbm>>
      %dma_wait3A_246 = arith.constant 0 : i32
      %dma_wait3A_247 = arith.constant 0 : i32
      %dma_wait3A_248 = tpu.memref_slice %arg4[%add3A_241, %dma_wait3A_246, %dma_wait3A_247] : memref<2000x2x80xi32, #tpu.memory_space<hbm>> -> memref<1x2x80xi32, #tpu.memory_space<hbm>>
      %dma_wait3A_249 = tpu.memref_squeeze %dma_wait3A_248 : memref<1x2x80xi32, #tpu.memory_space<hbm>> -> memref<2x80xi32, #tpu.memory_space<hbm>>
      tpu.wait_dma2 semaphore(%arg18 : memref<!tpu.dma_semaphore, #tpu.memory_space<semaphore_mem>>) src(%dma_wait3A_249 : memref<2x80xi32, #tpu.memory_space<hbm>>) dst(%arg13 : memref<2x80xi32, #tpu.memory_space<vmem>>)
      %get3A_250 = arith.constant 0 : i32
      %get3A_251 = arith.index_cast %get3A_250 : i32 to index
      %get3A_252 = arith.constant 0 : index
      %get3A_253 = tpu.vector_load %arg13[%get3A_251, %get3A_252] {strides = array<i32>} : memref<2x80xi32, #tpu.memory_space<vmem>>, vector<1x16xi32>,
      %get3A_254 = vector.shape_cast %get3A_253 : vector<1x16xi32> to vector<16xi32>
      %add3A_255 = vector.broadcast %mul3A_21 : i32 to vector<16xi32>
      %add3A_256 = arith.addi %get3A_254, %add3A_255 : vector<16xi32>
      %swap3A_257 = arith.constant 0 : index
      %swap3A_258 = tpu.vector_load %arg14[%swap3A_257] {strides = array<i32>} : memref<80xi32, #tpu.memory_space<vmem>>, vector<16xi32>,
      %swap3A_259 = vector.shape_cast %swap3A_258 : vector<16xi32> to vector<16xi32>
      %swap3A_260 = vector.shape_cast %add3A_256 : vector<16xi32> to vector<16xi32>
      tpu.vector_store %arg14[%swap3A_257], %swap3A_260 {strides = array<i32>} : memref<80xi32, #tpu.memory_space<vmem>>, vector<16xi32>,
      %get3A_261 = arith.constant 0 : i32
      %get3A_262 = arith.index_cast %get3A_261 : i32 to index
      %get3A_263 = arith.constant 16 : index
      %get3A_264 = tpu.vector_load %arg13[%get3A_262, %get3A_263] {strides = array<i32>} : memref<2x80xi32, #tpu.memory_space<vmem>>, vector<1x16xi32>,
      %get3A_265 = vector.shape_cast %get3A_264 : vector<1x16xi32> to vector<16xi32>
      %add3A_266 = vector.broadcast %mul3A_21 : i32 to vector<16xi32>
      %add3A_267 = arith.addi %get3A_265, %add3A_266 : vector<16xi32>
      %swap3A_268 = arith.constant 16 : index
      %swap3A_269 = tpu.vector_load %arg14[%swap3A_268] {strides = array<i32>} : memref<80xi32, #tpu.memory_space<vmem>>, vector<16xi32>,
      %swap3A_270 = vector.shape_cast %swap3A_269 : vector<16xi32> to vector<16xi32>
      %swap3A_271 = vector.shape_cast %add3A_267 : vector<16xi32> to vector<16xi32>
      tpu.vector_store %arg14[%swap3A_268], %swap3A_271 {strides = array<i32>} : memref<80xi32, #tpu.memory_space<vmem>>, vector<16xi32>,
      %get3A_272 = arith.constant 0 : i32
      %get3A_273 = arith.index_cast %get3A_272 : i32 to index
      %get3A_274 = arith.constant 32 : index
      %get3A_275 = tpu.vector_load %arg13[%get3A_273, %get3A_274] {strides = array<i32>} : memref<2x80xi32, #tpu.memory_space<vmem>>, vector<1x16xi32>,
      %get3A_276 = vector.shape_cast %get3A_275 : vector<1x16xi32> to vector<16xi32>
      %add3A_277 = vector.broadcast %mul3A_21 : i32 to vector<16xi32>
      %add3A_278 = arith.addi %get3A_276, %add3A_277 : vector<16xi32>
      %swap3A_279 = arith.constant 32 : index
      %swap3A_280 = tpu.vector_load %arg14[%swap3A_279] {strides = array<i32>} : memref<80xi32, #tpu.memory_space<vmem>>, vector<16xi32>,
      %swap3A_281 = vector.shape_cast %swap3A_280 : vector<16xi32> to vector<16xi32>
      %swap3A_282 = vector.shape_cast %add3A_278 : vector<16xi32> to vector<16xi32>
      tpu.vector_store %arg14[%swap3A_279], %swap3A_282 {strides = array<i32>} : memref<80xi32, #tpu.memory_space<vmem>>, vector<16xi32>,
      %get3A_283 = arith.constant 0 : i32
      %get3A_284 = arith.index_cast %get3A_283 : i32 to index
      %get3A_285 = arith.constant 48 : index
      %get3A_286 = tpu.vector_load %arg13[%get3A_284, %get3A_285] {strides = array<i32>} : memref<2x80xi32, #tpu.memory_space<vmem>>, vector<1x16xi32>,
      %get3A_287 = vector.shape_cast %get3A_286 : vector<1x16xi32> to vector<16xi32>
      %add3A_288 = vector.broadcast %mul3A_21 : i32 to vector<16xi32>
      %add3A_289 = arith.addi %get3A_287, %add3A_288 : vector<16xi32>
      %swap3A_290 = arith.constant 48 : index
      %swap3A_291 = tpu.vector_load %arg14[%swap3A_290] {strides = array<i32>} : memref<80xi32, #tpu.memory_space<vmem>>, vector<16xi32>,
      %swap3A_292 = vector.shape_cast %swap3A_291 : vector<16xi32> to vector<16xi32>
      %swap3A_293 = vector.shape_cast %add3A_289 : vector<16xi32> to vector<16xi32>
      tpu.vector_store %arg14[%swap3A_290], %swap3A_293 {strides = array<i32>} : memref<80xi32, #tpu.memory_space<vmem>>, vector<16xi32>,
      %get3A_294 = arith.constant 0 : i32
      %get3A_295 = arith.index_cast %get3A_294 : i32 to index
      %get3A_296 = arith.constant 64 : index
      %get3A_297 = tpu.vector_load %arg13[%get3A_295, %get3A_296] {strides = array<i32>} : memref<2x80xi32, #tpu.memory_space<vmem>>, vector<1x16xi32>,
      %get3A_298 = vector.shape_cast %get3A_297 : vector<1x16xi32> to vector<16xi32>
      %add3A_299 = vector.broadcast %mul3A_21 : i32 to vector<16xi32>
      %add3A_300 = arith.addi %get3A_298, %add3A_299 : vector<16xi32>
      %swap3A_301 = arith.constant 64 : index
      %swap3A_302 = tpu.vector_load %arg14[%swap3A_301] {strides = array<i32>} : memref<80xi32, #tpu.memory_space<vmem>>, vector<16xi32>,
      %swap3A_303 = vector.shape_cast %swap3A_302 : vector<16xi32> to vector<16xi32>
      %swap3A_304 = vector.shape_cast %add3A_300 : vector<16xi32> to vector<16xi32>
      tpu.vector_store %arg14[%swap3A_301], %swap3A_304 {strides = array<i32>} : memref<80xi32, #tpu.memory_space<vmem>>, vector<16xi32>,
      %dma_start3A_305 = arith.constant 0 : i32
      %dma_start3A_306 = arith.constant 0 : i32
      %dma_start3A_307 = tpu.memref_slice %arg2[%dma_start3A_305, %dma_start3A_306] : memref<20000x128xf32, #tpu.memory_space<hbm>> -> memref<20000x128xf32, #tpu.memory_space<hbm>>
      tpu.enqueue_indirect_dma source(%dma_start3A_307 : memref<20000x128xf32, #tpu.memory_space<hbm>>) target(%arg15 : memref<80x128xf32, #tpu.memory_space<vmem>>) offsets(%arg14 : memref<80xi32, #tpu.memory_space<vmem>>) semaphore(%arg17 : memref<!tpu.dma_semaphore, #tpu.memory_space<semaphore_mem>>)
      %mul3A_308 = arith.constant 160000 : i32
      %mul3A_309 = arith.muli %arg0, %mul3A_308 : i32
      %add3A_310 = arith.addi %mul3A_309, %add3A_238 : i32
      %dma_start3A_311 = arith.constant 0 : i32
      %dma_start3A_312 = tpu.memref_slice %arg3[%add3A_310, %dma_start3A_311] : memref<320000x128xf32, #tpu.memory_space<hbm>> -> memref<80x128xf32, #tpu.memory_space<hbm>>
      %dma_start3A_313 = arith.constant 0 : i32
      %dma_start3A_314 = tpu.memref_slice %arg3[%add3A_310, %dma_start3A_313] : memref<320000x128xf32, #tpu.memory_space<hbm>> -> memref<80x128xf32, #tpu.memory_space<hbm>>
      tpu.enqueue_dma source(%dma_start3A_314 : memref<80x128xf32, #tpu.memory_space<hbm>>) target(%arg16 : memref<80x128xf32, #tpu.memory_space<vmem>>) target_semaphore(%arg17 : memref<!tpu.dma_semaphore, #tpu.memory_space<semaphore_mem>>)
      %mul3A_315 = arith.constant 80 : i32
      %mul3A_316 = arith.muli %mul3A_233, %mul3A_315 : i32
      %add3A_317 = arith.addi %mul3A_19, %mul3A_316 : i32
      %dma_wait3A_318 = arith.constant 0 : i32
      %dma_wait3A_319 = arith.constant 0 : i32
      %dma_wait3A_320 = tpu.memref_slice %arg2[%dma_wait3A_318, %dma_wait3A_319] : memref<20000x128xf32, #tpu.memory_space<hbm>> -> memref<20000x128xf32, #tpu.memory_space<hbm>>
      tpu.wait_indirect_dma semaphore(%arg11 : memref<!tpu.dma_semaphore, #tpu.memory_space<semaphore_mem>>) src(%dma_wait3A_320 : memref<20000x128xf32, #tpu.memory_space<hbm>>) dst(%arg9 : memref<80x128xf32, #tpu.memory_space<vmem>>)
      %mul3A_321 = arith.constant 160000 : i32
      %mul3A_322 = arith.muli %arg0, %mul3A_321 : i32
      %add3A_323 = arith.addi %mul3A_322, %add3A_317 : i32
      %dma_wait3A_324 = arith.constant 0 : i32
      %dma_wait3A_325 = tpu.memref_slice %arg3[%add3A_323, %dma_wait3A_324] : memref<320000x128xf32, #tpu.memory_space<hbm>> -> memref<80x128xf32, #tpu.memory_space<hbm>>
      %dma_wait3A_326 = arith.constant 0 : i32
      %dma_wait3A_327 = tpu.memref_slice %arg3[%add3A_323, %dma_wait3A_326] : memref<320000x128xf32, #tpu.memory_space<hbm>> -> memref<80x128xf32, #tpu.memory_space<hbm>>
      tpu.wait_dma2 semaphore(%arg11 : memref<!tpu.dma_semaphore, #tpu.memory_space<semaphore_mem>>) src(%dma_wait3A_327 : memref<80x128xf32, #tpu.memory_space<hbm>>) dst(%arg10 : memref<80x128xf32, #tpu.memory_space<vmem>>)
      %scan3A_328 = arith.constant 0 : i32
      %scan3A_329 = arith.constant 0 : i32
      %scan3A_330 = arith.constant 20 : i32
      %scan3A_331 = arith.addi %scan3A_329, %scan3A_330 : i32
      %scan3A_332 = arith.constant 1 : i32
      scf.for %scan3A_380 = %scan3A_329 to %scan3A_331 step %scan3A_332  : i32 {
        %mul3A_381 = arith.constant 4 : i32
        %mul3A_382 = arith.muli %mul3A_381, %scan3A_380 : i32
        %add3A_383 = arith.constant 0 : i32
        %add3A_384 = arith.addi %mul3A_382, %add3A_383 : i32
        %get3A_385 = arith.index_cast %add3A_384 : i32 to index
        %get3A_386 = arith.constant 0 : index
        %get3A_387 = tpu.vector_load %arg9[%get3A_385, %get3A_386] {strides = array<i32>} : memref<80x128xf32, #tpu.memory_space<vmem>>, vector<1x16xf32>,
        %get3A_388 = vector.shape_cast %get3A_387 : vector<1x16xf32> to vector<16xf32>
        %mul3A_389 = arith.constant 4 : i32
        %mul3A_390 = arith.muli %mul3A_389, %scan3A_380 : i32
        %add3A_391 = arith.constant 0 : i32
        %add3A_392 = arith.addi %mul3A_390, %add3A_391 : i32
        %get3A_393 = arith.index_cast %add3A_392 : i32 to index
        %get3A_394 = arith.constant 0 : index
        %get3A_395 = tpu.vector_load %arg10[%get3A_393, %get3A_394] {strides = array<i32>} : memref<80x128xf32, #tpu.memory_space<vmem>>, vector<1x16xf32>,
        %get3A_396 = vector.shape_cast %get3A_395 : vector<1x16xf32> to vector<16xf32>
        %add3A_397 = arith.addf %get3A_388, %get3A_396 : vector<16xf32>
        %max3A = arith.constant 0.000000e+00 : f32
        %max3A_398 = vector.broadcast %max3A : f32 to vector<16xf32>
        %max3A_399 = arith.maximumf %add3A_397, %max3A_398 : vector<16xf32>
        %mul3A_400 = arith.constant 4 : i32
        %mul3A_401 = arith.muli %mul3A_400, %scan3A_380 : i32
        %add3A_402 = arith.constant 0 : i32
        %add3A_403 = arith.addi %mul3A_401, %add3A_402 : i32
        %swap3A_404 = arith.index_cast %add3A_403 : i32 to index
        %swap3A_405 = arith.constant 0 : index
        %swap3A_406 = tpu.vector_load %arg9[%swap3A_404, %swap3A_405] {strides = array<i32>} : memref<80x128xf32, #tpu.memory_space<vmem>>, vector<1x16xf32>,
        %swap3A_407 = vector.shape_cast %swap3A_406 : vector<1x16xf32> to vector<16xf32>
        %swap3A_408 = vector.shape_cast %max3A_399 : vector<16xf32> to vector<1x16xf32>
        tpu.vector_store %arg9[%swap3A_404, %swap3A_405], %swap3A_408 {strides = array<i32>} : memref<80x128xf32, #tpu.memory_space<vmem>>, vector<1x16xf32>,
        %mul3A_409 = arith.constant 4 : i32
        %mul3A_410 = arith.muli %mul3A_409, %scan3A_380 : i32
        %add3A_411 = arith.constant 0 : i32
        %add3A_412 = arith.addi %mul3A_410, %add3A_411 : i32
        %get3A_413 = arith.index_cast %add3A_412 : i32 to index
        %get3A_414 = arith.constant 16 : index
        %get3A_415 = tpu.vector_load %arg9[%get3A_413, %get3A_414] {strides = array<i32>} : memref<80x128xf32, #tpu.memory_space<vmem>>, vector<1x16xf32>,
        %get3A_416 = vector.shape_cast %get3A_415 : vector<1x16xf32> to vector<16xf32>
        %mul3A_417 = arith.constant 4 : i32
        %mul3A_418 = arith.muli %mul3A_417, %scan3A_380 : i32
        %add3A_419 = arith.constant 0 : i32
        %add3A_420 = arith.addi %mul3A_418, %add3A_419 : i32
        %get3A_421 = arith.index_cast %add3A_420 : i32 to index
        %get3A_422 = arith.constant 16 : index
        %get3A_423 = tpu.vector_load %arg10[%get3A_421, %get3A_422] {strides = array<i32>} : memref<80x128xf32, #tpu.memory_space<vmem>>, vector<1x16xf32>,
        %get3A_424 = vector.shape_cast %get3A_423 : vector<1x16xf32> to vector<16xf32>
        %add3A_425 = arith.addf %get3A_416, %get3A_424 : vector<16xf32>
        %max3A_426 = arith.constant 0.000000e+00 : f32
        %max3A_427 = vector.broadcast %max3A_426 : f32 to vector<16xf32>
        %max3A_428 = arith.maximumf %add3A_425, %max3A_427 : vector<16xf32>
        %mul3A_429 = arith.constant 4 : i32
        %mul3A_430 = arith.muli %mul3A_429, %scan3A_380 : i32
        %add3A_431 = arith.constant 0 : i32
        %add3A_432 = arith.addi %mul3A_430, %add3A_431 : i32
        %swap3A_433 = arith.index_cast %add3A_432 : i32 to index
        %swap3A_434 = arith.constant 16 : index
        %swap3A_435 = tpu.vector_load %arg9[%swap3A_433, %swap3A_434] {strides = array<i32>} : memref<80x128xf32, #tpu.memory_space<vmem>>, vector<1x16xf32>,
        %swap3A_436 = vector.shape_cast %swap3A_435 : vector<1x16xf32> to vector<16xf32>
        %swap3A_437 = vector.shape_cast %max3A_428 : vector<16xf32> to vector<1x16xf32>
        tpu.vector_store %arg9[%swap3A_433, %swap3A_434], %swap3A_437 {strides = array<i32>} : memref<80x128xf32, #tpu.memory_space<vmem>>, vector<1x16xf32>,
        %mul3A_438 = arith.constant 4 : i32
        %mul3A_439 = arith.muli %mul3A_438, %scan3A_380 : i32
        %add3A_440 = arith.constant 0 : i32
        %add3A_441 = arith.addi %mul3A_439, %add3A_440 : i32
        %get3A_442 = arith.index_cast %add3A_441 : i32 to index
        %get3A_443 = arith.constant 32 : index
        %get3A_444 = tpu.vector_load %arg9[%get3A_442, %get3A_443] {strides = array<i32>} : memref<80x128xf32, #tpu.memory_space<vmem>>, vector<1x16xf32>,
        %get3A_445 = vector.shape_cast %get3A_444 : vector<1x16xf32> to vector<16xf32>
        %mul3A_446 = arith.constant 4 : i32
        %mul3A_447 = arith.muli %mul3A_446, %scan3A_380 : i32
        %add3A_448 = arith.constant 0 : i32
        %add3A_449 = arith.addi %mul3A_447, %add3A_448 : i32
        %get3A_450 = arith.index_cast %add3A_449 : i32 to index
        %get3A_451 = arith.constant 32 : index
        %get3A_452 = tpu.vector_load %arg10[%get3A_450, %get3A_451] {strides = array<i32>} : memref<80x128xf32, #tpu.memory_space<vmem>>, vector<1x16xf32>,
        %get3A_453 = vector.shape_cast %get3A_452 : vector<1x16xf32> to vector<16xf32>
        %add3A_454 = arith.addf %get3A_445, %get3A_453 : vector<16xf32>
        %max3A_455 = arith.constant 0.000000e+00 : f32
        %max3A_456 = vector.broadcast %max3A_455 : f32 to vector<16xf32>
        %max3A_457 = arith.maximumf %add3A_454, %max3A_456 : vector<16xf32>
        %mul3A_458 = arith.constant 4 : i32
        %mul3A_459 = arith.muli %mul3A_458, %scan3A_380 : i32
        %add3A_460 = arith.constant 0 : i32
        %add3A_461 = arith.addi %mul3A_459, %add3A_460 : i32
        %swap3A_462 = arith.index_cast %add3A_461 : i32 to index
        %swap3A_463 = arith.constant 32 : index
        %swap3A_464 = tpu.vector_load %arg9[%swap3A_462, %swap3A_463] {strides = array<i32>} : memref<80x128xf32, #tpu.memory_space<vmem>>, vector<1x16xf32>,
        %swap3A_465 = vector.shape_cast %swap3A_464 : vector<1x16xf32> to vector<16xf32>
        %swap3A_466 = vector.shape_cast %max3A_457 : vector<16xf32> to vector<1x16xf32>
        tpu.vector_store %arg9[%swap3A_462, %swap3A_463], %swap3A_466 {strides = array<i32>} : memref<80x128xf32, #tpu.memory_space<vmem>>, vector<1x16xf32>,
        %mul3A_467 = arith.constant 4 : i32
        %mul3A_468 = arith.muli %mul3A_467, %scan3A_380 : i32
        %add3A_469 = arith.constant 0 : i32
        %add3A_470 = arith.addi %mul3A_468, %add3A_469 : i32
        %get3A_471 = arith.index_cast %add3A_470 : i32 to index
        %get3A_472 = arith.constant 48 : index
        %get3A_473 = tpu.vector_load %arg9[%get3A_471, %get3A_472] {strides = array<i32>} : memref<80x128xf32, #tpu.memory_space<vmem>>, vector<1x16xf32>,
        %get3A_474 = vector.shape_cast %get3A_473 : vector<1x16xf32> to vector<16xf32>
        %mul3A_475 = arith.constant 4 : i32
        %mul3A_476 = arith.muli %mul3A_475, %scan3A_380 : i32
        %add3A_477 = arith.constant 0 : i32
        %add3A_478 = arith.addi %mul3A_476, %add3A_477 : i32
        %get3A_479 = arith.index_cast %add3A_478 : i32 to index
        %get3A_480 = arith.constant 48 : index
        %get3A_481 = tpu.vector_load %arg10[%get3A_479, %get3A_480] {strides = array<i32>} : memref<80x128xf32, #tpu.memory_space<vmem>>, vector<1x16xf32>,
        %get3A_482 = vector.shape_cast %get3A_481 : vector<1x16xf32> to vector<16xf32>
        %add3A_483 = arith.addf %get3A_474, %get3A_482 : vector<16xf32>
        %max3A_484 = arith.constant 0.000000e+00 : f32
        %max3A_485 = vector.broadcast %max3A_484 : f32 to vector<16xf32>
        %max3A_486 = arith.maximumf %add3A_483, %max3A_485 : vector<16xf32>
        %mul3A_487 = arith.constant 4 : i32
        %mul3A_488 = arith.muli %mul3A_487, %scan3A_380 : i32
        %add3A_489 = arith.constant 0 : i32
        %add3A_490 = arith.addi %mul3A_488, %add3A_489 : i32
        %swap3A_491 = arith.index_cast %add3A_490 : i32 to index
        %swap3A_492 = arith.constant 48 : index
        %swap3A_493 = tpu.vector_load %arg9[%swap3A_491, %swap3A_492] {strides = array<i32>} : memref<80x128xf32, #tpu.memory_space<vmem>>, vector<1x16xf32>,
        %swap3A_494 = vector.shape_cast %swap3A_493 : vector<1x16xf32> to vector<16xf32>
        %swap3A_495 = vector.shape_cast %max3A_486 : vector<16xf32> to vector<1x16xf32>
        tpu.vector_store %arg9[%swap3A_491, %swap3A_492], %swap3A_495 {strides = array<i32>} : memref<80x128xf32, #tpu.memory_space<vmem>>, vector<1x16xf32>,
        %mul3A_496 = arith.constant 4 : i32
        %mul3A_497 = arith.muli %mul3A_496, %scan3A_380 : i32
        %add3A_498 = arith.constant 0 : i32
        %add3A_499 = arith.addi %mul3A_497, %add3A_498 : i32
        %get3A_500 = arith.index_cast %add3A_499 : i32 to index
        %get3A_501 = arith.constant 64 : index
        %get3A_502 = tpu.vector_load %arg9[%get3A_500, %get3A_501] {strides = array<i32>} : memref<80x128xf32, #tpu.memory_space<vmem>>, vector<1x16xf32>,
        %get3A_503 = vector.shape_cast %get3A_502 : vector<1x16xf32> to vector<16xf32>
        %mul3A_504 = arith.constant 4 : i32
        %mul3A_505 = arith.muli %mul3A_504, %scan3A_380 : i32
        %add3A_506 = arith.constant 0 : i32
        %add3A_507 = arith.addi %mul3A_505, %add3A_506 : i32
        %get3A_508 = arith.index_cast %add3A_507 : i32 to index
        %get3A_509 = arith.constant 64 : index
        %get3A_510 = tpu.vector_load %arg10[%get3A_508, %get3A_509] {strides = array<i32>} : memref<80x128xf32, #tpu.memory_space<vmem>>, vector<1x16xf32>,
        %get3A_511 = vector.shape_cast %get3A_510 : vector<1x16xf32> to vector<16xf32>
        %add3A_512 = arith.addf %get3A_503, %get3A_511 : vector<16xf32>
        %max3A_513 = arith.constant 0.000000e+00 : f32
        %max3A_514 = vector.broadcast %max3A_513 : f32 to vector<16xf32>
        %max3A_515 = arith.maximumf %add3A_512, %max3A_514 : vector<16xf32>
        %mul3A_516 = arith.constant 4 : i32
        %mul3A_517 = arith.muli %mul3A_516, %scan3A_380 : i32
        %add3A_518 = arith.constant 0 : i32
        %add3A_519 = arith.addi %mul3A_517, %add3A_518 : i32
        %swap3A_520 = arith.index_cast %add3A_519 : i32 to index
        %swap3A_521 = arith.constant 64 : index
        %swap3A_522 = tpu.vector_load %arg9[%swap3A_520, %swap3A_521] {strides = array<i32>} : memref<80x128xf32, #tpu.memory_space<vmem>>, vector<1x16xf32>,
        %swap3A_523 = vector.shape_cast %swap3A_522 : vector<1x16xf32> to vector<16xf32>
        %swap3A_524 = vector.shape_cast %max3A_515 : vector<16xf32> to vector<1x16xf32>
        tpu.vector_store %arg9[%swap3A_520, %swap3A_521], %swap3A_524 {strides = array<i32>} : memref<80x128xf32, #tpu.memory_space<vmem>>, vector<1x16xf32>,
        %mul3A_525 = arith.constant 4 : i32
        %mul3A_526 = arith.muli %mul3A_525, %scan3A_380 : i32
        %add3A_527 = arith.constant 0 : i32
        %add3A_528 = arith.addi %mul3A_526, %add3A_527 : i32
        %get3A_529 = arith.index_cast %add3A_528 : i32 to index
        %get3A_530 = arith.constant 80 : index
        %get3A_531 = tpu.vector_load %arg9[%get3A_529, %get3A_530] {strides = array<i32>} : memref<80x128xf32, #tpu.memory_space<vmem>>, vector<1x16xf32>,
        %get3A_532 = vector.shape_cast %get3A_531 : vector<1x16xf32> to vector<16xf32>
        %mul3A_533 = arith.constant 4 : i32
        %mul3A_534 = arith.muli %mul3A_533, %scan3A_380 : i32
        %add3A_535 = arith.constant 0 : i32
        %add3A_536 = arith.addi %mul3A_534, %add3A_535 : i32
        %get3A_537 = arith.index_cast %add3A_536 : i32 to index
        %get3A_538 = arith.constant 80 : index
        %get3A_539 = tpu.vector_load %arg10[%get3A_537, %get3A_538] {strides = array<i32>} : memref<80x128xf32, #tpu.memory_space<vmem>>, vector<1x16xf32>,
        %get3A_540 = vector.shape_cast %get3A_539 : vector<1x16xf32> to vector<16xf32>
        %add3A_541 = arith.addf %get3A_532, %get3A_540 : vector<16xf32>
        %max3A_542 = arith.constant 0.000000e+00 : f32
        %max3A_543 = vector.broadcast %max3A_542 : f32 to vector<16xf32>
        %max3A_544 = arith.maximumf %add3A_541, %max3A_543 : vector<16xf32>
        %mul3A_545 = arith.constant 4 : i32
        %mul3A_546 = arith.muli %mul3A_545, %scan3A_380 : i32
        %add3A_547 = arith.constant 0 : i32
        %add3A_548 = arith.addi %mul3A_546, %add3A_547 : i32
        %swap3A_549 = arith.index_cast %add3A_548 : i32 to index
        %swap3A_550 = arith.constant 80 : index
        %swap3A_551 = tpu.vector_load %arg9[%swap3A_549, %swap3A_550] {strides = array<i32>} : memref<80x128xf32, #tpu.memory_space<vmem>>, vector<1x16xf32>,
        %swap3A_552 = vector.shape_cast %swap3A_551 : vector<1x16xf32> to vector<16xf32>
        %swap3A_553 = vector.shape_cast %max3A_544 : vector<16xf32> to vector<1x16xf32>
        tpu.vector_store %arg9[%swap3A_549, %swap3A_550], %swap3A_553 {strides = array<i32>} : memref<80x128xf32, #tpu.memory_space<vmem>>, vector<1x16xf32>,
        %mul3A_554 = arith.constant 4 : i32
        %mul3A_555 = arith.muli %mul3A_554, %scan3A_380 : i32
        %add3A_556 = arith.constant 0 : i32
        %add3A_557 = arith.addi %mul3A_555, %add3A_556 : i32
        %get3A_558 = arith.index_cast %add3A_557 : i32 to index
        %get3A_559 = arith.constant 96 : index
        %get3A_560 = tpu.vector_load %arg9[%get3A_558, %get3A_559] {strides = array<i32>} : memref<80x128xf32, #tpu.memory_space<vmem>>, vector<1x16xf32>,
        %get3A_561 = vector.shape_cast %get3A_560 : vector<1x16xf32> to vector<16xf32>
        %mul3A_562 = arith.constant 4 : i32
        %mul3A_563 = arith.muli %mul3A_562, %scan3A_380 : i32
        %add3A_564 = arith.constant 0 : i32
        %add3A_565 = arith.addi %mul3A_563, %add3A_564 : i32
        %get3A_566 = arith.index_cast %add3A_565 : i32 to index
        %get3A_567 = arith.constant 96 : index
        %get3A_568 = tpu.vector_load %arg10[%get3A_566, %get3A_567] {strides = array<i32>} : memref<80x128xf32, #tpu.memory_space<vmem>>, vector<1x16xf32>,
        %get3A_569 = vector.shape_cast %get3A_568 : vector<1x16xf32> to vector<16xf32>
        %add3A_570 = arith.addf %get3A_561, %get3A_569 : vector<16xf32>
        %max3A_571 = arith.constant 0.000000e+00 : f32
        %max3A_572 = vector.broadcast %max3A_571 : f32 to vector<16xf32>
        %max3A_573 = arith.maximumf %add3A_570, %max3A_572 : vector<16xf32>
        %mul3A_574 = arith.constant 4 : i32
        %mul3A_575 = arith.muli %mul3A_574, %scan3A_380 : i32
        %add3A_576 = arith.constant 0 : i32
        %add3A_577 = arith.addi %mul3A_575, %add3A_576 : i32
        %swap3A_578 = arith.index_cast %add3A_577 : i32 to index
        %swap3A_579 = arith.constant 96 : index
        %swap3A_580 = tpu.vector_load %arg9[%swap3A_578, %swap3A_579] {strides = array<i32>} : memref<80x128xf32, #tpu.memory_space<vmem>>, vector<1x16xf32>,
        %swap3A_581 = vector.shape_cast %swap3A_580 : vector<1x16xf32> to vector<16xf32>
        %swap3A_582 = vector.shape_cast %max3A_573 : vector<16xf32> to vector<1x16xf32>
        tpu.vector_store %arg9[%swap3A_578, %swap3A_579], %swap3A_582 {strides = array<i32>} : memref<80x128xf32, #tpu.memory_space<vmem>>, vector<1x16xf32>,
        %mul3A_583 = arith.constant 4 : i32
        %mul3A_584 = arith.muli %mul3A_583, %scan3A_380 : i32
        %add3A_585 = arith.constant 0 : i32
        %add3A_586 = arith.addi %mul3A_584, %add3A_585 : i32
        %get3A_587 = arith.index_cast %add3A_586 : i32 to index
        %get3A_588 = arith.constant 112 : index
        %get3A_589 = tpu.vector_load %arg9[%get3A_587, %get3A_588] {strides = array<i32>} : memref<80x128xf32, #tpu.memory_space<vmem>>, vector<1x16xf32>,
        %get3A_590 = vector.shape_cast %get3A_589 : vector<1x16xf32> to vector<16xf32>
        %mul3A_591 = arith.constant 4 : i32
        %mul3A_592 = arith.muli %mul3A_591, %scan3A_380 : i32
        %add3A_593 = arith.constant 0 : i32
        %add3A_594 = arith.addi %mul3A_592, %add3A_593 : i32
        %get3A_595 = arith.index_cast %add3A_594 : i32 to index
        %get3A_596 = arith.constant 112 : index
        %get3A_597 = tpu.vector_load %arg10[%get3A_595, %get3A_596] {strides = array<i32>} : memref<80x128xf32, #tpu.memory_space<vmem>>, vector<1x16xf32>,
        %get3A_598 = vector.shape_cast %get3A_597 : vector<1x16xf32> to vector<16xf32>
        %add3A_599 = arith.addf %get3A_590, %get3A_598 : vector<16xf32>
        %max3A_600 = arith.constant 0.000000e+00 : f32
        %max3A_601 = vector.broadcast %max3A_600 : f32 to vector<16xf32>
        %max3A_602 = arith.maximumf %add3A_599, %max3A_601 : vector<16xf32>
        %mul3A_603 = arith.constant 4 : i32
        %mul3A_604 = arith.muli %mul3A_603, %scan3A_380 : i32
        %add3A_605 = arith.constant 0 : i32
        %add3A_606 = arith.addi %mul3A_604, %add3A_605 : i32
        %swap3A_607 = arith.index_cast %add3A_606 : i32 to index
        %swap3A_608 = arith.constant 112 : index
        %swap3A_609 = tpu.vector_load %arg9[%swap3A_607, %swap3A_608] {strides = array<i32>} : memref<80x128xf32, #tpu.memory_space<vmem>>, vector<1x16xf32>,
        %swap3A_610 = vector.shape_cast %swap3A_609 : vector<1x16xf32> to vector<16xf32>
        %swap3A_611 = vector.shape_cast %max3A_602 : vector<16xf32> to vector<1x16xf32>
        tpu.vector_store %arg9[%swap3A_607, %swap3A_608], %swap3A_611 {strides = array<i32>} : memref<80x128xf32, #tpu.memory_space<vmem>>, vector<1x16xf32>,
        %mul3A_612 = arith.constant 4 : i32
        %mul3A_613 = arith.muli %mul3A_612, %scan3A_380 : i32
        %add3A_614 = arith.constant 1 : i32
        %add3A_615 = arith.addi %mul3A_613, %add3A_614 : i32
        %get3A_616 = arith.index_cast %add3A_615 : i32 to index
        %get3A_617 = arith.constant 0 : index
        %get3A_618 = tpu.vector_load %arg9[%get3A_616, %get3A_617] {strides = array<i32>} : memref<80x128xf32, #tpu.memory_space<vmem>>, vector<1x16xf32>,
        %get3A_619 = vector.shape_cast %get3A_618 : vector<1x16xf32> to vector<16xf32>
        %mul3A_620 = arith.constant 4 : i32
        %mul3A_621 = arith.muli %mul3A_620, %scan3A_380 : i32
        %add3A_622 = arith.constant 1 : i32
        %add3A_623 = arith.addi %mul3A_621, %add3A_622 : i32
        %get3A_624 = arith.index_cast %add3A_623 : i32 to index
        %get3A_625 = arith.constant 0 : index
        %get3A_626 = tpu.vector_load %arg10[%get3A_624, %get3A_625] {strides = array<i32>} : memref<80x128xf32, #tpu.memory_space<vmem>>, vector<1x16xf32>,
        %get3A_627 = vector.shape_cast %get3A_626 : vector<1x16xf32> to vector<16xf32>
        %add3A_628 = arith.addf %get3A_619, %get3A_627 : vector<16xf32>
        %max3A_629 = arith.constant 0.000000e+00 : f32
        %max3A_630 = vector.broadcast %max3A_629 : f32 to vector<16xf32>
        %max3A_631 = arith.maximumf %add3A_628, %max3A_630 : vector<16xf32>
        %mul3A_632 = arith.constant 4 : i32
        %mul3A_633 = arith.muli %mul3A_632, %scan3A_380 : i32
        %add3A_634 = arith.constant 1 : i32
        %add3A_635 = arith.addi %mul3A_633, %add3A_634 : i32
        %swap3A_636 = arith.index_cast %add3A_635 : i32 to index
        %swap3A_637 = arith.constant 0 : index
        %swap3A_638 = tpu.vector_load %arg9[%swap3A_636, %swap3A_637] {strides = array<i32>} : memref<80x128xf32, #tpu.memory_space<vmem>>, vector<1x16xf32>,
        %swap3A_639 = vector.shape_cast %swap3A_638 : vector<1x16xf32> to vector<16xf32>
        %swap3A_640 = vector.shape_cast %max3A_631 : vector<16xf32> to vector<1x16xf32>
        tpu.vector_store %arg9[%swap3A_636, %swap3A_637], %swap3A_640 {strides = array<i32>} : memref<80x128xf32, #tpu.memory_space<vmem>>, vector<1x16xf32>,
        %mul3A_641 = arith.constant 4 : i32
        %mul3A_642 = arith.muli %mul3A_641, %scan3A_380 : i32
        %add3A_643 = arith.constant 1 : i32
        %add3A_644 = arith.addi %mul3A_642, %add3A_643 : i32
        %get3A_645 = arith.index_cast %add3A_644 : i32 to index
        %get3A_646 = arith.constant 16 : index
        %get3A_647 = tpu.vector_load %arg9[%get3A_645, %get3A_646] {strides = array<i32>} : memref<80x128xf32, #tpu.memory_space<vmem>>, vector<1x16xf32>,
        %get3A_648 = vector.shape_cast %get3A_647 : vector<1x16xf32> to vector<16xf32>
        %mul3A_649 = arith.constant 4 : i32
        %mul3A_650 = arith.muli %mul3A_649, %scan3A_380 : i32
        %add3A_651 = arith.constant 1 : i32
        %add3A_652 = arith.addi %mul3A_650, %add3A_651 : i32
        %get3A_653 = arith.index_cast %add3A_652 : i32 to index
        %get3A_654 = arith.constant 16 : index
        %get3A_655 = tpu.vector_load %arg10[%get3A_653, %get3A_654] {strides = array<i32>} : memref<80x128xf32, #tpu.memory_space<vmem>>, vector<1x16xf32>,
        %get3A_656 = vector.shape_cast %get3A_655 : vector<1x16xf32> to vector<16xf32>
        %add3A_657 = arith.addf %get3A_648, %get3A_656 : vector<16xf32>
        %max3A_658 = arith.constant 0.000000e+00 : f32
        %max3A_659 = vector.broadcast %max3A_658 : f32 to vector<16xf32>
        %max3A_660 = arith.maximumf %add3A_657, %max3A_659 : vector<16xf32>
        %mul3A_661 = arith.constant 4 : i32
        %mul3A_662 = arith.muli %mul3A_661, %scan3A_380 : i32
        %add3A_663 = arith.constant 1 : i32
        %add3A_664 = arith.addi %mul3A_662, %add3A_663 : i32
        %swap3A_665 = arith.index_cast %add3A_664 : i32 to index
        %swap3A_666 = arith.constant 16 : index
        %swap3A_667 = tpu.vector_load %arg9[%swap3A_665, %swap3A_666] {strides = array<i32>} : memref<80x128xf32, #tpu.memory_space<vmem>>, vector<1x16xf32>,
        %swap3A_668 = vector.shape_cast %swap3A_667 : vector<1x16xf32> to vector<16xf32>
        %swap3A_669 = vector.shape_cast %max3A_660 : vector<16xf32> to vector<1x16xf32>
        tpu.vector_store %arg9[%swap3A_665, %swap3A_666], %swap3A_669 {strides = array<i32>} : memref<80x128xf32, #tpu.memory_space<vmem>>, vector<1x16xf32>,
        %mul3A_670 = arith.constant 4 : i32
        %mul3A_671 = arith.muli %mul3A_670, %scan3A_380 : i32
        %add3A_672 = arith.constant 1 : i32
        %add3A_673 = arith.addi %mul3A_671, %add3A_672 : i32
        %get3A_674 = arith.index_cast %add3A_673 : i32 to index
        %get3A_675 = arith.constant 32 : index
        %get3A_676 = tpu.vector_load %arg9[%get3A_674, %get3A_675] {strides = array<i32>} : memref<80x128xf32, #tpu.memory_space<vmem>>, vector<1x16xf32>,
        %get3A_677 = vector.shape_cast %get3A_676 : vector<1x16xf32> to vector<16xf32>
        %mul3A_678 = arith.constant 4 : i32
        %mul3A_679 = arith.muli %mul3A_678, %scan3A_380 : i32
        %add3A_680 = arith.constant 1 : i32
        %add3A_681 = arith.addi %mul3A_679, %add3A_680 : i32
        %get3A_682 = arith.index_cast %add3A_681 : i32 to index
        %get3A_683 = arith.constant 32 : index
        %get3A_684 = tpu.vector_load %arg10[%get3A_682, %get3A_683] {strides = array<i32>} : memref<80x128xf32, #tpu.memory_space<vmem>>, vector<1x16xf32>,
        %get3A_685 = vector.shape_cast %get3A_684 : vector<1x16xf32> to vector<16xf32>
        %add3A_686 = arith.addf %get3A_677, %get3A_685 : vector<16xf32>
        %max3A_687 = arith.constant 0.000000e+00 : f32
        %max3A_688 = vector.broadcast %max3A_687 : f32 to vector<16xf32>
        %max3A_689 = arith.maximumf %add3A_686, %max3A_688 : vector<16xf32>
        %mul3A_690 = arith.constant 4 : i32
        %mul3A_691 = arith.muli %mul3A_690, %scan3A_380 : i32
        %add3A_692 = arith.constant 1 : i32
        %add3A_693 = arith.addi %mul3A_691, %add3A_692 : i32
        %swap3A_694 = arith.index_cast %add3A_693 : i32 to index
        %swap3A_695 = arith.constant 32 : index
        %swap3A_696 = tpu.vector_load %arg9[%swap3A_694, %swap3A_695] {strides = array<i32>} : memref<80x128xf32, #tpu.memory_space<vmem>>, vector<1x16xf32>,
        %swap3A_697 = vector.shape_cast %swap3A_696 : vector<1x16xf32> to vector<16xf32>
        %swap3A_698 = vector.shape_cast %max3A_689 : vector<16xf32> to vector<1x16xf32>
        tpu.vector_store %arg9[%swap3A_694, %swap3A_695], %swap3A_698 {strides = array<i32>} : memref<80x128xf32, #tpu.memory_space<vmem>>, vector<1x16xf32>,
        %mul3A_699 = arith.constant 4 : i32
        %mul3A_700 = arith.muli %mul3A_699, %scan3A_380 : i32
        %add3A_701 = arith.constant 1 : i32
        %add3A_702 = arith.addi %mul3A_700, %add3A_701 : i32
        %get3A_703 = arith.index_cast %add3A_702 : i32 to index
        %get3A_704 = arith.constant 48 : index
        %get3A_705 = tpu.vector_load %arg9[%get3A_703, %get3A_704] {strides = array<i32>} : memref<80x128xf32, #tpu.memory_space<vmem>>, vector<1x16xf32>,
        %get3A_706 = vector.shape_cast %get3A_705 : vector<1x16xf32> to vector<16xf32>
        %mul3A_707 = arith.constant 4 : i32
        %mul3A_708 = arith.muli %mul3A_707, %scan3A_380 : i32
        %add3A_709 = arith.constant 1 : i32
        %add3A_710 = arith.addi %mul3A_708, %add3A_709 : i32
        %get3A_711 = arith.index_cast %add3A_710 : i32 to index
        %get3A_712 = arith.constant 48 : index
        %get3A_713 = tpu.vector_load %arg10[%get3A_711, %get3A_712] {strides = array<i32>} : memref<80x128xf32, #tpu.memory_space<vmem>>, vector<1x16xf32>,
        %get3A_714 = vector.shape_cast %get3A_713 : vector<1x16xf32> to vector<16xf32>
        %add3A_715 = arith.addf %get3A_706, %get3A_714 : vector<16xf32>
        %max3A_716 = arith.constant 0.000000e+00 : f32
        %max3A_717 = vector.broadcast %max3A_716 : f32 to vector<16xf32>
        %max3A_718 = arith.maximumf %add3A_715, %max3A_717 : vector<16xf32>
        %mul3A_719 = arith.constant 4 : i32
        %mul3A_720 = arith.muli %mul3A_719, %scan3A_380 : i32
        %add3A_721 = arith.constant 1 : i32
        %add3A_722 = arith.addi %mul3A_720, %add3A_721 : i32
        %swap3A_723 = arith.index_cast %add3A_722 : i32 to index
        %swap3A_724 = arith.constant 48 : index
        %swap3A_725 = tpu.vector_load %arg9[%swap3A_723, %swap3A_724] {strides = array<i32>} : memref<80x128xf32, #tpu.memory_space<vmem>>, vector<1x16xf32>,
        %swap3A_726 = vector.shape_cast %swap3A_725 : vector<1x16xf32> to vector<16xf32>
        %swap3A_727 = vector.shape_cast %max3A_718 : vector<16xf32> to vector<1x16xf32>
        tpu.vector_store %arg9[%swap3A_723, %swap3A_724], %swap3A_727 {strides = array<i32>} : memref<80x128xf32, #tpu.memory_space<vmem>>, vector<1x16xf32>,
        %mul3A_728 = arith.constant 4 : i32
        %mul3A_729 = arith.muli %mul3A_728, %scan3A_380 : i32
        %add3A_730 = arith.constant 1 : i32
        %add3A_731 = arith.addi %mul3A_729, %add3A_730 : i32
        %get3A_732 = arith.index_cast %add3A_731 : i32 to index
        %get3A_733 = arith.constant 64 : index
        %get3A_734 = tpu.vector_load %arg9[%get3A_732, %get3A_733] {strides = array<i32>} : memref<80x128xf32, #tpu.memory_space<vmem>>, vector<1x16xf32>,
        %get3A_735 = vector.shape_cast %get3A_734 : vector<1x16xf32> to vector<16xf32>
        %mul3A_736 = arith.constant 4 : i32
        %mul3A_737 = arith.muli %mul3A_736, %scan3A_380 : i32
        %add3A_738 = arith.constant 1 : i32
        %add3A_739 = arith.addi %mul3A_737, %add3A_738 : i32
        %get3A_740 = arith.index_cast %add3A_739 : i32 to index
        %get3A_741 = arith.constant 64 : index
        %get3A_742 = tpu.vector_load %arg10[%get3A_740, %get3A_741] {strides = array<i32>} : memref<80x128xf32, #tpu.memory_space<vmem>>, vector<1x16xf32>,
        %get3A_743 = vector.shape_cast %get3A_742 : vector<1x16xf32> to vector<16xf32>
        %add3A_744 = arith.addf %get3A_735, %get3A_743 : vector<16xf32>
        %max3A_745 = arith.constant 0.000000e+00 : f32
        %max3A_746 = vector.broadcast %max3A_745 : f32 to vector<16xf32>
        %max3A_747 = arith.maximumf %add3A_744, %max3A_746 : vector<16xf32>
        %mul3A_748 = arith.constant 4 : i32
        %mul3A_749 = arith.muli %mul3A_748, %scan3A_380 : i32
        %add3A_750 = arith.constant 1 : i32
        %add3A_751 = arith.addi %mul3A_749, %add3A_750 : i32
        %swap3A_752 = arith.index_cast %add3A_751 : i32 to index
        %swap3A_753 = arith.constant 64 : index
        %swap3A_754 = tpu.vector_load %arg9[%swap3A_752, %swap3A_753] {strides = array<i32>} : memref<80x128xf32, #tpu.memory_space<vmem>>, vector<1x16xf32>,
        %swap3A_755 = vector.shape_cast %swap3A_754 : vector<1x16xf32> to vector<16xf32>
        %swap3A_756 = vector.shape_cast %max3A_747 : vector<16xf32> to vector<1x16xf32>
        tpu.vector_store %arg9[%swap3A_752, %swap3A_753], %swap3A_756 {strides = array<i32>} : memref<80x128xf32, #tpu.memory_space<vmem>>, vector<1x16xf32>,
        %mul3A_757 = arith.constant 4 : i32
        %mul3A_758 = arith.muli %mul3A_757, %scan3A_380 : i32
        %add3A_759 = arith.constant 1 : i32
        %add3A_760 = arith.addi %mul3A_758, %add3A_759 : i32
        %get3A_761 = arith.index_cast %add3A_760 : i32 to index
        %get3A_762 = arith.constant 80 : index
        %get3A_763 = tpu.vector_load %arg9[%get3A_761, %get3A_762] {strides = array<i32>} : memref<80x128xf32, #tpu.memory_space<vmem>>, vector<1x16xf32>,
        %get3A_764 = vector.shape_cast %get3A_763 : vector<1x16xf32> to vector<16xf32>
        %mul3A_765 = arith.constant 4 : i32
        %mul3A_766 = arith.muli %mul3A_765, %scan3A_380 : i32
        %add3A_767 = arith.constant 1 : i32
        %add3A_768 = arith.addi %mul3A_766, %add3A_767 : i32
        %get3A_769 = arith.index_cast %add3A_768 : i32 to index
        %get3A_770 = arith.constant 80 : index
        %get3A_771 = tpu.vector_load %arg10[%get3A_769, %get3A_770] {strides = array<i32>} : memref<80x128xf32, #tpu.memory_space<vmem>>, vector<1x16xf32>,
        %get3A_772 = vector.shape_cast %get3A_771 : vector<1x16xf32> to vector<16xf32>
        %add3A_773 = arith.addf %get3A_764, %get3A_772 : vector<16xf32>
        %max3A_774 = arith.constant 0.000000e+00 : f32
        %max3A_775 = vector.broadcast %max3A_774 : f32 to vector<16xf32>
        %max3A_776 = arith.maximumf %add3A_773, %max3A_775 : vector<16xf32>
        %mul3A_777 = arith.constant 4 : i32
        %mul3A_778 = arith.muli %mul3A_777, %scan3A_380 : i32
        %add3A_779 = arith.constant 1 : i32
        %add3A_780 = arith.addi %mul3A_778, %add3A_779 : i32
        %swap3A_781 = arith.index_cast %add3A_780 : i32 to index
        %swap3A_782 = arith.constant 80 : index
        %swap3A_783 = tpu.vector_load %arg9[%swap3A_781, %swap3A_782] {strides = array<i32>} : memref<80x128xf32, #tpu.memory_space<vmem>>, vector<1x16xf32>,
        %swap3A_784 = vector.shape_cast %swap3A_783 : vector<1x16xf32> to vector<16xf32>
        %swap3A_785 = vector.shape_cast %max3A_776 : vector<16xf32> to vector<1x16xf32>
        tpu.vector_store %arg9[%swap3A_781, %swap3A_782], %swap3A_785 {strides = array<i32>} : memref<80x128xf32, #tpu.memory_space<vmem>>, vector<1x16xf32>,
        %mul3A_786 = arith.constant 4 : i32
        %mul3A_787 = arith.muli %mul3A_786, %scan3A_380 : i32
        %add3A_788 = arith.constant 1 : i32
        %add3A_789 = arith.addi %mul3A_787, %add3A_788 : i32
        %get3A_790 = arith.index_cast %add3A_789 : i32 to index
        %get3A_791 = arith.constant 96 : index
        %get3A_792 = tpu.vector_load %arg9[%get3A_790, %get3A_791] {strides = array<i32>} : memref<80x128xf32, #tpu.memory_space<vmem>>, vector<1x16xf32>,
        %get3A_793 = vector.shape_cast %get3A_792 : vector<1x16xf32> to vector<16xf32>
        %mul3A_794 = arith.constant 4 : i32
        %mul3A_795 = arith.muli %mul3A_794, %scan3A_380 : i32
        %add3A_796 = arith.constant 1 : i32
        %add3A_797 = arith.addi %mul3A_795, %add3A_796 : i32
        %get3A_798 = arith.index_cast %add3A_797 : i32 to index
        %get3A_799 = arith.constant 96 : index
        %get3A_800 = tpu.vector_load %arg10[%get3A_798, %get3A_799] {strides = array<i32>} : memref<80x128xf32, #tpu.memory_space<vmem>>, vector<1x16xf32>,
        %get3A_801 = vector.shape_cast %get3A_800 : vector<1x16xf32> to vector<16xf32>
        %add3A_802 = arith.addf %get3A_793, %get3A_801 : vector<16xf32>
        %max3A_803 = arith.constant 0.000000e+00 : f32
        %max3A_804 = vector.broadcast %max3A_803 : f32 to vector<16xf32>
        %max3A_805 = arith.maximumf %add3A_802, %max3A_804 : vector<16xf32>
        %mul3A_806 = arith.constant 4 : i32
        %mul3A_807 = arith.muli %mul3A_806, %scan3A_380 : i32
        %add3A_808 = arith.constant 1 : i32
        %add3A_809 = arith.addi %mul3A_807, %add3A_808 : i32
        %swap3A_810 = arith.index_cast %add3A_809 : i32 to index
        %swap3A_811 = arith.constant 96 : index
        %swap3A_812 = tpu.vector_load %arg9[%swap3A_810, %swap3A_811] {strides = array<i32>} : memref<80x128xf32, #tpu.memory_space<vmem>>, vector<1x16xf32>,
        %swap3A_813 = vector.shape_cast %swap3A_812 : vector<1x16xf32> to vector<16xf32>
        %swap3A_814 = vector.shape_cast %max3A_805 : vector<16xf32> to vector<1x16xf32>
        tpu.vector_store %arg9[%swap3A_810, %swap3A_811], %swap3A_814 {strides = array<i32>} : memref<80x128xf32, #tpu.memory_space<vmem>>, vector<1x16xf32>,
        %mul3A_815 = arith.constant 4 : i32
        %mul3A_816 = arith.muli %mul3A_815, %scan3A_380 : i32
        %add3A_817 = arith.constant 1 : i32
        %add3A_818 = arith.addi %mul3A_816, %add3A_817 : i32
        %get3A_819 = arith.index_cast %add3A_818 : i32 to index
        %get3A_820 = arith.constant 112 : index
        %get3A_821 = tpu.vector_load %arg9[%get3A_819, %get3A_820] {strides = array<i32>} : memref<80x128xf32, #tpu.memory_space<vmem>>, vector<1x16xf32>,
        %get3A_822 = vector.shape_cast %get3A_821 : vector<1x16xf32> to vector<16xf32>
        %mul3A_823 = arith.constant 4 : i32
        %mul3A_824 = arith.muli %mul3A_823, %scan3A_380 : i32
        %add3A_825 = arith.constant 1 : i32
        %add3A_826 = arith.addi %mul3A_824, %add3A_825 : i32
        %get3A_827 = arith.index_cast %add3A_826 : i32 to index
        %get3A_828 = arith.constant 112 : index
        %get3A_829 = tpu.vector_load %arg10[%get3A_827, %get3A_828] {strides = array<i32>} : memref<80x128xf32, #tpu.memory_space<vmem>>, vector<1x16xf32>,
        %get3A_830 = vector.shape_cast %get3A_829 : vector<1x16xf32> to vector<16xf32>
        %add3A_831 = arith.addf %get3A_822, %get3A_830 : vector<16xf32>
        %max3A_832 = arith.constant 0.000000e+00 : f32
        %max3A_833 = vector.broadcast %max3A_832 : f32 to vector<16xf32>
        %max3A_834 = arith.maximumf %add3A_831, %max3A_833 : vector<16xf32>
        %mul3A_835 = arith.constant 4 : i32
        %mul3A_836 = arith.muli %mul3A_835, %scan3A_380 : i32
        %add3A_837 = arith.constant 1 : i32
        %add3A_838 = arith.addi %mul3A_836, %add3A_837 : i32
        %swap3A_839 = arith.index_cast %add3A_838 : i32 to index
        %swap3A_840 = arith.constant 112 : index
        %swap3A_841 = tpu.vector_load %arg9[%swap3A_839, %swap3A_840] {strides = array<i32>} : memref<80x128xf32, #tpu.memory_space<vmem>>, vector<1x16xf32>,
        %swap3A_842 = vector.shape_cast %swap3A_841 : vector<1x16xf32> to vector<16xf32>
        %swap3A_843 = vector.shape_cast %max3A_834 : vector<16xf32> to vector<1x16xf32>
        tpu.vector_store %arg9[%swap3A_839, %swap3A_840], %swap3A_843 {strides = array<i32>} : memref<80x128xf32, #tpu.memory_space<vmem>>, vector<1x16xf32>,
        %mul3A_844 = arith.constant 4 : i32
        %mul3A_845 = arith.muli %mul3A_844, %scan3A_380 : i32
        %add3A_846 = arith.constant 2 : i32
        %add3A_847 = arith.addi %mul3A_845, %add3A_846 : i32
        %get3A_848 = arith.index_cast %add3A_847 : i32 to index
        %get3A_849 = arith.constant 0 : index
        %get3A_850 = tpu.vector_load %arg9[%get3A_848, %get3A_849] {strides = array<i32>} : memref<80x128xf32, #tpu.memory_space<vmem>>, vector<1x16xf32>,
        %get3A_851 = vector.shape_cast %get3A_850 : vector<1x16xf32> to vector<16xf32>
        %mul3A_852 = arith.constant 4 : i32
        %mul3A_853 = arith.muli %mul3A_852, %scan3A_380 : i32
        %add3A_854 = arith.constant 2 : i32
        %add3A_855 = arith.addi %mul3A_853, %add3A_854 : i32
        %get3A_856 = arith.index_cast %add3A_855 : i32 to index
        %get3A_857 = arith.constant 0 : index
        %get3A_858 = tpu.vector_load %arg10[%get3A_856, %get3A_857] {strides = array<i32>} : memref<80x128xf32, #tpu.memory_space<vmem>>, vector<1x16xf32>,
        %get3A_859 = vector.shape_cast %get3A_858 : vector<1x16xf32> to vector<16xf32>
        %add3A_860 = arith.addf %get3A_851, %get3A_859 : vector<16xf32>
        %max3A_861 = arith.constant 0.000000e+00 : f32
        %max3A_862 = vector.broadcast %max3A_861 : f32 to vector<16xf32>
        %max3A_863 = arith.maximumf %add3A_860, %max3A_862 : vector<16xf32>
        %mul3A_864 = arith.constant 4 : i32
        %mul3A_865 = arith.muli %mul3A_864, %scan3A_380 : i32
        %add3A_866 = arith.constant 2 : i32
        %add3A_867 = arith.addi %mul3A_865, %add3A_866 : i32
        %swap3A_868 = arith.index_cast %add3A_867 : i32 to index
        %swap3A_869 = arith.constant 0 : index
        %swap3A_870 = tpu.vector_load %arg9[%swap3A_868, %swap3A_869] {strides = array<i32>} : memref<80x128xf32, #tpu.memory_space<vmem>>, vector<1x16xf32>,
        %swap3A_871 = vector.shape_cast %swap3A_870 : vector<1x16xf32> to vector<16xf32>
        %swap3A_872 = vector.shape_cast %max3A_863 : vector<16xf32> to vector<1x16xf32>
        tpu.vector_store %arg9[%swap3A_868, %swap3A_869], %swap3A_872 {strides = array<i32>} : memref<80x128xf32, #tpu.memory_space<vmem>>, vector<1x16xf32>,
        %mul3A_873 = arith.constant 4 : i32
        %mul3A_874 = arith.muli %mul3A_873, %scan3A_380 : i32
        %add3A_875 = arith.constant 2 : i32
        %add3A_876 = arith.addi %mul3A_874, %add3A_875 : i32
        %get3A_877 = arith.index_cast %add3A_876 : i32 to index
        %get3A_878 = arith.constant 16 : index
        %get3A_879 = tpu.vector_load %arg9[%get3A_877, %get3A_878] {strides = array<i32>} : memref<80x128xf32, #tpu.memory_space<vmem>>, vector<1x16xf32>,
        %get3A_880 = vector.shape_cast %get3A_879 : vector<1x16xf32> to vector<16xf32>
        %mul3A_881 = arith.constant 4 : i32
        %mul3A_882 = arith.muli %mul3A_881, %scan3A_380 : i32
        %add3A_883 = arith.constant 2 : i32
        %add3A_884 = arith.addi %mul3A_882, %add3A_883 : i32
        %get3A_885 = arith.index_cast %add3A_884 : i32 to index
        %get3A_886 = arith.constant 16 : index
        %get3A_887 = tpu.vector_load %arg10[%get3A_885, %get3A_886] {strides = array<i32>} : memref<80x128xf32, #tpu.memory_space<vmem>>, vector<1x16xf32>,
        %get3A_888 = vector.shape_cast %get3A_887 : vector<1x16xf32> to vector<16xf32>
        %add3A_889 = arith.addf %get3A_880, %get3A_888 : vector<16xf32>
        %max3A_890 = arith.constant 0.000000e+00 : f32
        %max3A_891 = vector.broadcast %max3A_890 : f32 to vector<16xf32>
        %max3A_892 = arith.maximumf %add3A_889, %max3A_891 : vector<16xf32>
        %mul3A_893 = arith.constant 4 : i32
        %mul3A_894 = arith.muli %mul3A_893, %scan3A_380 : i32
        %add3A_895 = arith.constant 2 : i32
        %add3A_896 = arith.addi %mul3A_894, %add3A_895 : i32
        %swap3A_897 = arith.index_cast %add3A_896 : i32 to index
        %swap3A_898 = arith.constant 16 : index
        %swap3A_899 = tpu.vector_load %arg9[%swap3A_897, %swap3A_898] {strides = array<i32>} : memref<80x128xf32, #tpu.memory_space<vmem>>, vector<1x16xf32>,
        %swap3A_900 = vector.shape_cast %swap3A_899 : vector<1x16xf32> to vector<16xf32>
        %swap3A_901 = vector.shape_cast %max3A_892 : vector<16xf32> to vector<1x16xf32>
        tpu.vector_store %arg9[%swap3A_897, %swap3A_898], %swap3A_901 {strides = array<i32>} : memref<80x128xf32, #tpu.memory_space<vmem>>, vector<1x16xf32>,
        %mul3A_902 = arith.constant 4 : i32
        %mul3A_903 = arith.muli %mul3A_902, %scan3A_380 : i32
        %add3A_904 = arith.constant 2 : i32
        %add3A_905 = arith.addi %mul3A_903, %add3A_904 : i32
        %get3A_906 = arith.index_cast %add3A_905 : i32 to index
        %get3A_907 = arith.constant 32 : index
        %get3A_908 = tpu.vector_load %arg9[%get3A_906, %get3A_907] {strides = array<i32>} : memref<80x128xf32, #tpu.memory_space<vmem>>, vector<1x16xf32>,
        %get3A_909 = vector.shape_cast %get3A_908 : vector<1x16xf32> to vector<16xf32>
        %mul3A_910 = arith.constant 4 : i32
        %mul3A_911 = arith.muli %mul3A_910, %scan3A_380 : i32
        %add3A_912 = arith.constant 2 : i32
        %add3A_913 = arith.addi %mul3A_911, %add3A_912 : i32
        %get3A_914 = arith.index_cast %add3A_913 : i32 to index
        %get3A_915 = arith.constant 32 : index
        %get3A_916 = tpu.vector_load %arg10[%get3A_914, %get3A_915] {strides = array<i32>} : memref<80x128xf32, #tpu.memory_space<vmem>>, vector<1x16xf32>,
        %get3A_917 = vector.shape_cast %get3A_916 : vector<1x16xf32> to vector<16xf32>
        %add3A_918 = arith.addf %get3A_909, %get3A_917 : vector<16xf32>
        %max3A_919 = arith.constant 0.000000e+00 : f32
        %max3A_920 = vector.broadcast %max3A_919 : f32 to vector<16xf32>
        %max3A_921 = arith.maximumf %add3A_918, %max3A_920 : vector<16xf32>
        %mul3A_922 = arith.constant 4 : i32
        %mul3A_923 = arith.muli %mul3A_922, %scan3A_380 : i32
        %add3A_924 = arith.constant 2 : i32
        %add3A_925 = arith.addi %mul3A_923, %add3A_924 : i32
        %swap3A_926 = arith.index_cast %add3A_925 : i32 to index
        %swap3A_927 = arith.constant 32 : index
        %swap3A_928 = tpu.vector_load %arg9[%swap3A_926, %swap3A_927] {strides = array<i32>} : memref<80x128xf32, #tpu.memory_space<vmem>>, vector<1x16xf32>,
        %swap3A_929 = vector.shape_cast %swap3A_928 : vector<1x16xf32> to vector<16xf32>
        %swap3A_930 = vector.shape_cast %max3A_921 : vector<16xf32> to vector<1x16xf32>
        tpu.vector_store %arg9[%swap3A_926, %swap3A_927], %swap3A_930 {strides = array<i32>} : memref<80x128xf32, #tpu.memory_space<vmem>>, vector<1x16xf32>,
        %mul3A_931 = arith.constant 4 : i32
        %mul3A_932 = arith.muli %mul3A_931, %scan3A_380 : i32
        %add3A_933 = arith.constant 2 : i32
        %add3A_934 = arith.addi %mul3A_932, %add3A_933 : i32
        %get3A_935 = arith.index_cast %add3A_934 : i32 to index
        %get3A_936 = arith.constant 48 : index
        %get3A_937 = tpu.vector_load %arg9[%get3A_935, %get3A_936] {strides = array<i32>} : memref<80x128xf32, #tpu.memory_space<vmem>>, vector<1x16xf32>,
        %get3A_938 = vector.shape_cast %get3A_937 : vector<1x16xf32> to vector<16xf32>
        %mul3A_939 = arith.constant 4 : i32
        %mul3A_940 = arith.muli %mul3A_939, %scan3A_380 : i32
        %add3A_941 = arith.constant 2 : i32
        %add3A_942 = arith.addi %mul3A_940, %add3A_941 : i32
        %get3A_943 = arith.index_cast %add3A_942 : i32 to index
        %get3A_944 = arith.constant 48 : index
        %get3A_945 = tpu.vector_load %arg10[%get3A_943, %get3A_944] {strides = array<i32>} : memref<80x128xf32, #tpu.memory_space<vmem>>, vector<1x16xf32>,
        %get3A_946 = vector.shape_cast %get3A_945 : vector<1x16xf32> to vector<16xf32>
        %add3A_947 = arith.addf %get3A_938, %get3A_946 : vector<16xf32>
        %max3A_948 = arith.constant 0.000000e+00 : f32
        %max3A_949 = vector.broadcast %max3A_948 : f32 to vector<16xf32>
        %max3A_950 = arith.maximumf %add3A_947, %max3A_949 : vector<16xf32>
        %mul3A_951 = arith.constant 4 : i32
        %mul3A_952 = arith.muli %mul3A_951, %scan3A_380 : i32
        %add3A_953 = arith.constant 2 : i32
        %add3A_954 = arith.addi %mul3A_952, %add3A_953 : i32
        %swap3A_955 = arith.index_cast %add3A_954 : i32 to index
        %swap3A_956 = arith.constant 48 : index
        %swap3A_957 = tpu.vector_load %arg9[%swap3A_955, %swap3A_956] {strides = array<i32>} : memref<80x128xf32, #tpu.memory_space<vmem>>, vector<1x16xf32>,
        %swap3A_958 = vector.shape_cast %swap3A_957 : vector<1x16xf32> to vector<16xf32>
        %swap3A_959 = vector.shape_cast %max3A_950 : vector<16xf32> to vector<1x16xf32>
        tpu.vector_store %arg9[%swap3A_955, %swap3A_956], %swap3A_959 {strides = array<i32>} : memref<80x128xf32, #tpu.memory_space<vmem>>, vector<1x16xf32>,
        %mul3A_960 = arith.constant 4 : i32
        %mul3A_961 = arith.muli %mul3A_960, %scan3A_380 : i32
        %add3A_962 = arith.constant 2 : i32
        %add3A_963 = arith.addi %mul3A_961, %add3A_962 : i32
        %get3A_964 = arith.index_cast %add3A_963 : i32 to index
        %get3A_965 = arith.constant 64 : index
        %get3A_966 = tpu.vector_load %arg9[%get3A_964, %get3A_965] {strides = array<i32>} : memref<80x128xf32, #tpu.memory_space<vmem>>, vector<1x16xf32>,
        %get3A_967 = vector.shape_cast %get3A_966 : vector<1x16xf32> to vector<16xf32>
        %mul3A_968 = arith.constant 4 : i32
        %mul3A_969 = arith.muli %mul3A_968, %scan3A_380 : i32
        %add3A_970 = arith.constant 2 : i32
        %add3A_971 = arith.addi %mul3A_969, %add3A_970 : i32
        %get3A_972 = arith.index_cast %add3A_971 : i32 to index
        %get3A_973 = arith.constant 64 : index
        %get3A_974 = tpu.vector_load %arg10[%get3A_972, %get3A_973] {strides = array<i32>} : memref<80x128xf32, #tpu.memory_space<vmem>>, vector<1x16xf32>,
        %get3A_975 = vector.shape_cast %get3A_974 : vector<1x16xf32> to vector<16xf32>
        %add3A_976 = arith.addf %get3A_967, %get3A_975 : vector<16xf32>
        %max3A_977 = arith.constant 0.000000e+00 : f32
        %max3A_978 = vector.broadcast %max3A_977 : f32 to vector<16xf32>
        %max3A_979 = arith.maximumf %add3A_976, %max3A_978 : vector<16xf32>
        %mul3A_980 = arith.constant 4 : i32
        %mul3A_981 = arith.muli %mul3A_980, %scan3A_380 : i32
        %add3A_982 = arith.constant 2 : i32
        %add3A_983 = arith.addi %mul3A_981, %add3A_982 : i32
        %swap3A_984 = arith.index_cast %add3A_983 : i32 to index
        %swap3A_985 = arith.constant 64 : index
        %swap3A_986 = tpu.vector_load %arg9[%swap3A_984, %swap3A_985] {strides = array<i32>} : memref<80x128xf32, #tpu.memory_space<vmem>>, vector<1x16xf32>,
        %swap3A_987 = vector.shape_cast %swap3A_986 : vector<1x16xf32> to vector<16xf32>
        %swap3A_988 = vector.shape_cast %max3A_979 : vector<16xf32> to vector<1x16xf32>
        tpu.vector_store %arg9[%swap3A_984, %swap3A_985], %swap3A_988 {strides = array<i32>} : memref<80x128xf32, #tpu.memory_space<vmem>>, vector<1x16xf32>,
        %mul3A_989 = arith.constant 4 : i32
        %mul3A_990 = arith.muli %mul3A_989, %scan3A_380 : i32
        %add3A_991 = arith.constant 2 : i32
        %add3A_992 = arith.addi %mul3A_990, %add3A_991 : i32
        %get3A_993 = arith.index_cast %add3A_992 : i32 to index
        %get3A_994 = arith.constant 80 : index
        %get3A_995 = tpu.vector_load %arg9[%get3A_993, %get3A_994] {strides = array<i32>} : memref<80x128xf32, #tpu.memory_space<vmem>>, vector<1x16xf32>,
        %get3A_996 = vector.shape_cast %get3A_995 : vector<1x16xf32> to vector<16xf32>
        %mul3A_997 = arith.constant 4 : i32
        %mul3A_998 = arith.muli %mul3A_997, %scan3A_380 : i32
        %add3A_999 = arith.constant 2 : i32
        %add3A_1000 = arith.addi %mul3A_998, %add3A_999 : i32
        %get3A_1001 = arith.index_cast %add3A_1000 : i32 to index
        %get3A_1002 = arith.constant 80 : index
        %get3A_1003 = tpu.vector_load %arg10[%get3A_1001, %get3A_1002] {strides = array<i32>} : memref<80x128xf32, #tpu.memory_space<vmem>>, vector<1x16xf32>,
        %get3A_1004 = vector.shape_cast %get3A_1003 : vector<1x16xf32> to vector<16xf32>
        %add3A_1005 = arith.addf %get3A_996, %get3A_1004 : vector<16xf32>
        %max3A_1006 = arith.constant 0.000000e+00 : f32
        %max3A_1007 = vector.broadcast %max3A_1006 : f32 to vector<16xf32>
        %max3A_1008 = arith.maximumf %add3A_1005, %max3A_1007 : vector<16xf32>
        %mul3A_1009 = arith.constant 4 : i32
        %mul3A_1010 = arith.muli %mul3A_1009, %scan3A_380 : i32
        %add3A_1011 = arith.constant 2 : i32
        %add3A_1012 = arith.addi %mul3A_1010, %add3A_1011 : i32
        %swap3A_1013 = arith.index_cast %add3A_1012 : i32 to index
        %swap3A_1014 = arith.constant 80 : index
        %swap3A_1015 = tpu.vector_load %arg9[%swap3A_1013, %swap3A_1014] {strides = array<i32>} : memref<80x128xf32, #tpu.memory_space<vmem>>, vector<1x16xf32>,
        %swap3A_1016 = vector.shape_cast %swap3A_1015 : vector<1x16xf32> to vector<16xf32>
        %swap3A_1017 = vector.shape_cast %max3A_1008 : vector<16xf32> to vector<1x16xf32>
        tpu.vector_store %arg9[%swap3A_1013, %swap3A_1014], %swap3A_1017 {strides = array<i32>} : memref<80x128xf32, #tpu.memory_space<vmem>>, vector<1x16xf32>,
        %mul3A_1018 = arith.constant 4 : i32
        %mul3A_1019 = arith.muli %mul3A_1018, %scan3A_380 : i32
        %add3A_1020 = arith.constant 2 : i32
        %add3A_1021 = arith.addi %mul3A_1019, %add3A_1020 : i32
        %get3A_1022 = arith.index_cast %add3A_1021 : i32 to index
        %get3A_1023 = arith.constant 96 : index
        %get3A_1024 = tpu.vector_load %arg9[%get3A_1022, %get3A_1023] {strides = array<i32>} : memref<80x128xf32, #tpu.memory_space<vmem>>, vector<1x16xf32>,
        %get3A_1025 = vector.shape_cast %get3A_1024 : vector<1x16xf32> to vector<16xf32>
        %mul3A_1026 = arith.constant 4 : i32
        %mul3A_1027 = arith.muli %mul3A_1026, %scan3A_380 : i32
        %add3A_1028 = arith.constant 2 : i32
        %add3A_1029 = arith.addi %mul3A_1027, %add3A_1028 : i32
        %get3A_1030 = arith.index_cast %add3A_1029 : i32 to index
        %get3A_1031 = arith.constant 96 : index
        %get3A_1032 = tpu.vector_load %arg10[%get3A_1030, %get3A_1031] {strides = array<i32>} : memref<80x128xf32, #tpu.memory_space<vmem>>, vector<1x16xf32>,
        %get3A_1033 = vector.shape_cast %get3A_1032 : vector<1x16xf32> to vector<16xf32>
        %add3A_1034 = arith.addf %get3A_1025, %get3A_1033 : vector<16xf32>
        %max3A_1035 = arith.constant 0.000000e+00 : f32
        %max3A_1036 = vector.broadcast %max3A_1035 : f32 to vector<16xf32>
        %max3A_1037 = arith.maximumf %add3A_1034, %max3A_1036 : vector<16xf32>
        %mul3A_1038 = arith.constant 4 : i32
        %mul3A_1039 = arith.muli %mul3A_1038, %scan3A_380 : i32
        %add3A_1040 = arith.constant 2 : i32
        %add3A_1041 = arith.addi %mul3A_1039, %add3A_1040 : i32
        %swap3A_1042 = arith.index_cast %add3A_1041 : i32 to index
        %swap3A_1043 = arith.constant 96 : index
        %swap3A_1044 = tpu.vector_load %arg9[%swap3A_1042, %swap3A_1043] {strides = array<i32>} : memref<80x128xf32, #tpu.memory_space<vmem>>, vector<1x16xf32>,
        %swap3A_1045 = vector.shape_cast %swap3A_1044 : vector<1x16xf32> to vector<16xf32>
        %swap3A_1046 = vector.shape_cast %max3A_1037 : vector<16xf32> to vector<1x16xf32>
        tpu.vector_store %arg9[%swap3A_1042, %swap3A_1043], %swap3A_1046 {strides = array<i32>} : memref<80x128xf32, #tpu.memory_space<vmem>>, vector<1x16xf32>,
        %mul3A_1047 = arith.constant 4 : i32
        %mul3A_1048 = arith.muli %mul3A_1047, %scan3A_380 : i32
        %add3A_1049 = arith.constant 2 : i32
        %add3A_1050 = arith.addi %mul3A_1048, %add3A_1049 : i32
        %get3A_1051 = arith.index_cast %add3A_1050 : i32 to index
        %get3A_1052 = arith.constant 112 : index
        %get3A_1053 = tpu.vector_load %arg9[%get3A_1051, %get3A_1052] {strides = array<i32>} : memref<80x128xf32, #tpu.memory_space<vmem>>, vector<1x16xf32>,
        %get3A_1054 = vector.shape_cast %get3A_1053 : vector<1x16xf32> to vector<16xf32>
        %mul3A_1055 = arith.constant 4 : i32
        %mul3A_1056 = arith.muli %mul3A_1055, %scan3A_380 : i32
        %add3A_1057 = arith.constant 2 : i32
        %add3A_1058 = arith.addi %mul3A_1056, %add3A_1057 : i32
        %get3A_1059 = arith.index_cast %add3A_1058 : i32 to index
        %get3A_1060 = arith.constant 112 : index
        %get3A_1061 = tpu.vector_load %arg10[%get3A_1059, %get3A_1060] {strides = array<i32>} : memref<80x128xf32, #tpu.memory_space<vmem>>, vector<1x16xf32>,
        %get3A_1062 = vector.shape_cast %get3A_1061 : vector<1x16xf32> to vector<16xf32>
        %add3A_1063 = arith.addf %get3A_1054, %get3A_1062 : vector<16xf32>
        %max3A_1064 = arith.constant 0.000000e+00 : f32
        %max3A_1065 = vector.broadcast %max3A_1064 : f32 to vector<16xf32>
        %max3A_1066 = arith.maximumf %add3A_1063, %max3A_1065 : vector<16xf32>
        %mul3A_1067 = arith.constant 4 : i32
        %mul3A_1068 = arith.muli %mul3A_1067, %scan3A_380 : i32
        %add3A_1069 = arith.constant 2 : i32
        %add3A_1070 = arith.addi %mul3A_1068, %add3A_1069 : i32
        %swap3A_1071 = arith.index_cast %add3A_1070 : i32 to index
        %swap3A_1072 = arith.constant 112 : index
        %swap3A_1073 = tpu.vector_load %arg9[%swap3A_1071, %swap3A_1072] {strides = array<i32>} : memref<80x128xf32, #tpu.memory_space<vmem>>, vector<1x16xf32>,
        %swap3A_1074 = vector.shape_cast %swap3A_1073 : vector<1x16xf32> to vector<16xf32>
        %swap3A_1075 = vector.shape_cast %max3A_1066 : vector<16xf32> to vector<1x16xf32>
        tpu.vector_store %arg9[%swap3A_1071, %swap3A_1072], %swap3A_1075 {strides = array<i32>} : memref<80x128xf32, #tpu.memory_space<vmem>>, vector<1x16xf32>,
        %mul3A_1076 = arith.constant 4 : i32
        %mul3A_1077 = arith.muli %mul3A_1076, %scan3A_380 : i32
        %add3A_1078 = arith.constant 3 : i32
        %add3A_1079 = arith.addi %mul3A_1077, %add3A_1078 : i32
        %get3A_1080 = arith.index_cast %add3A_1079 : i32 to index
        %get3A_1081 = arith.constant 0 : index
        %get3A_1082 = tpu.vector_load %arg9[%get3A_1080, %get3A_1081] {strides = array<i32>} : memref<80x128xf32, #tpu.memory_space<vmem>>, vector<1x16xf32>,
        %get3A_1083 = vector.shape_cast %get3A_1082 : vector<1x16xf32> to vector<16xf32>
        %mul3A_1084 = arith.constant 4 : i32
        %mul3A_1085 = arith.muli %mul3A_1084, %scan3A_380 : i32
        %add3A_1086 = arith.constant 3 : i32
        %add3A_1087 = arith.addi %mul3A_1085, %add3A_1086 : i32
        %get3A_1088 = arith.index_cast %add3A_1087 : i32 to index
        %get3A_1089 = arith.constant 0 : index
        %get3A_1090 = tpu.vector_load %arg10[%get3A_1088, %get3A_1089] {strides = array<i32>} : memref<80x128xf32, #tpu.memory_space<vmem>>, vector<1x16xf32>,
        %get3A_1091 = vector.shape_cast %get3A_1090 : vector<1x16xf32> to vector<16xf32>
        %add3A_1092 = arith.addf %get3A_1083, %get3A_1091 : vector<16xf32>
        %max3A_1093 = arith.constant 0.000000e+00 : f32
        %max3A_1094 = vector.broadcast %max3A_1093 : f32 to vector<16xf32>
        %max3A_1095 = arith.maximumf %add3A_1092, %max3A_1094 : vector<16xf32>
        %mul3A_1096 = arith.constant 4 : i32
        %mul3A_1097 = arith.muli %mul3A_1096, %scan3A_380 : i32
        %add3A_1098 = arith.constant 3 : i32
        %add3A_1099 = arith.addi %mul3A_1097, %add3A_1098 : i32
        %swap3A_1100 = arith.index_cast %add3A_1099 : i32 to index
        %swap3A_1101 = arith.constant 0 : index
        %swap3A_1102 = tpu.vector_load %arg9[%swap3A_1100, %swap3A_1101] {strides = array<i32>} : memref<80x128xf32, #tpu.memory_space<vmem>>, vector<1x16xf32>,
        %swap3A_1103 = vector.shape_cast %swap3A_1102 : vector<1x16xf32> to vector<16xf32>
        %swap3A_1104 = vector.shape_cast %max3A_1095 : vector<16xf32> to vector<1x16xf32>
        tpu.vector_store %arg9[%swap3A_1100, %swap3A_1101], %swap3A_1104 {strides = array<i32>} : memref<80x128xf32, #tpu.memory_space<vmem>>, vector<1x16xf32>,
        %mul3A_1105 = arith.constant 4 : i32
        %mul3A_1106 = arith.muli %mul3A_1105, %scan3A_380 : i32
        %add3A_1107 = arith.constant 3 : i32
        %add3A_1108 = arith.addi %mul3A_1106, %add3A_1107 : i32
        %get3A_1109 = arith.index_cast %add3A_1108 : i32 to index
        %get3A_1110 = arith.constant 16 : index
        %get3A_1111 = tpu.vector_load %arg9[%get3A_1109, %get3A_1110] {strides = array<i32>} : memref<80x128xf32, #tpu.memory_space<vmem>>, vector<1x16xf32>,
        %get3A_1112 = vector.shape_cast %get3A_1111 : vector<1x16xf32> to vector<16xf32>
        %mul3A_1113 = arith.constant 4 : i32
        %mul3A_1114 = arith.muli %mul3A_1113, %scan3A_380 : i32
        %add3A_1115 = arith.constant 3 : i32
        %add3A_1116 = arith.addi %mul3A_1114, %add3A_1115 : i32
        %get3A_1117 = arith.index_cast %add3A_1116 : i32 to index
        %get3A_1118 = arith.constant 16 : index
        %get3A_1119 = tpu.vector_load %arg10[%get3A_1117, %get3A_1118] {strides = array<i32>} : memref<80x128xf32, #tpu.memory_space<vmem>>, vector<1x16xf32>,
        %get3A_1120 = vector.shape_cast %get3A_1119 : vector<1x16xf32> to vector<16xf32>
        %add3A_1121 = arith.addf %get3A_1112, %get3A_1120 : vector<16xf32>
        %max3A_1122 = arith.constant 0.000000e+00 : f32
        %max3A_1123 = vector.broadcast %max3A_1122 : f32 to vector<16xf32>
        %max3A_1124 = arith.maximumf %add3A_1121, %max3A_1123 : vector<16xf32>
        %mul3A_1125 = arith.constant 4 : i32
        %mul3A_1126 = arith.muli %mul3A_1125, %scan3A_380 : i32
        %add3A_1127 = arith.constant 3 : i32
        %add3A_1128 = arith.addi %mul3A_1126, %add3A_1127 : i32
        %swap3A_1129 = arith.index_cast %add3A_1128 : i32 to index
        %swap3A_1130 = arith.constant 16 : index
        %swap3A_1131 = tpu.vector_load %arg9[%swap3A_1129, %swap3A_1130] {strides = array<i32>} : memref<80x128xf32, #tpu.memory_space<vmem>>, vector<1x16xf32>,
        %swap3A_1132 = vector.shape_cast %swap3A_1131 : vector<1x16xf32> to vector<16xf32>
        %swap3A_1133 = vector.shape_cast %max3A_1124 : vector<16xf32> to vector<1x16xf32>
        tpu.vector_store %arg9[%swap3A_1129, %swap3A_1130], %swap3A_1133 {strides = array<i32>} : memref<80x128xf32, #tpu.memory_space<vmem>>, vector<1x16xf32>,
        %mul3A_1134 = arith.constant 4 : i32
        %mul3A_1135 = arith.muli %mul3A_1134, %scan3A_380 : i32
        %add3A_1136 = arith.constant 3 : i32
        %add3A_1137 = arith.addi %mul3A_1135, %add3A_1136 : i32
        %get3A_1138 = arith.index_cast %add3A_1137 : i32 to index
        %get3A_1139 = arith.constant 32 : index
        %get3A_1140 = tpu.vector_load %arg9[%get3A_1138, %get3A_1139] {strides = array<i32>} : memref<80x128xf32, #tpu.memory_space<vmem>>, vector<1x16xf32>,
        %get3A_1141 = vector.shape_cast %get3A_1140 : vector<1x16xf32> to vector<16xf32>
        %mul3A_1142 = arith.constant 4 : i32
        %mul3A_1143 = arith.muli %mul3A_1142, %scan3A_380 : i32
        %add3A_1144 = arith.constant 3 : i32
        %add3A_1145 = arith.addi %mul3A_1143, %add3A_1144 : i32
        %get3A_1146 = arith.index_cast %add3A_1145 : i32 to index
        %get3A_1147 = arith.constant 32 : index
        %get3A_1148 = tpu.vector_load %arg10[%get3A_1146, %get3A_1147] {strides = array<i32>} : memref<80x128xf32, #tpu.memory_space<vmem>>, vector<1x16xf32>,
        %get3A_1149 = vector.shape_cast %get3A_1148 : vector<1x16xf32> to vector<16xf32>
        %add3A_1150 = arith.addf %get3A_1141, %get3A_1149 : vector<16xf32>
        %max3A_1151 = arith.constant 0.000000e+00 : f32
        %max3A_1152 = vector.broadcast %max3A_1151 : f32 to vector<16xf32>
        %max3A_1153 = arith.maximumf %add3A_1150, %max3A_1152 : vector<16xf32>
        %mul3A_1154 = arith.constant 4 : i32
        %mul3A_1155 = arith.muli %mul3A_1154, %scan3A_380 : i32
        %add3A_1156 = arith.constant 3 : i32
        %add3A_1157 = arith.addi %mul3A_1155, %add3A_1156 : i32
        %swap3A_1158 = arith.index_cast %add3A_1157 : i32 to index
        %swap3A_1159 = arith.constant 32 : index
        %swap3A_1160 = tpu.vector_load %arg9[%swap3A_1158, %swap3A_1159] {strides = array<i32>} : memref<80x128xf32, #tpu.memory_space<vmem>>, vector<1x16xf32>,
        %swap3A_1161 = vector.shape_cast %swap3A_1160 : vector<1x16xf32> to vector<16xf32>
        %swap3A_1162 = vector.shape_cast %max3A_1153 : vector<16xf32> to vector<1x16xf32>
        tpu.vector_store %arg9[%swap3A_1158, %swap3A_1159], %swap3A_1162 {strides = array<i32>} : memref<80x128xf32, #tpu.memory_space<vmem>>, vector<1x16xf32>,
        %mul3A_1163 = arith.constant 4 : i32
        %mul3A_1164 = arith.muli %mul3A_1163, %scan3A_380 : i32
        %add3A_1165 = arith.constant 3 : i32
        %add3A_1166 = arith.addi %mul3A_1164, %add3A_1165 : i32
        %get3A_1167 = arith.index_cast %add3A_1166 : i32 to index
        %get3A_1168 = arith.constant 48 : index
        %get3A_1169 = tpu.vector_load %arg9[%get3A_1167, %get3A_1168] {strides = array<i32>} : memref<80x128xf32, #tpu.memory_space<vmem>>, vector<1x16xf32>,
        %get3A_1170 = vector.shape_cast %get3A_1169 : vector<1x16xf32> to vector<16xf32>
        %mul3A_1171 = arith.constant 4 : i32
        %mul3A_1172 = arith.muli %mul3A_1171, %scan3A_380 : i32
        %add3A_1173 = arith.constant 3 : i32
        %add3A_1174 = arith.addi %mul3A_1172, %add3A_1173 : i32
        %get3A_1175 = arith.index_cast %add3A_1174 : i32 to index
        %get3A_1176 = arith.constant 48 : index
        %get3A_1177 = tpu.vector_load %arg10[%get3A_1175, %get3A_1176] {strides = array<i32>} : memref<80x128xf32, #tpu.memory_space<vmem>>, vector<1x16xf32>,
        %get3A_1178 = vector.shape_cast %get3A_1177 : vector<1x16xf32> to vector<16xf32>
        %add3A_1179 = arith.addf %get3A_1170, %get3A_1178 : vector<16xf32>
        %max3A_1180 = arith.constant 0.000000e+00 : f32
        %max3A_1181 = vector.broadcast %max3A_1180 : f32 to vector<16xf32>
        %max3A_1182 = arith.maximumf %add3A_1179, %max3A_1181 : vector<16xf32>
        %mul3A_1183 = arith.constant 4 : i32
        %mul3A_1184 = arith.muli %mul3A_1183, %scan3A_380 : i32
        %add3A_1185 = arith.constant 3 : i32
        %add3A_1186 = arith.addi %mul3A_1184, %add3A_1185 : i32
        %swap3A_1187 = arith.index_cast %add3A_1186 : i32 to index
        %swap3A_1188 = arith.constant 48 : index
        %swap3A_1189 = tpu.vector_load %arg9[%swap3A_1187, %swap3A_1188] {strides = array<i32>} : memref<80x128xf32, #tpu.memory_space<vmem>>, vector<1x16xf32>,
        %swap3A_1190 = vector.shape_cast %swap3A_1189 : vector<1x16xf32> to vector<16xf32>
        %swap3A_1191 = vector.shape_cast %max3A_1182 : vector<16xf32> to vector<1x16xf32>
        tpu.vector_store %arg9[%swap3A_1187, %swap3A_1188], %swap3A_1191 {strides = array<i32>} : memref<80x128xf32, #tpu.memory_space<vmem>>, vector<1x16xf32>,
        %mul3A_1192 = arith.constant 4 : i32
        %mul3A_1193 = arith.muli %mul3A_1192, %scan3A_380 : i32
        %add3A_1194 = arith.constant 3 : i32
        %add3A_1195 = arith.addi %mul3A_1193, %add3A_1194 : i32
        %get3A_1196 = arith.index_cast %add3A_1195 : i32 to index
        %get3A_1197 = arith.constant 64 : index
        %get3A_1198 = tpu.vector_load %arg9[%get3A_1196, %get3A_1197] {strides = array<i32>} : memref<80x128xf32, #tpu.memory_space<vmem>>, vector<1x16xf32>,
        %get3A_1199 = vector.shape_cast %get3A_1198 : vector<1x16xf32> to vector<16xf32>
        %mul3A_1200 = arith.constant 4 : i32
        %mul3A_1201 = arith.muli %mul3A_1200, %scan3A_380 : i32
        %add3A_1202 = arith.constant 3 : i32
        %add3A_1203 = arith.addi %mul3A_1201, %add3A_1202 : i32
        %get3A_1204 = arith.index_cast %add3A_1203 : i32 to index
        %get3A_1205 = arith.constant 64 : index
        %get3A_1206 = tpu.vector_load %arg10[%get3A_1204, %get3A_1205] {strides = array<i32>} : memref<80x128xf32, #tpu.memory_space<vmem>>, vector<1x16xf32>,
        %get3A_1207 = vector.shape_cast %get3A_1206 : vector<1x16xf32> to vector<16xf32>
        %add3A_1208 = arith.addf %get3A_1199, %get3A_1207 : vector<16xf32>
        %max3A_1209 = arith.constant 0.000000e+00 : f32
        %max3A_1210 = vector.broadcast %max3A_1209 : f32 to vector<16xf32>
        %max3A_1211 = arith.maximumf %add3A_1208, %max3A_1210 : vector<16xf32>
        %mul3A_1212 = arith.constant 4 : i32
        %mul3A_1213 = arith.muli %mul3A_1212, %scan3A_380 : i32
        %add3A_1214 = arith.constant 3 : i32
        %add3A_1215 = arith.addi %mul3A_1213, %add3A_1214 : i32
        %swap3A_1216 = arith.index_cast %add3A_1215 : i32 to index
        %swap3A_1217 = arith.constant 64 : index
        %swap3A_1218 = tpu.vector_load %arg9[%swap3A_1216, %swap3A_1217] {strides = array<i32>} : memref<80x128xf32, #tpu.memory_space<vmem>>, vector<1x16xf32>,
        %swap3A_1219 = vector.shape_cast %swap3A_1218 : vector<1x16xf32> to vector<16xf32>
        %swap3A_1220 = vector.shape_cast %max3A_1211 : vector<16xf32> to vector<1x16xf32>
        tpu.vector_store %arg9[%swap3A_1216, %swap3A_1217], %swap3A_1220 {strides = array<i32>} : memref<80x128xf32, #tpu.memory_space<vmem>>, vector<1x16xf32>,
        %mul3A_1221 = arith.constant 4 : i32
        %mul3A_1222 = arith.muli %mul3A_1221, %scan3A_380 : i32
        %add3A_1223 = arith.constant 3 : i32
        %add3A_1224 = arith.addi %mul3A_1222, %add3A_1223 : i32
        %get3A_1225 = arith.index_cast %add3A_1224 : i32 to index
        %get3A_1226 = arith.constant 80 : index
        %get3A_1227 = tpu.vector_load %arg9[%get3A_1225, %get3A_1226] {strides = array<i32>} : memref<80x128xf32, #tpu.memory_space<vmem>>, vector<1x16xf32>,
        %get3A_1228 = vector.shape_cast %get3A_1227 : vector<1x16xf32> to vector<16xf32>
        %mul3A_1229 = arith.constant 4 : i32
        %mul3A_1230 = arith.muli %mul3A_1229, %scan3A_380 : i32
        %add3A_1231 = arith.constant 3 : i32
        %add3A_1232 = arith.addi %mul3A_1230, %add3A_1231 : i32
        %get3A_1233 = arith.index_cast %add3A_1232 : i32 to index
        %get3A_1234 = arith.constant 80 : index
        %get3A_1235 = tpu.vector_load %arg10[%get3A_1233, %get3A_1234] {strides = array<i32>} : memref<80x128xf32, #tpu.memory_space<vmem>>, vector<1x16xf32>,
        %get3A_1236 = vector.shape_cast %get3A_1235 : vector<1x16xf32> to vector<16xf32>
        %add3A_1237 = arith.addf %get3A_1228, %get3A_1236 : vector<16xf32>
        %max3A_1238 = arith.constant 0.000000e+00 : f32
        %max3A_1239 = vector.broadcast %max3A_1238 : f32 to vector<16xf32>
        %max3A_1240 = arith.maximumf %add3A_1237, %max3A_1239 : vector<16xf32>
        %mul3A_1241 = arith.constant 4 : i32
        %mul3A_1242 = arith.muli %mul3A_1241, %scan3A_380 : i32
        %add3A_1243 = arith.constant 3 : i32
        %add3A_1244 = arith.addi %mul3A_1242, %add3A_1243 : i32
        %swap3A_1245 = arith.index_cast %add3A_1244 : i32 to index
        %swap3A_1246 = arith.constant 80 : index
        %swap3A_1247 = tpu.vector_load %arg9[%swap3A_1245, %swap3A_1246] {strides = array<i32>} : memref<80x128xf32, #tpu.memory_space<vmem>>, vector<1x16xf32>,
        %swap3A_1248 = vector.shape_cast %swap3A_1247 : vector<1x16xf32> to vector<16xf32>
        %swap3A_1249 = vector.shape_cast %max3A_1240 : vector<16xf32> to vector<1x16xf32>
        tpu.vector_store %arg9[%swap3A_1245, %swap3A_1246], %swap3A_1249 {strides = array<i32>} : memref<80x128xf32, #tpu.memory_space<vmem>>, vector<1x16xf32>,
        %mul3A_1250 = arith.constant 4 : i32
        %mul3A_1251 = arith.muli %mul3A_1250, %scan3A_380 : i32
        %add3A_1252 = arith.constant 3 : i32
        %add3A_1253 = arith.addi %mul3A_1251, %add3A_1252 : i32
        %get3A_1254 = arith.index_cast %add3A_1253 : i32 to index
        %get3A_1255 = arith.constant 96 : index
        %get3A_1256 = tpu.vector_load %arg9[%get3A_1254, %get3A_1255] {strides = array<i32>} : memref<80x128xf32, #tpu.memory_space<vmem>>, vector<1x16xf32>,
        %get3A_1257 = vector.shape_cast %get3A_1256 : vector<1x16xf32> to vector<16xf32>
        %mul3A_1258 = arith.constant 4 : i32
        %mul3A_1259 = arith.muli %mul3A_1258, %scan3A_380 : i32
        %add3A_1260 = arith.constant 3 : i32
        %add3A_1261 = arith.addi %mul3A_1259, %add3A_1260 : i32
        %get3A_1262 = arith.index_cast %add3A_1261 : i32 to index
        %get3A_1263 = arith.constant 96 : index
        %get3A_1264 = tpu.vector_load %arg10[%get3A_1262, %get3A_1263] {strides = array<i32>} : memref<80x128xf32, #tpu.memory_space<vmem>>, vector<1x16xf32>,
        %get3A_1265 = vector.shape_cast %get3A_1264 : vector<1x16xf32> to vector<16xf32>
        %add3A_1266 = arith.addf %get3A_1257, %get3A_1265 : vector<16xf32>
        %max3A_1267 = arith.constant 0.000000e+00 : f32
        %max3A_1268 = vector.broadcast %max3A_1267 : f32 to vector<16xf32>
        %max3A_1269 = arith.maximumf %add3A_1266, %max3A_1268 : vector<16xf32>
        %mul3A_1270 = arith.constant 4 : i32
        %mul3A_1271 = arith.muli %mul3A_1270, %scan3A_380 : i32
        %add3A_1272 = arith.constant 3 : i32
        %add3A_1273 = arith.addi %mul3A_1271, %add3A_1272 : i32
        %swap3A_1274 = arith.index_cast %add3A_1273 : i32 to index
        %swap3A_1275 = arith.constant 96 : index
        %swap3A_1276 = tpu.vector_load %arg9[%swap3A_1274, %swap3A_1275] {strides = array<i32>} : memref<80x128xf32, #tpu.memory_space<vmem>>, vector<1x16xf32>,
        %swap3A_1277 = vector.shape_cast %swap3A_1276 : vector<1x16xf32> to vector<16xf32>
        %swap3A_1278 = vector.shape_cast %max3A_1269 : vector<16xf32> to vector<1x16xf32>
        tpu.vector_store %arg9[%swap3A_1274, %swap3A_1275], %swap3A_1278 {strides = array<i32>} : memref<80x128xf32, #tpu.memory_space<vmem>>, vector<1x16xf32>,
        %mul3A_1279 = arith.constant 4 : i32
        %mul3A_1280 = arith.muli %mul3A_1279, %scan3A_380 : i32
        %add3A_1281 = arith.constant 3 : i32
        %add3A_1282 = arith.addi %mul3A_1280, %add3A_1281 : i32
        %get3A_1283 = arith.index_cast %add3A_1282 : i32 to index
        %get3A_1284 = arith.constant 112 : index
        %get3A_1285 = tpu.vector_load %arg9[%get3A_1283, %get3A_1284] {strides = array<i32>} : memref<80x128xf32, #tpu.memory_space<vmem>>, vector<1x16xf32>,
        %get3A_1286 = vector.shape_cast %get3A_1285 : vector<1x16xf32> to vector<16xf32>
        %mul3A_1287 = arith.constant 4 : i32
        %mul3A_1288 = arith.muli %mul3A_1287, %scan3A_380 : i32
        %add3A_1289 = arith.constant 3 : i32
        %add3A_1290 = arith.addi %mul3A_1288, %add3A_1289 : i32
        %get3A_1291 = arith.index_cast %add3A_1290 : i32 to index
        %get3A_1292 = arith.constant 112 : index
        %get3A_1293 = tpu.vector_load %arg10[%get3A_1291, %get3A_1292] {strides = array<i32>} : memref<80x128xf32, #tpu.memory_space<vmem>>, vector<1x16xf32>,
        %get3A_1294 = vector.shape_cast %get3A_1293 : vector<1x16xf32> to vector<16xf32>
        %add3A_1295 = arith.addf %get3A_1286, %get3A_1294 : vector<16xf32>
        %max3A_1296 = arith.constant 0.000000e+00 : f32
        %max3A_1297 = vector.broadcast %max3A_1296 : f32 to vector<16xf32>
        %max3A_1298 = arith.maximumf %add3A_1295, %max3A_1297 : vector<16xf32>
        %mul3A_1299 = arith.constant 4 : i32
        %mul3A_1300 = arith.muli %mul3A_1299, %scan3A_380 : i32
        %add3A_1301 = arith.constant 3 : i32
        %add3A_1302 = arith.addi %mul3A_1300, %add3A_1301 : i32
        %swap3A_1303 = arith.index_cast %add3A_1302 : i32 to index
        %swap3A_1304 = arith.constant 112 : index
        %swap3A_1305 = tpu.vector_load %arg9[%swap3A_1303, %swap3A_1304] {strides = array<i32>} : memref<80x128xf32, #tpu.memory_space<vmem>>, vector<1x16xf32>,
        %swap3A_1306 = vector.shape_cast %swap3A_1305 : vector<1x16xf32> to vector<16xf32>
        %swap3A_1307 = vector.shape_cast %max3A_1298 : vector<16xf32> to vector<1x16xf32>
        tpu.vector_store %arg9[%swap3A_1303, %swap3A_1304], %swap3A_1307 {strides = array<i32>} : memref<80x128xf32, #tpu.memory_space<vmem>>, vector<1x16xf32>,
      }
      %scan3A_333 = arith.constant 20 : i32
      %run_scoped3A_334 = arith.constant 1 : i32
      "tpu.region"() ({
        %run_scoped3A_380 = tpu.sem_alloc : memref<!tpu.dma_semaphore, #tpu.memory_space<semaphore_mem>>
        %dma_start3A_381 = arith.constant 0 : i32
        %dma_start3A_382 = tpu.memref_slice %arg7[%run_scoped3A_334, %dma_start3A_381] : memref<2x80xi32, #tpu.memory_space<vmem>> -> memref<1x80xi32, #tpu.memory_space<vmem>>
        %dma_start3A_383 = tpu.memref_squeeze %dma_start3A_382 : memref<1x80xi32, #tpu.memory_space<vmem>> -> memref<80xi32, #tpu.memory_space<vmem>>
        %dma_start3A_384 = arith.constant 0 : i32
        %dma_start3A_385 = arith.constant 0 : i32
        %dma_start3A_386 = tpu.memref_slice %arg6[%dma_start3A_384, %dma_start3A_385] : memref<10000x128xf32, #tpu.memory_space<vmem_shared>> -> memref<10000x128xf32, #tpu.memory_space<vmem_shared>>
        tpu.enqueue_indirect_dma source(%arg9 : memref<80x128xf32, #tpu.memory_space<vmem>>) target(%dma_start3A_386 : memref<10000x128xf32, #tpu.memory_space<vmem_shared>>) offsets(%dma_start3A_383 : memref<80xi32, #tpu.memory_space<vmem>>) semaphore(%run_scoped3A_380 : memref<!tpu.dma_semaphore, #tpu.memory_space<semaphore_mem>>) {add = true}
        %dma_wait3A_387 = arith.constant 0 : i32
        %dma_wait3A_388 = tpu.memref_slice %arg7[%run_scoped3A_334, %dma_wait3A_387] : memref<2x80xi32, #tpu.memory_space<vmem>> -> memref<1x80xi32, #tpu.memory_space<vmem>>
        %dma_wait3A_389 = tpu.memref_squeeze %dma_wait3A_388 : memref<1x80xi32, #tpu.memory_space<vmem>> -> memref<80xi32, #tpu.memory_space<vmem>>
        %dma_wait3A_390 = arith.constant 0 : i32
        %dma_wait3A_391 = arith.constant 0 : i32
        %dma_wait3A_392 = tpu.memref_slice %arg6[%dma_wait3A_390, %dma_wait3A_391] : memref<10000x128xf32, #tpu.memory_space<vmem_shared>> -> memref<10000x128xf32, #tpu.memory_space<vmem_shared>>
        tpu.wait_indirect_dma semaphore(%run_scoped3A_380 : memref<!tpu.dma_semaphore, #tpu.memory_space<semaphore_mem>>) src(%arg9 : memref<80x128xf32, #tpu.memory_space<vmem>>) dst(%dma_wait3A_392 : memref<10000x128xf32, #tpu.memory_space<vmem_shared>>)
        tpu.yield
      }) : () -> ()
      %add3A_335 = arith.constant 2 : i32
      %add3A_336 = arith.addi %mul3A_233, %add3A_335 : i32
      %mul3A_337 = arith.constant 125 : i32
      %mul3A_338 = arith.muli %arg1, %mul3A_337 : i32
      %add3A_339 = arith.addi %mul3A_338, %add3A_336 : i32
      %dma_start3A_340 = arith.constant 0 : i32
      %dma_start3A_341 = arith.constant 0 : i32
      %dma_start3A_342 = tpu.memref_slice %arg4[%add3A_339, %dma_start3A_340, %dma_start3A_341] : memref<2000x2x80xi32, #tpu.memory_space<hbm>> -> memref<1x2x80xi32, #tpu.memory_space<hbm>>
      %dma_start3A_343 = tpu.memref_squeeze %dma_start3A_342 : memref<1x2x80xi32, #tpu.memory_space<hbm>> -> memref<2x80xi32, #tpu.memory_space<hbm>>
      %dma_start3A_344 = arith.constant 0 : i32
      %dma_start3A_345 = arith.constant 0 : i32
      %dma_start3A_346 = tpu.memref_slice %arg4[%add3A_339, %dma_start3A_344, %dma_start3A_345] : memref<2000x2x80xi32, #tpu.memory_space<hbm>> -> memref<1x2x80xi32, #tpu.memory_space<hbm>>
      %dma_start3A_347 = tpu.memref_squeeze %dma_start3A_346 : memref<1x2x80xi32, #tpu.memory_space<hbm>> -> memref<2x80xi32, #tpu.memory_space<hbm>>
      tpu.enqueue_dma source(%dma_start3A_347 : memref<2x80xi32, #tpu.memory_space<hbm>>) target(%arg7 : memref<2x80xi32, #tpu.memory_space<vmem>>) target_semaphore(%arg12 : memref<!tpu.dma_semaphore, #tpu.memory_space<semaphore_mem>>)
      %lt3A_348 = arith.constant 61 : i32
      %lt3A_349 = arith.cmpi slt, %scan3A_231, %lt3A_348 : i32
      %convert_element_type3A_350 = arith.extui %lt3A_349 : i1 to i32
      %cond3A_351 = arith.constant 0 : i32
      %cond3A_352 = arith.cmpi ne, %convert_element_type3A_350, %cond3A_351 : i32
      scf.if %cond3A_352 {
        %add3A_380 = arith.constant 2 : i32
        %add3A_381 = arith.addi %mul3A_233, %add3A_380 : i32
        %mul3A_382 = arith.constant 80 : i32
        %mul3A_383 = arith.muli %add3A_381, %mul3A_382 : i32
        %add3A_384 = arith.addi %mul3A_19, %mul3A_383 : i32
        %mul3A_385 = arith.constant 125 : i32
        %mul3A_386 = arith.muli %arg1, %mul3A_385 : i32
        %add3A_387 = arith.addi %mul3A_386, %add3A_381 : i32
        %dma_wait3A_388 = arith.constant 0 : i32
        %dma_wait3A_389 = arith.constant 0 : i32
        %dma_wait3A_390 = tpu.memref_slice %arg4[%add3A_387, %dma_wait3A_388, %dma_wait3A_389] : memref<2000x2x80xi32, #tpu.memory_space<hbm>> -> memref<1x2x80xi32, #tpu.memory_space<hbm>>
        %dma_wait3A_391 = tpu.memref_squeeze %dma_wait3A_390 : memref<1x2x80xi32, #tpu.memory_space<hbm>> -> memref<2x80xi32, #tpu.memory_space<hbm>>
        %dma_wait3A_392 = arith.constant 0 : i32
        %dma_wait3A_393 = arith.constant 0 : i32
        %dma_wait3A_394 = tpu.memref_slice %arg4[%add3A_387, %dma_wait3A_392, %dma_wait3A_393] : memref<2000x2x80xi32, #tpu.memory_space<hbm>> -> memref<1x2x80xi32, #tpu.memory_space<hbm>>
        %dma_wait3A_395 = tpu.memref_squeeze %dma_wait3A_394 : memref<1x2x80xi32, #tpu.memory_space<hbm>> -> memref<2x80xi32, #tpu.memory_space<hbm>>
        tpu.wait_dma2 semaphore(%arg12 : memref<!tpu.dma_semaphore, #tpu.memory_space<semaphore_mem>>) src(%dma_wait3A_395 : memref<2x80xi32, #tpu.memory_space<hbm>>) dst(%arg7 : memref<2x80xi32, #tpu.memory_space<vmem>>)
        %get3A_396 = arith.constant 0 : i32
        %get3A_397 = arith.index_cast %get3A_396 : i32 to index
        %get3A_398 = arith.constant 0 : index
        %get3A_399 = tpu.vector_load %arg7[%get3A_397, %get3A_398] {strides = array<i32>} : memref<2x80xi32, #tpu.memory_space<vmem>>, vector<1x16xi32>,
        %get3A_400 = vector.shape_cast %get3A_399 : vector<1x16xi32> to vector<16xi32>
        %add3A_401 = vector.broadcast %mul3A_21 : i32 to vector<16xi32>
        %add3A_402 = arith.addi %get3A_400, %add3A_401 : vector<16xi32>
        %swap3A_403 = arith.constant 0 : index
        %swap3A_404 = tpu.vector_load %arg8[%swap3A_403] {strides = array<i32>} : memref<80xi32, #tpu.memory_space<vmem>>, vector<16xi32>,
        %swap3A_405 = vector.shape_cast %swap3A_404 : vector<16xi32> to vector<16xi32>
        %swap3A_406 = vector.shape_cast %add3A_402 : vector<16xi32> to vector<16xi32>
        tpu.vector_store %arg8[%swap3A_403], %swap3A_406 {strides = array<i32>} : memref<80xi32, #tpu.memory_space<vmem>>, vector<16xi32>,
        %get3A_407 = arith.constant 0 : i32
        %get3A_408 = arith.index_cast %get3A_407 : i32 to index
        %get3A_409 = arith.constant 16 : index
        %get3A_410 = tpu.vector_load %arg7[%get3A_408, %get3A_409] {strides = array<i32>} : memref<2x80xi32, #tpu.memory_space<vmem>>, vector<1x16xi32>,
        %get3A_411 = vector.shape_cast %get3A_410 : vector<1x16xi32> to vector<16xi32>
        %add3A_412 = vector.broadcast %mul3A_21 : i32 to vector<16xi32>
        %add3A_413 = arith.addi %get3A_411, %add3A_412 : vector<16xi32>
        %swap3A_414 = arith.constant 16 : index
        %swap3A_415 = tpu.vector_load %arg8[%swap3A_414] {strides = array<i32>} : memref<80xi32, #tpu.memory_space<vmem>>, vector<16xi32>,
        %swap3A_416 = vector.shape_cast %swap3A_415 : vector<16xi32> to vector<16xi32>
        %swap3A_417 = vector.shape_cast %add3A_413 : vector<16xi32> to vector<16xi32>
        tpu.vector_store %arg8[%swap3A_414], %swap3A_417 {strides = array<i32>} : memref<80xi32, #tpu.memory_space<vmem>>, vector<16xi32>,
        %get3A_418 = arith.constant 0 : i32
        %get3A_419 = arith.index_cast %get3A_418 : i32 to index
        %get3A_420 = arith.constant 32 : index
        %get3A_421 = tpu.vector_load %arg7[%get3A_419, %get3A_420] {strides = array<i32>} : memref<2x80xi32, #tpu.memory_space<vmem>>, vector<1x16xi32>,
        %get3A_422 = vector.shape_cast %get3A_421 : vector<1x16xi32> to vector<16xi32>
        %add3A_423 = vector.broadcast %mul3A_21 : i32 to vector<16xi32>
        %add3A_424 = arith.addi %get3A_422, %add3A_423 : vector<16xi32>
        %swap3A_425 = arith.constant 32 : index
        %swap3A_426 = tpu.vector_load %arg8[%swap3A_425] {strides = array<i32>} : memref<80xi32, #tpu.memory_space<vmem>>, vector<16xi32>,
        %swap3A_427 = vector.shape_cast %swap3A_426 : vector<16xi32> to vector<16xi32>
        %swap3A_428 = vector.shape_cast %add3A_424 : vector<16xi32> to vector<16xi32>
        tpu.vector_store %arg8[%swap3A_425], %swap3A_428 {strides = array<i32>} : memref<80xi32, #tpu.memory_space<vmem>>, vector<16xi32>,
        %get3A_429 = arith.constant 0 : i32
        %get3A_430 = arith.index_cast %get3A_429 : i32 to index
        %get3A_431 = arith.constant 48 : index
        %get3A_432 = tpu.vector_load %arg7[%get3A_430, %get3A_431] {strides = array<i32>} : memref<2x80xi32, #tpu.memory_space<vmem>>, vector<1x16xi32>,
        %get3A_433 = vector.shape_cast %get3A_432 : vector<1x16xi32> to vector<16xi32>
        %add3A_434 = vector.broadcast %mul3A_21 : i32 to vector<16xi32>
        %add3A_435 = arith.addi %get3A_433, %add3A_434 : vector<16xi32>
        %swap3A_436 = arith.constant 48 : index
        %swap3A_437 = tpu.vector_load %arg8[%swap3A_436] {strides = array<i32>} : memref<80xi32, #tpu.memory_space<vmem>>, vector<16xi32>,
        %swap3A_438 = vector.shape_cast %swap3A_437 : vector<16xi32> to vector<16xi32>
        %swap3A_439 = vector.shape_cast %add3A_435 : vector<16xi32> to vector<16xi32>
        tpu.vector_store %arg8[%swap3A_436], %swap3A_439 {strides = array<i32>} : memref<80xi32, #tpu.memory_space<vmem>>, vector<16xi32>,
        %get3A_440 = arith.constant 0 : i32
        %get3A_441 = arith.index_cast %get3A_440 : i32 to index
        %get3A_442 = arith.constant 64 : index
        %get3A_443 = tpu.vector_load %arg7[%get3A_441, %get3A_442] {strides = array<i32>} : memref<2x80xi32, #tpu.memory_space<vmem>>, vector<1x16xi32>,
        %get3A_444 = vector.shape_cast %get3A_443 : vector<1x16xi32> to vector<16xi32>
        %add3A_445 = vector.broadcast %mul3A_21 : i32 to vector<16xi32>
        %add3A_446 = arith.addi %get3A_444, %add3A_445 : vector<16xi32>
        %swap3A_447 = arith.constant 64 : index
        %swap3A_448 = tpu.vector_load %arg8[%swap3A_447] {strides = array<i32>} : memref<80xi32, #tpu.memory_space<vmem>>, vector<16xi32>,
        %swap3A_449 = vector.shape_cast %swap3A_448 : vector<16xi32> to vector<16xi32>
        %swap3A_450 = vector.shape_cast %add3A_446 : vector<16xi32> to vector<16xi32>
        tpu.vector_store %arg8[%swap3A_447], %swap3A_450 {strides = array<i32>} : memref<80xi32, #tpu.memory_space<vmem>>, vector<16xi32>,
        %dma_start3A_451 = arith.constant 0 : i32
        %dma_start3A_452 = arith.constant 0 : i32
        %dma_start3A_453 = tpu.memref_slice %arg2[%dma_start3A_451, %dma_start3A_452] : memref<20000x128xf32, #tpu.memory_space<hbm>> -> memref<20000x128xf32, #tpu.memory_space<hbm>>
        tpu.enqueue_indirect_dma source(%dma_start3A_453 : memref<20000x128xf32, #tpu.memory_space<hbm>>) target(%arg9 : memref<80x128xf32, #tpu.memory_space<vmem>>) offsets(%arg8 : memref<80xi32, #tpu.memory_space<vmem>>) semaphore(%arg11 : memref<!tpu.dma_semaphore, #tpu.memory_space<semaphore_mem>>)
        %mul3A_454 = arith.constant 160000 : i32
        %mul3A_455 = arith.muli %arg0, %mul3A_454 : i32
        %add3A_456 = arith.addi %mul3A_455, %add3A_384 : i32
        %dma_start3A_457 = arith.constant 0 : i32
        %dma_start3A_458 = tpu.memref_slice %arg3[%add3A_456, %dma_start3A_457] : memref<320000x128xf32, #tpu.memory_space<hbm>> -> memref<80x128xf32, #tpu.memory_space<hbm>>
        %dma_start3A_459 = arith.constant 0 : i32
        %dma_start3A_460 = tpu.memref_slice %arg3[%add3A_456, %dma_start3A_459] : memref<320000x128xf32, #tpu.memory_space<hbm>> -> memref<80x128xf32, #tpu.memory_space<hbm>>
        tpu.enqueue_dma source(%dma_start3A_460 : memref<80x128xf32, #tpu.memory_space<hbm>>) target(%arg10 : memref<80x128xf32, #tpu.memory_space<vmem>>) target_semaphore(%arg11 : memref<!tpu.dma_semaphore, #tpu.memory_space<semaphore_mem>>)
      } else {
      }
      %add3A_353 = arith.constant 1 : i32
      %add3A_354 = arith.addi %mul3A_233, %add3A_353 : i32
      %mul3A_355 = arith.constant 80 : i32
      %mul3A_356 = arith.muli %add3A_354, %mul3A_355 : i32
      %add3A_357 = arith.addi %mul3A_19, %mul3A_356 : i32
      %dma_wait3A_358 = arith.constant 0 : i32
      %dma_wait3A_359 = arith.constant 0 : i32
      %dma_wait3A_360 = tpu.memref_slice %arg2[%dma_wait3A_358, %dma_wait3A_359] : memref<20000x128xf32, #tpu.memory_space<hbm>> -> memref<20000x128xf32, #tpu.memory_space<hbm>>
      tpu.wait_indirect_dma semaphore(%arg17 : memref<!tpu.dma_semaphore, #tpu.memory_space<semaphore_mem>>) src(%dma_wait3A_360 : memref<20000x128xf32, #tpu.memory_space<hbm>>) dst(%arg15 : memref<80x128xf32, #tpu.memory_space<vmem>>)
      %mul3A_361 = arith.constant 160000 : i32
      %mul3A_362 = arith.muli %arg0, %mul3A_361 : i32
      %add3A_363 = arith.addi %mul3A_362, %add3A_357 : i32
      %dma_wait3A_364 = arith.constant 0 : i32
      %dma_wait3A_365 = tpu.memref_slice %arg3[%add3A_363, %dma_wait3A_364] : memref<320000x128xf32, #tpu.memory_space<hbm>> -> memref<80x128xf32, #tpu.memory_space<hbm>>
      %dma_wait3A_366 = arith.constant 0 : i32
      %dma_wait3A_367 = tpu.memref_slice %arg3[%add3A_363, %dma_wait3A_366] : memref<320000x128xf32, #tpu.memory_space<hbm>> -> memref<80x128xf32, #tpu.memory_space<hbm>>
      tpu.wait_dma2 semaphore(%arg17 : memref<!tpu.dma_semaphore, #tpu.memory_space<semaphore_mem>>) src(%dma_wait3A_367 : memref<80x128xf32, #tpu.memory_space<hbm>>) dst(%arg16 : memref<80x128xf32, #tpu.memory_space<vmem>>)
      %scan3A_368 = arith.constant 0 : i32
      %scan3A_369 = arith.constant 0 : i32
      %scan3A_370 = arith.constant 20 : i32
      %scan3A_371 = arith.addi %scan3A_369, %scan3A_370 : i32
      %scan3A_372 = arith.constant 1 : i32
      scf.for %scan3A_380 = %scan3A_369 to %scan3A_371 step %scan3A_372  : i32 {
        %mul3A_381 = arith.constant 4 : i32
        %mul3A_382 = arith.muli %mul3A_381, %scan3A_380 : i32
        %add3A_383 = arith.constant 0 : i32
        %add3A_384 = arith.addi %mul3A_382, %add3A_383 : i32
        %get3A_385 = arith.index_cast %add3A_384 : i32 to index
        %get3A_386 = arith.constant 0 : index
        %get3A_387 = tpu.vector_load %arg15[%get3A_385, %get3A_386] {strides = array<i32>} : memref<80x128xf32, #tpu.memory_space<vmem>>, vector<1x16xf32>,
        %get3A_388 = vector.shape_cast %get3A_387 : vector<1x16xf32> to vector<16xf32>
        %mul3A_389 = arith.constant 4 : i32
        %mul3A_390 = arith.muli %mul3A_389, %scan3A_380 : i32
        %add3A_391 = arith.constant 0 : i32
        %add3A_392 = arith.addi %mul3A_390, %add3A_391 : i32
        %get3A_393 = arith.index_cast %add3A_392 : i32 to index
        %get3A_394 = arith.constant 0 : index
        %get3A_395 = tpu.vector_load %arg16[%get3A_393, %get3A_394] {strides = array<i32>} : memref<80x128xf32, #tpu.memory_space<vmem>>, vector<1x16xf32>,
        %get3A_396 = vector.shape_cast %get3A_395 : vector<1x16xf32> to vector<16xf32>
        %add3A_397 = arith.addf %get3A_388, %get3A_396 : vector<16xf32>
        %max3A = arith.constant 0.000000e+00 : f32
        %max3A_398 = vector.broadcast %max3A : f32 to vector<16xf32>
        %max3A_399 = arith.maximumf %add3A_397, %max3A_398 : vector<16xf32>
        %mul3A_400 = arith.constant 4 : i32
        %mul3A_401 = arith.muli %mul3A_400, %scan3A_380 : i32
        %add3A_402 = arith.constant 0 : i32
        %add3A_403 = arith.addi %mul3A_401, %add3A_402 : i32
        %swap3A_404 = arith.index_cast %add3A_403 : i32 to index
        %swap3A_405 = arith.constant 0 : index
        %swap3A_406 = tpu.vector_load %arg15[%swap3A_404, %swap3A_405] {strides = array<i32>} : memref<80x128xf32, #tpu.memory_space<vmem>>, vector<1x16xf32>,
        %swap3A_407 = vector.shape_cast %swap3A_406 : vector<1x16xf32> to vector<16xf32>
        %swap3A_408 = vector.shape_cast %max3A_399 : vector<16xf32> to vector<1x16xf32>
        tpu.vector_store %arg15[%swap3A_404, %swap3A_405], %swap3A_408 {strides = array<i32>} : memref<80x128xf32, #tpu.memory_space<vmem>>, vector<1x16xf32>,
        %mul3A_409 = arith.constant 4 : i32
        %mul3A_410 = arith.muli %mul3A_409, %scan3A_380 : i32
        %add3A_411 = arith.constant 0 : i32
        %add3A_412 = arith.addi %mul3A_410, %add3A_411 : i32
        %get3A_413 = arith.index_cast %add3A_412 : i32 to index
        %get3A_414 = arith.constant 16 : index
        %get3A_415 = tpu.vector_load %arg15[%get3A_413, %get3A_414] {strides = array<i32>} : memref<80x128xf32, #tpu.memory_space<vmem>>, vector<1x16xf32>,
        %get3A_416 = vector.shape_cast %get3A_415 : vector<1x16xf32> to vector<16xf32>
        %mul3A_417 = arith.constant 4 : i32
        %mul3A_418 = arith.muli %mul3A_417, %scan3A_380 : i32
        %add3A_419 = arith.constant 0 : i32
        %add3A_420 = arith.addi %mul3A_418, %add3A_419 : i32
        %get3A_421 = arith.index_cast %add3A_420 : i32 to index
        %get3A_422 = arith.constant 16 : index
        %get3A_423 = tpu.vector_load %arg16[%get3A_421, %get3A_422] {strides = array<i32>} : memref<80x128xf32, #tpu.memory_space<vmem>>, vector<1x16xf32>,
        %get3A_424 = vector.shape_cast %get3A_423 : vector<1x16xf32> to vector<16xf32>
        %add3A_425 = arith.addf %get3A_416, %get3A_424 : vector<16xf32>
        %max3A_426 = arith.constant 0.000000e+00 : f32
        %max3A_427 = vector.broadcast %max3A_426 : f32 to vector<16xf32>
        %max3A_428 = arith.maximumf %add3A_425, %max3A_427 : vector<16xf32>
        %mul3A_429 = arith.constant 4 : i32
        %mul3A_430 = arith.muli %mul3A_429, %scan3A_380 : i32
        %add3A_431 = arith.constant 0 : i32
        %add3A_432 = arith.addi %mul3A_430, %add3A_431 : i32
        %swap3A_433 = arith.index_cast %add3A_432 : i32 to index
        %swap3A_434 = arith.constant 16 : index
        %swap3A_435 = tpu.vector_load %arg15[%swap3A_433, %swap3A_434] {strides = array<i32>} : memref<80x128xf32, #tpu.memory_space<vmem>>, vector<1x16xf32>,
        %swap3A_436 = vector.shape_cast %swap3A_435 : vector<1x16xf32> to vector<16xf32>
        %swap3A_437 = vector.shape_cast %max3A_428 : vector<16xf32> to vector<1x16xf32>
        tpu.vector_store %arg15[%swap3A_433, %swap3A_434], %swap3A_437 {strides = array<i32>} : memref<80x128xf32, #tpu.memory_space<vmem>>, vector<1x16xf32>,
        %mul3A_438 = arith.constant 4 : i32
        %mul3A_439 = arith.muli %mul3A_438, %scan3A_380 : i32
        %add3A_440 = arith.constant 0 : i32
        %add3A_441 = arith.addi %mul3A_439, %add3A_440 : i32
        %get3A_442 = arith.index_cast %add3A_441 : i32 to index
        %get3A_443 = arith.constant 32 : index
        %get3A_444 = tpu.vector_load %arg15[%get3A_442, %get3A_443] {strides = array<i32>} : memref<80x128xf32, #tpu.memory_space<vmem>>, vector<1x16xf32>,
        %get3A_445 = vector.shape_cast %get3A_444 : vector<1x16xf32> to vector<16xf32>
        %mul3A_446 = arith.constant 4 : i32
        %mul3A_447 = arith.muli %mul3A_446, %scan3A_380 : i32
        %add3A_448 = arith.constant 0 : i32
        %add3A_449 = arith.addi %mul3A_447, %add3A_448 : i32
        %get3A_450 = arith.index_cast %add3A_449 : i32 to index
        %get3A_451 = arith.constant 32 : index
        %get3A_452 = tpu.vector_load %arg16[%get3A_450, %get3A_451] {strides = array<i32>} : memref<80x128xf32, #tpu.memory_space<vmem>>, vector<1x16xf32>,
        %get3A_453 = vector.shape_cast %get3A_452 : vector<1x16xf32> to vector<16xf32>
        %add3A_454 = arith.addf %get3A_445, %get3A_453 : vector<16xf32>
        %max3A_455 = arith.constant 0.000000e+00 : f32
        %max3A_456 = vector.broadcast %max3A_455 : f32 to vector<16xf32>
        %max3A_457 = arith.maximumf %add3A_454, %max3A_456 : vector<16xf32>
        %mul3A_458 = arith.constant 4 : i32
        %mul3A_459 = arith.muli %mul3A_458, %scan3A_380 : i32
        %add3A_460 = arith.constant 0 : i32
        %add3A_461 = arith.addi %mul3A_459, %add3A_460 : i32
        %swap3A_462 = arith.index_cast %add3A_461 : i32 to index
        %swap3A_463 = arith.constant 32 : index
        %swap3A_464 = tpu.vector_load %arg15[%swap3A_462, %swap3A_463] {strides = array<i32>} : memref<80x128xf32, #tpu.memory_space<vmem>>, vector<1x16xf32>,
        %swap3A_465 = vector.shape_cast %swap3A_464 : vector<1x16xf32> to vector<16xf32>
        %swap3A_466 = vector.shape_cast %max3A_457 : vector<16xf32> to vector<1x16xf32>
        tpu.vector_store %arg15[%swap3A_462, %swap3A_463], %swap3A_466 {strides = array<i32>} : memref<80x128xf32, #tpu.memory_space<vmem>>, vector<1x16xf32>,
        %mul3A_467 = arith.constant 4 : i32
        %mul3A_468 = arith.muli %mul3A_467, %scan3A_380 : i32
        %add3A_469 = arith.constant 0 : i32
        %add3A_470 = arith.addi %mul3A_468, %add3A_469 : i32
        %get3A_471 = arith.index_cast %add3A_470 : i32 to index
        %get3A_472 = arith.constant 48 : index
        %get3A_473 = tpu.vector_load %arg15[%get3A_471, %get3A_472] {strides = array<i32>} : memref<80x128xf32, #tpu.memory_space<vmem>>, vector<1x16xf32>,
        %get3A_474 = vector.shape_cast %get3A_473 : vector<1x16xf32> to vector<16xf32>
        %mul3A_475 = arith.constant 4 : i32
        %mul3A_476 = arith.muli %mul3A_475, %scan3A_380 : i32
        %add3A_477 = arith.constant 0 : i32
        %add3A_478 = arith.addi %mul3A_476, %add3A_477 : i32
        %get3A_479 = arith.index_cast %add3A_478 : i32 to index
        %get3A_480 = arith.constant 48 : index
        %get3A_481 = tpu.vector_load %arg16[%get3A_479, %get3A_480] {strides = array<i32>} : memref<80x128xf32, #tpu.memory_space<vmem>>, vector<1x16xf32>,
        %get3A_482 = vector.shape_cast %get3A_481 : vector<1x16xf32> to vector<16xf32>
        %add3A_483 = arith.addf %get3A_474, %get3A_482 : vector<16xf32>
        %max3A_484 = arith.constant 0.000000e+00 : f32
        %max3A_485 = vector.broadcast %max3A_484 : f32 to vector<16xf32>
        %max3A_486 = arith.maximumf %add3A_483, %max3A_485 : vector<16xf32>
        %mul3A_487 = arith.constant 4 : i32
        %mul3A_488 = arith.muli %mul3A_487, %scan3A_380 : i32
        %add3A_489 = arith.constant 0 : i32
        %add3A_490 = arith.addi %mul3A_488, %add3A_489 : i32
        %swap3A_491 = arith.index_cast %add3A_490 : i32 to index
        %swap3A_492 = arith.constant 48 : index
        %swap3A_493 = tpu.vector_load %arg15[%swap3A_491, %swap3A_492] {strides = array<i32>} : memref<80x128xf32, #tpu.memory_space<vmem>>, vector<1x16xf32>,
        %swap3A_494 = vector.shape_cast %swap3A_493 : vector<1x16xf32> to vector<16xf32>
        %swap3A_495 = vector.shape_cast %max3A_486 : vector<16xf32> to vector<1x16xf32>
        tpu.vector_store %arg15[%swap3A_491, %swap3A_492], %swap3A_495 {strides = array<i32>} : memref<80x128xf32, #tpu.memory_space<vmem>>, vector<1x16xf32>,
        %mul3A_496 = arith.constant 4 : i32
        %mul3A_497 = arith.muli %mul3A_496, %scan3A_380 : i32
        %add3A_498 = arith.constant 0 : i32
        %add3A_499 = arith.addi %mul3A_497, %add3A_498 : i32
        %get3A_500 = arith.index_cast %add3A_499 : i32 to index
        %get3A_501 = arith.constant 64 : index
        %get3A_502 = tpu.vector_load %arg15[%get3A_500, %get3A_501] {strides = array<i32>} : memref<80x128xf32, #tpu.memory_space<vmem>>, vector<1x16xf32>,
        %get3A_503 = vector.shape_cast %get3A_502 : vector<1x16xf32> to vector<16xf32>
        %mul3A_504 = arith.constant 4 : i32
        %mul3A_505 = arith.muli %mul3A_504, %scan3A_380 : i32
        %add3A_506 = arith.constant 0 : i32
        %add3A_507 = arith.addi %mul3A_505, %add3A_506 : i32
        %get3A_508 = arith.index_cast %add3A_507 : i32 to index
        %get3A_509 = arith.constant 64 : index
        %get3A_510 = tpu.vector_load %arg16[%get3A_508, %get3A_509] {strides = array<i32>} : memref<80x128xf32, #tpu.memory_space<vmem>>, vector<1x16xf32>,
        %get3A_511 = vector.shape_cast %get3A_510 : vector<1x16xf32> to vector<16xf32>
        %add3A_512 = arith.addf %get3A_503, %get3A_511 : vector<16xf32>
        %max3A_513 = arith.constant 0.000000e+00 : f32
        %max3A_514 = vector.broadcast %max3A_513 : f32 to vector<16xf32>
        %max3A_515 = arith.maximumf %add3A_512, %max3A_514 : vector<16xf32>
        %mul3A_516 = arith.constant 4 : i32
        %mul3A_517 = arith.muli %mul3A_516, %scan3A_380 : i32
        %add3A_518 = arith.constant 0 : i32
        %add3A_519 = arith.addi %mul3A_517, %add3A_518 : i32
        %swap3A_520 = arith.index_cast %add3A_519 : i32 to index
        %swap3A_521 = arith.constant 64 : index
        %swap3A_522 = tpu.vector_load %arg15[%swap3A_520, %swap3A_521] {strides = array<i32>} : memref<80x128xf32, #tpu.memory_space<vmem>>, vector<1x16xf32>,
        %swap3A_523 = vector.shape_cast %swap3A_522 : vector<1x16xf32> to vector<16xf32>
        %swap3A_524 = vector.shape_cast %max3A_515 : vector<16xf32> to vector<1x16xf32>
        tpu.vector_store %arg15[%swap3A_520, %swap3A_521], %swap3A_524 {strides = array<i32>} : memref<80x128xf32, #tpu.memory_space<vmem>>, vector<1x16xf32>,
        %mul3A_525 = arith.constant 4 : i32
        %mul3A_526 = arith.muli %mul3A_525, %scan3A_380 : i32
        %add3A_527 = arith.constant 0 : i32
        %add3A_528 = arith.addi %mul3A_526, %add3A_527 : i32
        %get3A_529 = arith.index_cast %add3A_528 : i32 to index
        %get3A_530 = arith.constant 80 : index
        %get3A_531 = tpu.vector_load %arg15[%get3A_529, %get3A_530] {strides = array<i32>} : memref<80x128xf32, #tpu.memory_space<vmem>>, vector<1x16xf32>,
        %get3A_532 = vector.shape_cast %get3A_531 : vector<1x16xf32> to vector<16xf32>
        %mul3A_533 = arith.constant 4 : i32
        %mul3A_534 = arith.muli %mul3A_533, %scan3A_380 : i32
        %add3A_535 = arith.constant 0 : i32
        %add3A_536 = arith.addi %mul3A_534, %add3A_535 : i32
        %get3A_537 = arith.index_cast %add3A_536 : i32 to index
        %get3A_538 = arith.constant 80 : index
        %get3A_539 = tpu.vector_load %arg16[%get3A_537, %get3A_538] {strides = array<i32>} : memref<80x128xf32, #tpu.memory_space<vmem>>, vector<1x16xf32>,
        %get3A_540 = vector.shape_cast %get3A_539 : vector<1x16xf32> to vector<16xf32>
        %add3A_541 = arith.addf %get3A_532, %get3A_540 : vector<16xf32>
        %max3A_542 = arith.constant 0.000000e+00 : f32
        %max3A_543 = vector.broadcast %max3A_542 : f32 to vector<16xf32>
        %max3A_544 = arith.maximumf %add3A_541, %max3A_543 : vector<16xf32>
        %mul3A_545 = arith.constant 4 : i32
        %mul3A_546 = arith.muli %mul3A_545, %scan3A_380 : i32
        %add3A_547 = arith.constant 0 : i32
        %add3A_548 = arith.addi %mul3A_546, %add3A_547 : i32
        %swap3A_549 = arith.index_cast %add3A_548 : i32 to index
        %swap3A_550 = arith.constant 80 : index
        %swap3A_551 = tpu.vector_load %arg15[%swap3A_549, %swap3A_550] {strides = array<i32>} : memref<80x128xf32, #tpu.memory_space<vmem>>, vector<1x16xf32>,
        %swap3A_552 = vector.shape_cast %swap3A_551 : vector<1x16xf32> to vector<16xf32>
        %swap3A_553 = vector.shape_cast %max3A_544 : vector<16xf32> to vector<1x16xf32>
        tpu.vector_store %arg15[%swap3A_549, %swap3A_550], %swap3A_553 {strides = array<i32>} : memref<80x128xf32, #tpu.memory_space<vmem>>, vector<1x16xf32>,
        %mul3A_554 = arith.constant 4 : i32
        %mul3A_555 = arith.muli %mul3A_554, %scan3A_380 : i32
        %add3A_556 = arith.constant 0 : i32
        %add3A_557 = arith.addi %mul3A_555, %add3A_556 : i32
        %get3A_558 = arith.index_cast %add3A_557 : i32 to index
        %get3A_559 = arith.constant 96 : index
        %get3A_560 = tpu.vector_load %arg15[%get3A_558, %get3A_559] {strides = array<i32>} : memref<80x128xf32, #tpu.memory_space<vmem>>, vector<1x16xf32>,
        %get3A_561 = vector.shape_cast %get3A_560 : vector<1x16xf32> to vector<16xf32>
        %mul3A_562 = arith.constant 4 : i32
        %mul3A_563 = arith.muli %mul3A_562, %scan3A_380 : i32
        %add3A_564 = arith.constant 0 : i32
        %add3A_565 = arith.addi %mul3A_563, %add3A_564 : i32
        %get3A_566 = arith.index_cast %add3A_565 : i32 to index
        %get3A_567 = arith.constant 96 : index
        %get3A_568 = tpu.vector_load %arg16[%get3A_566, %get3A_567] {strides = array<i32>} : memref<80x128xf32, #tpu.memory_space<vmem>>, vector<1x16xf32>,
        %get3A_569 = vector.shape_cast %get3A_568 : vector<1x16xf32> to vector<16xf32>
        %add3A_570 = arith.addf %get3A_561, %get3A_569 : vector<16xf32>
        %max3A_571 = arith.constant 0.000000e+00 : f32
        %max3A_572 = vector.broadcast %max3A_571 : f32 to vector<16xf32>
        %max3A_573 = arith.maximumf %add3A_570, %max3A_572 : vector<16xf32>
        %mul3A_574 = arith.constant 4 : i32
        %mul3A_575 = arith.muli %mul3A_574, %scan3A_380 : i32
        %add3A_576 = arith.constant 0 : i32
        %add3A_577 = arith.addi %mul3A_575, %add3A_576 : i32
        %swap3A_578 = arith.index_cast %add3A_577 : i32 to index
        %swap3A_579 = arith.constant 96 : index
        %swap3A_580 = tpu.vector_load %arg15[%swap3A_578, %swap3A_579] {strides = array<i32>} : memref<80x128xf32, #tpu.memory_space<vmem>>, vector<1x16xf32>,
        %swap3A_581 = vector.shape_cast %swap3A_580 : vector<1x16xf32> to vector<16xf32>
        %swap3A_582 = vector.shape_cast %max3A_573 : vector<16xf32> to vector<1x16xf32>
        tpu.vector_store %arg15[%swap3A_578, %swap3A_579], %swap3A_582 {strides = array<i32>} : memref<80x128xf32, #tpu.memory_space<vmem>>, vector<1x16xf32>,
        %mul3A_583 = arith.constant 4 : i32
        %mul3A_584 = arith.muli %mul3A_583, %scan3A_380 : i32
        %add3A_585 = arith.constant 0 : i32
        %add3A_586 = arith.addi %mul3A_584, %add3A_585 : i32
        %get3A_587 = arith.index_cast %add3A_586 : i32 to index
        %get3A_588 = arith.constant 112 : index
        %get3A_589 = tpu.vector_load %arg15[%get3A_587, %get3A_588] {strides = array<i32>} : memref<80x128xf32, #tpu.memory_space<vmem>>, vector<1x16xf32>,
        %get3A_590 = vector.shape_cast %get3A_589 : vector<1x16xf32> to vector<16xf32>
        %mul3A_591 = arith.constant 4 : i32
        %mul3A_592 = arith.muli %mul3A_591, %scan3A_380 : i32
        %add3A_593 = arith.constant 0 : i32
        %add3A_594 = arith.addi %mul3A_592, %add3A_593 : i32
        %get3A_595 = arith.index_cast %add3A_594 : i32 to index
        %get3A_596 = arith.constant 112 : index
        %get3A_597 = tpu.vector_load %arg16[%get3A_595, %get3A_596] {strides = array<i32>} : memref<80x128xf32, #tpu.memory_space<vmem>>, vector<1x16xf32>,
        %get3A_598 = vector.shape_cast %get3A_597 : vector<1x16xf32> to vector<16xf32>
        %add3A_599 = arith.addf %get3A_590, %get3A_598 : vector<16xf32>
        %max3A_600 = arith.constant 0.000000e+00 : f32
        %max3A_601 = vector.broadcast %max3A_600 : f32 to vector<16xf32>
        %max3A_602 = arith.maximumf %add3A_599, %max3A_601 : vector<16xf32>
        %mul3A_603 = arith.constant 4 : i32
        %mul3A_604 = arith.muli %mul3A_603, %scan3A_380 : i32
        %add3A_605 = arith.constant 0 : i32
        %add3A_606 = arith.addi %mul3A_604, %add3A_605 : i32
        %swap3A_607 = arith.index_cast %add3A_606 : i32 to index
        %swap3A_608 = arith.constant 112 : index
        %swap3A_609 = tpu.vector_load %arg15[%swap3A_607, %swap3A_608] {strides = array<i32>} : memref<80x128xf32, #tpu.memory_space<vmem>>, vector<1x16xf32>,
        %swap3A_610 = vector.shape_cast %swap3A_609 : vector<1x16xf32> to vector<16xf32>
        %swap3A_611 = vector.shape_cast %max3A_602 : vector<16xf32> to vector<1x16xf32>
        tpu.vector_store %arg15[%swap3A_607, %swap3A_608], %swap3A_611 {strides = array<i32>} : memref<80x128xf32, #tpu.memory_space<vmem>>, vector<1x16xf32>,
        %mul3A_612 = arith.constant 4 : i32
        %mul3A_613 = arith.muli %mul3A_612, %scan3A_380 : i32
        %add3A_614 = arith.constant 1 : i32
        %add3A_615 = arith.addi %mul3A_613, %add3A_614 : i32
        %get3A_616 = arith.index_cast %add3A_615 : i32 to index
        %get3A_617 = arith.constant 0 : index
        %get3A_618 = tpu.vector_load %arg15[%get3A_616, %get3A_617] {strides = array<i32>} : memref<80x128xf32, #tpu.memory_space<vmem>>, vector<1x16xf32>,
        %get3A_619 = vector.shape_cast %get3A_618 : vector<1x16xf32> to vector<16xf32>
        %mul3A_620 = arith.constant 4 : i32
        %mul3A_621 = arith.muli %mul3A_620, %scan3A_380 : i32
        %add3A_622 = arith.constant 1 : i32
        %add3A_623 = arith.addi %mul3A_621, %add3A_622 : i32
        %get3A_624 = arith.index_cast %add3A_623 : i32 to index
        %get3A_625 = arith.constant 0 : index
        %get3A_626 = tpu.vector_load %arg16[%get3A_624, %get3A_625] {strides = array<i32>} : memref<80x128xf32, #tpu.memory_space<vmem>>, vector<1x16xf32>,
        %get3A_627 = vector.shape_cast %get3A_626 : vector<1x16xf32> to vector<16xf32>
        %add3A_628 = arith.addf %get3A_619, %get3A_627 : vector<16xf32>
        %max3A_629 = arith.constant 0.000000e+00 : f32
        %max3A_630 = vector.broadcast %max3A_629 : f32 to vector<16xf32>
        %max3A_631 = arith.maximumf %add3A_628, %max3A_630 : vector<16xf32>
        %mul3A_632 = arith.constant 4 : i32
        %mul3A_633 = arith.muli %mul3A_632, %scan3A_380 : i32
        %add3A_634 = arith.constant 1 : i32
        %add3A_635 = arith.addi %mul3A_633, %add3A_634 : i32
        %swap3A_636 = arith.index_cast %add3A_635 : i32 to index
        %swap3A_637 = arith.constant 0 : index
        %swap3A_638 = tpu.vector_load %arg15[%swap3A_636, %swap3A_637] {strides = array<i32>} : memref<80x128xf32, #tpu.memory_space<vmem>>, vector<1x16xf32>,
        %swap3A_639 = vector.shape_cast %swap3A_638 : vector<1x16xf32> to vector<16xf32>
        %swap3A_640 = vector.shape_cast %max3A_631 : vector<16xf32> to vector<1x16xf32>
        tpu.vector_store %arg15[%swap3A_636, %swap3A_637], %swap3A_640 {strides = array<i32>} : memref<80x128xf32, #tpu.memory_space<vmem>>, vector<1x16xf32>,
        %mul3A_641 = arith.constant 4 : i32
        %mul3A_642 = arith.muli %mul3A_641, %scan3A_380 : i32
        %add3A_643 = arith.constant 1 : i32
        %add3A_644 = arith.addi %mul3A_642, %add3A_643 : i32
        %get3A_645 = arith.index_cast %add3A_644 : i32 to index
        %get3A_646 = arith.constant 16 : index
        %get3A_647 = tpu.vector_load %arg15[%get3A_645, %get3A_646] {strides = array<i32>} : memref<80x128xf32, #tpu.memory_space<vmem>>, vector<1x16xf32>,
        %get3A_648 = vector.shape_cast %get3A_647 : vector<1x16xf32> to vector<16xf32>
        %mul3A_649 = arith.constant 4 : i32
        %mul3A_650 = arith.muli %mul3A_649, %scan3A_380 : i32
        %add3A_651 = arith.constant 1 : i32
        %add3A_652 = arith.addi %mul3A_650, %add3A_651 : i32
        %get3A_653 = arith.index_cast %add3A_652 : i32 to index
        %get3A_654 = arith.constant 16 : index
        %get3A_655 = tpu.vector_load %arg16[%get3A_653, %get3A_654] {strides = array<i32>} : memref<80x128xf32, #tpu.memory_space<vmem>>, vector<1x16xf32>,
        %get3A_656 = vector.shape_cast %get3A_655 : vector<1x16xf32> to vector<16xf32>
        %add3A_657 = arith.addf %get3A_648, %get3A_656 : vector<16xf32>
        %max3A_658 = arith.constant 0.000000e+00 : f32
        %max3A_659 = vector.broadcast %max3A_658 : f32 to vector<16xf32>
        %max3A_660 = arith.maximumf %add3A_657, %max3A_659 : vector<16xf32>
        %mul3A_661 = arith.constant 4 : i32
        %mul3A_662 = arith.muli %mul3A_661, %scan3A_380 : i32
        %add3A_663 = arith.constant 1 : i32
        %add3A_664 = arith.addi %mul3A_662, %add3A_663 : i32
        %swap3A_665 = arith.index_cast %add3A_664 : i32 to index
        %swap3A_666 = arith.constant 16 : index
        %swap3A_667 = tpu.vector_load %arg15[%swap3A_665, %swap3A_666] {strides = array<i32>} : memref<80x128xf32, #tpu.memory_space<vmem>>, vector<1x16xf32>,
        %swap3A_668 = vector.shape_cast %swap3A_667 : vector<1x16xf32> to vector<16xf32>
        %swap3A_669 = vector.shape_cast %max3A_660 : vector<16xf32> to vector<1x16xf32>
        tpu.vector_store %arg15[%swap3A_665, %swap3A_666], %swap3A_669 {strides = array<i32>} : memref<80x128xf32, #tpu.memory_space<vmem>>, vector<1x16xf32>,
        %mul3A_670 = arith.constant 4 : i32
        %mul3A_671 = arith.muli %mul3A_670, %scan3A_380 : i32
        %add3A_672 = arith.constant 1 : i32
        %add3A_673 = arith.addi %mul3A_671, %add3A_672 : i32
        %get3A_674 = arith.index_cast %add3A_673 : i32 to index
        %get3A_675 = arith.constant 32 : index
        %get3A_676 = tpu.vector_load %arg15[%get3A_674, %get3A_675] {strides = array<i32>} : memref<80x128xf32, #tpu.memory_space<vmem>>, vector<1x16xf32>,
        %get3A_677 = vector.shape_cast %get3A_676 : vector<1x16xf32> to vector<16xf32>
        %mul3A_678 = arith.constant 4 : i32
        %mul3A_679 = arith.muli %mul3A_678, %scan3A_380 : i32
        %add3A_680 = arith.constant 1 : i32
        %add3A_681 = arith.addi %mul3A_679, %add3A_680 : i32
        %get3A_682 = arith.index_cast %add3A_681 : i32 to index
        %get3A_683 = arith.constant 32 : index
        %get3A_684 = tpu.vector_load %arg16[%get3A_682, %get3A_683] {strides = array<i32>} : memref<80x128xf32, #tpu.memory_space<vmem>>, vector<1x16xf32>,
        %get3A_685 = vector.shape_cast %get3A_684 : vector<1x16xf32> to vector<16xf32>
        %add3A_686 = arith.addf %get3A_677, %get3A_685 : vector<16xf32>
        %max3A_687 = arith.constant 0.000000e+00 : f32
        %max3A_688 = vector.broadcast %max3A_687 : f32 to vector<16xf32>
        %max3A_689 = arith.maximumf %add3A_686, %max3A_688 : vector<16xf32>
        %mul3A_690 = arith.constant 4 : i32
        %mul3A_691 = arith.muli %mul3A_690, %scan3A_380 : i32
        %add3A_692 = arith.constant 1 : i32
        %add3A_693 = arith.addi %mul3A_691, %add3A_692 : i32
        %swap3A_694 = arith.index_cast %add3A_693 : i32 to index
        %swap3A_695 = arith.constant 32 : index
        %swap3A_696 = tpu.vector_load %arg15[%swap3A_694, %swap3A_695] {strides = array<i32>} : memref<80x128xf32, #tpu.memory_space<vmem>>, vector<1x16xf32>,
        %swap3A_697 = vector.shape_cast %swap3A_696 : vector<1x16xf32> to vector<16xf32>
        %swap3A_698 = vector.shape_cast %max3A_689 : vector<16xf32> to vector<1x16xf32>
        tpu.vector_store %arg15[%swap3A_694, %swap3A_695], %swap3A_698 {strides = array<i32>} : memref<80x128xf32, #tpu.memory_space<vmem>>, vector<1x16xf32>,
        %mul3A_699 = arith.constant 4 : i32
        %mul3A_700 = arith.muli %mul3A_699, %scan3A_380 : i32
        %add3A_701 = arith.constant 1 : i32
        %add3A_702 = arith.addi %mul3A_700, %add3A_701 : i32
        %get3A_703 = arith.index_cast %add3A_702 : i32 to index
        %get3A_704 = arith.constant 48 : index
        %get3A_705 = tpu.vector_load %arg15[%get3A_703, %get3A_704] {strides = array<i32>} : memref<80x128xf32, #tpu.memory_space<vmem>>, vector<1x16xf32>,
        %get3A_706 = vector.shape_cast %get3A_705 : vector<1x16xf32> to vector<16xf32>
        %mul3A_707 = arith.constant 4 : i32
        %mul3A_708 = arith.muli %mul3A_707, %scan3A_380 : i32
        %add3A_709 = arith.constant 1 : i32
        %add3A_710 = arith.addi %mul3A_708, %add3A_709 : i32
        %get3A_711 = arith.index_cast %add3A_710 : i32 to index
        %get3A_712 = arith.constant 48 : index
        %get3A_713 = tpu.vector_load %arg16[%get3A_711, %get3A_712] {strides = array<i32>} : memref<80x128xf32, #tpu.memory_space<vmem>>, vector<1x16xf32>,
        %get3A_714 = vector.shape_cast %get3A_713 : vector<1x16xf32> to vector<16xf32>
        %add3A_715 = arith.addf %get3A_706, %get3A_714 : vector<16xf32>
        %max3A_716 = arith.constant 0.000000e+00 : f32
        %max3A_717 = vector.broadcast %max3A_716 : f32 to vector<16xf32>
        %max3A_718 = arith.maximumf %add3A_715, %max3A_717 : vector<16xf32>
        %mul3A_719 = arith.constant 4 : i32
        %mul3A_720 = arith.muli %mul3A_719, %scan3A_380 : i32
        %add3A_721 = arith.constant 1 : i32
        %add3A_722 = arith.addi %mul3A_720, %add3A_721 : i32
        %swap3A_723 = arith.index_cast %add3A_722 : i32 to index
        %swap3A_724 = arith.constant 48 : index
        %swap3A_725 = tpu.vector_load %arg15[%swap3A_723, %swap3A_724] {strides = array<i32>} : memref<80x128xf32, #tpu.memory_space<vmem>>, vector<1x16xf32>,
        %swap3A_726 = vector.shape_cast %swap3A_725 : vector<1x16xf32> to vector<16xf32>
        %swap3A_727 = vector.shape_cast %max3A_718 : vector<16xf32> to vector<1x16xf32>
        tpu.vector_store %arg15[%swap3A_723, %swap3A_724], %swap3A_727 {strides = array<i32>} : memref<80x128xf32, #tpu.memory_space<vmem>>, vector<1x16xf32>,
        %mul3A_728 = arith.constant 4 : i32
        %mul3A_729 = arith.muli %mul3A_728, %scan3A_380 : i32
        %add3A_730 = arith.constant 1 : i32
        %add3A_731 = arith.addi %mul3A_729, %add3A_730 : i32
        %get3A_732 = arith.index_cast %add3A_731 : i32 to index
        %get3A_733 = arith.constant 64 : index
        %get3A_734 = tpu.vector_load %arg15[%get3A_732, %get3A_733] {strides = array<i32>} : memref<80x128xf32, #tpu.memory_space<vmem>>, vector<1x16xf32>,
        %get3A_735 = vector.shape_cast %get3A_734 : vector<1x16xf32> to vector<16xf32>
        %mul3A_736 = arith.constant 4 : i32
        %mul3A_737 = arith.muli %mul3A_736, %scan3A_380 : i32
        %add3A_738 = arith.constant 1 : i32
        %add3A_739 = arith.addi %mul3A_737, %add3A_738 : i32
        %get3A_740 = arith.index_cast %add3A_739 : i32 to index
        %get3A_741 = arith.constant 64 : index
        %get3A_742 = tpu.vector_load %arg16[%get3A_740, %get3A_741] {strides = array<i32>} : memref<80x128xf32, #tpu.memory_space<vmem>>, vector<1x16xf32>,
        %get3A_743 = vector.shape_cast %get3A_742 : vector<1x16xf32> to vector<16xf32>
        %add3A_744 = arith.addf %get3A_735, %get3A_743 : vector<16xf32>
        %max3A_745 = arith.constant 0.000000e+00 : f32
        %max3A_746 = vector.broadcast %max3A_745 : f32 to vector<16xf32>
        %max3A_747 = arith.maximumf %add3A_744, %max3A_746 : vector<16xf32>
        %mul3A_748 = arith.constant 4 : i32
        %mul3A_749 = arith.muli %mul3A_748, %scan3A_380 : i32
        %add3A_750 = arith.constant 1 : i32
        %add3A_751 = arith.addi %mul3A_749, %add3A_750 : i32
        %swap3A_752 = arith.index_cast %add3A_751 : i32 to index
        %swap3A_753 = arith.constant 64 : index
        %swap3A_754 = tpu.vector_load %arg15[%swap3A_752, %swap3A_753] {strides = array<i32>} : memref<80x128xf32, #tpu.memory_space<vmem>>, vector<1x16xf32>,
        %swap3A_755 = vector.shape_cast %swap3A_754 : vector<1x16xf32> to vector<16xf32>
        %swap3A_756 = vector.shape_cast %max3A_747 : vector<16xf32> to vector<1x16xf32>
        tpu.vector_store %arg15[%swap3A_752, %swap3A_753], %swap3A_756 {strides = array<i32>} : memref<80x128xf32, #tpu.memory_space<vmem>>, vector<1x16xf32>,
        %mul3A_757 = arith.constant 4 : i32
        %mul3A_758 = arith.muli %mul3A_757, %scan3A_380 : i32
        %add3A_759 = arith.constant 1 : i32
        %add3A_760 = arith.addi %mul3A_758, %add3A_759 : i32
        %get3A_761 = arith.index_cast %add3A_760 : i32 to index
        %get3A_762 = arith.constant 80 : index
        %get3A_763 = tpu.vector_load %arg15[%get3A_761, %get3A_762] {strides = array<i32>} : memref<80x128xf32, #tpu.memory_space<vmem>>, vector<1x16xf32>,
        %get3A_764 = vector.shape_cast %get3A_763 : vector<1x16xf32> to vector<16xf32>
        %mul3A_765 = arith.constant 4 : i32
        %mul3A_766 = arith.muli %mul3A_765, %scan3A_380 : i32
        %add3A_767 = arith.constant 1 : i32
        %add3A_768 = arith.addi %mul3A_766, %add3A_767 : i32
        %get3A_769 = arith.index_cast %add3A_768 : i32 to index
        %get3A_770 = arith.constant 80 : index
        %get3A_771 = tpu.vector_load %arg16[%get3A_769, %get3A_770] {strides = array<i32>} : memref<80x128xf32, #tpu.memory_space<vmem>>, vector<1x16xf32>,
        %get3A_772 = vector.shape_cast %get3A_771 : vector<1x16xf32> to vector<16xf32>
        %add3A_773 = arith.addf %get3A_764, %get3A_772 : vector<16xf32>
        %max3A_774 = arith.constant 0.000000e+00 : f32
        %max3A_775 = vector.broadcast %max3A_774 : f32 to vector<16xf32>
        %max3A_776 = arith.maximumf %add3A_773, %max3A_775 : vector<16xf32>
        %mul3A_777 = arith.constant 4 : i32
        %mul3A_778 = arith.muli %mul3A_777, %scan3A_380 : i32
        %add3A_779 = arith.constant 1 : i32
        %add3A_780 = arith.addi %mul3A_778, %add3A_779 : i32
        %swap3A_781 = arith.index_cast %add3A_780 : i32 to index
        %swap3A_782 = arith.constant 80 : index
        %swap3A_783 = tpu.vector_load %arg15[%swap3A_781, %swap3A_782] {strides = array<i32>} : memref<80x128xf32, #tpu.memory_space<vmem>>, vector<1x16xf32>,
        %swap3A_784 = vector.shape_cast %swap3A_783 : vector<1x16xf32> to vector<16xf32>
        %swap3A_785 = vector.shape_cast %max3A_776 : vector<16xf32> to vector<1x16xf32>
        tpu.vector_store %arg15[%swap3A_781, %swap3A_782], %swap3A_785 {strides = array<i32>} : memref<80x128xf32, #tpu.memory_space<vmem>>, vector<1x16xf32>,
        %mul3A_786 = arith.constant 4 : i32
        %mul3A_787 = arith.muli %mul3A_786, %scan3A_380 : i32
        %add3A_788 = arith.constant 1 : i32
        %add3A_789 = arith.addi %mul3A_787, %add3A_788 : i32
        %get3A_790 = arith.index_cast %add3A_789 : i32 to index
        %get3A_791 = arith.constant 96 : index
        %get3A_792 = tpu.vector_load %arg15[%get3A_790, %get3A_791] {strides = array<i32>} : memref<80x128xf32, #tpu.memory_space<vmem>>, vector<1x16xf32>,
        %get3A_793 = vector.shape_cast %get3A_792 : vector<1x16xf32> to vector<16xf32>
        %mul3A_794 = arith.constant 4 : i32
        %mul3A_795 = arith.muli %mul3A_794, %scan3A_380 : i32
        %add3A_796 = arith.constant 1 : i32
        %add3A_797 = arith.addi %mul3A_795, %add3A_796 : i32
        %get3A_798 = arith.index_cast %add3A_797 : i32 to index
        %get3A_799 = arith.constant 96 : index
        %get3A_800 = tpu.vector_load %arg16[%get3A_798, %get3A_799] {strides = array<i32>} : memref<80x128xf32, #tpu.memory_space<vmem>>, vector<1x16xf32>,
        %get3A_801 = vector.shape_cast %get3A_800 : vector<1x16xf32> to vector<16xf32>
        %add3A_802 = arith.addf %get3A_793, %get3A_801 : vector<16xf32>
        %max3A_803 = arith.constant 0.000000e+00 : f32
        %max3A_804 = vector.broadcast %max3A_803 : f32 to vector<16xf32>
        %max3A_805 = arith.maximumf %add3A_802, %max3A_804 : vector<16xf32>
        %mul3A_806 = arith.constant 4 : i32
        %mul3A_807 = arith.muli %mul3A_806, %scan3A_380 : i32
        %add3A_808 = arith.constant 1 : i32
        %add3A_809 = arith.addi %mul3A_807, %add3A_808 : i32
        %swap3A_810 = arith.index_cast %add3A_809 : i32 to index
        %swap3A_811 = arith.constant 96 : index
        %swap3A_812 = tpu.vector_load %arg15[%swap3A_810, %swap3A_811] {strides = array<i32>} : memref<80x128xf32, #tpu.memory_space<vmem>>, vector<1x16xf32>,
        %swap3A_813 = vector.shape_cast %swap3A_812 : vector<1x16xf32> to vector<16xf32>
        %swap3A_814 = vector.shape_cast %max3A_805 : vector<16xf32> to vector<1x16xf32>
        tpu.vector_store %arg15[%swap3A_810, %swap3A_811], %swap3A_814 {strides = array<i32>} : memref<80x128xf32, #tpu.memory_space<vmem>>, vector<1x16xf32>,
        %mul3A_815 = arith.constant 4 : i32
        %mul3A_816 = arith.muli %mul3A_815, %scan3A_380 : i32
        %add3A_817 = arith.constant 1 : i32
        %add3A_818 = arith.addi %mul3A_816, %add3A_817 : i32
        %get3A_819 = arith.index_cast %add3A_818 : i32 to index
        %get3A_820 = arith.constant 112 : index
        %get3A_821 = tpu.vector_load %arg15[%get3A_819, %get3A_820] {strides = array<i32>} : memref<80x128xf32, #tpu.memory_space<vmem>>, vector<1x16xf32>,
        %get3A_822 = vector.shape_cast %get3A_821 : vector<1x16xf32> to vector<16xf32>
        %mul3A_823 = arith.constant 4 : i32
        %mul3A_824 = arith.muli %mul3A_823, %scan3A_380 : i32
        %add3A_825 = arith.constant 1 : i32
        %add3A_826 = arith.addi %mul3A_824, %add3A_825 : i32
        %get3A_827 = arith.index_cast %add3A_826 : i32 to index
        %get3A_828 = arith.constant 112 : index
        %get3A_829 = tpu.vector_load %arg16[%get3A_827, %get3A_828] {strides = array<i32>} : memref<80x128xf32, #tpu.memory_space<vmem>>, vector<1x16xf32>,
        %get3A_830 = vector.shape_cast %get3A_829 : vector<1x16xf32> to vector<16xf32>
        %add3A_831 = arith.addf %get3A_822, %get3A_830 : vector<16xf32>
        %max3A_832 = arith.constant 0.000000e+00 : f32
        %max3A_833 = vector.broadcast %max3A_832 : f32 to vector<16xf32>
        %max3A_834 = arith.maximumf %add3A_831, %max3A_833 : vector<16xf32>
        %mul3A_835 = arith.constant 4 : i32
        %mul3A_836 = arith.muli %mul3A_835, %scan3A_380 : i32
        %add3A_837 = arith.constant 1 : i32
        %add3A_838 = arith.addi %mul3A_836, %add3A_837 : i32
        %swap3A_839 = arith.index_cast %add3A_838 : i32 to index
        %swap3A_840 = arith.constant 112 : index
        %swap3A_841 = tpu.vector_load %arg15[%swap3A_839, %swap3A_840] {strides = array<i32>} : memref<80x128xf32, #tpu.memory_space<vmem>>, vector<1x16xf32>,
        %swap3A_842 = vector.shape_cast %swap3A_841 : vector<1x16xf32> to vector<16xf32>
        %swap3A_843 = vector.shape_cast %max3A_834 : vector<16xf32> to vector<1x16xf32>
        tpu.vector_store %arg15[%swap3A_839, %swap3A_840], %swap3A_843 {strides = array<i32>} : memref<80x128xf32, #tpu.memory_space<vmem>>, vector<1x16xf32>,
        %mul3A_844 = arith.constant 4 : i32
        %mul3A_845 = arith.muli %mul3A_844, %scan3A_380 : i32
        %add3A_846 = arith.constant 2 : i32
        %add3A_847 = arith.addi %mul3A_845, %add3A_846 : i32
        %get3A_848 = arith.index_cast %add3A_847 : i32 to index
        %get3A_849 = arith.constant 0 : index
        %get3A_850 = tpu.vector_load %arg15[%get3A_848, %get3A_849] {strides = array<i32>} : memref<80x128xf32, #tpu.memory_space<vmem>>, vector<1x16xf32>,
        %get3A_851 = vector.shape_cast %get3A_850 : vector<1x16xf32> to vector<16xf32>
        %mul3A_852 = arith.constant 4 : i32
        %mul3A_853 = arith.muli %mul3A_852, %scan3A_380 : i32
        %add3A_854 = arith.constant 2 : i32
        %add3A_855 = arith.addi %mul3A_853, %add3A_854 : i32
        %get3A_856 = arith.index_cast %add3A_855 : i32 to index
        %get3A_857 = arith.constant 0 : index
        %get3A_858 = tpu.vector_load %arg16[%get3A_856, %get3A_857] {strides = array<i32>} : memref<80x128xf32, #tpu.memory_space<vmem>>, vector<1x16xf32>,
        %get3A_859 = vector.shape_cast %get3A_858 : vector<1x16xf32> to vector<16xf32>
        %add3A_860 = arith.addf %get3A_851, %get3A_859 : vector<16xf32>
        %max3A_861 = arith.constant 0.000000e+00 : f32
        %max3A_862 = vector.broadcast %max3A_861 : f32 to vector<16xf32>
        %max3A_863 = arith.maximumf %add3A_860, %max3A_862 : vector<16xf32>
        %mul3A_864 = arith.constant 4 : i32
        %mul3A_865 = arith.muli %mul3A_864, %scan3A_380 : i32
        %add3A_866 = arith.constant 2 : i32
        %add3A_867 = arith.addi %mul3A_865, %add3A_866 : i32
        %swap3A_868 = arith.index_cast %add3A_867 : i32 to index
        %swap3A_869 = arith.constant 0 : index
        %swap3A_870 = tpu.vector_load %arg15[%swap3A_868, %swap3A_869] {strides = array<i32>} : memref<80x128xf32, #tpu.memory_space<vmem>>, vector<1x16xf32>,
        %swap3A_871 = vector.shape_cast %swap3A_870 : vector<1x16xf32> to vector<16xf32>
        %swap3A_872 = vector.shape_cast %max3A_863 : vector<16xf32> to vector<1x16xf32>
        tpu.vector_store %arg15[%swap3A_868, %swap3A_869], %swap3A_872 {strides = array<i32>} : memref<80x128xf32, #tpu.memory_space<vmem>>, vector<1x16xf32>,
        %mul3A_873 = arith.constant 4 : i32
        %mul3A_874 = arith.muli %mul3A_873, %scan3A_380 : i32
        %add3A_875 = arith.constant 2 : i32
        %add3A_876 = arith.addi %mul3A_874, %add3A_875 : i32
        %get3A_877 = arith.index_cast %add3A_876 : i32 to index
        %get3A_878 = arith.constant 16 : index
        %get3A_879 = tpu.vector_load %arg15[%get3A_877, %get3A_878] {strides = array<i32>} : memref<80x128xf32, #tpu.memory_space<vmem>>, vector<1x16xf32>,
        %get3A_880 = vector.shape_cast %get3A_879 : vector<1x16xf32> to vector<16xf32>
        %mul3A_881 = arith.constant 4 : i32
        %mul3A_882 = arith.muli %mul3A_881, %scan3A_380 : i32
        %add3A_883 = arith.constant 2 : i32
        %add3A_884 = arith.addi %mul3A_882, %add3A_883 : i32
        %get3A_885 = arith.index_cast %add3A_884 : i32 to index
        %get3A_886 = arith.constant 16 : index
        %get3A_887 = tpu.vector_load %arg16[%get3A_885, %get3A_886] {strides = array<i32>} : memref<80x128xf32, #tpu.memory_space<vmem>>, vector<1x16xf32>,
        %get3A_888 = vector.shape_cast %get3A_887 : vector<1x16xf32> to vector<16xf32>
        %add3A_889 = arith.addf %get3A_880, %get3A_888 : vector<16xf32>
        %max3A_890 = arith.constant 0.000000e+00 : f32
        %max3A_891 = vector.broadcast %max3A_890 : f32 to vector<16xf32>
        %max3A_892 = arith.maximumf %add3A_889, %max3A_891 : vector<16xf32>
        %mul3A_893 = arith.constant 4 : i32
        %mul3A_894 = arith.muli %mul3A_893, %scan3A_380 : i32
        %add3A_895 = arith.constant 2 : i32
        %add3A_896 = arith.addi %mul3A_894, %add3A_895 : i32
        %swap3A_897 = arith.index_cast %add3A_896 : i32 to index
        %swap3A_898 = arith.constant 16 : index
        %swap3A_899 = tpu.vector_load %arg15[%swap3A_897, %swap3A_898] {strides = array<i32>} : memref<80x128xf32, #tpu.memory_space<vmem>>, vector<1x16xf32>,
        %swap3A_900 = vector.shape_cast %swap3A_899 : vector<1x16xf32> to vector<16xf32>
        %swap3A_901 = vector.shape_cast %max3A_892 : vector<16xf32> to vector<1x16xf32>
        tpu.vector_store %arg15[%swap3A_897, %swap3A_898], %swap3A_901 {strides = array<i32>} : memref<80x128xf32, #tpu.memory_space<vmem>>, vector<1x16xf32>,
        %mul3A_902 = arith.constant 4 : i32
        %mul3A_903 = arith.muli %mul3A_902, %scan3A_380 : i32
        %add3A_904 = arith.constant 2 : i32
        %add3A_905 = arith.addi %mul3A_903, %add3A_904 : i32
        %get3A_906 = arith.index_cast %add3A_905 : i32 to index
        %get3A_907 = arith.constant 32 : index
        %get3A_908 = tpu.vector_load %arg15[%get3A_906, %get3A_907] {strides = array<i32>} : memref<80x128xf32, #tpu.memory_space<vmem>>, vector<1x16xf32>,
        %get3A_909 = vector.shape_cast %get3A_908 : vector<1x16xf32> to vector<16xf32>
        %mul3A_910 = arith.constant 4 : i32
        %mul3A_911 = arith.muli %mul3A_910, %scan3A_380 : i32
        %add3A_912 = arith.constant 2 : i32
        %add3A_913 = arith.addi %mul3A_911, %add3A_912 : i32
        %get3A_914 = arith.index_cast %add3A_913 : i32 to index
        %get3A_915 = arith.constant 32 : index
        %get3A_916 = tpu.vector_load %arg16[%get3A_914, %get3A_915] {strides = array<i32>} : memref<80x128xf32, #tpu.memory_space<vmem>>, vector<1x16xf32>,
        %get3A_917 = vector.shape_cast %get3A_916 : vector<1x16xf32> to vector<16xf32>
        %add3A_918 = arith.addf %get3A_909, %get3A_917 : vector<16xf32>
        %max3A_919 = arith.constant 0.000000e+00 : f32
        %max3A_920 = vector.broadcast %max3A_919 : f32 to vector<16xf32>
        %max3A_921 = arith.maximumf %add3A_918, %max3A_920 : vector<16xf32>
        %mul3A_922 = arith.constant 4 : i32
        %mul3A_923 = arith.muli %mul3A_922, %scan3A_380 : i32
        %add3A_924 = arith.constant 2 : i32
        %add3A_925 = arith.addi %mul3A_923, %add3A_924 : i32
        %swap3A_926 = arith.index_cast %add3A_925 : i32 to index
        %swap3A_927 = arith.constant 32 : index
        %swap3A_928 = tpu.vector_load %arg15[%swap3A_926, %swap3A_927] {strides = array<i32>} : memref<80x128xf32, #tpu.memory_space<vmem>>, vector<1x16xf32>,
        %swap3A_929 = vector.shape_cast %swap3A_928 : vector<1x16xf32> to vector<16xf32>
        %swap3A_930 = vector.shape_cast %max3A_921 : vector<16xf32> to vector<1x16xf32>
        tpu.vector_store %arg15[%swap3A_926, %swap3A_927], %swap3A_930 {strides = array<i32>} : memref<80x128xf32, #tpu.memory_space<vmem>>, vector<1x16xf32>,
        %mul3A_931 = arith.constant 4 : i32
        %mul3A_932 = arith.muli %mul3A_931, %scan3A_380 : i32
        %add3A_933 = arith.constant 2 : i32
        %add3A_934 = arith.addi %mul3A_932, %add3A_933 : i32
        %get3A_935 = arith.index_cast %add3A_934 : i32 to index
        %get3A_936 = arith.constant 48 : index
        %get3A_937 = tpu.vector_load %arg15[%get3A_935, %get3A_936] {strides = array<i32>} : memref<80x128xf32, #tpu.memory_space<vmem>>, vector<1x16xf32>,
        %get3A_938 = vector.shape_cast %get3A_937 : vector<1x16xf32> to vector<16xf32>
        %mul3A_939 = arith.constant 4 : i32
        %mul3A_940 = arith.muli %mul3A_939, %scan3A_380 : i32
        %add3A_941 = arith.constant 2 : i32
        %add3A_942 = arith.addi %mul3A_940, %add3A_941 : i32
        %get3A_943 = arith.index_cast %add3A_942 : i32 to index
        %get3A_944 = arith.constant 48 : index
        %get3A_945 = tpu.vector_load %arg16[%get3A_943, %get3A_944] {strides = array<i32>} : memref<80x128xf32, #tpu.memory_space<vmem>>, vector<1x16xf32>,
        %get3A_946 = vector.shape_cast %get3A_945 : vector<1x16xf32> to vector<16xf32>
        %add3A_947 = arith.addf %get3A_938, %get3A_946 : vector<16xf32>
        %max3A_948 = arith.constant 0.000000e+00 : f32
        %max3A_949 = vector.broadcast %max3A_948 : f32 to vector<16xf32>
        %max3A_950 = arith.maximumf %add3A_947, %max3A_949 : vector<16xf32>
        %mul3A_951 = arith.constant 4 : i32
        %mul3A_952 = arith.muli %mul3A_951, %scan3A_380 : i32
        %add3A_953 = arith.constant 2 : i32
        %add3A_954 = arith.addi %mul3A_952, %add3A_953 : i32
        %swap3A_955 = arith.index_cast %add3A_954 : i32 to index
        %swap3A_956 = arith.constant 48 : index
        %swap3A_957 = tpu.vector_load %arg15[%swap3A_955, %swap3A_956] {strides = array<i32>} : memref<80x128xf32, #tpu.memory_space<vmem>>, vector<1x16xf32>,
        %swap3A_958 = vector.shape_cast %swap3A_957 : vector<1x16xf32> to vector<16xf32>
        %swap3A_959 = vector.shape_cast %max3A_950 : vector<16xf32> to vector<1x16xf32>
        tpu.vector_store %arg15[%swap3A_955, %swap3A_956], %swap3A_959 {strides = array<i32>} : memref<80x128xf32, #tpu.memory_space<vmem>>, vector<1x16xf32>,
        %mul3A_960 = arith.constant 4 : i32
        %mul3A_961 = arith.muli %mul3A_960, %scan3A_380 : i32
        %add3A_962 = arith.constant 2 : i32
        %add3A_963 = arith.addi %mul3A_961, %add3A_962 : i32
        %get3A_964 = arith.index_cast %add3A_963 : i32 to index
        %get3A_965 = arith.constant 64 : index
        %get3A_966 = tpu.vector_load %arg15[%get3A_964, %get3A_965] {strides = array<i32>} : memref<80x128xf32, #tpu.memory_space<vmem>>, vector<1x16xf32>,
        %get3A_967 = vector.shape_cast %get3A_966 : vector<1x16xf32> to vector<16xf32>
        %mul3A_968 = arith.constant 4 : i32
        %mul3A_969 = arith.muli %mul3A_968, %scan3A_380 : i32
        %add3A_970 = arith.constant 2 : i32
        %add3A_971 = arith.addi %mul3A_969, %add3A_970 : i32
        %get3A_972 = arith.index_cast %add3A_971 : i32 to index
        %get3A_973 = arith.constant 64 : index
        %get3A_974 = tpu.vector_load %arg16[%get3A_972, %get3A_973] {strides = array<i32>} : memref<80x128xf32, #tpu.memory_space<vmem>>, vector<1x16xf32>,
        %get3A_975 = vector.shape_cast %get3A_974 : vector<1x16xf32> to vector<16xf32>
        %add3A_976 = arith.addf %get3A_967, %get3A_975 : vector<16xf32>
        %max3A_977 = arith.constant 0.000000e+00 : f32
        %max3A_978 = vector.broadcast %max3A_977 : f32 to vector<16xf32>
        %max3A_979 = arith.maximumf %add3A_976, %max3A_978 : vector<16xf32>
        %mul3A_980 = arith.constant 4 : i32
        %mul3A_981 = arith.muli %mul3A_980, %scan3A_380 : i32
        %add3A_982 = arith.constant 2 : i32
        %add3A_983 = arith.addi %mul3A_981, %add3A_982 : i32
        %swap3A_984 = arith.index_cast %add3A_983 : i32 to index
        %swap3A_985 = arith.constant 64 : index
        %swap3A_986 = tpu.vector_load %arg15[%swap3A_984, %swap3A_985] {strides = array<i32>} : memref<80x128xf32, #tpu.memory_space<vmem>>, vector<1x16xf32>,
        %swap3A_987 = vector.shape_cast %swap3A_986 : vector<1x16xf32> to vector<16xf32>
        %swap3A_988 = vector.shape_cast %max3A_979 : vector<16xf32> to vector<1x16xf32>
        tpu.vector_store %arg15[%swap3A_984, %swap3A_985], %swap3A_988 {strides = array<i32>} : memref<80x128xf32, #tpu.memory_space<vmem>>, vector<1x16xf32>,
        %mul3A_989 = arith.constant 4 : i32
        %mul3A_990 = arith.muli %mul3A_989, %scan3A_380 : i32
        %add3A_991 = arith.constant 2 : i32
        %add3A_992 = arith.addi %mul3A_990, %add3A_991 : i32
        %get3A_993 = arith.index_cast %add3A_992 : i32 to index
        %get3A_994 = arith.constant 80 : index
        %get3A_995 = tpu.vector_load %arg15[%get3A_993, %get3A_994] {strides = array<i32>} : memref<80x128xf32, #tpu.memory_space<vmem>>, vector<1x16xf32>,
        %get3A_996 = vector.shape_cast %get3A_995 : vector<1x16xf32> to vector<16xf32>
        %mul3A_997 = arith.constant 4 : i32
        %mul3A_998 = arith.muli %mul3A_997, %scan3A_380 : i32
        %add3A_999 = arith.constant 2 : i32
        %add3A_1000 = arith.addi %mul3A_998, %add3A_999 : i32
        %get3A_1001 = arith.index_cast %add3A_1000 : i32 to index
        %get3A_1002 = arith.constant 80 : index
        %get3A_1003 = tpu.vector_load %arg16[%get3A_1001, %get3A_1002] {strides = array<i32>} : memref<80x128xf32, #tpu.memory_space<vmem>>, vector<1x16xf32>,
        %get3A_1004 = vector.shape_cast %get3A_1003 : vector<1x16xf32> to vector<16xf32>
        %add3A_1005 = arith.addf %get3A_996, %get3A_1004 : vector<16xf32>
        %max3A_1006 = arith.constant 0.000000e+00 : f32
        %max3A_1007 = vector.broadcast %max3A_1006 : f32 to vector<16xf32>
        %max3A_1008 = arith.maximumf %add3A_1005, %max3A_1007 : vector<16xf32>
        %mul3A_1009 = arith.constant 4 : i32
        %mul3A_1010 = arith.muli %mul3A_1009, %scan3A_380 : i32
        %add3A_1011 = arith.constant 2 : i32
        %add3A_1012 = arith.addi %mul3A_1010, %add3A_1011 : i32
        %swap3A_1013 = arith.index_cast %add3A_1012 : i32 to index
        %swap3A_1014 = arith.constant 80 : index
        %swap3A_1015 = tpu.vector_load %arg15[%swap3A_1013, %swap3A_1014] {strides = array<i32>} : memref<80x128xf32, #tpu.memory_space<vmem>>, vector<1x16xf32>,
        %swap3A_1016 = vector.shape_cast %swap3A_1015 : vector<1x16xf32> to vector<16xf32>
        %swap3A_1017 = vector.shape_cast %max3A_1008 : vector<16xf32> to vector<1x16xf32>
        tpu.vector_store %arg15[%swap3A_1013, %swap3A_1014], %swap3A_1017 {strides = array<i32>} : memref<80x128xf32, #tpu.memory_space<vmem>>, vector<1x16xf32>,
        %mul3A_1018 = arith.constant 4 : i32
        %mul3A_1019 = arith.muli %mul3A_1018, %scan3A_380 : i32
        %add3A_1020 = arith.constant 2 : i32
        %add3A_1021 = arith.addi %mul3A_1019, %add3A_1020 : i32
        %get3A_1022 = arith.index_cast %add3A_1021 : i32 to index
        %get3A_1023 = arith.constant 96 : index
        %get3A_1024 = tpu.vector_load %arg15[%get3A_1022, %get3A_1023] {strides = array<i32>} : memref<80x128xf32, #tpu.memory_space<vmem>>, vector<1x16xf32>,
        %get3A_1025 = vector.shape_cast %get3A_1024 : vector<1x16xf32> to vector<16xf32>
        %mul3A_1026 = arith.constant 4 : i32
        %mul3A_1027 = arith.muli %mul3A_1026, %scan3A_380 : i32
        %add3A_1028 = arith.constant 2 : i32
        %add3A_1029 = arith.addi %mul3A_1027, %add3A_1028 : i32
        %get3A_1030 = arith.index_cast %add3A_1029 : i32 to index
        %get3A_1031 = arith.constant 96 : index
        %get3A_1032 = tpu.vector_load %arg16[%get3A_1030, %get3A_1031] {strides = array<i32>} : memref<80x128xf32, #tpu.memory_space<vmem>>, vector<1x16xf32>,
        %get3A_1033 = vector.shape_cast %get3A_1032 : vector<1x16xf32> to vector<16xf32>
        %add3A_1034 = arith.addf %get3A_1025, %get3A_1033 : vector<16xf32>
        %max3A_1035 = arith.constant 0.000000e+00 : f32
        %max3A_1036 = vector.broadcast %max3A_1035 : f32 to vector<16xf32>
        %max3A_1037 = arith.maximumf %add3A_1034, %max3A_1036 : vector<16xf32>
        %mul3A_1038 = arith.constant 4 : i32
        %mul3A_1039 = arith.muli %mul3A_1038, %scan3A_380 : i32
        %add3A_1040 = arith.constant 2 : i32
        %add3A_1041 = arith.addi %mul3A_1039, %add3A_1040 : i32
        %swap3A_1042 = arith.index_cast %add3A_1041 : i32 to index
        %swap3A_1043 = arith.constant 96 : index
        %swap3A_1044 = tpu.vector_load %arg15[%swap3A_1042, %swap3A_1043] {strides = array<i32>} : memref<80x128xf32, #tpu.memory_space<vmem>>, vector<1x16xf32>,
        %swap3A_1045 = vector.shape_cast %swap3A_1044 : vector<1x16xf32> to vector<16xf32>
        %swap3A_1046 = vector.shape_cast %max3A_1037 : vector<16xf32> to vector<1x16xf32>
        tpu.vector_store %arg15[%swap3A_1042, %swap3A_1043], %swap3A_1046 {strides = array<i32>} : memref<80x128xf32, #tpu.memory_space<vmem>>, vector<1x16xf32>,
        %mul3A_1047 = arith.constant 4 : i32
        %mul3A_1048 = arith.muli %mul3A_1047, %scan3A_380 : i32
        %add3A_1049 = arith.constant 2 : i32
        %add3A_1050 = arith.addi %mul3A_1048, %add3A_1049 : i32
        %get3A_1051 = arith.index_cast %add3A_1050 : i32 to index
        %get3A_1052 = arith.constant 112 : index
        %get3A_1053 = tpu.vector_load %arg15[%get3A_1051, %get3A_1052] {strides = array<i32>} : memref<80x128xf32, #tpu.memory_space<vmem>>, vector<1x16xf32>,
        %get3A_1054 = vector.shape_cast %get3A_1053 : vector<1x16xf32> to vector<16xf32>
        %mul3A_1055 = arith.constant 4 : i32
        %mul3A_1056 = arith.muli %mul3A_1055, %scan3A_380 : i32
        %add3A_1057 = arith.constant 2 : i32
        %add3A_1058 = arith.addi %mul3A_1056, %add3A_1057 : i32
        %get3A_1059 = arith.index_cast %add3A_1058 : i32 to index
        %get3A_1060 = arith.constant 112 : index
        %get3A_1061 = tpu.vector_load %arg16[%get3A_1059, %get3A_1060] {strides = array<i32>} : memref<80x128xf32, #tpu.memory_space<vmem>>, vector<1x16xf32>,
        %get3A_1062 = vector.shape_cast %get3A_1061 : vector<1x16xf32> to vector<16xf32>
        %add3A_1063 = arith.addf %get3A_1054, %get3A_1062 : vector<16xf32>
        %max3A_1064 = arith.constant 0.000000e+00 : f32
        %max3A_1065 = vector.broadcast %max3A_1064 : f32 to vector<16xf32>
        %max3A_1066 = arith.maximumf %add3A_1063, %max3A_1065 : vector<16xf32>
        %mul3A_1067 = arith.constant 4 : i32
        %mul3A_1068 = arith.muli %mul3A_1067, %scan3A_380 : i32
        %add3A_1069 = arith.constant 2 : i32
        %add3A_1070 = arith.addi %mul3A_1068, %add3A_1069 : i32
        %swap3A_1071 = arith.index_cast %add3A_1070 : i32 to index
        %swap3A_1072 = arith.constant 112 : index
        %swap3A_1073 = tpu.vector_load %arg15[%swap3A_1071, %swap3A_1072] {strides = array<i32>} : memref<80x128xf32, #tpu.memory_space<vmem>>, vector<1x16xf32>,
        %swap3A_1074 = vector.shape_cast %swap3A_1073 : vector<1x16xf32> to vector<16xf32>
        %swap3A_1075 = vector.shape_cast %max3A_1066 : vector<16xf32> to vector<1x16xf32>
        tpu.vector_store %arg15[%swap3A_1071, %swap3A_1072], %swap3A_1075 {strides = array<i32>} : memref<80x128xf32, #tpu.memory_space<vmem>>, vector<1x16xf32>,
        %mul3A_1076 = arith.constant 4 : i32
        %mul3A_1077 = arith.muli %mul3A_1076, %scan3A_380 : i32
        %add3A_1078 = arith.constant 3 : i32
        %add3A_1079 = arith.addi %mul3A_1077, %add3A_1078 : i32
        %get3A_1080 = arith.index_cast %add3A_1079 : i32 to index
        %get3A_1081 = arith.constant 0 : index
        %get3A_1082 = tpu.vector_load %arg15[%get3A_1080, %get3A_1081] {strides = array<i32>} : memref<80x128xf32, #tpu.memory_space<vmem>>, vector<1x16xf32>,
        %get3A_1083 = vector.shape_cast %get3A_1082 : vector<1x16xf32> to vector<16xf32>
        %mul3A_1084 = arith.constant 4 : i32
        %mul3A_1085 = arith.muli %mul3A_1084, %scan3A_380 : i32
        %add3A_1086 = arith.constant 3 : i32
        %add3A_1087 = arith.addi %mul3A_1085, %add3A_1086 : i32
        %get3A_1088 = arith.index_cast %add3A_1087 : i32 to index
        %get3A_1089 = arith.constant 0 : index
        %get3A_1090 = tpu.vector_load %arg16[%get3A_1088, %get3A_1089] {strides = array<i32>} : memref<80x128xf32, #tpu.memory_space<vmem>>, vector<1x16xf32>,
        %get3A_1091 = vector.shape_cast %get3A_1090 : vector<1x16xf32> to vector<16xf32>
        %add3A_1092 = arith.addf %get3A_1083, %get3A_1091 : vector<16xf32>
        %max3A_1093 = arith.constant 0.000000e+00 : f32
        %max3A_1094 = vector.broadcast %max3A_1093 : f32 to vector<16xf32>
        %max3A_1095 = arith.maximumf %add3A_1092, %max3A_1094 : vector<16xf32>
        %mul3A_1096 = arith.constant 4 : i32
        %mul3A_1097 = arith.muli %mul3A_1096, %scan3A_380 : i32
        %add3A_1098 = arith.constant 3 : i32
        %add3A_1099 = arith.addi %mul3A_1097, %add3A_1098 : i32
        %swap3A_1100 = arith.index_cast %add3A_1099 : i32 to index
        %swap3A_1101 = arith.constant 0 : index
        %swap3A_1102 = tpu.vector_load %arg15[%swap3A_1100, %swap3A_1101] {strides = array<i32>} : memref<80x128xf32, #tpu.memory_space<vmem>>, vector<1x16xf32>,
        %swap3A_1103 = vector.shape_cast %swap3A_1102 : vector<1x16xf32> to vector<16xf32>
        %swap3A_1104 = vector.shape_cast %max3A_1095 : vector<16xf32> to vector<1x16xf32>
        tpu.vector_store %arg15[%swap3A_1100, %swap3A_1101], %swap3A_1104 {strides = array<i32>} : memref<80x128xf32, #tpu.memory_space<vmem>>, vector<1x16xf32>,
        %mul3A_1105 = arith.constant 4 : i32
        %mul3A_1106 = arith.muli %mul3A_1105, %scan3A_380 : i32
        %add3A_1107 = arith.constant 3 : i32
        %add3A_1108 = arith.addi %mul3A_1106, %add3A_1107 : i32
        %get3A_1109 = arith.index_cast %add3A_1108 : i32 to index
        %get3A_1110 = arith.constant 16 : index
        %get3A_1111 = tpu.vector_load %arg15[%get3A_1109, %get3A_1110] {strides = array<i32>} : memref<80x128xf32, #tpu.memory_space<vmem>>, vector<1x16xf32>,
        %get3A_1112 = vector.shape_cast %get3A_1111 : vector<1x16xf32> to vector<16xf32>
        %mul3A_1113 = arith.constant 4 : i32
        %mul3A_1114 = arith.muli %mul3A_1113, %scan3A_380 : i32
        %add3A_1115 = arith.constant 3 : i32
        %add3A_1116 = arith.addi %mul3A_1114, %add3A_1115 : i32
        %get3A_1117 = arith.index_cast %add3A_1116 : i32 to index
        %get3A_1118 = arith.constant 16 : index
        %get3A_1119 = tpu.vector_load %arg16[%get3A_1117, %get3A_1118] {strides = array<i32>} : memref<80x128xf32, #tpu.memory_space<vmem>>, vector<1x16xf32>,
        %get3A_1120 = vector.shape_cast %get3A_1119 : vector<1x16xf32> to vector<16xf32>
        %add3A_1121 = arith.addf %get3A_1112, %get3A_1120 : vector<16xf32>
        %max3A_1122 = arith.constant 0.000000e+00 : f32
        %max3A_1123 = vector.broadcast %max3A_1122 : f32 to vector<16xf32>
        %max3A_1124 = arith.maximumf %add3A_1121, %max3A_1123 : vector<16xf32>
        %mul3A_1125 = arith.constant 4 : i32
        %mul3A_1126 = arith.muli %mul3A_1125, %scan3A_380 : i32
        %add3A_1127 = arith.constant 3 : i32
        %add3A_1128 = arith.addi %mul3A_1126, %add3A_1127 : i32
        %swap3A_1129 = arith.index_cast %add3A_1128 : i32 to index
        %swap3A_1130 = arith.constant 16 : index
        %swap3A_1131 = tpu.vector_load %arg15[%swap3A_1129, %swap3A_1130] {strides = array<i32>} : memref<80x128xf32, #tpu.memory_space<vmem>>, vector<1x16xf32>,
        %swap3A_1132 = vector.shape_cast %swap3A_1131 : vector<1x16xf32> to vector<16xf32>
        %swap3A_1133 = vector.shape_cast %max3A_1124 : vector<16xf32> to vector<1x16xf32>
        tpu.vector_store %arg15[%swap3A_1129, %swap3A_1130], %swap3A_1133 {strides = array<i32>} : memref<80x128xf32, #tpu.memory_space<vmem>>, vector<1x16xf32>,
        %mul3A_1134 = arith.constant 4 : i32
        %mul3A_1135 = arith.muli %mul3A_1134, %scan3A_380 : i32
        %add3A_1136 = arith.constant 3 : i32
        %add3A_1137 = arith.addi %mul3A_1135, %add3A_1136 : i32
        %get3A_1138 = arith.index_cast %add3A_1137 : i32 to index
        %get3A_1139 = arith.constant 32 : index
        %get3A_1140 = tpu.vector_load %arg15[%get3A_1138, %get3A_1139] {strides = array<i32>} : memref<80x128xf32, #tpu.memory_space<vmem>>, vector<1x16xf32>,
        %get3A_1141 = vector.shape_cast %get3A_1140 : vector<1x16xf32> to vector<16xf32>
        %mul3A_1142 = arith.constant 4 : i32
        %mul3A_1143 = arith.muli %mul3A_1142, %scan3A_380 : i32
        %add3A_1144 = arith.constant 3 : i32
        %add3A_1145 = arith.addi %mul3A_1143, %add3A_1144 : i32
        %get3A_1146 = arith.index_cast %add3A_1145 : i32 to index
        %get3A_1147 = arith.constant 32 : index
        %get3A_1148 = tpu.vector_load %arg16[%get3A_1146, %get3A_1147] {strides = array<i32>} : memref<80x128xf32, #tpu.memory_space<vmem>>, vector<1x16xf32>,
        %get3A_1149 = vector.shape_cast %get3A_1148 : vector<1x16xf32> to vector<16xf32>
        %add3A_1150 = arith.addf %get3A_1141, %get3A_1149 : vector<16xf32>
        %max3A_1151 = arith.constant 0.000000e+00 : f32
        %max3A_1152 = vector.broadcast %max3A_1151 : f32 to vector<16xf32>
        %max3A_1153 = arith.maximumf %add3A_1150, %max3A_1152 : vector<16xf32>
        %mul3A_1154 = arith.constant 4 : i32
        %mul3A_1155 = arith.muli %mul3A_1154, %scan3A_380 : i32
        %add3A_1156 = arith.constant 3 : i32
        %add3A_1157 = arith.addi %mul3A_1155, %add3A_1156 : i32
        %swap3A_1158 = arith.index_cast %add3A_1157 : i32 to index
        %swap3A_1159 = arith.constant 32 : index
        %swap3A_1160 = tpu.vector_load %arg15[%swap3A_1158, %swap3A_1159] {strides = array<i32>} : memref<80x128xf32, #tpu.memory_space<vmem>>, vector<1x16xf32>,
        %swap3A_1161 = vector.shape_cast %swap3A_1160 : vector<1x16xf32> to vector<16xf32>
        %swap3A_1162 = vector.shape_cast %max3A_1153 : vector<16xf32> to vector<1x16xf32>
        tpu.vector_store %arg15[%swap3A_1158, %swap3A_1159], %swap3A_1162 {strides = array<i32>} : memref<80x128xf32, #tpu.memory_space<vmem>>, vector<1x16xf32>,
        %mul3A_1163 = arith.constant 4 : i32
        %mul3A_1164 = arith.muli %mul3A_1163, %scan3A_380 : i32
        %add3A_1165 = arith.constant 3 : i32
        %add3A_1166 = arith.addi %mul3A_1164, %add3A_1165 : i32
        %get3A_1167 = arith.index_cast %add3A_1166 : i32 to index
        %get3A_1168 = arith.constant 48 : index
        %get3A_1169 = tpu.vector_load %arg15[%get3A_1167, %get3A_1168] {strides = array<i32>} : memref<80x128xf32, #tpu.memory_space<vmem>>, vector<1x16xf32>,
        %get3A_1170 = vector.shape_cast %get3A_1169 : vector<1x16xf32> to vector<16xf32>
        %mul3A_1171 = arith.constant 4 : i32
        %mul3A_1172 = arith.muli %mul3A_1171, %scan3A_380 : i32
        %add3A_1173 = arith.constant 3 : i32
        %add3A_1174 = arith.addi %mul3A_1172, %add3A_1173 : i32
        %get3A_1175 = arith.index_cast %add3A_1174 : i32 to index
        %get3A_1176 = arith.constant 48 : index
        %get3A_1177 = tpu.vector_load %arg16[%get3A_1175, %get3A_1176] {strides = array<i32>} : memref<80x128xf32, #tpu.memory_space<vmem>>, vector<1x16xf32>,
        %get3A_1178 = vector.shape_cast %get3A_1177 : vector<1x16xf32> to vector<16xf32>
        %add3A_1179 = arith.addf %get3A_1170, %get3A_1178 : vector<16xf32>
        %max3A_1180 = arith.constant 0.000000e+00 : f32
        %max3A_1181 = vector.broadcast %max3A_1180 : f32 to vector<16xf32>
        %max3A_1182 = arith.maximumf %add3A_1179, %max3A_1181 : vector<16xf32>
        %mul3A_1183 = arith.constant 4 : i32
        %mul3A_1184 = arith.muli %mul3A_1183, %scan3A_380 : i32
        %add3A_1185 = arith.constant 3 : i32
        %add3A_1186 = arith.addi %mul3A_1184, %add3A_1185 : i32
        %swap3A_1187 = arith.index_cast %add3A_1186 : i32 to index
        %swap3A_1188 = arith.constant 48 : index
        %swap3A_1189 = tpu.vector_load %arg15[%swap3A_1187, %swap3A_1188] {strides = array<i32>} : memref<80x128xf32, #tpu.memory_space<vmem>>, vector<1x16xf32>,
        %swap3A_1190 = vector.shape_cast %swap3A_1189 : vector<1x16xf32> to vector<16xf32>
        %swap3A_1191 = vector.shape_cast %max3A_1182 : vector<16xf32> to vector<1x16xf32>
        tpu.vector_store %arg15[%swap3A_1187, %swap3A_1188], %swap3A_1191 {strides = array<i32>} : memref<80x128xf32, #tpu.memory_space<vmem>>, vector<1x16xf32>,
        %mul3A_1192 = arith.constant 4 : i32
        %mul3A_1193 = arith.muli %mul3A_1192, %scan3A_380 : i32
        %add3A_1194 = arith.constant 3 : i32
        %add3A_1195 = arith.addi %mul3A_1193, %add3A_1194 : i32
        %get3A_1196 = arith.index_cast %add3A_1195 : i32 to index
        %get3A_1197 = arith.constant 64 : index
        %get3A_1198 = tpu.vector_load %arg15[%get3A_1196, %get3A_1197] {strides = array<i32>} : memref<80x128xf32, #tpu.memory_space<vmem>>, vector<1x16xf32>,
        %get3A_1199 = vector.shape_cast %get3A_1198 : vector<1x16xf32> to vector<16xf32>
        %mul3A_1200 = arith.constant 4 : i32
        %mul3A_1201 = arith.muli %mul3A_1200, %scan3A_380 : i32
        %add3A_1202 = arith.constant 3 : i32
        %add3A_1203 = arith.addi %mul3A_1201, %add3A_1202 : i32
        %get3A_1204 = arith.index_cast %add3A_1203 : i32 to index
        %get3A_1205 = arith.constant 64 : index
        %get3A_1206 = tpu.vector_load %arg16[%get3A_1204, %get3A_1205] {strides = array<i32>} : memref<80x128xf32, #tpu.memory_space<vmem>>, vector<1x16xf32>,
        %get3A_1207 = vector.shape_cast %get3A_1206 : vector<1x16xf32> to vector<16xf32>
        %add3A_1208 = arith.addf %get3A_1199, %get3A_1207 : vector<16xf32>
        %max3A_1209 = arith.constant 0.000000e+00 : f32
        %max3A_1210 = vector.broadcast %max3A_1209 : f32 to vector<16xf32>
        %max3A_1211 = arith.maximumf %add3A_1208, %max3A_1210 : vector<16xf32>
        %mul3A_1212 = arith.constant 4 : i32
        %mul3A_1213 = arith.muli %mul3A_1212, %scan3A_380 : i32
        %add3A_1214 = arith.constant 3 : i32
        %add3A_1215 = arith.addi %mul3A_1213, %add3A_1214 : i32
        %swap3A_1216 = arith.index_cast %add3A_1215 : i32 to index
        %swap3A_1217 = arith.constant 64 : index
        %swap3A_1218 = tpu.vector_load %arg15[%swap3A_1216, %swap3A_1217] {strides = array<i32>} : memref<80x128xf32, #tpu.memory_space<vmem>>, vector<1x16xf32>,
        %swap3A_1219 = vector.shape_cast %swap3A_1218 : vector<1x16xf32> to vector<16xf32>
        %swap3A_1220 = vector.shape_cast %max3A_1211 : vector<16xf32> to vector<1x16xf32>
        tpu.vector_store %arg15[%swap3A_1216, %swap3A_1217], %swap3A_1220 {strides = array<i32>} : memref<80x128xf32, #tpu.memory_space<vmem>>, vector<1x16xf32>,
        %mul3A_1221 = arith.constant 4 : i32
        %mul3A_1222 = arith.muli %mul3A_1221, %scan3A_380 : i32
        %add3A_1223 = arith.constant 3 : i32
        %add3A_1224 = arith.addi %mul3A_1222, %add3A_1223 : i32
        %get3A_1225 = arith.index_cast %add3A_1224 : i32 to index
        %get3A_1226 = arith.constant 80 : index
        %get3A_1227 = tpu.vector_load %arg15[%get3A_1225, %get3A_1226] {strides = array<i32>} : memref<80x128xf32, #tpu.memory_space<vmem>>, vector<1x16xf32>,
        %get3A_1228 = vector.shape_cast %get3A_1227 : vector<1x16xf32> to vector<16xf32>
        %mul3A_1229 = arith.constant 4 : i32
        %mul3A_1230 = arith.muli %mul3A_1229, %scan3A_380 : i32
        %add3A_1231 = arith.constant 3 : i32
        %add3A_1232 = arith.addi %mul3A_1230, %add3A_1231 : i32
        %get3A_1233 = arith.index_cast %add3A_1232 : i32 to index
        %get3A_1234 = arith.constant 80 : index
        %get3A_1235 = tpu.vector_load %arg16[%get3A_1233, %get3A_1234] {strides = array<i32>} : memref<80x128xf32, #tpu.memory_space<vmem>>, vector<1x16xf32>,
        %get3A_1236 = vector.shape_cast %get3A_1235 : vector<1x16xf32> to vector<16xf32>
        %add3A_1237 = arith.addf %get3A_1228, %get3A_1236 : vector<16xf32>
        %max3A_1238 = arith.constant 0.000000e+00 : f32
        %max3A_1239 = vector.broadcast %max3A_1238 : f32 to vector<16xf32>
        %max3A_1240 = arith.maximumf %add3A_1237, %max3A_1239 : vector<16xf32>
        %mul3A_1241 = arith.constant 4 : i32
        %mul3A_1242 = arith.muli %mul3A_1241, %scan3A_380 : i32
        %add3A_1243 = arith.constant 3 : i32
        %add3A_1244 = arith.addi %mul3A_1242, %add3A_1243 : i32
        %swap3A_1245 = arith.index_cast %add3A_1244 : i32 to index
        %swap3A_1246 = arith.constant 80 : index
        %swap3A_1247 = tpu.vector_load %arg15[%swap3A_1245, %swap3A_1246] {strides = array<i32>} : memref<80x128xf32, #tpu.memory_space<vmem>>, vector<1x16xf32>,
        %swap3A_1248 = vector.shape_cast %swap3A_1247 : vector<1x16xf32> to vector<16xf32>
        %swap3A_1249 = vector.shape_cast %max3A_1240 : vector<16xf32> to vector<1x16xf32>
        tpu.vector_store %arg15[%swap3A_1245, %swap3A_1246], %swap3A_1249 {strides = array<i32>} : memref<80x128xf32, #tpu.memory_space<vmem>>, vector<1x16xf32>,
        %mul3A_1250 = arith.constant 4 : i32
        %mul3A_1251 = arith.muli %mul3A_1250, %scan3A_380 : i32
        %add3A_1252 = arith.constant 3 : i32
        %add3A_1253 = arith.addi %mul3A_1251, %add3A_1252 : i32
        %get3A_1254 = arith.index_cast %add3A_1253 : i32 to index
        %get3A_1255 = arith.constant 96 : index
        %get3A_1256 = tpu.vector_load %arg15[%get3A_1254, %get3A_1255] {strides = array<i32>} : memref<80x128xf32, #tpu.memory_space<vmem>>, vector<1x16xf32>,
        %get3A_1257 = vector.shape_cast %get3A_1256 : vector<1x16xf32> to vector<16xf32>
        %mul3A_1258 = arith.constant 4 : i32
        %mul3A_1259 = arith.muli %mul3A_1258, %scan3A_380 : i32
        %add3A_1260 = arith.constant 3 : i32
        %add3A_1261 = arith.addi %mul3A_1259, %add3A_1260 : i32
        %get3A_1262 = arith.index_cast %add3A_1261 : i32 to index
        %get3A_1263 = arith.constant 96 : index
        %get3A_1264 = tpu.vector_load %arg16[%get3A_1262, %get3A_1263] {strides = array<i32>} : memref<80x128xf32, #tpu.memory_space<vmem>>, vector<1x16xf32>,
        %get3A_1265 = vector.shape_cast %get3A_1264 : vector<1x16xf32> to vector<16xf32>
        %add3A_1266 = arith.addf %get3A_1257, %get3A_1265 : vector<16xf32>
        %max3A_1267 = arith.constant 0.000000e+00 : f32
        %max3A_1268 = vector.broadcast %max3A_1267 : f32 to vector<16xf32>
        %max3A_1269 = arith.maximumf %add3A_1266, %max3A_1268 : vector<16xf32>
        %mul3A_1270 = arith.constant 4 : i32
        %mul3A_1271 = arith.muli %mul3A_1270, %scan3A_380 : i32
        %add3A_1272 = arith.constant 3 : i32
        %add3A_1273 = arith.addi %mul3A_1271, %add3A_1272 : i32
        %swap3A_1274 = arith.index_cast %add3A_1273 : i32 to index
        %swap3A_1275 = arith.constant 96 : index
        %swap3A_1276 = tpu.vector_load %arg15[%swap3A_1274, %swap3A_1275] {strides = array<i32>} : memref<80x128xf32, #tpu.memory_space<vmem>>, vector<1x16xf32>,
        %swap3A_1277 = vector.shape_cast %swap3A_1276 : vector<1x16xf32> to vector<16xf32>
        %swap3A_1278 = vector.shape_cast %max3A_1269 : vector<16xf32> to vector<1x16xf32>
        tpu.vector_store %arg15[%swap3A_1274, %swap3A_1275], %swap3A_1278 {strides = array<i32>} : memref<80x128xf32, #tpu.memory_space<vmem>>, vector<1x16xf32>,
        %mul3A_1279 = arith.constant 4 : i32
        %mul3A_1280 = arith.muli %mul3A_1279, %scan3A_380 : i32
        %add3A_1281 = arith.constant 3 : i32
        %add3A_1282 = arith.addi %mul3A_1280, %add3A_1281 : i32
        %get3A_1283 = arith.index_cast %add3A_1282 : i32 to index
        %get3A_1284 = arith.constant 112 : index
        %get3A_1285 = tpu.vector_load %arg15[%get3A_1283, %get3A_1284] {strides = array<i32>} : memref<80x128xf32, #tpu.memory_space<vmem>>, vector<1x16xf32>,
        %get3A_1286 = vector.shape_cast %get3A_1285 : vector<1x16xf32> to vector<16xf32>
        %mul3A_1287 = arith.constant 4 : i32
        %mul3A_1288 = arith.muli %mul3A_1287, %scan3A_380 : i32
        %add3A_1289 = arith.constant 3 : i32
        %add3A_1290 = arith.addi %mul3A_1288, %add3A_1289 : i32
        %get3A_1291 = arith.index_cast %add3A_1290 : i32 to index
        %get3A_1292 = arith.constant 112 : index
        %get3A_1293 = tpu.vector_load %arg16[%get3A_1291, %get3A_1292] {strides = array<i32>} : memref<80x128xf32, #tpu.memory_space<vmem>>, vector<1x16xf32>,
        %get3A_1294 = vector.shape_cast %get3A_1293 : vector<1x16xf32> to vector<16xf32>
        %add3A_1295 = arith.addf %get3A_1286, %get3A_1294 : vector<16xf32>
        %max3A_1296 = arith.constant 0.000000e+00 : f32
        %max3A_1297 = vector.broadcast %max3A_1296 : f32 to vector<16xf32>
        %max3A_1298 = arith.maximumf %add3A_1295, %max3A_1297 : vector<16xf32>
        %mul3A_1299 = arith.constant 4 : i32
        %mul3A_1300 = arith.muli %mul3A_1299, %scan3A_380 : i32
        %add3A_1301 = arith.constant 3 : i32
        %add3A_1302 = arith.addi %mul3A_1300, %add3A_1301 : i32
        %swap3A_1303 = arith.index_cast %add3A_1302 : i32 to index
        %swap3A_1304 = arith.constant 112 : index
        %swap3A_1305 = tpu.vector_load %arg15[%swap3A_1303, %swap3A_1304] {strides = array<i32>} : memref<80x128xf32, #tpu.memory_space<vmem>>, vector<1x16xf32>,
        %swap3A_1306 = vector.shape_cast %swap3A_1305 : vector<1x16xf32> to vector<16xf32>
        %swap3A_1307 = vector.shape_cast %max3A_1298 : vector<16xf32> to vector<1x16xf32>
        tpu.vector_store %arg15[%swap3A_1303, %swap3A_1304], %swap3A_1307 {strides = array<i32>} : memref<80x128xf32, #tpu.memory_space<vmem>>, vector<1x16xf32>,
      }
      %scan3A_373 = arith.constant 20 : i32
      %run_scoped3A_374 = arith.constant 1 : i32
      "tpu.region"() ({
        %run_scoped3A_380 = tpu.sem_alloc : memref<!tpu.dma_semaphore, #tpu.memory_space<semaphore_mem>>
        %dma_start3A_381 = arith.constant 0 : i32
        %dma_start3A_382 = tpu.memref_slice %arg13[%run_scoped3A_374, %dma_start3A_381] : memref<2x80xi32, #tpu.memory_space<vmem>> -> memref<1x80xi32, #tpu.memory_space<vmem>>
        %dma_start3A_383 = tpu.memref_squeeze %dma_start3A_382 : memref<1x80xi32, #tpu.memory_space<vmem>> -> memref<80xi32, #tpu.memory_space<vmem>>
        %dma_start3A_384 = arith.constant 0 : i32
        %dma_start3A_385 = arith.constant 0 : i32
        %dma_start3A_386 = tpu.memref_slice %arg6[%dma_start3A_384, %dma_start3A_385] : memref<10000x128xf32, #tpu.memory_space<vmem_shared>> -> memref<10000x128xf32, #tpu.memory_space<vmem_shared>>
        tpu.enqueue_indirect_dma source(%arg15 : memref<80x128xf32, #tpu.memory_space<vmem>>) target(%dma_start3A_386 : memref<10000x128xf32, #tpu.memory_space<vmem_shared>>) offsets(%dma_start3A_383 : memref<80xi32, #tpu.memory_space<vmem>>) semaphore(%run_scoped3A_380 : memref<!tpu.dma_semaphore, #tpu.memory_space<semaphore_mem>>) {add = true}
        %dma_wait3A_387 = arith.constant 0 : i32
        %dma_wait3A_388 = tpu.memref_slice %arg13[%run_scoped3A_374, %dma_wait3A_387] : memref<2x80xi32, #tpu.memory_space<vmem>> -> memref<1x80xi32, #tpu.memory_space<vmem>>
        %dma_wait3A_389 = tpu.memref_squeeze %dma_wait3A_388 : memref<1x80xi32, #tpu.memory_space<vmem>> -> memref<80xi32, #tpu.memory_space<vmem>>
        %dma_wait3A_390 = arith.constant 0 : i32
        %dma_wait3A_391 = arith.constant 0 : i32
        %dma_wait3A_392 = tpu.memref_slice %arg6[%dma_wait3A_390, %dma_wait3A_391] : memref<10000x128xf32, #tpu.memory_space<vmem_shared>> -> memref<10000x128xf32, #tpu.memory_space<vmem_shared>>
        tpu.wait_indirect_dma semaphore(%run_scoped3A_380 : memref<!tpu.dma_semaphore, #tpu.memory_space<semaphore_mem>>) src(%arg15 : memref<80x128xf32, #tpu.memory_space<vmem>>) dst(%dma_wait3A_392 : memref<10000x128xf32, #tpu.memory_space<vmem_shared>>)
        tpu.yield
      }) : () -> ()
      %lt3A_375 = arith.constant 61 : i32
      %lt3A_376 = arith.cmpi slt, %scan3A_231, %lt3A_375 : i32
      %convert_element_type3A_377 = arith.extui %lt3A_376 : i1 to i32
      %cond3A_378 = arith.constant 0 : i32
      %cond3A_379 = arith.cmpi ne, %convert_element_type3A_377, %cond3A_378 : i32
      scf.if %cond3A_379 {
        %add3A_380 = arith.constant 3 : i32
        %add3A_381 = arith.addi %mul3A_233, %add3A_380 : i32
        %mul3A_382 = arith.constant 125 : i32
        %mul3A_383 = arith.muli %arg1, %mul3A_382 : i32
        %add3A_384 = arith.addi %mul3A_383, %add3A_381 : i32
        %dma_start3A_385 = arith.constant 0 : i32
        %dma_start3A_386 = arith.constant 0 : i32
        %dma_start3A_387 = tpu.memref_slice %arg4[%add3A_384, %dma_start3A_385, %dma_start3A_386] : memref<2000x2x80xi32, #tpu.memory_space<hbm>> -> memref<1x2x80xi32, #tpu.memory_space<hbm>>
        %dma_start3A_388 = tpu.memref_squeeze %dma_start3A_387 : memref<1x2x80xi32, #tpu.memory_space<hbm>> -> memref<2x80xi32, #tpu.memory_space<hbm>>
        %dma_start3A_389 = arith.constant 0 : i32
        %dma_start3A_390 = arith.constant 0 : i32
        %dma_start3A_391 = tpu.memref_slice %arg4[%add3A_384, %dma_start3A_389, %dma_start3A_390] : memref<2000x2x80xi32, #tpu.memory_space<hbm>> -> memref<1x2x80xi32, #tpu.memory_space<hbm>>
        %dma_start3A_392 = tpu.memref_squeeze %dma_start3A_391 : memref<1x2x80xi32, #tpu.memory_space<hbm>> -> memref<2x80xi32, #tpu.memory_space<hbm>>
        tpu.enqueue_dma source(%dma_start3A_392 : memref<2x80xi32, #tpu.memory_space<hbm>>) target(%arg13 : memref<2x80xi32, #tpu.memory_space<vmem>>) target_semaphore(%arg18 : memref<!tpu.dma_semaphore, #tpu.memory_space<semaphore_mem>>)
      } else {
      }
    }
    %scan3A_125 = arith.constant 62 : i32
    %add3A_126 = arith.constant 9920 : i32
    %add3A_127 = arith.addi %mul3A_19, %add3A_126 : i32
    %mul3A_128 = arith.constant 125 : i32
    %mul3A_129 = arith.muli %arg1, %mul3A_128 : i32
    %add3A_130 = arith.constant 124 : i32
    %add3A_131 = arith.addi %mul3A_129, %add3A_130 : i32
    %dma_wait3A_132 = arith.constant 0 : i32
    %dma_wait3A_133 = arith.constant 0 : i32
    %dma_wait3A_134 = tpu.memref_slice %arg4[%add3A_131, %dma_wait3A_132, %dma_wait3A_133] : memref<2000x2x80xi32, #tpu.memory_space<hbm>> -> memref<1x2x80xi32, #tpu.memory_space<hbm>>
    %dma_wait3A_135 = tpu.memref_squeeze %dma_wait3A_134 : memref<1x2x80xi32, #tpu.memory_space<hbm>> -> memref<2x80xi32, #tpu.memory_space<hbm>>
    %dma_wait3A_136 = arith.constant 0 : i32
    %dma_wait3A_137 = arith.constant 0 : i32
    %dma_wait3A_138 = tpu.memref_slice %arg4[%add3A_131, %dma_wait3A_136, %dma_wait3A_137] : memref<2000x2x80xi32, #tpu.memory_space<hbm>> -> memref<1x2x80xi32, #tpu.memory_space<hbm>>
    %dma_wait3A_139 = tpu.memref_squeeze %dma_wait3A_138 : memref<1x2x80xi32, #tpu.memory_space<hbm>> -> memref<2x80xi32, #tpu.memory_space<hbm>>
    tpu.wait_dma2 semaphore(%arg12 : memref<!tpu.dma_semaphore, #tpu.memory_space<semaphore_mem>>) src(%dma_wait3A_139 : memref<2x80xi32, #tpu.memory_space<hbm>>) dst(%arg7 : memref<2x80xi32, #tpu.memory_space<vmem>>)
    %get3A_140 = arith.constant 0 : i32
    %get3A_141 = arith.index_cast %get3A_140 : i32 to index
    %get3A_142 = arith.constant 0 : index
    %get3A_143 = tpu.vector_load %arg7[%get3A_141, %get3A_142] {strides = array<i32>} : memref<2x80xi32, #tpu.memory_space<vmem>>, vector<1x16xi32>,
    %get3A_144 = vector.shape_cast %get3A_143 : vector<1x16xi32> to vector<16xi32>
    %add3A_145 = vector.broadcast %mul3A_21 : i32 to vector<16xi32>
    %add3A_146 = arith.addi %get3A_144, %add3A_145 : vector<16xi32>
    %swap3A_147 = arith.constant 0 : index
    %swap3A_148 = tpu.vector_load %arg8[%swap3A_147] {strides = array<i32>} : memref<80xi32, #tpu.memory_space<vmem>>, vector<16xi32>,
    %swap3A_149 = vector.shape_cast %swap3A_148 : vector<16xi32> to vector<16xi32>
    %swap3A_150 = vector.shape_cast %add3A_146 : vector<16xi32> to vector<16xi32>
    tpu.vector_store %arg8[%swap3A_147], %swap3A_150 {strides = array<i32>} : memref<80xi32, #tpu.memory_space<vmem>>, vector<16xi32>,
    %get3A_151 = arith.constant 0 : i32
    %get3A_152 = arith.index_cast %get3A_151 : i32 to index
    %get3A_153 = arith.constant 16 : index
    %get3A_154 = tpu.vector_load %arg7[%get3A_152, %get3A_153] {strides = array<i32>} : memref<2x80xi32, #tpu.memory_space<vmem>>, vector<1x16xi32>,
    %get3A_155 = vector.shape_cast %get3A_154 : vector<1x16xi32> to vector<16xi32>
    %add3A_156 = vector.broadcast %mul3A_21 : i32 to vector<16xi32>
    %add3A_157 = arith.addi %get3A_155, %add3A_156 : vector<16xi32>
    %swap3A_158 = arith.constant 16 : index
    %swap3A_159 = tpu.vector_load %arg8[%swap3A_158] {strides = array<i32>} : memref<80xi32, #tpu.memory_space<vmem>>, vector<16xi32>,
    %swap3A_160 = vector.shape_cast %swap3A_159 : vector<16xi32> to vector<16xi32>
    %swap3A_161 = vector.shape_cast %add3A_157 : vector<16xi32> to vector<16xi32>
    tpu.vector_store %arg8[%swap3A_158], %swap3A_161 {strides = array<i32>} : memref<80xi32, #tpu.memory_space<vmem>>, vector<16xi32>,
    %get3A_162 = arith.constant 0 : i32
    %get3A_163 = arith.index_cast %get3A_162 : i32 to index
    %get3A_164 = arith.constant 32 : index
    %get3A_165 = tpu.vector_load %arg7[%get3A_163, %get3A_164] {strides = array<i32>} : memref<2x80xi32, #tpu.memory_space<vmem>>, vector<1x16xi32>,
    %get3A_166 = vector.shape_cast %get3A_165 : vector<1x16xi32> to vector<16xi32>
    %add3A_167 = vector.broadcast %mul3A_21 : i32 to vector<16xi32>
    %add3A_168 = arith.addi %get3A_166, %add3A_167 : vector<16xi32>
    %swap3A_169 = arith.constant 32 : index
    %swap3A_170 = tpu.vector_load %arg8[%swap3A_169] {strides = array<i32>} : memref<80xi32, #tpu.memory_space<vmem>>, vector<16xi32>,
    %swap3A_171 = vector.shape_cast %swap3A_170 : vector<16xi32> to vector<16xi32>
    %swap3A_172 = vector.shape_cast %add3A_168 : vector<16xi32> to vector<16xi32>
    tpu.vector_store %arg8[%swap3A_169], %swap3A_172 {strides = array<i32>} : memref<80xi32, #tpu.memory_space<vmem>>, vector<16xi32>,
    %get3A_173 = arith.constant 0 : i32
    %get3A_174 = arith.index_cast %get3A_173 : i32 to index
    %get3A_175 = arith.constant 48 : index
    %get3A_176 = tpu.vector_load %arg7[%get3A_174, %get3A_175] {strides = array<i32>} : memref<2x80xi32, #tpu.memory_space<vmem>>, vector<1x16xi32>,
    %get3A_177 = vector.shape_cast %get3A_176 : vector<1x16xi32> to vector<16xi32>
    %add3A_178 = vector.broadcast %mul3A_21 : i32 to vector<16xi32>
    %add3A_179 = arith.addi %get3A_177, %add3A_178 : vector<16xi32>
    %swap3A_180 = arith.constant 48 : index
    %swap3A_181 = tpu.vector_load %arg8[%swap3A_180] {strides = array<i32>} : memref<80xi32, #tpu.memory_space<vmem>>, vector<16xi32>,
    %swap3A_182 = vector.shape_cast %swap3A_181 : vector<16xi32> to vector<16xi32>
    %swap3A_183 = vector.shape_cast %add3A_179 : vector<16xi32> to vector<16xi32>
    tpu.vector_store %arg8[%swap3A_180], %swap3A_183 {strides = array<i32>} : memref<80xi32, #tpu.memory_space<vmem>>, vector<16xi32>,
    %get3A_184 = arith.constant 0 : i32
    %get3A_185 = arith.index_cast %get3A_184 : i32 to index
    %get3A_186 = arith.constant 64 : index
    %get3A_187 = tpu.vector_load %arg7[%get3A_185, %get3A_186] {strides = array<i32>} : memref<2x80xi32, #tpu.memory_space<vmem>>, vector<1x16xi32>,
    %get3A_188 = vector.shape_cast %get3A_187 : vector<1x16xi32> to vector<16xi32>
    %add3A_189 = vector.broadcast %mul3A_21 : i32 to vector<16xi32>
    %add3A_190 = arith.addi %get3A_188, %add3A_189 : vector<16xi32>
    %swap3A_191 = arith.constant 64 : index
    %swap3A_192 = tpu.vector_load %arg8[%swap3A_191] {strides = array<i32>} : memref<80xi32, #tpu.memory_space<vmem>>, vector<16xi32>,
    %swap3A_193 = vector.shape_cast %swap3A_192 : vector<16xi32> to vector<16xi32>
    %swap3A_194 = vector.shape_cast %add3A_190 : vector<16xi32> to vector<16xi32>
    tpu.vector_store %arg8[%swap3A_191], %swap3A_194 {strides = array<i32>} : memref<80xi32, #tpu.memory_space<vmem>>, vector<16xi32>,
    %dma_start3A_195 = arith.constant 0 : i32
    %dma_start3A_196 = arith.constant 0 : i32
    %dma_start3A_197 = tpu.memref_slice %arg2[%dma_start3A_195, %dma_start3A_196] : memref<20000x128xf32, #tpu.memory_space<hbm>> -> memref<20000x128xf32, #tpu.memory_space<hbm>>
    tpu.enqueue_indirect_dma source(%dma_start3A_197 : memref<20000x128xf32, #tpu.memory_space<hbm>>) target(%arg9 : memref<80x128xf32, #tpu.memory_space<vmem>>) offsets(%arg8 : memref<80xi32, #tpu.memory_space<vmem>>) semaphore(%arg11 : memref<!tpu.dma_semaphore, #tpu.memory_space<semaphore_mem>>)
    %mul3A_198 = arith.constant 160000 : i32
    %mul3A_199 = arith.muli %arg0, %mul3A_198 : i32
    %add3A_200 = arith.addi %mul3A_199, %add3A_127 : i32
    %dma_start3A_201 = arith.constant 0 : i32
    %dma_start3A_202 = tpu.memref_slice %arg3[%add3A_200, %dma_start3A_201] : memref<320000x128xf32, #tpu.memory_space<hbm>> -> memref<80x128xf32, #tpu.memory_space<hbm>>
    %dma_start3A_203 = arith.constant 0 : i32
    %dma_start3A_204 = tpu.memref_slice %arg3[%add3A_200, %dma_start3A_203] : memref<320000x128xf32, #tpu.memory_space<hbm>> -> memref<80x128xf32, #tpu.memory_space<hbm>>
    tpu.enqueue_dma source(%dma_start3A_204 : memref<80x128xf32, #tpu.memory_space<hbm>>) target(%arg10 : memref<80x128xf32, #tpu.memory_space<vmem>>) target_semaphore(%arg11 : memref<!tpu.dma_semaphore, #tpu.memory_space<semaphore_mem>>)
    %add3A_205 = arith.constant 9920 : i32
    %add3A_206 = arith.addi %mul3A_19, %add3A_205 : i32
    %dma_wait3A_207 = arith.constant 0 : i32
    %dma_wait3A_208 = arith.constant 0 : i32
    %dma_wait3A_209 = tpu.memref_slice %arg2[%dma_wait3A_207, %dma_wait3A_208] : memref<20000x128xf32, #tpu.memory_space<hbm>> -> memref<20000x128xf32, #tpu.memory_space<hbm>>
    tpu.wait_indirect_dma semaphore(%arg11 : memref<!tpu.dma_semaphore, #tpu.memory_space<semaphore_mem>>) src(%dma_wait3A_209 : memref<20000x128xf32, #tpu.memory_space<hbm>>) dst(%arg9 : memref<80x128xf32, #tpu.memory_space<vmem>>)
    %mul3A_210 = arith.constant 160000 : i32
    %mul3A_211 = arith.muli %arg0, %mul3A_210 : i32
    %add3A_212 = arith.addi %mul3A_211, %add3A_206 : i32
    %dma_wait3A_213 = arith.constant 0 : i32
    %dma_wait3A_214 = tpu.memref_slice %arg3[%add3A_212, %dma_wait3A_213] : memref<320000x128xf32, #tpu.memory_space<hbm>> -> memref<80x128xf32, #tpu.memory_space<hbm>>
    %dma_wait3A_215 = arith.constant 0 : i32
    %dma_wait3A_216 = tpu.memref_slice %arg3[%add3A_212, %dma_wait3A_215] : memref<320000x128xf32, #tpu.memory_space<hbm>> -> memref<80x128xf32, #tpu.memory_space<hbm>>
    tpu.wait_dma2 semaphore(%arg11 : memref<!tpu.dma_semaphore, #tpu.memory_space<semaphore_mem>>) src(%dma_wait3A_216 : memref<80x128xf32, #tpu.memory_space<hbm>>) dst(%arg10 : memref<80x128xf32, #tpu.memory_space<vmem>>)
    %scan3A_217 = arith.constant 0 : i32
    %scan3A_218 = arith.constant 0 : i32
    %scan3A_219 = arith.constant 20 : i32
    %scan3A_220 = arith.addi %scan3A_218, %scan3A_219 : i32
    %scan3A_221 = arith.constant 1 : i32
    scf.for %scan3A_231 = %scan3A_218 to %scan3A_220 step %scan3A_221  : i32 {
      %mul3A_232 = arith.constant 4 : i32
      %mul3A_233 = arith.muli %mul3A_232, %scan3A_231 : i32
      %add3A_234 = arith.constant 0 : i32
      %add3A_235 = arith.addi %mul3A_233, %add3A_234 : i32
      %get3A_236 = arith.index_cast %add3A_235 : i32 to index
      %get3A_237 = arith.constant 0 : index
      %get3A_238 = tpu.vector_load %arg9[%get3A_236, %get3A_237] {strides = array<i32>} : memref<80x128xf32, #tpu.memory_space<vmem>>, vector<1x16xf32>,
      %get3A_239 = vector.shape_cast %get3A_238 : vector<1x16xf32> to vector<16xf32>
      %mul3A_240 = arith.constant 4 : i32
      %mul3A_241 = arith.muli %mul3A_240, %scan3A_231 : i32
      %add3A_242 = arith.constant 0 : i32
      %add3A_243 = arith.addi %mul3A_241, %add3A_242 : i32
      %get3A_244 = arith.index_cast %add3A_243 : i32 to index
      %get3A_245 = arith.constant 0 : index
      %get3A_246 = tpu.vector_load %arg10[%get3A_244, %get3A_245] {strides = array<i32>} : memref<80x128xf32, #tpu.memory_space<vmem>>, vector<1x16xf32>,
      %get3A_247 = vector.shape_cast %get3A_246 : vector<1x16xf32> to vector<16xf32>
      %add3A_248 = arith.addf %get3A_239, %get3A_247 : vector<16xf32>
      %max3A = arith.constant 0.000000e+00 : f32
      %max3A_249 = vector.broadcast %max3A : f32 to vector<16xf32>
      %max3A_250 = arith.maximumf %add3A_248, %max3A_249 : vector<16xf32>
      %mul3A_251 = arith.constant 4 : i32
      %mul3A_252 = arith.muli %mul3A_251, %scan3A_231 : i32
      %add3A_253 = arith.constant 0 : i32
      %add3A_254 = arith.addi %mul3A_252, %add3A_253 : i32
      %swap3A_255 = arith.index_cast %add3A_254 : i32 to index
      %swap3A_256 = arith.constant 0 : index
      %swap3A_257 = tpu.vector_load %arg9[%swap3A_255, %swap3A_256] {strides = array<i32>} : memref<80x128xf32, #tpu.memory_space<vmem>>, vector<1x16xf32>,
      %swap3A_258 = vector.shape_cast %swap3A_257 : vector<1x16xf32> to vector<16xf32>
      %swap3A_259 = vector.shape_cast %max3A_250 : vector<16xf32> to vector<1x16xf32>
      tpu.vector_store %arg9[%swap3A_255, %swap3A_256], %swap3A_259 {strides = array<i32>} : memref<80x128xf32, #tpu.memory_space<vmem>>, vector<1x16xf32>,
      %mul3A_260 = arith.constant 4 : i32
      %mul3A_261 = arith.muli %mul3A_260, %scan3A_231 : i32
      %add3A_262 = arith.constant 0 : i32
      %add3A_263 = arith.addi %mul3A_261, %add3A_262 : i32
      %get3A_264 = arith.index_cast %add3A_263 : i32 to index
      %get3A_265 = arith.constant 16 : index
      %get3A_266 = tpu.vector_load %arg9[%get3A_264, %get3A_265] {strides = array<i32>} : memref<80x128xf32, #tpu.memory_space<vmem>>, vector<1x16xf32>,
      %get3A_267 = vector.shape_cast %get3A_266 : vector<1x16xf32> to vector<16xf32>
      %mul3A_268 = arith.constant 4 : i32
      %mul3A_269 = arith.muli %mul3A_268, %scan3A_231 : i32
      %add3A_270 = arith.constant 0 : i32
      %add3A_271 = arith.addi %mul3A_269, %add3A_270 : i32
      %get3A_272 = arith.index_cast %add3A_271 : i32 to index
      %get3A_273 = arith.constant 16 : index
      %get3A_274 = tpu.vector_load %arg10[%get3A_272, %get3A_273] {strides = array<i32>} : memref<80x128xf32, #tpu.memory_space<vmem>>, vector<1x16xf32>,
      %get3A_275 = vector.shape_cast %get3A_274 : vector<1x16xf32> to vector<16xf32>
      %add3A_276 = arith.addf %get3A_267, %get3A_275 : vector<16xf32>
      %max3A_277 = arith.constant 0.000000e+00 : f32
      %max3A_278 = vector.broadcast %max3A_277 : f32 to vector<16xf32>
      %max3A_279 = arith.maximumf %add3A_276, %max3A_278 : vector<16xf32>
      %mul3A_280 = arith.constant 4 : i32
      %mul3A_281 = arith.muli %mul3A_280, %scan3A_231 : i32
      %add3A_282 = arith.constant 0 : i32
      %add3A_283 = arith.addi %mul3A_281, %add3A_282 : i32
      %swap3A_284 = arith.index_cast %add3A_283 : i32 to index
      %swap3A_285 = arith.constant 16 : index
      %swap3A_286 = tpu.vector_load %arg9[%swap3A_284, %swap3A_285] {strides = array<i32>} : memref<80x128xf32, #tpu.memory_space<vmem>>, vector<1x16xf32>,
      %swap3A_287 = vector.shape_cast %swap3A_286 : vector<1x16xf32> to vector<16xf32>
      %swap3A_288 = vector.shape_cast %max3A_279 : vector<16xf32> to vector<1x16xf32>
      tpu.vector_store %arg9[%swap3A_284, %swap3A_285], %swap3A_288 {strides = array<i32>} : memref<80x128xf32, #tpu.memory_space<vmem>>, vector<1x16xf32>,
      %mul3A_289 = arith.constant 4 : i32
      %mul3A_290 = arith.muli %mul3A_289, %scan3A_231 : i32
      %add3A_291 = arith.constant 0 : i32
      %add3A_292 = arith.addi %mul3A_290, %add3A_291 : i32
      %get3A_293 = arith.index_cast %add3A_292 : i32 to index
      %get3A_294 = arith.constant 32 : index
      %get3A_295 = tpu.vector_load %arg9[%get3A_293, %get3A_294] {strides = array<i32>} : memref<80x128xf32, #tpu.memory_space<vmem>>, vector<1x16xf32>,
      %get3A_296 = vector.shape_cast %get3A_295 : vector<1x16xf32> to vector<16xf32>
      %mul3A_297 = arith.constant 4 : i32
      %mul3A_298 = arith.muli %mul3A_297, %scan3A_231 : i32
      %add3A_299 = arith.constant 0 : i32
      %add3A_300 = arith.addi %mul3A_298, %add3A_299 : i32
      %get3A_301 = arith.index_cast %add3A_300 : i32 to index
      %get3A_302 = arith.constant 32 : index
      %get3A_303 = tpu.vector_load %arg10[%get3A_301, %get3A_302] {strides = array<i32>} : memref<80x128xf32, #tpu.memory_space<vmem>>, vector<1x16xf32>,
      %get3A_304 = vector.shape_cast %get3A_303 : vector<1x16xf32> to vector<16xf32>
      %add3A_305 = arith.addf %get3A_296, %get3A_304 : vector<16xf32>
      %max3A_306 = arith.constant 0.000000e+00 : f32
      %max3A_307 = vector.broadcast %max3A_306 : f32 to vector<16xf32>
      %max3A_308 = arith.maximumf %add3A_305, %max3A_307 : vector<16xf32>
      %mul3A_309 = arith.constant 4 : i32
      %mul3A_310 = arith.muli %mul3A_309, %scan3A_231 : i32
      %add3A_311 = arith.constant 0 : i32
      %add3A_312 = arith.addi %mul3A_310, %add3A_311 : i32
      %swap3A_313 = arith.index_cast %add3A_312 : i32 to index
      %swap3A_314 = arith.constant 32 : index
      %swap3A_315 = tpu.vector_load %arg9[%swap3A_313, %swap3A_314] {strides = array<i32>} : memref<80x128xf32, #tpu.memory_space<vmem>>, vector<1x16xf32>,
      %swap3A_316 = vector.shape_cast %swap3A_315 : vector<1x16xf32> to vector<16xf32>
      %swap3A_317 = vector.shape_cast %max3A_308 : vector<16xf32> to vector<1x16xf32>
      tpu.vector_store %arg9[%swap3A_313, %swap3A_314], %swap3A_317 {strides = array<i32>} : memref<80x128xf32, #tpu.memory_space<vmem>>, vector<1x16xf32>,
      %mul3A_318 = arith.constant 4 : i32
      %mul3A_319 = arith.muli %mul3A_318, %scan3A_231 : i32
      %add3A_320 = arith.constant 0 : i32
      %add3A_321 = arith.addi %mul3A_319, %add3A_320 : i32
      %get3A_322 = arith.index_cast %add3A_321 : i32 to index
      %get3A_323 = arith.constant 48 : index
      %get3A_324 = tpu.vector_load %arg9[%get3A_322, %get3A_323] {strides = array<i32>} : memref<80x128xf32, #tpu.memory_space<vmem>>, vector<1x16xf32>,
      %get3A_325 = vector.shape_cast %get3A_324 : vector<1x16xf32> to vector<16xf32>
      %mul3A_326 = arith.constant 4 : i32
      %mul3A_327 = arith.muli %mul3A_326, %scan3A_231 : i32
      %add3A_328 = arith.constant 0 : i32
      %add3A_329 = arith.addi %mul3A_327, %add3A_328 : i32
      %get3A_330 = arith.index_cast %add3A_329 : i32 to index
      %get3A_331 = arith.constant 48 : index
      %get3A_332 = tpu.vector_load %arg10[%get3A_330, %get3A_331] {strides = array<i32>} : memref<80x128xf32, #tpu.memory_space<vmem>>, vector<1x16xf32>,
      %get3A_333 = vector.shape_cast %get3A_332 : vector<1x16xf32> to vector<16xf32>
      %add3A_334 = arith.addf %get3A_325, %get3A_333 : vector<16xf32>
      %max3A_335 = arith.constant 0.000000e+00 : f32
      %max3A_336 = vector.broadcast %max3A_335 : f32 to vector<16xf32>
      %max3A_337 = arith.maximumf %add3A_334, %max3A_336 : vector<16xf32>
      %mul3A_338 = arith.constant 4 : i32
      %mul3A_339 = arith.muli %mul3A_338, %scan3A_231 : i32
      %add3A_340 = arith.constant 0 : i32
      %add3A_341 = arith.addi %mul3A_339, %add3A_340 : i32
      %swap3A_342 = arith.index_cast %add3A_341 : i32 to index
      %swap3A_343 = arith.constant 48 : index
      %swap3A_344 = tpu.vector_load %arg9[%swap3A_342, %swap3A_343] {strides = array<i32>} : memref<80x128xf32, #tpu.memory_space<vmem>>, vector<1x16xf32>,
      %swap3A_345 = vector.shape_cast %swap3A_344 : vector<1x16xf32> to vector<16xf32>
      %swap3A_346 = vector.shape_cast %max3A_337 : vector<16xf32> to vector<1x16xf32>
      tpu.vector_store %arg9[%swap3A_342, %swap3A_343], %swap3A_346 {strides = array<i32>} : memref<80x128xf32, #tpu.memory_space<vmem>>, vector<1x16xf32>,
      %mul3A_347 = arith.constant 4 : i32
      %mul3A_348 = arith.muli %mul3A_347, %scan3A_231 : i32
      %add3A_349 = arith.constant 0 : i32
      %add3A_350 = arith.addi %mul3A_348, %add3A_349 : i32
      %get3A_351 = arith.index_cast %add3A_350 : i32 to index
      %get3A_352 = arith.constant 64 : index
      %get3A_353 = tpu.vector_load %arg9[%get3A_351, %get3A_352] {strides = array<i32>} : memref<80x128xf32, #tpu.memory_space<vmem>>, vector<1x16xf32>,
      %get3A_354 = vector.shape_cast %get3A_353 : vector<1x16xf32> to vector<16xf32>
      %mul3A_355 = arith.constant 4 : i32
      %mul3A_356 = arith.muli %mul3A_355, %scan3A_231 : i32
      %add3A_357 = arith.constant 0 : i32
      %add3A_358 = arith.addi %mul3A_356, %add3A_357 : i32
      %get3A_359 = arith.index_cast %add3A_358 : i32 to index
      %get3A_360 = arith.constant 64 : index
      %get3A_361 = tpu.vector_load %arg10[%get3A_359, %get3A_360] {strides = array<i32>} : memref<80x128xf32, #tpu.memory_space<vmem>>, vector<1x16xf32>,
      %get3A_362 = vector.shape_cast %get3A_361 : vector<1x16xf32> to vector<16xf32>
      %add3A_363 = arith.addf %get3A_354, %get3A_362 : vector<16xf32>
      %max3A_364 = arith.constant 0.000000e+00 : f32
      %max3A_365 = vector.broadcast %max3A_364 : f32 to vector<16xf32>
      %max3A_366 = arith.maximumf %add3A_363, %max3A_365 : vector<16xf32>
      %mul3A_367 = arith.constant 4 : i32
      %mul3A_368 = arith.muli %mul3A_367, %scan3A_231 : i32
      %add3A_369 = arith.constant 0 : i32
      %add3A_370 = arith.addi %mul3A_368, %add3A_369 : i32
      %swap3A_371 = arith.index_cast %add3A_370 : i32 to index
      %swap3A_372 = arith.constant 64 : index
      %swap3A_373 = tpu.vector_load %arg9[%swap3A_371, %swap3A_372] {strides = array<i32>} : memref<80x128xf32, #tpu.memory_space<vmem>>, vector<1x16xf32>,
      %swap3A_374 = vector.shape_cast %swap3A_373 : vector<1x16xf32> to vector<16xf32>
      %swap3A_375 = vector.shape_cast %max3A_366 : vector<16xf32> to vector<1x16xf32>
      tpu.vector_store %arg9[%swap3A_371, %swap3A_372], %swap3A_375 {strides = array<i32>} : memref<80x128xf32, #tpu.memory_space<vmem>>, vector<1x16xf32>,
      %mul3A_376 = arith.constant 4 : i32
      %mul3A_377 = arith.muli %mul3A_376, %scan3A_231 : i32
      %add3A_378 = arith.constant 0 : i32
      %add3A_379 = arith.addi %mul3A_377, %add3A_378 : i32
      %get3A_380 = arith.index_cast %add3A_379 : i32 to index
      %get3A_381 = arith.constant 80 : index
      %get3A_382 = tpu.vector_load %arg9[%get3A_380, %get3A_381] {strides = array<i32>} : memref<80x128xf32, #tpu.memory_space<vmem>>, vector<1x16xf32>,
      %get3A_383 = vector.shape_cast %get3A_382 : vector<1x16xf32> to vector<16xf32>
      %mul3A_384 = arith.constant 4 : i32
      %mul3A_385 = arith.muli %mul3A_384, %scan3A_231 : i32
      %add3A_386 = arith.constant 0 : i32
      %add3A_387 = arith.addi %mul3A_385, %add3A_386 : i32
      %get3A_388 = arith.index_cast %add3A_387 : i32 to index
      %get3A_389 = arith.constant 80 : index
      %get3A_390 = tpu.vector_load %arg10[%get3A_388, %get3A_389] {strides = array<i32>} : memref<80x128xf32, #tpu.memory_space<vmem>>, vector<1x16xf32>,
      %get3A_391 = vector.shape_cast %get3A_390 : vector<1x16xf32> to vector<16xf32>
      %add3A_392 = arith.addf %get3A_383, %get3A_391 : vector<16xf32>
      %max3A_393 = arith.constant 0.000000e+00 : f32
      %max3A_394 = vector.broadcast %max3A_393 : f32 to vector<16xf32>
      %max3A_395 = arith.maximumf %add3A_392, %max3A_394 : vector<16xf32>
      %mul3A_396 = arith.constant 4 : i32
      %mul3A_397 = arith.muli %mul3A_396, %scan3A_231 : i32
      %add3A_398 = arith.constant 0 : i32
      %add3A_399 = arith.addi %mul3A_397, %add3A_398 : i32
      %swap3A_400 = arith.index_cast %add3A_399 : i32 to index
      %swap3A_401 = arith.constant 80 : index
      %swap3A_402 = tpu.vector_load %arg9[%swap3A_400, %swap3A_401] {strides = array<i32>} : memref<80x128xf32, #tpu.memory_space<vmem>>, vector<1x16xf32>,
      %swap3A_403 = vector.shape_cast %swap3A_402 : vector<1x16xf32> to vector<16xf32>
      %swap3A_404 = vector.shape_cast %max3A_395 : vector<16xf32> to vector<1x16xf32>
      tpu.vector_store %arg9[%swap3A_400, %swap3A_401], %swap3A_404 {strides = array<i32>} : memref<80x128xf32, #tpu.memory_space<vmem>>, vector<1x16xf32>,
      %mul3A_405 = arith.constant 4 : i32
      %mul3A_406 = arith.muli %mul3A_405, %scan3A_231 : i32
      %add3A_407 = arith.constant 0 : i32
      %add3A_408 = arith.addi %mul3A_406, %add3A_407 : i32
      %get3A_409 = arith.index_cast %add3A_408 : i32 to index
      %get3A_410 = arith.constant 96 : index
      %get3A_411 = tpu.vector_load %arg9[%get3A_409, %get3A_410] {strides = array<i32>} : memref<80x128xf32, #tpu.memory_space<vmem>>, vector<1x16xf32>,
      %get3A_412 = vector.shape_cast %get3A_411 : vector<1x16xf32> to vector<16xf32>
      %mul3A_413 = arith.constant 4 : i32
      %mul3A_414 = arith.muli %mul3A_413, %scan3A_231 : i32
      %add3A_415 = arith.constant 0 : i32
      %add3A_416 = arith.addi %mul3A_414, %add3A_415 : i32
      %get3A_417 = arith.index_cast %add3A_416 : i32 to index
      %get3A_418 = arith.constant 96 : index
      %get3A_419 = tpu.vector_load %arg10[%get3A_417, %get3A_418] {strides = array<i32>} : memref<80x128xf32, #tpu.memory_space<vmem>>, vector<1x16xf32>,
      %get3A_420 = vector.shape_cast %get3A_419 : vector<1x16xf32> to vector<16xf32>
      %add3A_421 = arith.addf %get3A_412, %get3A_420 : vector<16xf32>
      %max3A_422 = arith.constant 0.000000e+00 : f32
      %max3A_423 = vector.broadcast %max3A_422 : f32 to vector<16xf32>
      %max3A_424 = arith.maximumf %add3A_421, %max3A_423 : vector<16xf32>
      %mul3A_425 = arith.constant 4 : i32
      %mul3A_426 = arith.muli %mul3A_425, %scan3A_231 : i32
      %add3A_427 = arith.constant 0 : i32
      %add3A_428 = arith.addi %mul3A_426, %add3A_427 : i32
      %swap3A_429 = arith.index_cast %add3A_428 : i32 to index
      %swap3A_430 = arith.constant 96 : index
      %swap3A_431 = tpu.vector_load %arg9[%swap3A_429, %swap3A_430] {strides = array<i32>} : memref<80x128xf32, #tpu.memory_space<vmem>>, vector<1x16xf32>,
      %swap3A_432 = vector.shape_cast %swap3A_431 : vector<1x16xf32> to vector<16xf32>
      %swap3A_433 = vector.shape_cast %max3A_424 : vector<16xf32> to vector<1x16xf32>
      tpu.vector_store %arg9[%swap3A_429, %swap3A_430], %swap3A_433 {strides = array<i32>} : memref<80x128xf32, #tpu.memory_space<vmem>>, vector<1x16xf32>,
      %mul3A_434 = arith.constant 4 : i32
      %mul3A_435 = arith.muli %mul3A_434, %scan3A_231 : i32
      %add3A_436 = arith.constant 0 : i32
      %add3A_437 = arith.addi %mul3A_435, %add3A_436 : i32
      %get3A_438 = arith.index_cast %add3A_437 : i32 to index
      %get3A_439 = arith.constant 112 : index
      %get3A_440 = tpu.vector_load %arg9[%get3A_438, %get3A_439] {strides = array<i32>} : memref<80x128xf32, #tpu.memory_space<vmem>>, vector<1x16xf32>,
      %get3A_441 = vector.shape_cast %get3A_440 : vector<1x16xf32> to vector<16xf32>
      %mul3A_442 = arith.constant 4 : i32
      %mul3A_443 = arith.muli %mul3A_442, %scan3A_231 : i32
      %add3A_444 = arith.constant 0 : i32
      %add3A_445 = arith.addi %mul3A_443, %add3A_444 : i32
      %get3A_446 = arith.index_cast %add3A_445 : i32 to index
      %get3A_447 = arith.constant 112 : index
      %get3A_448 = tpu.vector_load %arg10[%get3A_446, %get3A_447] {strides = array<i32>} : memref<80x128xf32, #tpu.memory_space<vmem>>, vector<1x16xf32>,
      %get3A_449 = vector.shape_cast %get3A_448 : vector<1x16xf32> to vector<16xf32>
      %add3A_450 = arith.addf %get3A_441, %get3A_449 : vector<16xf32>
      %max3A_451 = arith.constant 0.000000e+00 : f32
      %max3A_452 = vector.broadcast %max3A_451 : f32 to vector<16xf32>
      %max3A_453 = arith.maximumf %add3A_450, %max3A_452 : vector<16xf32>
      %mul3A_454 = arith.constant 4 : i32
      %mul3A_455 = arith.muli %mul3A_454, %scan3A_231 : i32
      %add3A_456 = arith.constant 0 : i32
      %add3A_457 = arith.addi %mul3A_455, %add3A_456 : i32
      %swap3A_458 = arith.index_cast %add3A_457 : i32 to index
      %swap3A_459 = arith.constant 112 : index
      %swap3A_460 = tpu.vector_load %arg9[%swap3A_458, %swap3A_459] {strides = array<i32>} : memref<80x128xf32, #tpu.memory_space<vmem>>, vector<1x16xf32>,
      %swap3A_461 = vector.shape_cast %swap3A_460 : vector<1x16xf32> to vector<16xf32>
      %swap3A_462 = vector.shape_cast %max3A_453 : vector<16xf32> to vector<1x16xf32>
      tpu.vector_store %arg9[%swap3A_458, %swap3A_459], %swap3A_462 {strides = array<i32>} : memref<80x128xf32, #tpu.memory_space<vmem>>, vector<1x16xf32>,
      %mul3A_463 = arith.constant 4 : i32
      %mul3A_464 = arith.muli %mul3A_463, %scan3A_231 : i32
      %add3A_465 = arith.constant 1 : i32
      %add3A_466 = arith.addi %mul3A_464, %add3A_465 : i32
      %get3A_467 = arith.index_cast %add3A_466 : i32 to index
      %get3A_468 = arith.constant 0 : index
      %get3A_469 = tpu.vector_load %arg9[%get3A_467, %get3A_468] {strides = array<i32>} : memref<80x128xf32, #tpu.memory_space<vmem>>, vector<1x16xf32>,
      %get3A_470 = vector.shape_cast %get3A_469 : vector<1x16xf32> to vector<16xf32>
      %mul3A_471 = arith.constant 4 : i32
      %mul3A_472 = arith.muli %mul3A_471, %scan3A_231 : i32
      %add3A_473 = arith.constant 1 : i32
      %add3A_474 = arith.addi %mul3A_472, %add3A_473 : i32
      %get3A_475 = arith.index_cast %add3A_474 : i32 to index
      %get3A_476 = arith.constant 0 : index
      %get3A_477 = tpu.vector_load %arg10[%get3A_475, %get3A_476] {strides = array<i32>} : memref<80x128xf32, #tpu.memory_space<vmem>>, vector<1x16xf32>,
      %get3A_478 = vector.shape_cast %get3A_477 : vector<1x16xf32> to vector<16xf32>
      %add3A_479 = arith.addf %get3A_470, %get3A_478 : vector<16xf32>
      %max3A_480 = arith.constant 0.000000e+00 : f32
      %max3A_481 = vector.broadcast %max3A_480 : f32 to vector<16xf32>
      %max3A_482 = arith.maximumf %add3A_479, %max3A_481 : vector<16xf32>
      %mul3A_483 = arith.constant 4 : i32
      %mul3A_484 = arith.muli %mul3A_483, %scan3A_231 : i32
      %add3A_485 = arith.constant 1 : i32
      %add3A_486 = arith.addi %mul3A_484, %add3A_485 : i32
      %swap3A_487 = arith.index_cast %add3A_486 : i32 to index
      %swap3A_488 = arith.constant 0 : index
      %swap3A_489 = tpu.vector_load %arg9[%swap3A_487, %swap3A_488] {strides = array<i32>} : memref<80x128xf32, #tpu.memory_space<vmem>>, vector<1x16xf32>,
      %swap3A_490 = vector.shape_cast %swap3A_489 : vector<1x16xf32> to vector<16xf32>
      %swap3A_491 = vector.shape_cast %max3A_482 : vector<16xf32> to vector<1x16xf32>
      tpu.vector_store %arg9[%swap3A_487, %swap3A_488], %swap3A_491 {strides = array<i32>} : memref<80x128xf32, #tpu.memory_space<vmem>>, vector<1x16xf32>,
      %mul3A_492 = arith.constant 4 : i32
      %mul3A_493 = arith.muli %mul3A_492, %scan3A_231 : i32
      %add3A_494 = arith.constant 1 : i32
      %add3A_495 = arith.addi %mul3A_493, %add3A_494 : i32
      %get3A_496 = arith.index_cast %add3A_495 : i32 to index
      %get3A_497 = arith.constant 16 : index
      %get3A_498 = tpu.vector_load %arg9[%get3A_496, %get3A_497] {strides = array<i32>} : memref<80x128xf32, #tpu.memory_space<vmem>>, vector<1x16xf32>,
      %get3A_499 = vector.shape_cast %get3A_498 : vector<1x16xf32> to vector<16xf32>
      %mul3A_500 = arith.constant 4 : i32
      %mul3A_501 = arith.muli %mul3A_500, %scan3A_231 : i32
      %add3A_502 = arith.constant 1 : i32
      %add3A_503 = arith.addi %mul3A_501, %add3A_502 : i32
      %get3A_504 = arith.index_cast %add3A_503 : i32 to index
      %get3A_505 = arith.constant 16 : index
      %get3A_506 = tpu.vector_load %arg10[%get3A_504, %get3A_505] {strides = array<i32>} : memref<80x128xf32, #tpu.memory_space<vmem>>, vector<1x16xf32>,
      %get3A_507 = vector.shape_cast %get3A_506 : vector<1x16xf32> to vector<16xf32>
      %add3A_508 = arith.addf %get3A_499, %get3A_507 : vector<16xf32>
      %max3A_509 = arith.constant 0.000000e+00 : f32
      %max3A_510 = vector.broadcast %max3A_509 : f32 to vector<16xf32>
      %max3A_511 = arith.maximumf %add3A_508, %max3A_510 : vector<16xf32>
      %mul3A_512 = arith.constant 4 : i32
      %mul3A_513 = arith.muli %mul3A_512, %scan3A_231 : i32
      %add3A_514 = arith.constant 1 : i32
      %add3A_515 = arith.addi %mul3A_513, %add3A_514 : i32
      %swap3A_516 = arith.index_cast %add3A_515 : i32 to index
      %swap3A_517 = arith.constant 16 : index
      %swap3A_518 = tpu.vector_load %arg9[%swap3A_516, %swap3A_517] {strides = array<i32>} : memref<80x128xf32, #tpu.memory_space<vmem>>, vector<1x16xf32>,
      %swap3A_519 = vector.shape_cast %swap3A_518 : vector<1x16xf32> to vector<16xf32>
      %swap3A_520 = vector.shape_cast %max3A_511 : vector<16xf32> to vector<1x16xf32>
      tpu.vector_store %arg9[%swap3A_516, %swap3A_517], %swap3A_520 {strides = array<i32>} : memref<80x128xf32, #tpu.memory_space<vmem>>, vector<1x16xf32>,
      %mul3A_521 = arith.constant 4 : i32
      %mul3A_522 = arith.muli %mul3A_521, %scan3A_231 : i32
      %add3A_523 = arith.constant 1 : i32
      %add3A_524 = arith.addi %mul3A_522, %add3A_523 : i32
      %get3A_525 = arith.index_cast %add3A_524 : i32 to index
      %get3A_526 = arith.constant 32 : index
      %get3A_527 = tpu.vector_load %arg9[%get3A_525, %get3A_526] {strides = array<i32>} : memref<80x128xf32, #tpu.memory_space<vmem>>, vector<1x16xf32>,
      %get3A_528 = vector.shape_cast %get3A_527 : vector<1x16xf32> to vector<16xf32>
      %mul3A_529 = arith.constant 4 : i32
      %mul3A_530 = arith.muli %mul3A_529, %scan3A_231 : i32
      %add3A_531 = arith.constant 1 : i32
      %add3A_532 = arith.addi %mul3A_530, %add3A_531 : i32
      %get3A_533 = arith.index_cast %add3A_532 : i32 to index
      %get3A_534 = arith.constant 32 : index
      %get3A_535 = tpu.vector_load %arg10[%get3A_533, %get3A_534] {strides = array<i32>} : memref<80x128xf32, #tpu.memory_space<vmem>>, vector<1x16xf32>,
      %get3A_536 = vector.shape_cast %get3A_535 : vector<1x16xf32> to vector<16xf32>
      %add3A_537 = arith.addf %get3A_528, %get3A_536 : vector<16xf32>
      %max3A_538 = arith.constant 0.000000e+00 : f32
      %max3A_539 = vector.broadcast %max3A_538 : f32 to vector<16xf32>
      %max3A_540 = arith.maximumf %add3A_537, %max3A_539 : vector<16xf32>
      %mul3A_541 = arith.constant 4 : i32
      %mul3A_542 = arith.muli %mul3A_541, %scan3A_231 : i32
      %add3A_543 = arith.constant 1 : i32
      %add3A_544 = arith.addi %mul3A_542, %add3A_543 : i32
      %swap3A_545 = arith.index_cast %add3A_544 : i32 to index
      %swap3A_546 = arith.constant 32 : index
      %swap3A_547 = tpu.vector_load %arg9[%swap3A_545, %swap3A_546] {strides = array<i32>} : memref<80x128xf32, #tpu.memory_space<vmem>>, vector<1x16xf32>,
      %swap3A_548 = vector.shape_cast %swap3A_547 : vector<1x16xf32> to vector<16xf32>
      %swap3A_549 = vector.shape_cast %max3A_540 : vector<16xf32> to vector<1x16xf32>
      tpu.vector_store %arg9[%swap3A_545, %swap3A_546], %swap3A_549 {strides = array<i32>} : memref<80x128xf32, #tpu.memory_space<vmem>>, vector<1x16xf32>,
      %mul3A_550 = arith.constant 4 : i32
      %mul3A_551 = arith.muli %mul3A_550, %scan3A_231 : i32
      %add3A_552 = arith.constant 1 : i32
      %add3A_553 = arith.addi %mul3A_551, %add3A_552 : i32
      %get3A_554 = arith.index_cast %add3A_553 : i32 to index
      %get3A_555 = arith.constant 48 : index
      %get3A_556 = tpu.vector_load %arg9[%get3A_554, %get3A_555] {strides = array<i32>} : memref<80x128xf32, #tpu.memory_space<vmem>>, vector<1x16xf32>,
      %get3A_557 = vector.shape_cast %get3A_556 : vector<1x16xf32> to vector<16xf32>
      %mul3A_558 = arith.constant 4 : i32
      %mul3A_559 = arith.muli %mul3A_558, %scan3A_231 : i32
      %add3A_560 = arith.constant 1 : i32
      %add3A_561 = arith.addi %mul3A_559, %add3A_560 : i32
      %get3A_562 = arith.index_cast %add3A_561 : i32 to index
      %get3A_563 = arith.constant 48 : index
      %get3A_564 = tpu.vector_load %arg10[%get3A_562, %get3A_563] {strides = array<i32>} : memref<80x128xf32, #tpu.memory_space<vmem>>, vector<1x16xf32>,
      %get3A_565 = vector.shape_cast %get3A_564 : vector<1x16xf32> to vector<16xf32>
      %add3A_566 = arith.addf %get3A_557, %get3A_565 : vector<16xf32>
      %max3A_567 = arith.constant 0.000000e+00 : f32
      %max3A_568 = vector.broadcast %max3A_567 : f32 to vector<16xf32>
      %max3A_569 = arith.maximumf %add3A_566, %max3A_568 : vector<16xf32>
      %mul3A_570 = arith.constant 4 : i32
      %mul3A_571 = arith.muli %mul3A_570, %scan3A_231 : i32
      %add3A_572 = arith.constant 1 : i32
      %add3A_573 = arith.addi %mul3A_571, %add3A_572 : i32
      %swap3A_574 = arith.index_cast %add3A_573 : i32 to index
      %swap3A_575 = arith.constant 48 : index
      %swap3A_576 = tpu.vector_load %arg9[%swap3A_574, %swap3A_575] {strides = array<i32>} : memref<80x128xf32, #tpu.memory_space<vmem>>, vector<1x16xf32>,
      %swap3A_577 = vector.shape_cast %swap3A_576 : vector<1x16xf32> to vector<16xf32>
      %swap3A_578 = vector.shape_cast %max3A_569 : vector<16xf32> to vector<1x16xf32>
      tpu.vector_store %arg9[%swap3A_574, %swap3A_575], %swap3A_578 {strides = array<i32>} : memref<80x128xf32, #tpu.memory_space<vmem>>, vector<1x16xf32>,
      %mul3A_579 = arith.constant 4 : i32
      %mul3A_580 = arith.muli %mul3A_579, %scan3A_231 : i32
      %add3A_581 = arith.constant 1 : i32
      %add3A_582 = arith.addi %mul3A_580, %add3A_581 : i32
      %get3A_583 = arith.index_cast %add3A_582 : i32 to index
      %get3A_584 = arith.constant 64 : index
      %get3A_585 = tpu.vector_load %arg9[%get3A_583, %get3A_584] {strides = array<i32>} : memref<80x128xf32, #tpu.memory_space<vmem>>, vector<1x16xf32>,
      %get3A_586 = vector.shape_cast %get3A_585 : vector<1x16xf32> to vector<16xf32>
      %mul3A_587 = arith.constant 4 : i32
      %mul3A_588 = arith.muli %mul3A_587, %scan3A_231 : i32
      %add3A_589 = arith.constant 1 : i32
      %add3A_590 = arith.addi %mul3A_588, %add3A_589 : i32
      %get3A_591 = arith.index_cast %add3A_590 : i32 to index
      %get3A_592 = arith.constant 64 : index
      %get3A_593 = tpu.vector_load %arg10[%get3A_591, %get3A_592] {strides = array<i32>} : memref<80x128xf32, #tpu.memory_space<vmem>>, vector<1x16xf32>,
      %get3A_594 = vector.shape_cast %get3A_593 : vector<1x16xf32> to vector<16xf32>
      %add3A_595 = arith.addf %get3A_586, %get3A_594 : vector<16xf32>
      %max3A_596 = arith.constant 0.000000e+00 : f32
      %max3A_597 = vector.broadcast %max3A_596 : f32 to vector<16xf32>
      %max3A_598 = arith.maximumf %add3A_595, %max3A_597 : vector<16xf32>
      %mul3A_599 = arith.constant 4 : i32
      %mul3A_600 = arith.muli %mul3A_599, %scan3A_231 : i32
      %add3A_601 = arith.constant 1 : i32
      %add3A_602 = arith.addi %mul3A_600, %add3A_601 : i32
      %swap3A_603 = arith.index_cast %add3A_602 : i32 to index
      %swap3A_604 = arith.constant 64 : index
      %swap3A_605 = tpu.vector_load %arg9[%swap3A_603, %swap3A_604] {strides = array<i32>} : memref<80x128xf32, #tpu.memory_space<vmem>>, vector<1x16xf32>,
      %swap3A_606 = vector.shape_cast %swap3A_605 : vector<1x16xf32> to vector<16xf32>
      %swap3A_607 = vector.shape_cast %max3A_598 : vector<16xf32> to vector<1x16xf32>
      tpu.vector_store %arg9[%swap3A_603, %swap3A_604], %swap3A_607 {strides = array<i32>} : memref<80x128xf32, #tpu.memory_space<vmem>>, vector<1x16xf32>,
      %mul3A_608 = arith.constant 4 : i32
      %mul3A_609 = arith.muli %mul3A_608, %scan3A_231 : i32
      %add3A_610 = arith.constant 1 : i32
      %add3A_611 = arith.addi %mul3A_609, %add3A_610 : i32
      %get3A_612 = arith.index_cast %add3A_611 : i32 to index
      %get3A_613 = arith.constant 80 : index
      %get3A_614 = tpu.vector_load %arg9[%get3A_612, %get3A_613] {strides = array<i32>} : memref<80x128xf32, #tpu.memory_space<vmem>>, vector<1x16xf32>,
      %get3A_615 = vector.shape_cast %get3A_614 : vector<1x16xf32> to vector<16xf32>
      %mul3A_616 = arith.constant 4 : i32
      %mul3A_617 = arith.muli %mul3A_616, %scan3A_231 : i32
      %add3A_618 = arith.constant 1 : i32
      %add3A_619 = arith.addi %mul3A_617, %add3A_618 : i32
      %get3A_620 = arith.index_cast %add3A_619 : i32 to index
      %get3A_621 = arith.constant 80 : index
      %get3A_622 = tpu.vector_load %arg10[%get3A_620, %get3A_621] {strides = array<i32>} : memref<80x128xf32, #tpu.memory_space<vmem>>, vector<1x16xf32>,
      %get3A_623 = vector.shape_cast %get3A_622 : vector<1x16xf32> to vector<16xf32>
      %add3A_624 = arith.addf %get3A_615, %get3A_623 : vector<16xf32>
      %max3A_625 = arith.constant 0.000000e+00 : f32
      %max3A_626 = vector.broadcast %max3A_625 : f32 to vector<16xf32>
      %max3A_627 = arith.maximumf %add3A_624, %max3A_626 : vector<16xf32>
      %mul3A_628 = arith.constant 4 : i32
      %mul3A_629 = arith.muli %mul3A_628, %scan3A_231 : i32
      %add3A_630 = arith.constant 1 : i32
      %add3A_631 = arith.addi %mul3A_629, %add3A_630 : i32
      %swap3A_632 = arith.index_cast %add3A_631 : i32 to index
      %swap3A_633 = arith.constant 80 : index
      %swap3A_634 = tpu.vector_load %arg9[%swap3A_632, %swap3A_633] {strides = array<i32>} : memref<80x128xf32, #tpu.memory_space<vmem>>, vector<1x16xf32>,
      %swap3A_635 = vector.shape_cast %swap3A_634 : vector<1x16xf32> to vector<16xf32>
      %swap3A_636 = vector.shape_cast %max3A_627 : vector<16xf32> to vector<1x16xf32>
      tpu.vector_store %arg9[%swap3A_632, %swap3A_633], %swap3A_636 {strides = array<i32>} : memref<80x128xf32, #tpu.memory_space<vmem>>, vector<1x16xf32>,
      %mul3A_637 = arith.constant 4 : i32
      %mul3A_638 = arith.muli %mul3A_637, %scan3A_231 : i32
      %add3A_639 = arith.constant 1 : i32
      %add3A_640 = arith.addi %mul3A_638, %add3A_639 : i32
      %get3A_641 = arith.index_cast %add3A_640 : i32 to index
      %get3A_642 = arith.constant 96 : index
      %get3A_643 = tpu.vector_load %arg9[%get3A_641, %get3A_642] {strides = array<i32>} : memref<80x128xf32, #tpu.memory_space<vmem>>, vector<1x16xf32>,
      %get3A_644 = vector.shape_cast %get3A_643 : vector<1x16xf32> to vector<16xf32>
      %mul3A_645 = arith.constant 4 : i32
      %mul3A_646 = arith.muli %mul3A_645, %scan3A_231 : i32
      %add3A_647 = arith.constant 1 : i32
      %add3A_648 = arith.addi %mul3A_646, %add3A_647 : i32
      %get3A_649 = arith.index_cast %add3A_648 : i32 to index
      %get3A_650 = arith.constant 96 : index
      %get3A_651 = tpu.vector_load %arg10[%get3A_649, %get3A_650] {strides = array<i32>} : memref<80x128xf32, #tpu.memory_space<vmem>>, vector<1x16xf32>,
      %get3A_652 = vector.shape_cast %get3A_651 : vector<1x16xf32> to vector<16xf32>
      %add3A_653 = arith.addf %get3A_644, %get3A_652 : vector<16xf32>
      %max3A_654 = arith.constant 0.000000e+00 : f32
      %max3A_655 = vector.broadcast %max3A_654 : f32 to vector<16xf32>
      %max3A_656 = arith.maximumf %add3A_653, %max3A_655 : vector<16xf32>
      %mul3A_657 = arith.constant 4 : i32
      %mul3A_658 = arith.muli %mul3A_657, %scan3A_231 : i32
      %add3A_659 = arith.constant 1 : i32
      %add3A_660 = arith.addi %mul3A_658, %add3A_659 : i32
      %swap3A_661 = arith.index_cast %add3A_660 : i32 to index
      %swap3A_662 = arith.constant 96 : index
      %swap3A_663 = tpu.vector_load %arg9[%swap3A_661, %swap3A_662] {strides = array<i32>} : memref<80x128xf32, #tpu.memory_space<vmem>>, vector<1x16xf32>,
      %swap3A_664 = vector.shape_cast %swap3A_663 : vector<1x16xf32> to vector<16xf32>
      %swap3A_665 = vector.shape_cast %max3A_656 : vector<16xf32> to vector<1x16xf32>
      tpu.vector_store %arg9[%swap3A_661, %swap3A_662], %swap3A_665 {strides = array<i32>} : memref<80x128xf32, #tpu.memory_space<vmem>>, vector<1x16xf32>,
      %mul3A_666 = arith.constant 4 : i32
      %mul3A_667 = arith.muli %mul3A_666, %scan3A_231 : i32
      %add3A_668 = arith.constant 1 : i32
      %add3A_669 = arith.addi %mul3A_667, %add3A_668 : i32
      %get3A_670 = arith.index_cast %add3A_669 : i32 to index
      %get3A_671 = arith.constant 112 : index
      %get3A_672 = tpu.vector_load %arg9[%get3A_670, %get3A_671] {strides = array<i32>} : memref<80x128xf32, #tpu.memory_space<vmem>>, vector<1x16xf32>,
      %get3A_673 = vector.shape_cast %get3A_672 : vector<1x16xf32> to vector<16xf32>
      %mul3A_674 = arith.constant 4 : i32
      %mul3A_675 = arith.muli %mul3A_674, %scan3A_231 : i32
      %add3A_676 = arith.constant 1 : i32
      %add3A_677 = arith.addi %mul3A_675, %add3A_676 : i32
      %get3A_678 = arith.index_cast %add3A_677 : i32 to index
      %get3A_679 = arith.constant 112 : index
      %get3A_680 = tpu.vector_load %arg10[%get3A_678, %get3A_679] {strides = array<i32>} : memref<80x128xf32, #tpu.memory_space<vmem>>, vector<1x16xf32>,
      %get3A_681 = vector.shape_cast %get3A_680 : vector<1x16xf32> to vector<16xf32>
      %add3A_682 = arith.addf %get3A_673, %get3A_681 : vector<16xf32>
      %max3A_683 = arith.constant 0.000000e+00 : f32
      %max3A_684 = vector.broadcast %max3A_683 : f32 to vector<16xf32>
      %max3A_685 = arith.maximumf %add3A_682, %max3A_684 : vector<16xf32>
      %mul3A_686 = arith.constant 4 : i32
      %mul3A_687 = arith.muli %mul3A_686, %scan3A_231 : i32
      %add3A_688 = arith.constant 1 : i32
      %add3A_689 = arith.addi %mul3A_687, %add3A_688 : i32
      %swap3A_690 = arith.index_cast %add3A_689 : i32 to index
      %swap3A_691 = arith.constant 112 : index
      %swap3A_692 = tpu.vector_load %arg9[%swap3A_690, %swap3A_691] {strides = array<i32>} : memref<80x128xf32, #tpu.memory_space<vmem>>, vector<1x16xf32>,
      %swap3A_693 = vector.shape_cast %swap3A_692 : vector<1x16xf32> to vector<16xf32>
      %swap3A_694 = vector.shape_cast %max3A_685 : vector<16xf32> to vector<1x16xf32>
      tpu.vector_store %arg9[%swap3A_690, %swap3A_691], %swap3A_694 {strides = array<i32>} : memref<80x128xf32, #tpu.memory_space<vmem>>, vector<1x16xf32>,
      %mul3A_695 = arith.constant 4 : i32
      %mul3A_696 = arith.muli %mul3A_695, %scan3A_231 : i32
      %add3A_697 = arith.constant 2 : i32
      %add3A_698 = arith.addi %mul3A_696, %add3A_697 : i32
      %get3A_699 = arith.index_cast %add3A_698 : i32 to index
      %get3A_700 = arith.constant 0 : index
      %get3A_701 = tpu.vector_load %arg9[%get3A_699, %get3A_700] {strides = array<i32>} : memref<80x128xf32, #tpu.memory_space<vmem>>, vector<1x16xf32>,
      %get3A_702 = vector.shape_cast %get3A_701 : vector<1x16xf32> to vector<16xf32>
      %mul3A_703 = arith.constant 4 : i32
      %mul3A_704 = arith.muli %mul3A_703, %scan3A_231 : i32
      %add3A_705 = arith.constant 2 : i32
      %add3A_706 = arith.addi %mul3A_704, %add3A_705 : i32
      %get3A_707 = arith.index_cast %add3A_706 : i32 to index
      %get3A_708 = arith.constant 0 : index
      %get3A_709 = tpu.vector_load %arg10[%get3A_707, %get3A_708] {strides = array<i32>} : memref<80x128xf32, #tpu.memory_space<vmem>>, vector<1x16xf32>,
      %get3A_710 = vector.shape_cast %get3A_709 : vector<1x16xf32> to vector<16xf32>
      %add3A_711 = arith.addf %get3A_702, %get3A_710 : vector<16xf32>
      %max3A_712 = arith.constant 0.000000e+00 : f32
      %max3A_713 = vector.broadcast %max3A_712 : f32 to vector<16xf32>
      %max3A_714 = arith.maximumf %add3A_711, %max3A_713 : vector<16xf32>
      %mul3A_715 = arith.constant 4 : i32
      %mul3A_716 = arith.muli %mul3A_715, %scan3A_231 : i32
      %add3A_717 = arith.constant 2 : i32
      %add3A_718 = arith.addi %mul3A_716, %add3A_717 : i32
      %swap3A_719 = arith.index_cast %add3A_718 : i32 to index
      %swap3A_720 = arith.constant 0 : index
      %swap3A_721 = tpu.vector_load %arg9[%swap3A_719, %swap3A_720] {strides = array<i32>} : memref<80x128xf32, #tpu.memory_space<vmem>>, vector<1x16xf32>,
      %swap3A_722 = vector.shape_cast %swap3A_721 : vector<1x16xf32> to vector<16xf32>
      %swap3A_723 = vector.shape_cast %max3A_714 : vector<16xf32> to vector<1x16xf32>
      tpu.vector_store %arg9[%swap3A_719, %swap3A_720], %swap3A_723 {strides = array<i32>} : memref<80x128xf32, #tpu.memory_space<vmem>>, vector<1x16xf32>,
      %mul3A_724 = arith.constant 4 : i32
      %mul3A_725 = arith.muli %mul3A_724, %scan3A_231 : i32
      %add3A_726 = arith.constant 2 : i32
      %add3A_727 = arith.addi %mul3A_725, %add3A_726 : i32
      %get3A_728 = arith.index_cast %add3A_727 : i32 to index
      %get3A_729 = arith.constant 16 : index
      %get3A_730 = tpu.vector_load %arg9[%get3A_728, %get3A_729] {strides = array<i32>} : memref<80x128xf32, #tpu.memory_space<vmem>>, vector<1x16xf32>,
      %get3A_731 = vector.shape_cast %get3A_730 : vector<1x16xf32> to vector<16xf32>
      %mul3A_732 = arith.constant 4 : i32
      %mul3A_733 = arith.muli %mul3A_732, %scan3A_231 : i32
      %add3A_734 = arith.constant 2 : i32
      %add3A_735 = arith.addi %mul3A_733, %add3A_734 : i32
      %get3A_736 = arith.index_cast %add3A_735 : i32 to index
      %get3A_737 = arith.constant 16 : index
      %get3A_738 = tpu.vector_load %arg10[%get3A_736, %get3A_737] {strides = array<i32>} : memref<80x128xf32, #tpu.memory_space<vmem>>, vector<1x16xf32>,
      %get3A_739 = vector.shape_cast %get3A_738 : vector<1x16xf32> to vector<16xf32>
      %add3A_740 = arith.addf %get3A_731, %get3A_739 : vector<16xf32>
      %max3A_741 = arith.constant 0.000000e+00 : f32
      %max3A_742 = vector.broadcast %max3A_741 : f32 to vector<16xf32>
      %max3A_743 = arith.maximumf %add3A_740, %max3A_742 : vector<16xf32>
      %mul3A_744 = arith.constant 4 : i32
      %mul3A_745 = arith.muli %mul3A_744, %scan3A_231 : i32
      %add3A_746 = arith.constant 2 : i32
      %add3A_747 = arith.addi %mul3A_745, %add3A_746 : i32
      %swap3A_748 = arith.index_cast %add3A_747 : i32 to index
      %swap3A_749 = arith.constant 16 : index
      %swap3A_750 = tpu.vector_load %arg9[%swap3A_748, %swap3A_749] {strides = array<i32>} : memref<80x128xf32, #tpu.memory_space<vmem>>, vector<1x16xf32>,
      %swap3A_751 = vector.shape_cast %swap3A_750 : vector<1x16xf32> to vector<16xf32>
      %swap3A_752 = vector.shape_cast %max3A_743 : vector<16xf32> to vector<1x16xf32>
      tpu.vector_store %arg9[%swap3A_748, %swap3A_749], %swap3A_752 {strides = array<i32>} : memref<80x128xf32, #tpu.memory_space<vmem>>, vector<1x16xf32>,
      %mul3A_753 = arith.constant 4 : i32
      %mul3A_754 = arith.muli %mul3A_753, %scan3A_231 : i32
      %add3A_755 = arith.constant 2 : i32
      %add3A_756 = arith.addi %mul3A_754, %add3A_755 : i32
      %get3A_757 = arith.index_cast %add3A_756 : i32 to index
      %get3A_758 = arith.constant 32 : index
      %get3A_759 = tpu.vector_load %arg9[%get3A_757, %get3A_758] {strides = array<i32>} : memref<80x128xf32, #tpu.memory_space<vmem>>, vector<1x16xf32>,
      %get3A_760 = vector.shape_cast %get3A_759 : vector<1x16xf32> to vector<16xf32>
      %mul3A_761 = arith.constant 4 : i32
      %mul3A_762 = arith.muli %mul3A_761, %scan3A_231 : i32
      %add3A_763 = arith.constant 2 : i32
      %add3A_764 = arith.addi %mul3A_762, %add3A_763 : i32
      %get3A_765 = arith.index_cast %add3A_764 : i32 to index
      %get3A_766 = arith.constant 32 : index
      %get3A_767 = tpu.vector_load %arg10[%get3A_765, %get3A_766] {strides = array<i32>} : memref<80x128xf32, #tpu.memory_space<vmem>>, vector<1x16xf32>,
      %get3A_768 = vector.shape_cast %get3A_767 : vector<1x16xf32> to vector<16xf32>
      %add3A_769 = arith.addf %get3A_760, %get3A_768 : vector<16xf32>
      %max3A_770 = arith.constant 0.000000e+00 : f32
      %max3A_771 = vector.broadcast %max3A_770 : f32 to vector<16xf32>
      %max3A_772 = arith.maximumf %add3A_769, %max3A_771 : vector<16xf32>
      %mul3A_773 = arith.constant 4 : i32
      %mul3A_774 = arith.muli %mul3A_773, %scan3A_231 : i32
      %add3A_775 = arith.constant 2 : i32
      %add3A_776 = arith.addi %mul3A_774, %add3A_775 : i32
      %swap3A_777 = arith.index_cast %add3A_776 : i32 to index
      %swap3A_778 = arith.constant 32 : index
      %swap3A_779 = tpu.vector_load %arg9[%swap3A_777, %swap3A_778] {strides = array<i32>} : memref<80x128xf32, #tpu.memory_space<vmem>>, vector<1x16xf32>,
      %swap3A_780 = vector.shape_cast %swap3A_779 : vector<1x16xf32> to vector<16xf32>
      %swap3A_781 = vector.shape_cast %max3A_772 : vector<16xf32> to vector<1x16xf32>
      tpu.vector_store %arg9[%swap3A_777, %swap3A_778], %swap3A_781 {strides = array<i32>} : memref<80x128xf32, #tpu.memory_space<vmem>>, vector<1x16xf32>,
      %mul3A_782 = arith.constant 4 : i32
      %mul3A_783 = arith.muli %mul3A_782, %scan3A_231 : i32
      %add3A_784 = arith.constant 2 : i32
      %add3A_785 = arith.addi %mul3A_783, %add3A_784 : i32
      %get3A_786 = arith.index_cast %add3A_785 : i32 to index
      %get3A_787 = arith.constant 48 : index
      %get3A_788 = tpu.vector_load %arg9[%get3A_786, %get3A_787] {strides = array<i32>} : memref<80x128xf32, #tpu.memory_space<vmem>>, vector<1x16xf32>,
      %get3A_789 = vector.shape_cast %get3A_788 : vector<1x16xf32> to vector<16xf32>
      %mul3A_790 = arith.constant 4 : i32
      %mul3A_791 = arith.muli %mul3A_790, %scan3A_231 : i32
      %add3A_792 = arith.constant 2 : i32
      %add3A_793 = arith.addi %mul3A_791, %add3A_792 : i32
      %get3A_794 = arith.index_cast %add3A_793 : i32 to index
      %get3A_795 = arith.constant 48 : index
      %get3A_796 = tpu.vector_load %arg10[%get3A_794, %get3A_795] {strides = array<i32>} : memref<80x128xf32, #tpu.memory_space<vmem>>, vector<1x16xf32>,
      %get3A_797 = vector.shape_cast %get3A_796 : vector<1x16xf32> to vector<16xf32>
      %add3A_798 = arith.addf %get3A_789, %get3A_797 : vector<16xf32>
      %max3A_799 = arith.constant 0.000000e+00 : f32
      %max3A_800 = vector.broadcast %max3A_799 : f32 to vector<16xf32>
      %max3A_801 = arith.maximumf %add3A_798, %max3A_800 : vector<16xf32>
      %mul3A_802 = arith.constant 4 : i32
      %mul3A_803 = arith.muli %mul3A_802, %scan3A_231 : i32
      %add3A_804 = arith.constant 2 : i32
      %add3A_805 = arith.addi %mul3A_803, %add3A_804 : i32
      %swap3A_806 = arith.index_cast %add3A_805 : i32 to index
      %swap3A_807 = arith.constant 48 : index
      %swap3A_808 = tpu.vector_load %arg9[%swap3A_806, %swap3A_807] {strides = array<i32>} : memref<80x128xf32, #tpu.memory_space<vmem>>, vector<1x16xf32>,
      %swap3A_809 = vector.shape_cast %swap3A_808 : vector<1x16xf32> to vector<16xf32>
      %swap3A_810 = vector.shape_cast %max3A_801 : vector<16xf32> to vector<1x16xf32>
      tpu.vector_store %arg9[%swap3A_806, %swap3A_807], %swap3A_810 {strides = array<i32>} : memref<80x128xf32, #tpu.memory_space<vmem>>, vector<1x16xf32>,
      %mul3A_811 = arith.constant 4 : i32
      %mul3A_812 = arith.muli %mul3A_811, %scan3A_231 : i32
      %add3A_813 = arith.constant 2 : i32
      %add3A_814 = arith.addi %mul3A_812, %add3A_813 : i32
      %get3A_815 = arith.index_cast %add3A_814 : i32 to index
      %get3A_816 = arith.constant 64 : index
      %get3A_817 = tpu.vector_load %arg9[%get3A_815, %get3A_816] {strides = array<i32>} : memref<80x128xf32, #tpu.memory_space<vmem>>, vector<1x16xf32>,
      %get3A_818 = vector.shape_cast %get3A_817 : vector<1x16xf32> to vector<16xf32>
      %mul3A_819 = arith.constant 4 : i32
      %mul3A_820 = arith.muli %mul3A_819, %scan3A_231 : i32
      %add3A_821 = arith.constant 2 : i32
      %add3A_822 = arith.addi %mul3A_820, %add3A_821 : i32
      %get3A_823 = arith.index_cast %add3A_822 : i32 to index
      %get3A_824 = arith.constant 64 : index
      %get3A_825 = tpu.vector_load %arg10[%get3A_823, %get3A_824] {strides = array<i32>} : memref<80x128xf32, #tpu.memory_space<vmem>>, vector<1x16xf32>,
      %get3A_826 = vector.shape_cast %get3A_825 : vector<1x16xf32> to vector<16xf32>
      %add3A_827 = arith.addf %get3A_818, %get3A_826 : vector<16xf32>
      %max3A_828 = arith.constant 0.000000e+00 : f32
      %max3A_829 = vector.broadcast %max3A_828 : f32 to vector<16xf32>
      %max3A_830 = arith.maximumf %add3A_827, %max3A_829 : vector<16xf32>
      %mul3A_831 = arith.constant 4 : i32
      %mul3A_832 = arith.muli %mul3A_831, %scan3A_231 : i32
      %add3A_833 = arith.constant 2 : i32
      %add3A_834 = arith.addi %mul3A_832, %add3A_833 : i32
      %swap3A_835 = arith.index_cast %add3A_834 : i32 to index
      %swap3A_836 = arith.constant 64 : index
      %swap3A_837 = tpu.vector_load %arg9[%swap3A_835, %swap3A_836] {strides = array<i32>} : memref<80x128xf32, #tpu.memory_space<vmem>>, vector<1x16xf32>,
      %swap3A_838 = vector.shape_cast %swap3A_837 : vector<1x16xf32> to vector<16xf32>
      %swap3A_839 = vector.shape_cast %max3A_830 : vector<16xf32> to vector<1x16xf32>
      tpu.vector_store %arg9[%swap3A_835, %swap3A_836], %swap3A_839 {strides = array<i32>} : memref<80x128xf32, #tpu.memory_space<vmem>>, vector<1x16xf32>,
      %mul3A_840 = arith.constant 4 : i32
      %mul3A_841 = arith.muli %mul3A_840, %scan3A_231 : i32
      %add3A_842 = arith.constant 2 : i32
      %add3A_843 = arith.addi %mul3A_841, %add3A_842 : i32
      %get3A_844 = arith.index_cast %add3A_843 : i32 to index
      %get3A_845 = arith.constant 80 : index
      %get3A_846 = tpu.vector_load %arg9[%get3A_844, %get3A_845] {strides = array<i32>} : memref<80x128xf32, #tpu.memory_space<vmem>>, vector<1x16xf32>,
      %get3A_847 = vector.shape_cast %get3A_846 : vector<1x16xf32> to vector<16xf32>
      %mul3A_848 = arith.constant 4 : i32
      %mul3A_849 = arith.muli %mul3A_848, %scan3A_231 : i32
      %add3A_850 = arith.constant 2 : i32
      %add3A_851 = arith.addi %mul3A_849, %add3A_850 : i32
      %get3A_852 = arith.index_cast %add3A_851 : i32 to index
      %get3A_853 = arith.constant 80 : index
      %get3A_854 = tpu.vector_load %arg10[%get3A_852, %get3A_853] {strides = array<i32>} : memref<80x128xf32, #tpu.memory_space<vmem>>, vector<1x16xf32>,
      %get3A_855 = vector.shape_cast %get3A_854 : vector<1x16xf32> to vector<16xf32>
      %add3A_856 = arith.addf %get3A_847, %get3A_855 : vector<16xf32>
      %max3A_857 = arith.constant 0.000000e+00 : f32
      %max3A_858 = vector.broadcast %max3A_857 : f32 to vector<16xf32>
      %max3A_859 = arith.maximumf %add3A_856, %max3A_858 : vector<16xf32>
      %mul3A_860 = arith.constant 4 : i32
      %mul3A_861 = arith.muli %mul3A_860, %scan3A_231 : i32
      %add3A_862 = arith.constant 2 : i32
      %add3A_863 = arith.addi %mul3A_861, %add3A_862 : i32
      %swap3A_864 = arith.index_cast %add3A_863 : i32 to index
      %swap3A_865 = arith.constant 80 : index
      %swap3A_866 = tpu.vector_load %arg9[%swap3A_864, %swap3A_865] {strides = array<i32>} : memref<80x128xf32, #tpu.memory_space<vmem>>, vector<1x16xf32>,
      %swap3A_867 = vector.shape_cast %swap3A_866 : vector<1x16xf32> to vector<16xf32>
      %swap3A_868 = vector.shape_cast %max3A_859 : vector<16xf32> to vector<1x16xf32>
      tpu.vector_store %arg9[%swap3A_864, %swap3A_865], %swap3A_868 {strides = array<i32>} : memref<80x128xf32, #tpu.memory_space<vmem>>, vector<1x16xf32>,
      %mul3A_869 = arith.constant 4 : i32
      %mul3A_870 = arith.muli %mul3A_869, %scan3A_231 : i32
      %add3A_871 = arith.constant 2 : i32
      %add3A_872 = arith.addi %mul3A_870, %add3A_871 : i32
      %get3A_873 = arith.index_cast %add3A_872 : i32 to index
      %get3A_874 = arith.constant 96 : index
      %get3A_875 = tpu.vector_load %arg9[%get3A_873, %get3A_874] {strides = array<i32>} : memref<80x128xf32, #tpu.memory_space<vmem>>, vector<1x16xf32>,
      %get3A_876 = vector.shape_cast %get3A_875 : vector<1x16xf32> to vector<16xf32>
      %mul3A_877 = arith.constant 4 : i32
      %mul3A_878 = arith.muli %mul3A_877, %scan3A_231 : i32
      %add3A_879 = arith.constant 2 : i32
      %add3A_880 = arith.addi %mul3A_878, %add3A_879 : i32
      %get3A_881 = arith.index_cast %add3A_880 : i32 to index
      %get3A_882 = arith.constant 96 : index
      %get3A_883 = tpu.vector_load %arg10[%get3A_881, %get3A_882] {strides = array<i32>} : memref<80x128xf32, #tpu.memory_space<vmem>>, vector<1x16xf32>,
      %get3A_884 = vector.shape_cast %get3A_883 : vector<1x16xf32> to vector<16xf32>
      %add3A_885 = arith.addf %get3A_876, %get3A_884 : vector<16xf32>
      %max3A_886 = arith.constant 0.000000e+00 : f32
      %max3A_887 = vector.broadcast %max3A_886 : f32 to vector<16xf32>
      %max3A_888 = arith.maximumf %add3A_885, %max3A_887 : vector<16xf32>
      %mul3A_889 = arith.constant 4 : i32
      %mul3A_890 = arith.muli %mul3A_889, %scan3A_231 : i32
      %add3A_891 = arith.constant 2 : i32
      %add3A_892 = arith.addi %mul3A_890, %add3A_891 : i32
      %swap3A_893 = arith.index_cast %add3A_892 : i32 to index
      %swap3A_894 = arith.constant 96 : index
      %swap3A_895 = tpu.vector_load %arg9[%swap3A_893, %swap3A_894] {strides = array<i32>} : memref<80x128xf32, #tpu.memory_space<vmem>>, vector<1x16xf32>,
      %swap3A_896 = vector.shape_cast %swap3A_895 : vector<1x16xf32> to vector<16xf32>
      %swap3A_897 = vector.shape_cast %max3A_888 : vector<16xf32> to vector<1x16xf32>
      tpu.vector_store %arg9[%swap3A_893, %swap3A_894], %swap3A_897 {strides = array<i32>} : memref<80x128xf32, #tpu.memory_space<vmem>>, vector<1x16xf32>,
      %mul3A_898 = arith.constant 4 : i32
      %mul3A_899 = arith.muli %mul3A_898, %scan3A_231 : i32
      %add3A_900 = arith.constant 2 : i32
      %add3A_901 = arith.addi %mul3A_899, %add3A_900 : i32
      %get3A_902 = arith.index_cast %add3A_901 : i32 to index
      %get3A_903 = arith.constant 112 : index
      %get3A_904 = tpu.vector_load %arg9[%get3A_902, %get3A_903] {strides = array<i32>} : memref<80x128xf32, #tpu.memory_space<vmem>>, vector<1x16xf32>,
      %get3A_905 = vector.shape_cast %get3A_904 : vector<1x16xf32> to vector<16xf32>
      %mul3A_906 = arith.constant 4 : i32
      %mul3A_907 = arith.muli %mul3A_906, %scan3A_231 : i32
      %add3A_908 = arith.constant 2 : i32
      %add3A_909 = arith.addi %mul3A_907, %add3A_908 : i32
      %get3A_910 = arith.index_cast %add3A_909 : i32 to index
      %get3A_911 = arith.constant 112 : index
      %get3A_912 = tpu.vector_load %arg10[%get3A_910, %get3A_911] {strides = array<i32>} : memref<80x128xf32, #tpu.memory_space<vmem>>, vector<1x16xf32>,
      %get3A_913 = vector.shape_cast %get3A_912 : vector<1x16xf32> to vector<16xf32>
      %add3A_914 = arith.addf %get3A_905, %get3A_913 : vector<16xf32>
      %max3A_915 = arith.constant 0.000000e+00 : f32
      %max3A_916 = vector.broadcast %max3A_915 : f32 to vector<16xf32>
      %max3A_917 = arith.maximumf %add3A_914, %max3A_916 : vector<16xf32>
      %mul3A_918 = arith.constant 4 : i32
      %mul3A_919 = arith.muli %mul3A_918, %scan3A_231 : i32
      %add3A_920 = arith.constant 2 : i32
      %add3A_921 = arith.addi %mul3A_919, %add3A_920 : i32
      %swap3A_922 = arith.index_cast %add3A_921 : i32 to index
      %swap3A_923 = arith.constant 112 : index
      %swap3A_924 = tpu.vector_load %arg9[%swap3A_922, %swap3A_923] {strides = array<i32>} : memref<80x128xf32, #tpu.memory_space<vmem>>, vector<1x16xf32>,
      %swap3A_925 = vector.shape_cast %swap3A_924 : vector<1x16xf32> to vector<16xf32>
      %swap3A_926 = vector.shape_cast %max3A_917 : vector<16xf32> to vector<1x16xf32>
      tpu.vector_store %arg9[%swap3A_922, %swap3A_923], %swap3A_926 {strides = array<i32>} : memref<80x128xf32, #tpu.memory_space<vmem>>, vector<1x16xf32>,
      %mul3A_927 = arith.constant 4 : i32
      %mul3A_928 = arith.muli %mul3A_927, %scan3A_231 : i32
      %add3A_929 = arith.constant 3 : i32
      %add3A_930 = arith.addi %mul3A_928, %add3A_929 : i32
      %get3A_931 = arith.index_cast %add3A_930 : i32 to index
      %get3A_932 = arith.constant 0 : index
      %get3A_933 = tpu.vector_load %arg9[%get3A_931, %get3A_932] {strides = array<i32>} : memref<80x128xf32, #tpu.memory_space<vmem>>, vector<1x16xf32>,
      %get3A_934 = vector.shape_cast %get3A_933 : vector<1x16xf32> to vector<16xf32>
      %mul3A_935 = arith.constant 4 : i32
      %mul3A_936 = arith.muli %mul3A_935, %scan3A_231 : i32
      %add3A_937 = arith.constant 3 : i32
      %add3A_938 = arith.addi %mul3A_936, %add3A_937 : i32
      %get3A_939 = arith.index_cast %add3A_938 : i32 to index
      %get3A_940 = arith.constant 0 : index
      %get3A_941 = tpu.vector_load %arg10[%get3A_939, %get3A_940] {strides = array<i32>} : memref<80x128xf32, #tpu.memory_space<vmem>>, vector<1x16xf32>,
      %get3A_942 = vector.shape_cast %get3A_941 : vector<1x16xf32> to vector<16xf32>
      %add3A_943 = arith.addf %get3A_934, %get3A_942 : vector<16xf32>
      %max3A_944 = arith.constant 0.000000e+00 : f32
      %max3A_945 = vector.broadcast %max3A_944 : f32 to vector<16xf32>
      %max3A_946 = arith.maximumf %add3A_943, %max3A_945 : vector<16xf32>
      %mul3A_947 = arith.constant 4 : i32
      %mul3A_948 = arith.muli %mul3A_947, %scan3A_231 : i32
      %add3A_949 = arith.constant 3 : i32
      %add3A_950 = arith.addi %mul3A_948, %add3A_949 : i32
      %swap3A_951 = arith.index_cast %add3A_950 : i32 to index
      %swap3A_952 = arith.constant 0 : index
      %swap3A_953 = tpu.vector_load %arg9[%swap3A_951, %swap3A_952] {strides = array<i32>} : memref<80x128xf32, #tpu.memory_space<vmem>>, vector<1x16xf32>,
      %swap3A_954 = vector.shape_cast %swap3A_953 : vector<1x16xf32> to vector<16xf32>
      %swap3A_955 = vector.shape_cast %max3A_946 : vector<16xf32> to vector<1x16xf32>
      tpu.vector_store %arg9[%swap3A_951, %swap3A_952], %swap3A_955 {strides = array<i32>} : memref<80x128xf32, #tpu.memory_space<vmem>>, vector<1x16xf32>,
      %mul3A_956 = arith.constant 4 : i32
      %mul3A_957 = arith.muli %mul3A_956, %scan3A_231 : i32
      %add3A_958 = arith.constant 3 : i32
      %add3A_959 = arith.addi %mul3A_957, %add3A_958 : i32
      %get3A_960 = arith.index_cast %add3A_959 : i32 to index
      %get3A_961 = arith.constant 16 : index
      %get3A_962 = tpu.vector_load %arg9[%get3A_960, %get3A_961] {strides = array<i32>} : memref<80x128xf32, #tpu.memory_space<vmem>>, vector<1x16xf32>,
      %get3A_963 = vector.shape_cast %get3A_962 : vector<1x16xf32> to vector<16xf32>
      %mul3A_964 = arith.constant 4 : i32
      %mul3A_965 = arith.muli %mul3A_964, %scan3A_231 : i32
      %add3A_966 = arith.constant 3 : i32
      %add3A_967 = arith.addi %mul3A_965, %add3A_966 : i32
      %get3A_968 = arith.index_cast %add3A_967 : i32 to index
      %get3A_969 = arith.constant 16 : index
      %get3A_970 = tpu.vector_load %arg10[%get3A_968, %get3A_969] {strides = array<i32>} : memref<80x128xf32, #tpu.memory_space<vmem>>, vector<1x16xf32>,
      %get3A_971 = vector.shape_cast %get3A_970 : vector<1x16xf32> to vector<16xf32>
      %add3A_972 = arith.addf %get3A_963, %get3A_971 : vector<16xf32>
      %max3A_973 = arith.constant 0.000000e+00 : f32
      %max3A_974 = vector.broadcast %max3A_973 : f32 to vector<16xf32>
      %max3A_975 = arith.maximumf %add3A_972, %max3A_974 : vector<16xf32>
      %mul3A_976 = arith.constant 4 : i32
      %mul3A_977 = arith.muli %mul3A_976, %scan3A_231 : i32
      %add3A_978 = arith.constant 3 : i32
      %add3A_979 = arith.addi %mul3A_977, %add3A_978 : i32
      %swap3A_980 = arith.index_cast %add3A_979 : i32 to index
      %swap3A_981 = arith.constant 16 : index
      %swap3A_982 = tpu.vector_load %arg9[%swap3A_980, %swap3A_981] {strides = array<i32>} : memref<80x128xf32, #tpu.memory_space<vmem>>, vector<1x16xf32>,
      %swap3A_983 = vector.shape_cast %swap3A_982 : vector<1x16xf32> to vector<16xf32>
      %swap3A_984 = vector.shape_cast %max3A_975 : vector<16xf32> to vector<1x16xf32>
      tpu.vector_store %arg9[%swap3A_980, %swap3A_981], %swap3A_984 {strides = array<i32>} : memref<80x128xf32, #tpu.memory_space<vmem>>, vector<1x16xf32>,
      %mul3A_985 = arith.constant 4 : i32
      %mul3A_986 = arith.muli %mul3A_985, %scan3A_231 : i32
      %add3A_987 = arith.constant 3 : i32
      %add3A_988 = arith.addi %mul3A_986, %add3A_987 : i32
      %get3A_989 = arith.index_cast %add3A_988 : i32 to index
      %get3A_990 = arith.constant 32 : index
      %get3A_991 = tpu.vector_load %arg9[%get3A_989, %get3A_990] {strides = array<i32>} : memref<80x128xf32, #tpu.memory_space<vmem>>, vector<1x16xf32>,
      %get3A_992 = vector.shape_cast %get3A_991 : vector<1x16xf32> to vector<16xf32>
      %mul3A_993 = arith.constant 4 : i32
      %mul3A_994 = arith.muli %mul3A_993, %scan3A_231 : i32
      %add3A_995 = arith.constant 3 : i32
      %add3A_996 = arith.addi %mul3A_994, %add3A_995 : i32
      %get3A_997 = arith.index_cast %add3A_996 : i32 to index
      %get3A_998 = arith.constant 32 : index
      %get3A_999 = tpu.vector_load %arg10[%get3A_997, %get3A_998] {strides = array<i32>} : memref<80x128xf32, #tpu.memory_space<vmem>>, vector<1x16xf32>,
      %get3A_1000 = vector.shape_cast %get3A_999 : vector<1x16xf32> to vector<16xf32>
      %add3A_1001 = arith.addf %get3A_992, %get3A_1000 : vector<16xf32>
      %max3A_1002 = arith.constant 0.000000e+00 : f32
      %max3A_1003 = vector.broadcast %max3A_1002 : f32 to vector<16xf32>
      %max3A_1004 = arith.maximumf %add3A_1001, %max3A_1003 : vector<16xf32>
      %mul3A_1005 = arith.constant 4 : i32
      %mul3A_1006 = arith.muli %mul3A_1005, %scan3A_231 : i32
      %add3A_1007 = arith.constant 3 : i32
      %add3A_1008 = arith.addi %mul3A_1006, %add3A_1007 : i32
      %swap3A_1009 = arith.index_cast %add3A_1008 : i32 to index
      %swap3A_1010 = arith.constant 32 : index
      %swap3A_1011 = tpu.vector_load %arg9[%swap3A_1009, %swap3A_1010] {strides = array<i32>} : memref<80x128xf32, #tpu.memory_space<vmem>>, vector<1x16xf32>,
      %swap3A_1012 = vector.shape_cast %swap3A_1011 : vector<1x16xf32> to vector<16xf32>
      %swap3A_1013 = vector.shape_cast %max3A_1004 : vector<16xf32> to vector<1x16xf32>
      tpu.vector_store %arg9[%swap3A_1009, %swap3A_1010], %swap3A_1013 {strides = array<i32>} : memref<80x128xf32, #tpu.memory_space<vmem>>, vector<1x16xf32>,
      %mul3A_1014 = arith.constant 4 : i32
      %mul3A_1015 = arith.muli %mul3A_1014, %scan3A_231 : i32
      %add3A_1016 = arith.constant 3 : i32
      %add3A_1017 = arith.addi %mul3A_1015, %add3A_1016 : i32
      %get3A_1018 = arith.index_cast %add3A_1017 : i32 to index
      %get3A_1019 = arith.constant 48 : index
      %get3A_1020 = tpu.vector_load %arg9[%get3A_1018, %get3A_1019] {strides = array<i32>} : memref<80x128xf32, #tpu.memory_space<vmem>>, vector<1x16xf32>,
      %get3A_1021 = vector.shape_cast %get3A_1020 : vector<1x16xf32> to vector<16xf32>
      %mul3A_1022 = arith.constant 4 : i32
      %mul3A_1023 = arith.muli %mul3A_1022, %scan3A_231 : i32
      %add3A_1024 = arith.constant 3 : i32
      %add3A_1025 = arith.addi %mul3A_1023, %add3A_1024 : i32
      %get3A_1026 = arith.index_cast %add3A_1025 : i32 to index
      %get3A_1027 = arith.constant 48 : index
      %get3A_1028 = tpu.vector_load %arg10[%get3A_1026, %get3A_1027] {strides = array<i32>} : memref<80x128xf32, #tpu.memory_space<vmem>>, vector<1x16xf32>,
      %get3A_1029 = vector.shape_cast %get3A_1028 : vector<1x16xf32> to vector<16xf32>
      %add3A_1030 = arith.addf %get3A_1021, %get3A_1029 : vector<16xf32>
      %max3A_1031 = arith.constant 0.000000e+00 : f32
      %max3A_1032 = vector.broadcast %max3A_1031 : f32 to vector<16xf32>
      %max3A_1033 = arith.maximumf %add3A_1030, %max3A_1032 : vector<16xf32>
      %mul3A_1034 = arith.constant 4 : i32
      %mul3A_1035 = arith.muli %mul3A_1034, %scan3A_231 : i32
      %add3A_1036 = arith.constant 3 : i32
      %add3A_1037 = arith.addi %mul3A_1035, %add3A_1036 : i32
      %swap3A_1038 = arith.index_cast %add3A_1037 : i32 to index
      %swap3A_1039 = arith.constant 48 : index
      %swap3A_1040 = tpu.vector_load %arg9[%swap3A_1038, %swap3A_1039] {strides = array<i32>} : memref<80x128xf32, #tpu.memory_space<vmem>>, vector<1x16xf32>,
      %swap3A_1041 = vector.shape_cast %swap3A_1040 : vector<1x16xf32> to vector<16xf32>
      %swap3A_1042 = vector.shape_cast %max3A_1033 : vector<16xf32> to vector<1x16xf32>
      tpu.vector_store %arg9[%swap3A_1038, %swap3A_1039], %swap3A_1042 {strides = array<i32>} : memref<80x128xf32, #tpu.memory_space<vmem>>, vector<1x16xf32>,
      %mul3A_1043 = arith.constant 4 : i32
      %mul3A_1044 = arith.muli %mul3A_1043, %scan3A_231 : i32
      %add3A_1045 = arith.constant 3 : i32
      %add3A_1046 = arith.addi %mul3A_1044, %add3A_1045 : i32
      %get3A_1047 = arith.index_cast %add3A_1046 : i32 to index
      %get3A_1048 = arith.constant 64 : index
      %get3A_1049 = tpu.vector_load %arg9[%get3A_1047, %get3A_1048] {strides = array<i32>} : memref<80x128xf32, #tpu.memory_space<vmem>>, vector<1x16xf32>,
      %get3A_1050 = vector.shape_cast %get3A_1049 : vector<1x16xf32> to vector<16xf32>
      %mul3A_1051 = arith.constant 4 : i32
      %mul3A_1052 = arith.muli %mul3A_1051, %scan3A_231 : i32
      %add3A_1053 = arith.constant 3 : i32
      %add3A_1054 = arith.addi %mul3A_1052, %add3A_1053 : i32
      %get3A_1055 = arith.index_cast %add3A_1054 : i32 to index
      %get3A_1056 = arith.constant 64 : index
      %get3A_1057 = tpu.vector_load %arg10[%get3A_1055, %get3A_1056] {strides = array<i32>} : memref<80x128xf32, #tpu.memory_space<vmem>>, vector<1x16xf32>,
      %get3A_1058 = vector.shape_cast %get3A_1057 : vector<1x16xf32> to vector<16xf32>
      %add3A_1059 = arith.addf %get3A_1050, %get3A_1058 : vector<16xf32>
      %max3A_1060 = arith.constant 0.000000e+00 : f32
      %max3A_1061 = vector.broadcast %max3A_1060 : f32 to vector<16xf32>
      %max3A_1062 = arith.maximumf %add3A_1059, %max3A_1061 : vector<16xf32>
      %mul3A_1063 = arith.constant 4 : i32
      %mul3A_1064 = arith.muli %mul3A_1063, %scan3A_231 : i32
      %add3A_1065 = arith.constant 3 : i32
      %add3A_1066 = arith.addi %mul3A_1064, %add3A_1065 : i32
      %swap3A_1067 = arith.index_cast %add3A_1066 : i32 to index
      %swap3A_1068 = arith.constant 64 : index
      %swap3A_1069 = tpu.vector_load %arg9[%swap3A_1067, %swap3A_1068] {strides = array<i32>} : memref<80x128xf32, #tpu.memory_space<vmem>>, vector<1x16xf32>,
      %swap3A_1070 = vector.shape_cast %swap3A_1069 : vector<1x16xf32> to vector<16xf32>
      %swap3A_1071 = vector.shape_cast %max3A_1062 : vector<16xf32> to vector<1x16xf32>
      tpu.vector_store %arg9[%swap3A_1067, %swap3A_1068], %swap3A_1071 {strides = array<i32>} : memref<80x128xf32, #tpu.memory_space<vmem>>, vector<1x16xf32>,
      %mul3A_1072 = arith.constant 4 : i32
      %mul3A_1073 = arith.muli %mul3A_1072, %scan3A_231 : i32
      %add3A_1074 = arith.constant 3 : i32
      %add3A_1075 = arith.addi %mul3A_1073, %add3A_1074 : i32
      %get3A_1076 = arith.index_cast %add3A_1075 : i32 to index
      %get3A_1077 = arith.constant 80 : index
      %get3A_1078 = tpu.vector_load %arg9[%get3A_1076, %get3A_1077] {strides = array<i32>} : memref<80x128xf32, #tpu.memory_space<vmem>>, vector<1x16xf32>,
      %get3A_1079 = vector.shape_cast %get3A_1078 : vector<1x16xf32> to vector<16xf32>
      %mul3A_1080 = arith.constant 4 : i32
      %mul3A_1081 = arith.muli %mul3A_1080, %scan3A_231 : i32
      %add3A_1082 = arith.constant 3 : i32
      %add3A_1083 = arith.addi %mul3A_1081, %add3A_1082 : i32
      %get3A_1084 = arith.index_cast %add3A_1083 : i32 to index
      %get3A_1085 = arith.constant 80 : index
      %get3A_1086 = tpu.vector_load %arg10[%get3A_1084, %get3A_1085] {strides = array<i32>} : memref<80x128xf32, #tpu.memory_space<vmem>>, vector<1x16xf32>,
      %get3A_1087 = vector.shape_cast %get3A_1086 : vector<1x16xf32> to vector<16xf32>
      %add3A_1088 = arith.addf %get3A_1079, %get3A_1087 : vector<16xf32>
      %max3A_1089 = arith.constant 0.000000e+00 : f32
      %max3A_1090 = vector.broadcast %max3A_1089 : f32 to vector<16xf32>
      %max3A_1091 = arith.maximumf %add3A_1088, %max3A_1090 : vector<16xf32>
      %mul3A_1092 = arith.constant 4 : i32
      %mul3A_1093 = arith.muli %mul3A_1092, %scan3A_231 : i32
      %add3A_1094 = arith.constant 3 : i32
      %add3A_1095 = arith.addi %mul3A_1093, %add3A_1094 : i32
      %swap3A_1096 = arith.index_cast %add3A_1095 : i32 to index
      %swap3A_1097 = arith.constant 80 : index
      %swap3A_1098 = tpu.vector_load %arg9[%swap3A_1096, %swap3A_1097] {strides = array<i32>} : memref<80x128xf32, #tpu.memory_space<vmem>>, vector<1x16xf32>,
      %swap3A_1099 = vector.shape_cast %swap3A_1098 : vector<1x16xf32> to vector<16xf32>
      %swap3A_1100 = vector.shape_cast %max3A_1091 : vector<16xf32> to vector<1x16xf32>
      tpu.vector_store %arg9[%swap3A_1096, %swap3A_1097], %swap3A_1100 {strides = array<i32>} : memref<80x128xf32, #tpu.memory_space<vmem>>, vector<1x16xf32>,
      %mul3A_1101 = arith.constant 4 : i32
      %mul3A_1102 = arith.muli %mul3A_1101, %scan3A_231 : i32
      %add3A_1103 = arith.constant 3 : i32
      %add3A_1104 = arith.addi %mul3A_1102, %add3A_1103 : i32
      %get3A_1105 = arith.index_cast %add3A_1104 : i32 to index
      %get3A_1106 = arith.constant 96 : index
      %get3A_1107 = tpu.vector_load %arg9[%get3A_1105, %get3A_1106] {strides = array<i32>} : memref<80x128xf32, #tpu.memory_space<vmem>>, vector<1x16xf32>,
      %get3A_1108 = vector.shape_cast %get3A_1107 : vector<1x16xf32> to vector<16xf32>
      %mul3A_1109 = arith.constant 4 : i32
      %mul3A_1110 = arith.muli %mul3A_1109, %scan3A_231 : i32
      %add3A_1111 = arith.constant 3 : i32
      %add3A_1112 = arith.addi %mul3A_1110, %add3A_1111 : i32
      %get3A_1113 = arith.index_cast %add3A_1112 : i32 to index
      %get3A_1114 = arith.constant 96 : index
      %get3A_1115 = tpu.vector_load %arg10[%get3A_1113, %get3A_1114] {strides = array<i32>} : memref<80x128xf32, #tpu.memory_space<vmem>>, vector<1x16xf32>,
      %get3A_1116 = vector.shape_cast %get3A_1115 : vector<1x16xf32> to vector<16xf32>
      %add3A_1117 = arith.addf %get3A_1108, %get3A_1116 : vector<16xf32>
      %max3A_1118 = arith.constant 0.000000e+00 : f32
      %max3A_1119 = vector.broadcast %max3A_1118 : f32 to vector<16xf32>
      %max3A_1120 = arith.maximumf %add3A_1117, %max3A_1119 : vector<16xf32>
      %mul3A_1121 = arith.constant 4 : i32
      %mul3A_1122 = arith.muli %mul3A_1121, %scan3A_231 : i32
      %add3A_1123 = arith.constant 3 : i32
      %add3A_1124 = arith.addi %mul3A_1122, %add3A_1123 : i32
      %swap3A_1125 = arith.index_cast %add3A_1124 : i32 to index
      %swap3A_1126 = arith.constant 96 : index
      %swap3A_1127 = tpu.vector_load %arg9[%swap3A_1125, %swap3A_1126] {strides = array<i32>} : memref<80x128xf32, #tpu.memory_space<vmem>>, vector<1x16xf32>,
      %swap3A_1128 = vector.shape_cast %swap3A_1127 : vector<1x16xf32> to vector<16xf32>
      %swap3A_1129 = vector.shape_cast %max3A_1120 : vector<16xf32> to vector<1x16xf32>
      tpu.vector_store %arg9[%swap3A_1125, %swap3A_1126], %swap3A_1129 {strides = array<i32>} : memref<80x128xf32, #tpu.memory_space<vmem>>, vector<1x16xf32>,
      %mul3A_1130 = arith.constant 4 : i32
      %mul3A_1131 = arith.muli %mul3A_1130, %scan3A_231 : i32
      %add3A_1132 = arith.constant 3 : i32
      %add3A_1133 = arith.addi %mul3A_1131, %add3A_1132 : i32
      %get3A_1134 = arith.index_cast %add3A_1133 : i32 to index
      %get3A_1135 = arith.constant 112 : index
      %get3A_1136 = tpu.vector_load %arg9[%get3A_1134, %get3A_1135] {strides = array<i32>} : memref<80x128xf32, #tpu.memory_space<vmem>>, vector<1x16xf32>,
      %get3A_1137 = vector.shape_cast %get3A_1136 : vector<1x16xf32> to vector<16xf32>
      %mul3A_1138 = arith.constant 4 : i32
      %mul3A_1139 = arith.muli %mul3A_1138, %scan3A_231 : i32
      %add3A_1140 = arith.constant 3 : i32
      %add3A_1141 = arith.addi %mul3A_1139, %add3A_1140 : i32
      %get3A_1142 = arith.index_cast %add3A_1141 : i32 to index
      %get3A_1143 = arith.constant 112 : index
      %get3A_1144 = tpu.vector_load %arg10[%get3A_1142, %get3A_1143] {strides = array<i32>} : memref<80x128xf32, #tpu.memory_space<vmem>>, vector<1x16xf32>,
      %get3A_1145 = vector.shape_cast %get3A_1144 : vector<1x16xf32> to vector<16xf32>
      %add3A_1146 = arith.addf %get3A_1137, %get3A_1145 : vector<16xf32>
      %max3A_1147 = arith.constant 0.000000e+00 : f32
      %max3A_1148 = vector.broadcast %max3A_1147 : f32 to vector<16xf32>
      %max3A_1149 = arith.maximumf %add3A_1146, %max3A_1148 : vector<16xf32>
      %mul3A_1150 = arith.constant 4 : i32
      %mul3A_1151 = arith.muli %mul3A_1150, %scan3A_231 : i32
      %add3A_1152 = arith.constant 3 : i32
      %add3A_1153 = arith.addi %mul3A_1151, %add3A_1152 : i32
      %swap3A_1154 = arith.index_cast %add3A_1153 : i32 to index
      %swap3A_1155 = arith.constant 112 : index
      %swap3A_1156 = tpu.vector_load %arg9[%swap3A_1154, %swap3A_1155] {strides = array<i32>} : memref<80x128xf32, #tpu.memory_space<vmem>>, vector<1x16xf32>,
      %swap3A_1157 = vector.shape_cast %swap3A_1156 : vector<1x16xf32> to vector<16xf32>
      %swap3A_1158 = vector.shape_cast %max3A_1149 : vector<16xf32> to vector<1x16xf32>
      tpu.vector_store %arg9[%swap3A_1154, %swap3A_1155], %swap3A_1158 {strides = array<i32>} : memref<80x128xf32, #tpu.memory_space<vmem>>, vector<1x16xf32>,
    }
    %scan3A_222 = arith.constant 20 : i32
    %run_scoped3A = arith.constant 1 : i32
    "tpu.region"() ({
      %run_scoped3A_231 = tpu.sem_alloc : memref<!tpu.dma_semaphore, #tpu.memory_space<semaphore_mem>>
      %dma_start3A_232 = arith.constant 0 : i32
      %dma_start3A_233 = tpu.memref_slice %arg7[%run_scoped3A, %dma_start3A_232] : memref<2x80xi32, #tpu.memory_space<vmem>> -> memref<1x80xi32, #tpu.memory_space<vmem>>
      %dma_start3A_234 = tpu.memref_squeeze %dma_start3A_233 : memref<1x80xi32, #tpu.memory_space<vmem>> -> memref<80xi32, #tpu.memory_space<vmem>>
      %dma_start3A_235 = arith.constant 0 : i32
      %dma_start3A_236 = arith.constant 0 : i32
      %dma_start3A_237 = tpu.memref_slice %arg6[%dma_start3A_235, %dma_start3A_236] : memref<10000x128xf32, #tpu.memory_space<vmem_shared>> -> memref<10000x128xf32, #tpu.memory_space<vmem_shared>>
      tpu.enqueue_indirect_dma source(%arg9 : memref<80x128xf32, #tpu.memory_space<vmem>>) target(%dma_start3A_237 : memref<10000x128xf32, #tpu.memory_space<vmem_shared>>) offsets(%dma_start3A_234 : memref<80xi32, #tpu.memory_space<vmem>>) semaphore(%run_scoped3A_231 : memref<!tpu.dma_semaphore, #tpu.memory_space<semaphore_mem>>) {add = true}
      %dma_wait3A_238 = arith.constant 0 : i32
      %dma_wait3A_239 = tpu.memref_slice %arg7[%run_scoped3A, %dma_wait3A_238] : memref<2x80xi32, #tpu.memory_space<vmem>> -> memref<1x80xi32, #tpu.memory_space<vmem>>
      %dma_wait3A_240 = tpu.memref_squeeze %dma_wait3A_239 : memref<1x80xi32, #tpu.memory_space<vmem>> -> memref<80xi32, #tpu.memory_space<vmem>>
      %dma_wait3A_241 = arith.constant 0 : i32
      %dma_wait3A_242 = arith.constant 0 : i32
      %dma_wait3A_243 = tpu.memref_slice %arg6[%dma_wait3A_241, %dma_wait3A_242] : memref<10000x128xf32, #tpu.memory_space<vmem_shared>> -> memref<10000x128xf32, #tpu.memory_space<vmem_shared>>
      tpu.wait_indirect_dma semaphore(%run_scoped3A_231 : memref<!tpu.dma_semaphore, #tpu.memory_space<semaphore_mem>>) src(%arg9 : memref<80x128xf32, #tpu.memory_space<vmem>>) dst(%dma_wait3A_243 : memref<10000x128xf32, #tpu.memory_space<vmem_shared>>)
      tpu.yield
    }) : () -> ()
    %barrier3A_223 = arith.constant 0 : index
    tpu.barrier barrier_id(%barrier3A_223)
    %lt3A = arith.constant 15 : i32
    %lt3A_224 = arith.cmpi slt, %arg1, %lt3A : i32
    %convert_element_type3A = arith.extui %lt3A_224 : i1 to i32
    %cond3A = arith.constant 0 : i32
    %cond3A_225 = arith.cmpi ne, %convert_element_type3A, %cond3A : i32
    scf.if %cond3A_225 {
      %mul3A_231 = arith.constant 10000 : i32
      %mul3A_232 = arith.muli %arg0, %mul3A_231 : i32
      %add3A_233 = arith.addi %mul3A_232, %mul3A_6 : i32
      "tpu.region"() ({
        %run_scoped3A_234 = tpu.sem_alloc : memref<!tpu.dma_semaphore, #tpu.memory_space<semaphore_mem>>
        %dma_start3A_235 = arith.constant 0 : i32
        %dma_start3A_236 = tpu.memref_slice %arg5[%add3A_233, %dma_start3A_235] : memref<20000x128xf32, #tpu.memory_space<hbm>> -> memref<624x128xf32, #tpu.memory_space<hbm>>
        %dma_start3A_237 = arith.constant 0 : i32
        %dma_start3A_238 = tpu.memref_slice %arg6[%mul3A_6, %dma_start3A_237] : memref<10000x128xf32, #tpu.memory_space<vmem_shared>> -> memref<624x128xf32, #tpu.memory_space<vmem_shared>>
        tpu.enqueue_dma source(%dma_start3A_238 : memref<624x128xf32, #tpu.memory_space<vmem_shared>>) target(%dma_start3A_236 : memref<624x128xf32, #tpu.memory_space<hbm>>) target_semaphore(%run_scoped3A_234 : memref<!tpu.dma_semaphore, #tpu.memory_space<semaphore_mem>>)
        %dma_wait3A_239 = arith.constant 0 : i32
        %dma_wait3A_240 = tpu.memref_slice %arg5[%add3A_233, %dma_wait3A_239] : memref<20000x128xf32, #tpu.memory_space<hbm>> -> memref<624x128xf32, #tpu.memory_space<hbm>>
        %dma_wait3A_241 = arith.constant 0 : i32
        %dma_wait3A_242 = tpu.memref_slice %arg6[%mul3A_6, %dma_wait3A_241] : memref<10000x128xf32, #tpu.memory_space<vmem_shared>> -> memref<624x128xf32, #tpu.memory_space<vmem_shared>>
        tpu.wait_dma2 semaphore(%run_scoped3A_234 : memref<!tpu.dma_semaphore, #tpu.memory_space<semaphore_mem>>) src(%dma_wait3A_242 : memref<624x128xf32, #tpu.memory_space<vmem_shared>>) dst(%dma_wait3A_240 : memref<624x128xf32, #tpu.memory_space<hbm>>)
        tpu.yield
      }) : () -> ()
    } else {
    }
    %eq3A_226 = arith.constant 15 : i32
    %eq3A_227 = arith.cmpi eq, %arg1, %eq3A_226 : i32
    %convert_element_type3A_228 = arith.extui %eq3A_227 : i1 to i32
    %cond3A_229 = arith.constant 0 : i32
    %cond3A_230 = arith.cmpi ne, %convert_element_type3A_228, %cond3A_229 : i32
    scf.if %cond3A_230 {
      %mul3A_231 = arith.constant 10000 : i32
      %mul3A_232 = arith.muli %arg0, %mul3A_231 : i32
      %add3A_233 = arith.constant 9360 : i32
      %add3A_234 = arith.addi %mul3A_232, %add3A_233 : i32
      "tpu.region"() ({
        %run_scoped3A_235 = tpu.sem_alloc : memref<!tpu.dma_semaphore, #tpu.memory_space<semaphore_mem>>
        %dma_start3A_236 = arith.constant 0 : i32
        %dma_start3A_237 = tpu.memref_slice %arg5[%add3A_234, %dma_start3A_236] : memref<20000x128xf32, #tpu.memory_space<hbm>> -> memref<640x128xf32, #tpu.memory_space<hbm>>
        %dma_start3A_238 = arith.constant 9360 : i32
        %dma_start3A_239 = arith.constant 0 : i32
        %dma_start3A_240 = tpu.memref_slice %arg6[%dma_start3A_238, %dma_start3A_239] : memref<10000x128xf32, #tpu.memory_space<vmem_shared>> -> memref<640x128xf32, #tpu.memory_space<vmem_shared>>
        tpu.enqueue_dma source(%dma_start3A_240 : memref<640x128xf32, #tpu.memory_space<vmem_shared>>) target(%dma_start3A_237 : memref<640x128xf32, #tpu.memory_space<hbm>>) target_semaphore(%run_scoped3A_235 : memref<!tpu.dma_semaphore, #tpu.memory_space<semaphore_mem>>)
        %dma_wait3A_241 = arith.constant 0 : i32
        %dma_wait3A_242 = tpu.memref_slice %arg5[%add3A_234, %dma_wait3A_241] : memref<20000x128xf32, #tpu.memory_space<hbm>> -> memref<640x128xf32, #tpu.memory_space<hbm>>
        %dma_wait3A_243 = arith.constant 9360 : i32
        %dma_wait3A_244 = arith.constant 0 : i32
        %dma_wait3A_245 = tpu.memref_slice %arg6[%dma_wait3A_243, %dma_wait3A_244] : memref<10000x128xf32, #tpu.memory_space<vmem_shared>> -> memref<640x128xf32, #tpu.memory_space<vmem_shared>>
        tpu.wait_dma2 semaphore(%run_scoped3A_235 : memref<!tpu.dma_semaphore, #tpu.memory_space<semaphore_mem>>) src(%dma_wait3A_245 : memref<640x128xf32, #tpu.memory_space<vmem_shared>>) dst(%dma_wait3A_242 : memref<640x128xf32, #tpu.memory_space<hbm>>)
        tpu.yield
      }) : () -> ()
    } else {
    }
    return
  }
}

module attributes {stable_mosaic.version = 14 : i64} {
  func.func @_tc_node_pre_body(%arg0: i32, %arg1: memref<2000x256xf32, #tpu.memory_space<vmem>>, %arg2: memref<256x256xf32, #tpu.memory_space<vmem>>, %arg3: memref<256x16xf32, #tpu.memory_space<vmem>>, %arg4: memref<256x16xf32, #tpu.memory_space<vmem>>, %arg5: memref<2x2000x128xf32, #tpu.memory_space<vmem>>, %arg6: memref<2000x16xf32, #tpu.memory_space<vmem>>, %arg7: memref<2000x16xf32, #tpu.memory_space<vmem>>) attributes {dimension_semantics = [#tpu.dimension_semantics<arbitrary>], iteration_bounds = array<i64: 5>, scalar_prefetch = 0 : i64, scratch_operands = 0 : i64, tpu.core_type = #tpu.core_type<tc>, window_params = [{transform_indices = @transform_0, window_bounds = array<i64: 2000, 256>}, {pipeline_mode = #tpu.pipeline_mode<synchronous>, transform_indices = @transform_1, window_bounds = array<i64: 256, 256>}, {pipeline_mode = #tpu.pipeline_mode<synchronous>, transform_indices = @transform_2, window_bounds = array<i64: 256, 16>}, {pipeline_mode = #tpu.pipeline_mode<synchronous>, transform_indices = @transform_3, window_bounds = array<i64: 256, 16>}, {transform_indices = @transform_4, window_bounds = array<i64: 2, 2000, 128>}, {transform_indices = @transform_5, window_bounds = array<i64: 2000, 16>}, {transform_indices = @transform_6, window_bounds = array<i64: 2000, 16>}]} {
    %get3A = arith.constant 0 : index
    %get3A_0 = arith.constant 0 : index
    %get3A_1 = vector.load %arg1[%get3A, %get3A_0] : memref<2000x256xf32, #tpu.memory_space<vmem>>, vector<2000x256xf32>
    %get3A_2 = arith.constant 0 : index
    %get3A_3 = arith.constant 0 : index
    %get3A_4 = vector.load %arg2[%get3A_2, %get3A_3] : memref<256x256xf32, #tpu.memory_space<vmem>>, vector<256x256xf32>
    %dot_general3A = arith.constant dense<0.000000e+00> : vector<2000x256xf32>
    %dot_general3A_5 = tpu.matmul %get3A_1, %get3A_4, %dot_general3A {dimension_numbers = #tpu.dot_dimension_numbers<[1], [0], [0], [1], [0, 0, 1, 1], [], []>, transpose_lhs_hint = false} : vector<2000x256xf32>, vector<256x256xf32>, vector<2000x256xf32> -> vector<2000x256xf32>
    %slice3A = vector.extract_strided_slice %dot_general3A_5 {offsets = [0, 0], sizes = [2000, 128], strides = [1, 1]} : vector<2000x256xf32> to vector<2000x128xf32>
    %swap3A = arith.constant 0 : index
    %swap3A_6 = arith.constant 0 : index
    %swap3A_7 = arith.constant 0 : index
    %swap3A_8 = vector.load %arg5[%swap3A, %swap3A_6, %swap3A_7] : memref<2x2000x128xf32, #tpu.memory_space<vmem>>, vector<1x2000x128xf32>
    %swap3A_9 = vector.shape_cast %swap3A_8 : vector<1x2000x128xf32> to vector<2000x128xf32>
    %swap3A_10 = vector.shape_cast %slice3A : vector<2000x128xf32> to vector<1x2000x128xf32>
    tpu.vector_store %arg5[%swap3A, %swap3A_6, %swap3A_7], %swap3A_10 {strides = array<i32>} : memref<2x2000x128xf32, #tpu.memory_space<vmem>>, vector<1x2000x128xf32>,
    %slice3A_11 = vector.extract_strided_slice %dot_general3A_5 {offsets = [0, 128], sizes = [2000, 128], strides = [1, 1]} : vector<2000x256xf32> to vector<2000x128xf32>
    %swap3A_12 = arith.constant 1 : index
    %swap3A_13 = arith.constant 0 : index
    %swap3A_14 = arith.constant 0 : index
    %swap3A_15 = vector.load %arg5[%swap3A_12, %swap3A_13, %swap3A_14] : memref<2x2000x128xf32, #tpu.memory_space<vmem>>, vector<1x2000x128xf32>
    %swap3A_16 = vector.shape_cast %swap3A_15 : vector<1x2000x128xf32> to vector<2000x128xf32>
    %swap3A_17 = vector.shape_cast %slice3A_11 : vector<2000x128xf32> to vector<1x2000x128xf32>
    tpu.vector_store %arg5[%swap3A_12, %swap3A_13, %swap3A_14], %swap3A_17 {strides = array<i32>} : memref<2x2000x128xf32, #tpu.memory_space<vmem>>, vector<1x2000x128xf32>,
    %get3A_18 = arith.constant 0 : index
    %get3A_19 = arith.constant 0 : index
    %get3A_20 = vector.load %arg3[%get3A_18, %get3A_19] : memref<256x16xf32, #tpu.memory_space<vmem>>, vector<256x16xf32>
    %dot_general3A_21 = arith.constant dense<0.000000e+00> : vector<2000x16xf32>
    %dot_general3A_22 = tpu.matmul %get3A_1, %get3A_20, %dot_general3A_21 {dimension_numbers = #tpu.dot_dimension_numbers<[1], [0], [0], [1], [0, 0, 1, 1], [], []>, transpose_lhs_hint = false} : vector<2000x256xf32>, vector<256x16xf32>, vector<2000x16xf32> -> vector<2000x16xf32>
    %swap3A_23 = arith.constant 0 : index
    %swap3A_24 = arith.constant 0 : index
    %swap3A_25 = vector.load %arg6[%swap3A_23, %swap3A_24] : memref<2000x16xf32, #tpu.memory_space<vmem>>, vector<2000x16xf32>
    tpu.vector_store %arg6[%swap3A_23, %swap3A_24], %dot_general3A_22 {strides = array<i32>} : memref<2000x16xf32, #tpu.memory_space<vmem>>, vector<2000x16xf32>,
    %get3A_26 = arith.constant 0 : index
    %get3A_27 = arith.constant 0 : index
    %get3A_28 = vector.load %arg4[%get3A_26, %get3A_27] : memref<256x16xf32, #tpu.memory_space<vmem>>, vector<256x16xf32>
    %dot_general3A_29 = arith.constant dense<0.000000e+00> : vector<2000x16xf32>
    %dot_general3A_30 = tpu.matmul %get3A_1, %get3A_28, %dot_general3A_29 {dimension_numbers = #tpu.dot_dimension_numbers<[1], [0], [0], [1], [0, 0, 1, 1], [], []>, transpose_lhs_hint = false} : vector<2000x256xf32>, vector<256x16xf32>, vector<2000x16xf32> -> vector<2000x16xf32>
    %swap3A_31 = arith.constant 0 : index
    %swap3A_32 = arith.constant 0 : index
    %swap3A_33 = vector.load %arg7[%swap3A_31, %swap3A_32] : memref<2000x16xf32, #tpu.memory_space<vmem>>, vector<2000x16xf32>
    tpu.vector_store %arg7[%swap3A_31, %swap3A_32], %dot_general3A_30 {strides = array<i32>} : memref<2000x16xf32, #tpu.memory_space<vmem>>, vector<2000x16xf32>,
    return
  }
  func.func @transform_0(%arg0: i32) -> (i32, i32) {
    %c0_i32 = arith.constant 0 : i32
    %c0_i32_0 = arith.constant 0 : i32
    return %arg0, %c0_i32 : i32, i32
  }
  func.func @transform_1(%arg0: i32) -> (i32, i32) {
    %c0_i32 = arith.constant 0 : i32
    %c0_i32_0 = arith.constant 0 : i32
    %c0_i32_1 = arith.constant 0 : i32
    return %c0_i32, %c0_i32_0 : i32, i32
  }
  func.func @transform_2(%arg0: i32) -> (i32, i32) {
    %c0_i32 = arith.constant 0 : i32
    %c0_i32_0 = arith.constant 0 : i32
    %c0_i32_1 = arith.constant 0 : i32
    return %c0_i32, %c0_i32_0 : i32, i32
  }
  func.func @transform_3(%arg0: i32) -> (i32, i32) {
    %c0_i32 = arith.constant 0 : i32
    %c0_i32_0 = arith.constant 0 : i32
    %c0_i32_1 = arith.constant 0 : i32
    return %c0_i32, %c0_i32_0 : i32, i32
  }
  func.func @transform_4(%arg0: i32) -> (i32, i32, i32) {
    %c0_i32 = arith.constant 0 : i32
    %c0_i32_0 = arith.constant 0 : i32
    %c0_i32_1 = arith.constant 0 : i32
    return %c0_i32, %arg0, %c0_i32_0 : i32, i32, i32
  }
  func.func @transform_5(%arg0: i32) -> (i32, i32) {
    %c0_i32 = arith.constant 0 : i32
    %c0_i32_0 = arith.constant 0 : i32
    return %arg0, %c0_i32 : i32, i32
  }
  func.func @transform_6(%arg0: i32) -> (i32, i32) {
    %c0_i32 = arith.constant 0 : i32
    %c0_i32_0 = arith.constant 0 : i32
    return %arg0, %c0_i32 : i32, i32
  }
}

module attributes {stable_mosaic.version = 14 : i64} {
  func.func @_tc_edge_w_body(%arg0: i32, %arg1: memref<4000x16xf32, #tpu.memory_space<vmem>>, %arg2: memref<16x16xf32, #tpu.memory_space<vmem>>, %arg3: memref<1x16xf32, #tpu.memory_space<vmem>>, %arg4: memref<4000x16xf32, #tpu.memory_space<vmem>>) attributes {dimension_semantics = [#tpu.dimension_semantics<arbitrary>], iteration_bounds = array<i64: 40>, scalar_prefetch = 0 : i64, scratch_operands = 0 : i64, tpu.core_type = #tpu.core_type<tc>, window_params = [{transform_indices = @transform_0, window_bounds = array<i64: 4000, 16>}, {pipeline_mode = #tpu.pipeline_mode<synchronous>, transform_indices = @transform_1, window_bounds = array<i64: 16, 16>}, {pipeline_mode = #tpu.pipeline_mode<synchronous>, transform_indices = @transform_2, window_bounds = array<i64: 1, 16>}, {transform_indices = @transform_3, window_bounds = array<i64: 4000, 16>}]} {
    %get3A = arith.constant 0 : index
    %get3A_0 = arith.constant 0 : index
    %get3A_1 = vector.load %arg1[%get3A, %get3A_0] : memref<4000x16xf32, #tpu.memory_space<vmem>>, vector<4000x16xf32>
    %get3A_2 = arith.constant 0 : index
    %get3A_3 = arith.constant 0 : index
    %get3A_4 = vector.load %arg2[%get3A_2, %get3A_3] : memref<16x16xf32, #tpu.memory_space<vmem>>, vector<16x16xf32>
    %dot_general3A = arith.constant dense<0.000000e+00> : vector<4000x16xf32>
    %dot_general3A_5 = tpu.matmul %get3A_1, %get3A_4, %dot_general3A {dimension_numbers = #tpu.dot_dimension_numbers<[1], [0], [0], [1], [0, 0, 1, 1], [], []>, transpose_lhs_hint = false} : vector<4000x16xf32>, vector<16x16xf32>, vector<4000x16xf32> -> vector<4000x16xf32>
    %get3A_6 = arith.constant 0 : index
    %get3A_7 = arith.constant 0 : index
    %get3A_8 = vector.load %arg3[%get3A_6, %get3A_7] : memref<1x16xf32, #tpu.memory_space<vmem>>, vector<1x16xf32>
    %add3A = vector.broadcast %get3A_8 : vector<1x16xf32> to vector<4000x16xf32>
    %add3A_9 = arith.addf %dot_general3A_5, %add3A : vector<4000x16xf32>
    %swap3A = arith.constant 0 : index
    %swap3A_10 = arith.constant 0 : index
    %swap3A_11 = vector.load %arg4[%swap3A, %swap3A_10] : memref<4000x16xf32, #tpu.memory_space<vmem>>, vector<4000x16xf32>
    tpu.vector_store %arg4[%swap3A, %swap3A_10], %add3A_9 {strides = array<i32>} : memref<4000x16xf32, #tpu.memory_space<vmem>>, vector<4000x16xf32>,
    return
  }
  func.func @transform_0(%arg0: i32) -> (i32, i32) {
    %c0_i32 = arith.constant 0 : i32
    %c0_i32_0 = arith.constant 0 : i32
    return %arg0, %c0_i32 : i32, i32
  }
  func.func @transform_1(%arg0: i32) -> (i32, i32) {
    %c0_i32 = arith.constant 0 : i32
    %c0_i32_0 = arith.constant 0 : i32
    %c0_i32_1 = arith.constant 0 : i32
    return %c0_i32, %c0_i32_0 : i32, i32
  }
  func.func @transform_2(%arg0: i32) -> (i32, i32) {
    %c0_i32 = arith.constant 0 : i32
    %c0_i32_0 = arith.constant 0 : i32
    %c0_i32_1 = arith.constant 0 : i32
    return %c0_i32, %c0_i32_0 : i32, i32
  }
  func.func @transform_3(%arg0: i32) -> (i32, i32) {
    %c0_i32 = arith.constant 0 : i32
    %c0_i32_0 = arith.constant 0 : i32
    return %arg0, %c0_i32 : i32, i32
  }
}

module attributes {stable_mosaic.version = 14 : i64} {
  func.func @_tc_edge_pre_body(%arg0: i32, %arg1: memref<4000x16xf32, #tpu.memory_space<vmem>>, %arg2: memref<16x256xf32, #tpu.memory_space<vmem>>, %arg3: memref<1x256xf32, #tpu.memory_space<vmem>>, %arg4: memref<2x4000x128xf32, #tpu.memory_space<vmem>>) attributes {dimension_semantics = [#tpu.dimension_semantics<arbitrary>], iteration_bounds = array<i64: 40>, scalar_prefetch = 0 : i64, scratch_operands = 0 : i64, tpu.core_type = #tpu.core_type<tc>, window_params = [{transform_indices = @transform_0, window_bounds = array<i64: 4000, 16>}, {pipeline_mode = #tpu.pipeline_mode<synchronous>, transform_indices = @transform_1, window_bounds = array<i64: 16, 256>}, {pipeline_mode = #tpu.pipeline_mode<synchronous>, transform_indices = @transform_2, window_bounds = array<i64: 1, 256>}, {transform_indices = @transform_3, window_bounds = array<i64: 2, 4000, 128>}]} {
    %get3A = arith.constant 0 : index
    %get3A_0 = arith.constant 0 : index
    %get3A_1 = vector.load %arg1[%get3A, %get3A_0] : memref<4000x16xf32, #tpu.memory_space<vmem>>, vector<4000x16xf32>
    %get3A_2 = arith.constant 0 : index
    %get3A_3 = arith.constant 0 : index
    %get3A_4 = vector.load %arg2[%get3A_2, %get3A_3] : memref<16x256xf32, #tpu.memory_space<vmem>>, vector<16x256xf32>
    %dot_general3A = arith.constant dense<0.000000e+00> : vector<4000x256xf32>
    %dot_general3A_5 = tpu.matmul %get3A_1, %get3A_4, %dot_general3A {dimension_numbers = #tpu.dot_dimension_numbers<[1], [0], [0], [1], [0, 0, 1, 1], [], []>, transpose_lhs_hint = false} : vector<4000x16xf32>, vector<16x256xf32>, vector<4000x256xf32> -> vector<4000x256xf32>
    %get3A_6 = arith.constant 0 : index
    %get3A_7 = arith.constant 0 : index
    %get3A_8 = vector.load %arg3[%get3A_6, %get3A_7] : memref<1x256xf32, #tpu.memory_space<vmem>>, vector<1x256xf32>
    %add3A = vector.broadcast %get3A_8 : vector<1x256xf32> to vector<4000x256xf32>
    %add3A_9 = arith.addf %dot_general3A_5, %add3A : vector<4000x256xf32>
    %slice3A = vector.extract_strided_slice %add3A_9 {offsets = [0, 0], sizes = [4000, 128], strides = [1, 1]} : vector<4000x256xf32> to vector<4000x128xf32>
    %swap3A = arith.constant 0 : index
    %swap3A_10 = arith.constant 0 : index
    %swap3A_11 = arith.constant 0 : index
    %swap3A_12 = vector.load %arg4[%swap3A, %swap3A_10, %swap3A_11] : memref<2x4000x128xf32, #tpu.memory_space<vmem>>, vector<1x4000x128xf32>
    %swap3A_13 = vector.shape_cast %swap3A_12 : vector<1x4000x128xf32> to vector<4000x128xf32>
    %swap3A_14 = vector.shape_cast %slice3A : vector<4000x128xf32> to vector<1x4000x128xf32>
    tpu.vector_store %arg4[%swap3A, %swap3A_10, %swap3A_11], %swap3A_14 {strides = array<i32>} : memref<2x4000x128xf32, #tpu.memory_space<vmem>>, vector<1x4000x128xf32>,
    %slice3A_15 = vector.extract_strided_slice %add3A_9 {offsets = [0, 128], sizes = [4000, 128], strides = [1, 1]} : vector<4000x256xf32> to vector<4000x128xf32>
    %swap3A_16 = arith.constant 1 : index
    %swap3A_17 = arith.constant 0 : index
    %swap3A_18 = arith.constant 0 : index
    %swap3A_19 = vector.load %arg4[%swap3A_16, %swap3A_17, %swap3A_18] : memref<2x4000x128xf32, #tpu.memory_space<vmem>>, vector<1x4000x128xf32>
    %swap3A_20 = vector.shape_cast %swap3A_19 : vector<1x4000x128xf32> to vector<4000x128xf32>
    %swap3A_21 = vector.shape_cast %slice3A_15 : vector<4000x128xf32> to vector<1x4000x128xf32>
    tpu.vector_store %arg4[%swap3A_16, %swap3A_17, %swap3A_18], %swap3A_21 {strides = array<i32>} : memref<2x4000x128xf32, #tpu.memory_space<vmem>>, vector<1x4000x128xf32>,
    return
  }
  func.func @transform_0(%arg0: i32) -> (i32, i32) {
    %c0_i32 = arith.constant 0 : i32
    %c0_i32_0 = arith.constant 0 : i32
    return %arg0, %c0_i32 : i32, i32
  }
  func.func @transform_1(%arg0: i32) -> (i32, i32) {
    %c0_i32 = arith.constant 0 : i32
    %c0_i32_0 = arith.constant 0 : i32
    %c0_i32_1 = arith.constant 0 : i32
    return %c0_i32, %c0_i32_0 : i32, i32
  }
  func.func @transform_2(%arg0: i32) -> (i32, i32) {
    %c0_i32 = arith.constant 0 : i32
    %c0_i32_0 = arith.constant 0 : i32
    %c0_i32_1 = arith.constant 0 : i32
    return %c0_i32, %c0_i32_0 : i32, i32
  }
  func.func @transform_3(%arg0: i32) -> (i32, i32, i32) {
    %c0_i32 = arith.constant 0 : i32
    %c0_i32_0 = arith.constant 0 : i32
    %c0_i32_1 = arith.constant 0 : i32
    return %c0_i32, %arg0, %c0_i32_0 : i32, i32, i32
  }
}

module attributes {stable_mosaic.version = 14 : i64} {
  func.func @_tc_node_out_body(%arg0: i32, %arg1: memref<2000x256xf32, #tpu.memory_space<vmem>>, %arg2: memref<2000x128xf32, #tpu.memory_space<vmem>>, %arg3: memref<2000x128xf32, #tpu.memory_space<vmem>>, %arg4: memref<2000x16xf32, #tpu.memory_space<vmem>>, %arg5: memref<2000x16xf32, #tpu.memory_space<vmem>>, %arg6: memref<256x256xf32, #tpu.memory_space<vmem>>, %arg7: memref<256x256xf32, #tpu.memory_space<vmem>>, %arg8: memref<1x256xf32, #tpu.memory_space<vmem>>, %arg9: memref<2000x256xf32, #tpu.memory_space<vmem>>) attributes {dimension_semantics = [#tpu.dimension_semantics<arbitrary>], iteration_bounds = array<i64: 5>, scalar_prefetch = 0 : i64, scratch_operands = 0 : i64, tpu.core_type = #tpu.core_type<tc>, window_params = [{transform_indices = @transform_0, window_bounds = array<i64: 2000, 256>}, {transform_indices = @transform_1, window_bounds = array<i64: 2000, 128>}, {transform_indices = @transform_2, window_bounds = array<i64: 2000, 128>}, {transform_indices = @transform_3, window_bounds = array<i64: 2000, 16>}, {transform_indices = @transform_4, window_bounds = array<i64: 2000, 16>}, {pipeline_mode = #tpu.pipeline_mode<synchronous>, transform_indices = @transform_5, window_bounds = array<i64: 256, 256>}, {pipeline_mode = #tpu.pipeline_mode<synchronous>, transform_indices = @transform_6, window_bounds = array<i64: 256, 256>}, {pipeline_mode = #tpu.pipeline_mode<synchronous>, transform_indices = @transform_7, window_bounds = array<i64: 1, 256>}, {transform_indices = @transform_8, window_bounds = array<i64: 2000, 256>}]} {
    %get3A = arith.constant 0 : index
    %get3A_0 = arith.constant 0 : index
    %get3A_1 = vector.load %arg2[%get3A, %get3A_0] : memref<2000x128xf32, #tpu.memory_space<vmem>>, vector<2000x128xf32>
    %get3A_2 = arith.constant 0 : index
    %get3A_3 = arith.constant 0 : index
    %get3A_4 = vector.load %arg3[%get3A_2, %get3A_3] : memref<2000x128xf32, #tpu.memory_space<vmem>>, vector<2000x128xf32>
    %concatenate3A = tpu.concatenate %get3A_1, %get3A_4 in 1 : vector<2000x128xf32>, vector<2000x128xf32> -> vector<2000x256xf32>
    %get3A_5 = arith.constant 0 : index
    %get3A_6 = arith.constant 0 : index
    %get3A_7 = vector.load %arg4[%get3A_5, %get3A_6] : memref<2000x16xf32, #tpu.memory_space<vmem>>, vector<2000x1xf32>
    %get3A_8 = arith.constant 0 : index
    %get3A_9 = arith.constant 0 : index
    %get3A_10 = vector.load %arg5[%get3A_8, %get3A_9] : memref<2000x16xf32, #tpu.memory_space<vmem>>, vector<2000x1xf32>
    %add3A = arith.addf %get3A_7, %get3A_10 : vector<2000x1xf32>
    %max3A = arith.constant 1.000000e+00 : f32
    %max3A_11 = vector.broadcast %max3A : f32 to vector<2000x1xf32>
    %max3A_12 = arith.maximumf %add3A, %max3A_11 : vector<2000x1xf32>
    %div3A = vector.broadcast %max3A_12 : vector<2000x1xf32> to vector<2000x256xf32>
    %div3A_13 = arith.divf %concatenate3A, %div3A : vector<2000x256xf32>
    %get3A_14 = arith.constant 0 : index
    %get3A_15 = arith.constant 0 : index
    %get3A_16 = vector.load %arg1[%get3A_14, %get3A_15] : memref<2000x256xf32, #tpu.memory_space<vmem>>, vector<2000x256xf32>
    %get3A_17 = arith.constant 0 : index
    %get3A_18 = arith.constant 0 : index
    %get3A_19 = vector.load %arg6[%get3A_17, %get3A_18] : memref<256x256xf32, #tpu.memory_space<vmem>>, vector<256x256xf32>
    %dot_general3A = arith.constant dense<0.000000e+00> : vector<2000x256xf32>
    %dot_general3A_20 = tpu.matmul %get3A_16, %get3A_19, %dot_general3A {dimension_numbers = #tpu.dot_dimension_numbers<[1], [0], [0], [1], [0, 0, 1, 1], [], []>, transpose_lhs_hint = false} : vector<2000x256xf32>, vector<256x256xf32>, vector<2000x256xf32> -> vector<2000x256xf32>
    %get3A_21 = arith.constant 0 : index
    %get3A_22 = arith.constant 0 : index
    %get3A_23 = vector.load %arg7[%get3A_21, %get3A_22] : memref<256x256xf32, #tpu.memory_space<vmem>>, vector<256x256xf32>
    %dot_general3A_24 = arith.constant dense<0.000000e+00> : vector<2000x256xf32>
    %dot_general3A_25 = tpu.matmul %div3A_13, %get3A_23, %dot_general3A_24 {dimension_numbers = #tpu.dot_dimension_numbers<[1], [0], [0], [1], [0, 0, 1, 1], [], []>, transpose_lhs_hint = false} : vector<2000x256xf32>, vector<256x256xf32>, vector<2000x256xf32> -> vector<2000x256xf32>
    %add3A_26 = arith.addf %dot_general3A_20, %dot_general3A_25 : vector<2000x256xf32>
    %get3A_27 = arith.constant 0 : index
    %get3A_28 = arith.constant 0 : index
    %get3A_29 = vector.load %arg8[%get3A_27, %get3A_28] : memref<1x256xf32, #tpu.memory_space<vmem>>, vector<1x256xf32>
    %add3A_30 = vector.broadcast %get3A_29 : vector<1x256xf32> to vector<2000x256xf32>
    %add3A_31 = arith.addf %add3A_26, %add3A_30 : vector<2000x256xf32>
    %max3A_32 = arith.constant 0.000000e+00 : f32
    %max3A_33 = vector.broadcast %max3A_32 : f32 to vector<2000x256xf32>
    %max3A_34 = arith.maximumf %add3A_31, %max3A_33 : vector<2000x256xf32>
    %swap3A = arith.constant 0 : index
    %swap3A_35 = arith.constant 0 : index
    %swap3A_36 = vector.load %arg9[%swap3A, %swap3A_35] : memref<2000x256xf32, #tpu.memory_space<vmem>>, vector<2000x256xf32>
    tpu.vector_store %arg9[%swap3A, %swap3A_35], %max3A_34 {strides = array<i32>} : memref<2000x256xf32, #tpu.memory_space<vmem>>, vector<2000x256xf32>,
    return
  }
  func.func @transform_0(%arg0: i32) -> (i32, i32) {
    %c0_i32 = arith.constant 0 : i32
    %c0_i32_0 = arith.constant 0 : i32
    return %arg0, %c0_i32 : i32, i32
  }
  func.func @transform_1(%arg0: i32) -> (i32, i32) {
    %c0_i32 = arith.constant 0 : i32
    %c0_i32_0 = arith.constant 0 : i32
    return %arg0, %c0_i32 : i32, i32
  }
  func.func @transform_2(%arg0: i32) -> (i32, i32) {
    %add3A = arith.constant 5 : i32
    %add3A_0 = arith.addi %arg0, %add3A : i32
    %c0_i32 = arith.constant 0 : i32
    %c0_i32_1 = arith.constant 0 : i32
    return %add3A_0, %c0_i32 : i32, i32
  }
  func.func @transform_3(%arg0: i32) -> (i32, i32) {
    %c0_i32 = arith.constant 0 : i32
    %c0_i32_0 = arith.constant 0 : i32
    return %arg0, %c0_i32 : i32, i32
  }
  func.func @transform_4(%arg0: i32) -> (i32, i32) {
    %add3A = arith.constant 5 : i32
    %add3A_0 = arith.addi %arg0, %add3A : i32
    %c0_i32 = arith.constant 0 : i32
    %c0_i32_1 = arith.constant 0 : i32
    return %add3A_0, %c0_i32 : i32, i32
  }
  func.func @transform_5(%arg0: i32) -> (i32, i32) {
    %c0_i32 = arith.constant 0 : i32
    %c0_i32_0 = arith.constant 0 : i32
    %c0_i32_1 = arith.constant 0 : i32
    return %c0_i32, %c0_i32_0 : i32, i32
  }
  func.func @transform_6(%arg0: i32) -> (i32, i32) {
    %c0_i32 = arith.constant 0 : i32
    %c0_i32_0 = arith.constant 0 : i32
    %c0_i32_1 = arith.constant 0 : i32
    return %c0_i32, %c0_i32_0 : i32, i32
  }
  func.func @transform_7(%arg0: i32) -> (i32, i32) {
    %c0_i32 = arith.constant 0 : i32
    %c0_i32_0 = arith.constant 0 : i32
    %c0_i32_1 = arith.constant 0 : i32
    return %c0_i32, %c0_i32_0 : i32, i32
  }
  func.func @transform_8(%arg0: i32) -> (i32, i32) {
    %c0_i32 = arith.constant 0 : i32
    %c0_i32_0 = arith.constant 0 : i32
    return %arg0, %c0_i32 : i32, i32
  }
}

</mosaic_0001>

<sc_bundles>
// kernel: kernel.11.cloned.1.call-start
scs
__scs_entry_jumppad:
0x0: {  	(pc) =	sbr.rel $0x88, $3  }
0x1: {  	(tag) =	ssettag $0x0;
	lr =	simm.s32 $0x1  }
0x2: {  	[smem:$0x3F98] =	sst lr;
	_ =	strace $0xD0000000  }
0x3: {  	_ = 	snop  }
0x4: {  	_ = 	snop  }
0x5: {  	_ = 	snop  }
0x6: {  	_ = 	snop  }
0x7: {  	_ = 	snop  }
__scs_overlays_trampoline_lowered:
0x8: {  	[smem:$0x3FA7] =	sst s0  }
0x9: {  	[smem:$0x3FA8] =	sst s1  }
0xa: {  	[smem:$0x3FA9] =	sst s2  }
0xb: {  	[smem:$0x3FAA] =	sst s3  }
0xc: {  	[smem:$0x3FAB] =	sst s4  }
0xd: {  	[smem:$0x3FAC] =	sst s5  }
0xe: {  	[smem:$0x3FAD] =	sst s6  }
0xf: {  	[smem:$0x3FAE] =	sst s7  }
0x10: {  	[smem:$0x3FAF] =	sst s8  }
0x11: {  	[smem:$0x3FB0] =	sst s9;
	s0 =	simm.s32 @!p0 $0x0  }
0x12: {  	s1 =	sld [smem:$0x3F96];
	s0 =	simm.s32 @p0 $0x1  }
0x13: {  	[smem:$0x3FB1] =	sst s0;
	s0 =	simm.s32 @!p1 $0x0  }
0x14: {  	s2 =	sld [smem:$0x3F95];
	s0 =	simm.s32 @p1 $0x1  }
0x15: {  	[smem:$0x3FB2] =	sst s0;
	s0 =	simm.s32 @!p2 $0x0  }
0x16: {  	s3 =	sld [smem:$0x3FDB];
	s0 =	simm.s32 @p2 $0x1  }
0x17: {  	s4 =	simm.s32 $0x1BF5;
	[smem:$0x3FB4] =	sst s0  }
0x18: {  	s0 =	sld [smem:$0x3F97];
	_ =	swait.ge [sflag:s4], $0x0  }
0x19: {  	s7 =	sld [smem:$0x3F98]  }
0x1a: {  	s8 =	sadd.s32 $0xFFFFE003, lr  }
0x1b: {  	s9 =	sadd.s32 $0xFFFFFEF7, lr;
	s5 =	simm.s32 $0xFFFFFFFF;
	p2 =	slt.u32 s8, $0xFFFFF086  }
0x1c: {  	p1 =	slt.u32 s9, $0xF7A;
	s5 =	simm.s32 @!p2 $0x0  }
0x1d: {  	s5 =	simm.s32 @p1 $0x1;
	p0 =	seq.s32 s7, s2  }
0x1e: {  	s7 =	smul.u32 @!p0 $0xF7A, s2;
	p2 =	seq.s32 @!p0 s5, $0x0  }
0x1f: {  	s9 =	smul.u32 $0xF7A, s1;
	s8 =	simm.s32 @!p0 $0x1BF5;
	p2 =	por !p2, p0  }
0x20: {  	[sflag:s8] =	ssyncset.s32 @!p0 $0xFFFFF086;
	s6 =	sadd.s32 @!p0 s3, s7;
	s7 =	simm.s32 @!p0 $0x108  }
0x21: {  	s3 =	sadd.s32 s3, s9;
	s6 =	sadd.s32 @!p0 $0x88, s6;
	s7 =	simm.s32 @p2 $0x1082  }
0x22: {  	[simem:s7], [sflag:s8] =	dma.local @!p0 [hbm:s6], $0xF7A  }
0x23: {  	s9 =	sor.u32 $0xD0000000, s2;
	s6 =	simm.s32 $0x108;
	_ =	swait.ge @!p0 [sflag:s8], $0x0  }
0x24: {  	s3 =	sadd.s32 $0x88, s3;
	s6 =	simm.s32 @!p1 $0x1082;
	[sflag:s4] =	ssyncset.s32 $0xFFFFF086  }
0x25: {  	[simem:s6], [sflag:s4] =	dma.local [hbm:s3], $0xF7A  }
0x26: {  	[smem:$0x3F98] =	sst s1;
	(tag) =	ssettag s2;
	_ =	strace s9  }
0x27: {  	s1 =	sld [smem:$0x3FA8]  }
0x28: {  	s2 =	sld [smem:$0x3FA9]  }
0x29: {  	s4 =	sld [smem:$0x3FAB]  }
0x2a: {  	p0 =	seq.s32 s5, $0x0;
	s5 =	sld [smem:$0x3FAC]  }
0x2b: {  	s6 =	sld [smem:$0x3FAD]  }
0x2c: {  	s7 =	sld [smem:$0x3FAE]  }
0x2d: {  	s3 =	simm.s32 $0x108;
	s8 =	sld [smem:$0x3FAF]  }
0x2e: {  	s3 =	simm.s32 @!p0 $0x1082;
	s9 =	sld [smem:$0x3FB0]  }
0x2f: {  	lr =	sadd.s32 s0, s3;
	s0 =	sld [smem:$0x3FA7]  }
0x30: {  	s3 =	sld [smem:$0x3FAA]  }
0x31: {  	[smem:$0x3FB3] =	sst s10  }
0x32: {  	s10 =	sld [smem:$0x3FB1];
	_ =	sdelay $0x3  }
0x33: {  	p0 =	seq.s32 s10, $0x1;
	s10 =	sld [smem:$0x3FB3];
	_ =	sdelay $0x3  }
0x34: {  	[smem:$0x3FB3] =	sst s10  }
0x35: {  	s10 =	sld [smem:$0x3FB2];
	_ =	sdelay $0x3  }
0x36: {  	p1 =	seq.s32 s10, $0x1;
	s10 =	sld [smem:$0x3FB3];
	_ =	sdelay $0x3  }
0x37: {  	[smem:$0x3FB3] =	sst s10  }
0x38: {  	s10 =	sld [smem:$0x3FB4]  }
0x39: {  	_ = 	snop;
	(pc) =	sbr.ind lr, $3  }
0x3a: {  	_ = 	snop  }
0x3b: {  	_ = 	snop  }
0x3c: {  	p2 =	seq.s32 s10, $0x1;
	s10 =	sld [smem:$0x3FB3]  }
0x3d: {  	_ =	shalt  }
0x3e: {  	_ =	shalt  }
0x3f: {  	_ =	shalt  }
0x40: {  	_ =	shalt  }
0x41: {  	_ =	shalt  }
0x42: {  	_ =	shalt  }
0x43: {  	_ =	shalt  }
0x44: {  	_ =	shalt  }
0x45: {  	_ =	shalt  }
0x46: {  	_ =	shalt  }
0x47: {  	_ =	shalt  }
0x48: {  	_ =	shalt  }
0x49: {  	_ =	shalt  }
0x4a: {  	_ =	shalt  }
0x4b: {  	_ =	shalt  }
0x4c: {  	_ =	shalt  }
0x4d: {  	_ =	shalt  }
0x4e: {  	_ =	shalt  }
0x4f: {  	_ =	shalt  }
0x50: {  	_ =	shalt  }
0x51: {  	_ =	shalt  }
0x52: {  	_ =	shalt  }
0x53: {  	_ =	shalt  }
0x54: {  	_ =	shalt  }
0x55: {  	_ =	shalt  }
0x56: {  	_ =	shalt  }
0x57: {  	_ =	shalt  }
0x58: {  	_ =	shalt  }
0x59: {  	_ =	shalt  }
0x5a: {  	_ =	shalt  }
0x5b: {  	_ =	shalt  }
0x5c: {  	_ =	shalt  }
0x5d: {  	_ =	shalt  }
0x5e: {  	_ =	shalt  }
0x5f: {  	_ =	shalt  }
0x60: {  	_ =	shalt  }
0x61: {  	_ =	shalt  }
0x62: {  	_ =	shalt  }
0x63: {  	_ =	shalt  }
0x64: {  	_ =	shalt  }
0x65: {  	_ =	shalt  }
0x66: {  	_ =	shalt  }
0x67: {  	_ =	shalt  }
0x68: {  	_ =	shalt  }
0x69: {  	_ =	shalt  }
0x6a: {  	_ =	shalt  }
0x6b: {  	_ =	shalt  }
0x6c: {  	_ =	shalt  }
0x6d: {  	_ =	shalt  }
0x6e: {  	_ =	shalt  }
0x6f: {  	_ =	shalt  }
0x70: {  	_ =	shalt  }
0x71: {  	_ =	shalt  }
0x72: {  	_ =	shalt  }
0x73: {  	_ =	shalt  }
0x74: {  	_ =	shalt  }
0x75: {  	_ =	shalt  }
0x76: {  	_ =	shalt  }
0x77: {  	_ =	shalt  }
0x78: {  	_ =	shalt  }
0x79: {  	_ =	shalt  }
0x7a: {  	_ =	shalt  }
0x7b: {  	_ =	shalt  }
0x7c: {  	_ =	shalt  }
0x7d: {  	_ =	shalt  }
0x7e: {  	_ =	shalt  }
0x7f: {  	_ =	shalt  }
0x80: {  	_ =	shalt  }
0x81: {  	_ =	shalt  }
0x82: {  	_ =	shalt  }
0x83: {  	_ =	shalt  }
0x84: {  	_ =	shalt  }
0x85: {  	_ =	shalt  }
0x86: {  	_ =	shalt  }
0x87: {  	_ =	shalt  }
.Lfunc_end0:
.L_simem_size_0:
called_computation.1_lowered:
.L_overlay_start_0:
0x88: {  	s2 =	sld [smem:$0x3FD9]  }
0x89: {  	s3 =	sld [smem:$0x3FFE];
	_ =	sdelay $0x1  }
0x8a: {  	s1 =	srdreg.scid  }
0x8b: {  	s0 =	sand.u32 $0x1, s1  }
0x8c: {  	s15 =	sshll.u32 s0, $0xA;
	s2 =	sadd.s32 s3, s2  }
0x8d: {  	s2 =	sadd.s32 s2, s15  }
0x8e: {  	[smem:$0x3FBF] =	sst s2  }
0x8f: {  	_ = 	snop  }
0x90: {  	s2 =	sld [smem:$0x3FD0];
	_ =	sdelay $0x2  }
0x91: {  	s16 =	simm.s32 $0xB;
	s4 =	simm.s32 $0x10  }
0x92: {  	[smem:s4], [sflag:s16] =	dma.local [hbm:s2], $0x1  }
0x93: {  	_ =	swait.eq [sflag:s16], $0x1  }
0x94: {  	[sflag:s16] =	ssyncset.done $0x0  }
0x95: {  	[sflag:s16] =	ssyncadd.s32 $0xFFFFFFFF  }
0x96: {  	s17 =	sld [smem:$0x10];
	(tm) =	ssettm $0x1  }
0x97: {  	s18 =	sld [smem:$0x3FFB];
	_ =	sdelay $0x3  }
0x98: {  	_ =	strace s18  }
0x99: {  	s2 =	sld [smem:$0x3FFC];
	_ =	sdelay $0x3  }
0x9a: {  	_ =	strace s2  }
0x9b: {  	s2 =	sld [smem:$0x3FFD];
	_ =	sdelay $0x3  }
0x9c: {  	_ =	strace s2  }
0x9d: {  	_ =	strace $0x8FFFFFFF  }
0x9e: {  	s19 =	sld [smem:$0x3FDB];
	_ =	sdelay $0x1  }
0x9f: {  	s20 =	simm.s32 $_scs_section_size  }
0xa0: {  	s5 =	simm.s32 $_size__tile_overlayer_lowered;
	s6 =	simm.s32 $_tile_overlayer_lowered  }
0xa1: {  	s7 =	simm.s32 $0x1BFF;
	s21 =	sshll.u32 s6, $0x1;
	s4 =	sadd.s32 s20, s19  }
0xa2: {  	s22 =	simm.s32 $0x0;
	s5 =	sshll.u32 s5, $0x1;
	s6 =	sadd.s32 s21, s4  }
0xa3: {  	[timem:s22], [sflag:s7] =	dma.local [hbm:s6], s5  }
0xa4: {  	_ =	swait.ge [sflag:s7], s5  }
0xa5: {  	s5 =	ssub.s32 $0x0, s5;
	[sflag:s7] =	ssyncset.done $0x0  }
0xa6: {  	[sflag:s7] =	ssyncadd.s32 s5;
	_ =	sdelay $0x1  }
0xa7: {  	s23 =	simm.s32 $0x1B8B  }
0xa8: {  	_ =	swait.ge [sflag:s23], $0x1  }
0xa9: {  	[sflag:s23] =	ssyncset.done $0x0  }
0xaa: {  	[sflag:s23] =	ssyncadd.s32 $0xFFFFFFFF  }
0xab: {  	s5 =	sld [smem:$0x0]  }
0xac: {  	s6 =	sand.u32 $0xFFFFFFFE, s1  }
0xad: {  	p0 =	sne.s32 s1, s6  }
0xae: {  	s6 =	sshll.u32 @p0 s6, $0xE  }
0xaf: {  	s6 =	sadd.s32 @p0 $0x11B8D, s6;
	s7 =	sshll.u32 @p0 s5, $0x11  }
0xb0: {  	s6 =	sor.u32 @p0 s7, s6  }
0xb1: {  	[sflag:s6] =	ssyncadd.remote.s32 @p0 $0x1;
	_ =	sdelay $0x1  }
0xb2: {  	s6 =	simm.s32 @p0 $0x1B8D  }
0xb3: {  	_ =	swait.eq @p0 [sflag:s6], $0x1  }
0xb4: {  	[sflag:s6] =	ssyncadd.s32 @p0 $0xFFFFFFFF  }
0xb5: {  	s7 =	sshll.u32 @!p0 s1, $0xE  }
0xb6: {  	s7 =	sor.u32 @!p0 $0x4000, s7;
	s6 =	simm.s32 @!p0 $0x1B8D  }
0xb7: {  	s5 =	sshll.u32 @!p0 s5, $0x11;
	s7 =	sadd.s32 @!p0 $0x11B8D, s7;
	_ =	swait.eq @!p0 [sflag:s6], $0x1  }
0xb8: {  	s5 =	sor.u32 @!p0 s5, s7;
	[sflag:s6] =	ssyncadd.s32 @!p0 $0xFFFFFFFF  }
0xb9: {  	s25 =	simm.s32 $0x1B8E;
	s24 =	sld [smem:$0x3FFE];
	[sflag:s5] =	ssyncadd.remote.s32 @!p0 $0x1  }
0xba: {  	s26 =	simm.s32 $execute0_lowered;
	[smem:$0x3FD2] =	sst s25  }
0xbb: {  	s6 =	sshll.u32 s26, $0x1;
	_ =	strace $0x80000049;
	[dreg:$0x1] =	wrdreg $0xFFFFFFFF  }
0xbc: {  	s28 =	simm.s32 $_size_execute0_lowered;
	s4 =	sadd.s32 s4, s6;
	[dreg:$0x0] =	wrdreg $0x0  }
0xbd: {  	s6 =	sshll.u32 s28, $0x1;
	[dreg:$0x2] =	wrdreg s4  }
0xbe: {  	[dreg:$0x3] =	wrdreg s6  }
0xbf: {  	[dreg:$0x4] =	wrdreg $0xC0  }
0xc0: {  	_ =	task [dreg:s22], $0x5FFFF  }
0xc1: {  	[dreg:$0x1] =	wrdreg $0xFFFFFFFF  }
0xc2: {  	[dreg:$0x0] =	wrdreg $0x60  }
0xc3: {  	[dreg:$0x2] =	wrdreg s17  }
0xc4: {  	[dreg:$0x3] =	wrdreg s24  }
0xc5: {  	[dreg:$0x4] =	wrdreg $0x0  }
0xc6: {  	[dreg:$0x5] =	wrdreg $0xA  }
0xc7: {  	_ =	task.clear_ibuf [dreg:s22], $0x6FFFF;
	_ =	strace $0x90000049  }
0xc8: {  	s29 =	simm.s32 $0xA;
	_ =	strace $0x8000004B  }
0xc9: {  	_ =	swait.ge [sflag:s29], $0x1  }
0xca: {  	[sflag:s29] =	ssyncadd.s32 $0xFFFFFFFF  }
0xcb: {  	_ =	strace $0x9000004B  }
0xcc: {  	_ =	sfence  }
0xcd: {  	s30 =	sld [smem:$0x0];
	_ =	sdelay $0x2  }
0xce: {  	s31 =	sshll.u32 s1, $0xD;
	s1 =	sshrl.u32 s1, $0x2  }
0xcf: {  	s4 =	sand.u32 $0x4000, s31;
	s1 =	sadd.s32 s1, s30  }
0xd0: {  	s0 =	sor.u32 s4, s0;
	s1 =	sshll.u32 s1, $0x11  }
0xd1: {  	s0 =	sor.u32 s1, s0  }
0xd2: {  	s0 =	sadd.s32 $0x8F2B, s0  }
0xd3: {  	[sflag:s0] =	ssyncadd.remote.s32 $0x1  }
0xd4: {  	_ =	sfence.sel $0xFFFF  }
0xd5: {  	[dreg:$0x0] =	wrdreg $0xFFFFFFFF;
	(pc) =	sbr.abs _section_cstart, $3  }
0xd6: {  	[dreg:$0x1] =	wrdreg $0xFFFFFFFF  }
0xd7: {  	_ =	task.clear_ibuf [dreg:s22], $0x2FFFF;
	_ =	strace $0x9FFFFFFF  }
0xd8: {  	(tm) =	ssettm $0x7FFFFFFF  }
0xd9: {  	_ =	shalt  }
tec
execute0_lowered:
.L_overlay_start_1:
0x0: {  	(tag) =	ssettag $0x1  }
0x1: {  	s1 =	rddreg [dreg:$0x0]  }
0x2: {  	s0 =	rddreg [dreg:$0x1]  }
0x3: {  	s3 =	rddreg [dreg:$0x2]  }
0x4: {  	s4 =	simm.s32 $0x0;
	s15 =	stileid.u32;
	s2 =	srdreg.scid  }
0x5: {  	s20 =	simm.s32 $0x1DA60;
	s21 =	simm.s32 $0x5;
	s19 =	simm.s32 $0x2  }
0x6: {  	s29 =	simm.s32 $0x13970;
	s31 =	simm.s32 $0x4;
	s7 =	smul.u32 $0x270, s15  }
0x7: {  	s28 =	simm.s32 $0x1B260;
	s30 =	simm.s32 $0x138D0;
	s8 =	smul.u32 $0x4E000, s15  }
0x8: {  	s16 =	simm.s32 $0x189C0;
	s17 =	simm.s32 $0x0;
	s10 =	smul.u32 $0x2710, s15  }
0x9: {  	s5 =	sadd.s32 $0x2EAA00, s0;
	s2 =	sand.u32 $0x1, s2;
	s13 =	smul.u32 $0x4E20, s15  }
0xa: {  	[smem:$0x7FF] =	sst s4;
	s6 =	sadd.s32 $0x2E0C00, s0;
	s12 =	smul.u32 $0x2710, s2  }
0xb: {  	s0 =	sadd.s32 $0xDE00, s0;
	p0 =	seq.s32 s15, $0xF;
	s14 =	smul.u32 $0x27100, s2  }
0xc: {  	_ =	strace $0x8000004A;
	s9 =	ssub.s32 $0x2, s2;
	s2 =	smul.u32 $0x138800, s2  }
0xd: {  	s11 =	sshrl.u32 s9, $0x1;
	s8 =	sshrl.u32 s8, $0x2;
	s13 =	sshrl.u32 s13, $0x3  }
0xe: {  	s11 =	ssub.s32 s9, s11;
	s9 =	simm.s32 $0x28;
	s18 =	sadd.s32 s8, s3  }
0xf: {  	s10 =	sadd.s32 s10, s14;
	s13 =	sadd.s32 s6, s13;
	s7 =	sadd.s32 s7, s12  }
0x10: {  	s2 =	sshrl.u32 s2, $0x3;
	v0 =	vmov s12;
	s12 =	simm.s32 $0x3;
	s9 =	simm.s32 @!p0 $0x27  }
0x11: {  	s14 =	sshll.u32 s10, $0x4;
	s23 =	sadd.s32 $0x14, s13;
	s7 =	sshll.u32 s7, $0x4  }
0x12: {  	s2 =	sadd.s32 s0, s2;
	s26 =	smax.u32 s11, $0x1;
	[dreg:$0x5] =	wrdreg s18  }
0x13: {  	s11 =	simm.s32 $0x1;
	[dreg:$0x4] =	wrdreg s9;
	s9 =	smul.u32 $0x7D, s15  }
0x14: {  	s15 =	smul.u32 $0x9C4, s15;
	[dreg:$0x7] =	wrdreg s23;
	s24 =	sadd.s32 s5, s14  }
0x15: {  	s14 =	sadd.s32 $0x50, s10;
	s0 =	sadd.s32 s0, s7;
	[dreg:$0xc] =	wrdreg s26  }
0x16: {  	s25 =	sadd.s32 $0x24900, s2;
	s23 =	simm.s32 $0x18970;
	[dreg:$0x8] =	wrdreg s24  }
0x17: {  	s26 =	simm.s32 $0x50;
	s2 =	simm.s32 $0x18A60;
	[dreg:$0xa] =	wrdreg s0  }
0x18: {  	s8 =	sadd.s32 $0x26C00, s24;
	[dreg:$0xb] =	wrdreg s25;
	s0 =	sadd.s32 $0x124800, s3  }
0x19: {  	s24 =	simm.s32 $0x13920;
	s22 =	sadd.s32 s6, s15;
	[dreg:$0x9] =	wrdreg s8  }
0x1a: {  	s15 =	sadd.s32 $0x3, s9;
	s0 =	sshrl.u32 @p0 s0, $0x3;
	[dreg:$0x6] =	wrdreg s22  }
0x1b: {  	v1 =	vimm.f32 $0.0e+00;
	s22 =	simm.s32 $0x13880;
	[dreg:$0xd] =	wrdreg s0;
	s0 =	simm.s32 $0x18A10  }
.LBB2_1:
0x1c: {  	s7 =	simm.s32 $0x0;
	s13 =	simm.s32 $0x200  }
.LBB2_2:
0x1d: {  	p1 =	sne.s32 s13, $0x1E00;
	[tilespmem:s7+$0x1DAD0] =	vst v1  }
0x1e: {  	[tilespmem:s7+$0x1DA60] =	vst v1  }
0x1f: {  	[tilespmem:s7+$0x1DA70] =	vst v1  }
.Ltmp0:
0x20: {  	[tilespmem:s7+$0x1DA80] =	vst v1;
	(pc) =	sbr.rel @p1 .LBB2_2-.Ltmp0, $4  }
0x21: {  	[tilespmem:s7+$0x1DA90] =	vst v1  }
0x22: {  	[tilespmem:s7+$0x1DAA0] =	vst v1  }
0x23: {  	[tilespmem:s7+$0x1DAB0] =	vst v1  }
0x24: {  	[tilespmem:s7+$0x1DAC0] =	vst v1;
	s7 =	sshra.s32 s13, $0x2;
	s13 =	sadd.s32 $0x200, s13  }
0x25: {  	[tilespmem:s7+$0x1DAD0] =	vst v1  }
0x26: {  	[tilespmem:s7+$0x1DA60] =	vst v1  }
0x27: {  	[tilespmem:s7+$0x1DA70] =	vst v1  }
0x28: {  	[tilespmem:s7+$0x1DA80] =	vst v1  }
0x29: {  	[tilespmem:s7+$0x1DA90] =	vst v1;
	s25 =	rddreg [dreg:$0x4]  }
0x2a: {  	[tilespmem:s7+$0x1DAA0] =	vst v1;
	p1 =	sne.s32 s25, $0x1  }
.Ltmp1:
0x2b: {  	[tilespmem:s7+$0x1DAB0] =	vst v1;
	(pc) =	sbr.rel @!p1 .LBB2_5-.Ltmp1, $4  }
0x2c: {  	[tilespmem:s7+$0x1DAC0] =	vst v1  }
0x2d: {  	[spmem:s18] =	stream.linear.scatter [tilespmem:s20], [sflag:$0x5], $0x800, $0x38;
	[tilespmem:$0x1E260] =	vst v63  }
0x2e: {  	_ =	swait.ge [sflag:s21], $0x800  }
0x2f: {  	s13 =	smov.u32 s18;
	s7 =	sadd.s32 $0xFFFFFFFF, s25;
	[sflag:s21] =	ssyncset.done $0x0  }
.LBB2_4:
0x30: {  	p1 =	sne.s32 s7, $0x1;
	[sflag:s21] =	ssyncadd.s32 $0xFFFFF800;
	s13 =	sadd.s32 $0x800, s13  }
.Ltmp2:
0x31: {  	s7 =	sadd.s32 $0xFFFFFFFF, s7;
	(pc) =	sbr.rel @p1 .LBB2_4-.Ltmp2, $4  }
0x32: {  	_ = 	snop  }
0x33: {  	[spmem:s13] =	stream.linear.scatter [tilespmem:s20], [sflag:$0x5], $0x800, $0x38;
	[tilespmem:$0x1E260] =	vst v63  }
0x34: {  	_ =	swait.ge [sflag:s21], $0x800  }
0x35: {  	[sflag:s21] =	ssyncset.done $0x0  }
.LBB2_5:
0x36: {  	[sflag:s21] =	ssyncadd.s32 $0xFFFFF800  }
0x37: {  	[bflag:$0x0] =	sbarrier.arrive $0xFFFF  }
0x38: {  	s18 =	simm.s32 $0x0;
	s7 =	rddreg [dreg:$0x6]  }
0x39: {  	[tilespmem:s22], [sflag:$0x2] =	stream.linear.gather [hbm4b:s7+s18], $0xA0, $0x38;
	[tilespmem:$0x1E260] =	vst v63  }
0x3a: {  	s13 =	rddreg [dreg:$0x7]  }
0x3b: {  	[tilespmem:s23], [sflag:$0x4] =	stream.linear.gather [hbm4b:s13+s18], $0xA0, $0x38;
	[tilespmem:$0x1E260] =	vst v63  }
0x3c: {  	_ =	swait.ge [sflag:s19], $0xA0  }
0x3d: {  	[sflag:s19] =	ssyncset.done $0x0  }
0x3e: {  	[sflag:s19] =	ssyncadd.s32 $0xFFFFFF60  }
0x3f: {  	v2 =	vld [tilespmem:$0x13880]  }
0x40: {  	v3 =	vld [tilespmem:$0x13890]  }
0x41: {  	v4 =	vld [tilespmem:$0x138A0]  }
0x42: {  	v5 =	vld [tilespmem:$0x138B0]  }
0x43: {  	v6 =	vld [tilespmem:$0x138C0]  }
0x44: {  	v2 =	vadd.s32 v0, v2  }
0x45: {  	[tilespmem:$0x13920] =	vst v2;
	v2 =	vadd.s32 v0, v3  }
0x46: {  	[tilespmem:$0x13930] =	vst v2;
	v2 =	vadd.s32 v0, v4  }
0x47: {  	[tilespmem:$0x13940] =	vst v2;
	v2 =	vadd.s32 v0, v5  }
0x48: {  	[tilespmem:$0x13950] =	vst v2;
	v2 =	vadd.s32 v0, v6  }
0x49: {  	[tilespmem:$0x13960] =	vst v2  }
0x4a: {  	[tilespmem:s29], [sflag:$0x1] =	stream.indirect.gather [hbm4b:s1+s26], $0x80, s24, s26, $0xb8;
	[tilespmem:$0x1E260] =	vst v63  }
0x4b: {  	s8 =	simm.s32 $0x16170;
	s25 =	rddreg [dreg:$0x8];
	s19 =	simm.s32 $0x0  }
0x4c: {  	[tilespmem:s8], [sflag:$0x1] =	stream.linear.gather [hbm4b:s25+s18], $0x2800, $0x38;
	[tilespmem:$0x1E260] =	vst v63  }
.LBB2_6:
0x4d: {  	_ =	swait.ge [sflag:s31], $0xA0  }
0x4e: {  	[sflag:s31] =	ssyncset.done $0x0  }
0x4f: {  	[sflag:s31] =	ssyncadd.s32 $0xFFFFFF60  }
0x50: {  	v2 =	vld [tilespmem:$0x18970]  }
0x51: {  	v3 =	vld [tilespmem:$0x18980]  }
0x52: {  	v4 =	vld [tilespmem:$0x18990]  }
0x53: {  	v5 =	vld [tilespmem:$0x189A0]  }
0x54: {  	v6 =	vld [tilespmem:$0x189B0]  }
0x55: {  	v2 =	vadd.s32 v0, v2  }
0x56: {  	s7 =	smul.u32 $0xA0, s19;
	[tilespmem:$0x18A10] =	vst v2;
	v2 =	vadd.s32 v0, v3  }
0x57: {  	[tilespmem:$0x18A20] =	vst v2;
	v2 =	vadd.s32 v0, v4  }
0x58: {  	s7 =	sadd.s32 s7, s14;
	[tilespmem:$0x18A30] =	vst v2;
	v2 =	vadd.s32 v0, v5  }
0x59: {  	s7 =	sshll.u32 s7, $0x4;
	[tilespmem:$0x18A40] =	vst v2;
	v2 =	vadd.s32 v0, v6  }
0x5a: {  	s7 =	sand.u32 $0x1FFFFF00, s7;
	[tilespmem:$0x18A50] =	vst v2  }
0x5b: {  	[tilespmem:s2], [sflag:$0x3] =	stream.indirect.gather [hbm4b:s1+s26], $0x80, s0, s26, $0xb8;
	[tilespmem:$0x1E260] =	vst v63  }
0x5c: {  	s7 =	sadd.s32 s5, s7  }
0x5d: {  	[tilespmem:s28], [sflag:$0x3] =	stream.linear.gather [hbm4b:s7+s18], $0x2800, $0x38;
	[tilespmem:$0x1E260] =	vst v63  }
0x5e: {  	_ =	swait.ge [sflag:s11], $0x2800  }
0x5f: {  	[sflag:s11] =	ssyncset.done $0x0  }
0x60: {  	[sflag:s11] =	ssyncadd.s32 $0xFFFFD800  }
0x61: {  	_ =	swait.ge [sflag:s11], $0x2800  }
0x62: {  	[sflag:s11] =	ssyncset.done $0x0  }
0x63: {  	s24 =	simm.s32 $0x0;
	[sflag:s11] =	ssyncadd.s32 $0xFFFFD800  }
0x64: {  	v8 =	vld [tilespmem:s24+$0x16170]  }
0x65: {  	v9 =	vld [tilespmem:s24+$0x16180]  }
0x66: {  	v10 =	vld [tilespmem:s24+$0x16190]  }
0x67: {  	v11 =	vld [tilespmem:s24+$0x161A0]  }
0x68: {  	v12 =	vld [tilespmem:s24+$0x161B0]  }
0x69: {  	v13 =	vld [tilespmem:s24+$0x161C0]  }
0x6a: {  	v14 =	vld [tilespmem:s24+$0x161D0]  }
0x6b: {  	v15 =	vld [tilespmem:s24+$0x161E0]  }
0x6c: {  	v16 =	vld [tilespmem:s24+$0x161F0]  }
0x6d: {  	v17 =	vld [tilespmem:s24+$0x16200]  }
0x6e: {  	v18 =	vld [tilespmem:s24+$0x16210]  }
0x6f: {  	v19 =	vld [tilespmem:s24+$0x16220]  }
0x70: {  	v20 =	vld [tilespmem:s24+$0x16230]  }
0x71: {  	v21 =	vld [tilespmem:s24+$0x16240]  }
0x72: {  	v22 =	vld [tilespmem:s24+$0x16250]  }
0x73: {  	v23 =	vld [tilespmem:s24+$0x16260]  }
0x74: {  	v24 =	vld [tilespmem:s24+$0x16270]  }
0x75: {  	v25 =	vld [tilespmem:s24+$0x16280]  }
0x76: {  	v26 =	vld [tilespmem:s24+$0x16290]  }
0x77: {  	v27 =	vld [tilespmem:s24+$0x162A0]  }
0x78: {  	v28 =	vld [tilespmem:s24+$0x162B0]  }
0x79: {  	v34 =	vld [tilespmem:s24+$0x13970]  }
0x7a: {  	v29 =	vld [tilespmem:s24+$0x162C0]  }
0x7b: {  	v35 =	vld [tilespmem:s24+$0x13980]  }
0x7c: {  	v36 =	vld [tilespmem:s24+$0x13990]  }
0x7d: {  	v30 =	vld [tilespmem:s24+$0x162D0]  }
0x7e: {  	v37 =	vld [tilespmem:s24+$0x139A0];
	v8 =	vadd.f32 v8, v34  }
0x7f: {  	v38 =	vld [tilespmem:s24+$0x139B0]  }
0x80: {  	v31 =	vld [tilespmem:s24+$0x162E0];
	v9 =	vadd.f32 v9, v35;
	v8 =	vmax.f32 v8, $0.0e+00  }
0x81: {  	v62 =	vld [tilespmem:s24+$0x139C0];
	[tilespmem:s24+$0x13970] =	vst v8;
	v8 =	vadd.f32 v10, v36  }
0x82: {  	v39 =	vld [tilespmem:s24+$0x139D0];
	v9 =	vmax.f32 v9, $0.0e+00  }
0x83: {  	v32 =	vld [tilespmem:s24+$0x162F0];
	[tilespmem:s24+$0x13980] =	vst v9;
	v9 =	vadd.f32 v11, v37;
	v8 =	vmax.f32 v8, $0.0e+00  }
0x84: {  	v63 =	vld [tilespmem:s24+$0x139E0];
	[tilespmem:s24+$0x13990] =	vst v8;
	v8 =	vadd.f32 v12, v38  }
0x85: {  	v10 =	vld [tilespmem:s24+$0x139F0];
	v9 =	vmax.f32 v9, $0.0e+00  }
0x86: {  	v33 =	vld [tilespmem:s24+$0x16300];
	[tilespmem:s24+$0x139A0] =	vst v9;
	v9 =	vadd.f32 v13, v62;
	v8 =	vmax.f32 v8, $0.0e+00  }
0x87: {  	v11 =	vld [tilespmem:s24+$0x13A00];
	[tilespmem:s24+$0x139B0] =	vst v8;
	v8 =	vadd.f32 v14, v39  }
0x88: {  	v12 =	vld [tilespmem:s24+$0x13A10];
	v9 =	vmax.f32 v9, $0.0e+00  }
0x89: {  	v7 =	vld [tilespmem:s24+$0x16310];
	[tilespmem:s24+$0x139C0] =	vst v9;
	v9 =	vadd.f32 v15, v63;
	v8 =	vmax.f32 v8, $0.0e+00  }
0x8a: {  	v13 =	vld [tilespmem:s24+$0x13A20];
	[tilespmem:s24+$0x139D0] =	vst v8;
	v8 =	vadd.f32 v16, v10  }
0x8b: {  	v14 =	vld [tilespmem:s24+$0x13A30];
	v9 =	vmax.f32 v9, $0.0e+00  }
0x8c: {  	v6 =	vld [tilespmem:s24+$0x16320];
	[tilespmem:s24+$0x139E0] =	vst v9;
	v9 =	vadd.f32 v17, v11;
	v8 =	vmax.f32 v8, $0.0e+00  }
0x8d: {  	v15 =	vld [tilespmem:s24+$0x13A40];
	[tilespmem:s24+$0x139F0] =	vst v8;
	v8 =	vadd.f32 v18, v12  }
0x8e: {  	v10 =	vld [tilespmem:s24+$0x13A50];
	v9 =	vmax.f32 v9, $0.0e+00  }
0x8f: {  	v5 =	vld [tilespmem:s24+$0x16330];
	[tilespmem:s24+$0x13A00] =	vst v9;
	v9 =	vadd.f32 v19, v13;
	v8 =	vmax.f32 v8, $0.0e+00  }
0x90: {  	v11 =	vld [tilespmem:s24+$0x13A60];
	[tilespmem:s24+$0x13A10] =	vst v8;
	v8 =	vadd.f32 v20, v14  }
0x91: {  	v12 =	vld [tilespmem:s24+$0x13A70];
	v9 =	vmax.f32 v9, $0.0e+00  }
0x92: {  	v4 =	vld [tilespmem:s24+$0x16340];
	[tilespmem:s24+$0x13A20] =	vst v9;
	v9 =	vadd.f32 v21, v15;
	v8 =	vmax.f32 v8, $0.0e+00  }
0x93: {  	v13 =	vld [tilespmem:s24+$0x13A80];
	[tilespmem:s24+$0x13A30] =	vst v8;
	v8 =	vadd.f32 v22, v10  }
0x94: {  	v14 =	vld [tilespmem:s24+$0x13A90];
	v9 =	vmax.f32 v9, $0.0e+00  }
0x95: {  	v3 =	vld [tilespmem:s24+$0x16350];
	[tilespmem:s24+$0x13A40] =	vst v9;
	v9 =	vadd.f32 v23, v11;
	v8 =	vmax.f32 v8, $0.0e+00  }
0x96: {  	v15 =	vld [tilespmem:s24+$0x13AA0];
	[tilespmem:s24+$0x13A50] =	vst v8;
	v8 =	vadd.f32 v24, v12  }
0x97: {  	v10 =	vld [tilespmem:s24+$0x13AB0];
	v9 =	vmax.f32 v9, $0.0e+00  }
0x98: {  	v2 =	vld [tilespmem:s24+$0x16360];
	[tilespmem:s24+$0x13A60] =	vst v9;
	v9 =	vadd.f32 v25, v13;
	v8 =	vmax.f32 v8, $0.0e+00  }
0x99: {  	v11 =	vld [tilespmem:s24+$0x13AC0];
	[tilespmem:s24+$0x13A70] =	vst v8;
	v8 =	vadd.f32 v26, v14  }
0x9a: {  	v16 =	vld [tilespmem:s24+$0x13AD0];
	v9 =	vmax.f32 v9, $0.0e+00  }
0x9b: {  	v13 =	vld [tilespmem:s24+$0x13AE0];
	[tilespmem:s24+$0x13A80] =	vst v9;
	v9 =	vadd.f32 v27, v15;
	v8 =	vmax.f32 v8, $0.0e+00  }
0x9c: {  	v14 =	vld [tilespmem:s24+$0x13AF0];
	[tilespmem:s24+$0x13A90] =	vst v8;
	v8 =	vadd.f32 v28, v10  }
0x9d: {  	v17 =	vld [tilespmem:s24+$0x13B00];
	v9 =	vmax.f32 v9, $0.0e+00  }
0x9e: {  	v12 =	vld [tilespmem:s24+$0x13B10];
	[tilespmem:s24+$0x13AA0] =	vst v9;
	v9 =	vadd.f32 v29, v11;
	v8 =	vmax.f32 v8, $0.0e+00  }
0x9f: {  	v11 =	vld [tilespmem:s24+$0x13B20];
	[tilespmem:s24+$0x13AB0] =	vst v8;
	v8 =	vadd.f32 v30, v16  }
0xa0: {  	v13 =	vadd.f32 v31, v13;
	v10 =	vld [tilespmem:s24+$0x13B30];
	v9 =	vmax.f32 v9, $0.0e+00  }
0xa1: {  	v14 =	vadd.f32 v32, v14;
	[tilespmem:s24+$0x13AC0] =	vst v9;
	v9 =	vld [tilespmem:s24+$0x13B40];
	v8 =	vmax.f32 v8, $0.0e+00  }
0xa2: {  	s13 =	simm.s32 $0x800;
	v15 =	vmax.f32 v13, $0.0e+00;
	v13 =	vadd.f32 v33, v17;
	[tilespmem:s24+$0x13AD0] =	vst v8;
	v8 =	vld [tilespmem:s24+$0x13B50]  }
.LBB2_7:
0xa3: {  	s7 =	sshra.s32 s13, $0x2;
	p1 =	sne.s32 s13, $0x9800;
	[tilespmem:s24+$0x13AE0] =	vst v15;
	v14 =	vmax.f32 v14, $0.0e+00;
	v7 =	vadd.f32 v7, v12;
	v12 =	vld [tilespmem:s24+$0x13B60]  }
0xa4: {  	v15 =	vld [tilespmem:s7+$0x16170];
	[tilespmem:s24+$0x13AF0] =	vst v14;
	v13 =	vmax.f32 v13, $0.0e+00;
	v6 =	vadd.f32 v6, v11  }
0xa5: {  	v14 =	vld [tilespmem:s7+$0x16180];
	[tilespmem:s24+$0x13B00] =	vst v13;
	v7 =	vmax.f32 v7, $0.0e+00;
	v5 =	vadd.f32 v5, v10  }
0xa6: {  	v16 =	vld [tilespmem:s7+$0x16190];
	[tilespmem:s24+$0x13B10] =	vst v7;
	v6 =	vmax.f32 v6, $0.0e+00;
	v4 =	vadd.f32 v4, v9  }
0xa7: {  	v17 =	vld [tilespmem:s7+$0x161A0];
	[tilespmem:s24+$0x13B20] =	vst v6;
	v5 =	vmax.f32 v5, $0.0e+00;
	v3 =	vadd.f32 v3, v8  }
0xa8: {  	v18 =	vld [tilespmem:s7+$0x161B0];
	[tilespmem:s24+$0x13B30] =	vst v5;
	v4 =	vmax.f32 v4, $0.0e+00;
	v2 =	vadd.f32 v2, v12  }
0xa9: {  	v19 =	vld [tilespmem:s7+$0x161C0];
	[tilespmem:s24+$0x13B40] =	vst v4;
	v3 =	vmax.f32 v3, $0.0e+00  }
0xaa: {  	v20 =	vld [tilespmem:s7+$0x161D0];
	[tilespmem:s24+$0x13B50] =	vst v3;
	v2 =	vmax.f32 v2, $0.0e+00  }
0xab: {  	v21 =	vld [tilespmem:s7+$0x161E0];
	[tilespmem:s24+$0x13B60] =	vst v2;
	s24 =	smov.u32 s7  }
0xac: {  	v22 =	vld [tilespmem:s24+$0x161F0]  }
0xad: {  	v23 =	vld [tilespmem:s24+$0x16200]  }
0xae: {  	v24 =	vld [tilespmem:s24+$0x16210]  }
0xaf: {  	v25 =	vld [tilespmem:s24+$0x16220]  }
0xb0: {  	v26 =	vld [tilespmem:s24+$0x16230]  }
0xb1: {  	v27 =	vld [tilespmem:s24+$0x16240]  }
0xb2: {  	v28 =	vld [tilespmem:s24+$0x16250]  }
0xb3: {  	v29 =	vld [tilespmem:s24+$0x16260]  }
0xb4: {  	v30 =	vld [tilespmem:s24+$0x16270]  }
0xb5: {  	v31 =	vld [tilespmem:s24+$0x16280]  }
0xb6: {  	v32 =	vld [tilespmem:s24+$0x16290]  }
0xb7: {  	v33 =	vld [tilespmem:s24+$0x162A0]  }
0xb8: {  	v13 =	vld [tilespmem:s24+$0x162B0]  }
0xb9: {  	v12 =	vld [tilespmem:s24+$0x162C0]  }
0xba: {  	v11 =	vld [tilespmem:s24+$0x162D0]  }
0xbb: {  	v10 =	vld [tilespmem:s24+$0x162E0]  }
0xbc: {  	v9 =	vld [tilespmem:s24+$0x162F0]  }
0xbd: {  	v8 =	vld [tilespmem:s24+$0x16300]  }
0xbe: {  	v7 =	vld [tilespmem:s24+$0x16310]  }
0xbf: {  	v6 =	vld [tilespmem:s24+$0x16320]  }
0xc0: {  	v5 =	vld [tilespmem:s24+$0x16330]  }
0xc1: {  	v4 =	vld [tilespmem:s24+$0x16340]  }
0xc2: {  	v3 =	vld [tilespmem:s24+$0x16350]  }
0xc3: {  	v2 =	vld [tilespmem:s24+$0x16360]  }
0xc4: {  	v34 =	vld [tilespmem:s24+$0x13970]  }
0xc5: {  	v35 =	vld [tilespmem:s24+$0x13980]  }
0xc6: {  	v36 =	vld [tilespmem:s24+$0x13990]  }
0xc7: {  	v37 =	vld [tilespmem:s24+$0x139A0]  }
0xc8: {  	v38 =	vld [tilespmem:s24+$0x139B0]  }
0xc9: {  	v15 =	vadd.f32 v15, v34;
	v34 =	vld [tilespmem:s24+$0x139C0]  }
0xca: {  	v14 =	vadd.f32 v14, v35;
	v35 =	vld [tilespmem:s24+$0x139D0]  }
0xcb: {  	v15 =	vmax.f32 v15, $0.0e+00;
	v16 =	vadd.f32 v16, v36;
	v36 =	vld [tilespmem:s24+$0x139E0]  }
0xcc: {  	[tilespmem:s24+$0x13970] =	vst v15;
	v14 =	vmax.f32 v14, $0.0e+00;
	v15 =	vadd.f32 v17, v37;
	v17 =	vld [tilespmem:s24+$0x139F0]  }
0xcd: {  	[tilespmem:s24+$0x13980] =	vst v14;
	v14 =	vmax.f32 v16, $0.0e+00;
	v16 =	vadd.f32 v18, v38;
	v18 =	vld [tilespmem:s24+$0x13A00]  }
0xce: {  	[tilespmem:s24+$0x13990] =	vst v14;
	v14 =	vmax.f32 v15, $0.0e+00;
	v15 =	vadd.f32 v19, v34;
	v19 =	vld [tilespmem:s24+$0x13A10]  }
0xcf: {  	[tilespmem:s24+$0x139A0] =	vst v14;
	v14 =	vmax.f32 v16, $0.0e+00;
	v16 =	vadd.f32 v20, v35;
	v20 =	vld [tilespmem:s24+$0x13A20]  }
0xd0: {  	[tilespmem:s24+$0x139B0] =	vst v14;
	v14 =	vmax.f32 v15, $0.0e+00;
	v15 =	vadd.f32 v21, v36;
	v21 =	vld [tilespmem:s24+$0x13A30]  }
0xd1: {  	[tilespmem:s24+$0x139C0] =	vst v14;
	v14 =	vmax.f32 v16, $0.0e+00;
	v16 =	vadd.f32 v22, v17;
	v17 =	vld [tilespmem:s24+$0x13A40]  }
0xd2: {  	[tilespmem:s24+$0x139D0] =	vst v14;
	v14 =	vmax.f32 v15, $0.0e+00;
	v15 =	vadd.f32 v23, v18;
	v18 =	vld [tilespmem:s24+$0x13A50]  }
0xd3: {  	[tilespmem:s24+$0x139E0] =	vst v14;
	v14 =	vmax.f32 v16, $0.0e+00;
	v16 =	vadd.f32 v24, v19;
	v19 =	vld [tilespmem:s24+$0x13A60]  }
0xd4: {  	[tilespmem:s24+$0x139F0] =	vst v14;
	v14 =	vmax.f32 v15, $0.0e+00;
	v15 =	vadd.f32 v25, v20;
	v20 =	vld [tilespmem:s24+$0x13A70]  }
0xd5: {  	[tilespmem:s24+$0x13A00] =	vst v14;
	v14 =	vmax.f32 v16, $0.0e+00;
	v16 =	vadd.f32 v26, v21;
	v21 =	vld [tilespmem:s24+$0x13A80]  }
0xd6: {  	[tilespmem:s24+$0x13A10] =	vst v14;
	v14 =	vmax.f32 v15, $0.0e+00;
	v15 =	vadd.f32 v27, v17;
	v17 =	vld [tilespmem:s24+$0x13A90]  }
0xd7: {  	[tilespmem:s24+$0x13A20] =	vst v14;
	v14 =	vmax.f32 v16, $0.0e+00;
	v16 =	vadd.f32 v28, v18;
	v18 =	vld [tilespmem:s24+$0x13AA0]  }
0xd8: {  	[tilespmem:s24+$0x13A30] =	vst v14;
	v14 =	vmax.f32 v15, $0.0e+00;
	v15 =	vadd.f32 v29, v19;
	v19 =	vld [tilespmem:s24+$0x13AB0]  }
0xd9: {  	[tilespmem:s24+$0x13A40] =	vst v14;
	v14 =	vmax.f32 v16, $0.0e+00;
	v16 =	vadd.f32 v30, v20;
	v20 =	vld [tilespmem:s24+$0x13AC0]  }
0xda: {  	[tilespmem:s24+$0x13A50] =	vst v14;
	v14 =	vmax.f32 v15, $0.0e+00;
	v15 =	vadd.f32 v31, v21;
	v21 =	vld [tilespmem:s24+$0x13AD0]  }
0xdb: {  	[tilespmem:s24+$0x13A60] =	vst v14;
	v14 =	vmax.f32 v16, $0.0e+00;
	v16 =	vadd.f32 v32, v17;
	v17 =	vld [tilespmem:s24+$0x13AE0]  }
0xdc: {  	[tilespmem:s24+$0x13A70] =	vst v14;
	v14 =	vmax.f32 v15, $0.0e+00;
	v15 =	vadd.f32 v33, v18;
	v18 =	vld [tilespmem:s24+$0x13AF0]  }
0xdd: {  	[tilespmem:s24+$0x13A80] =	vst v14;
	v14 =	vmax.f32 v16, $0.0e+00;
	v13 =	vadd.f32 v13, v19;
	v16 =	vld [tilespmem:s24+$0x13B00]  }
.Ltmp3:
0xde: {  	[tilespmem:s24+$0x13A90] =	vst v14;
	v14 =	vmax.f32 v15, $0.0e+00;
	v15 =	vadd.f32 v12, v20;
	v12 =	vld [tilespmem:s24+$0x13B10];
	(pc) =	sbr.rel @p1 .LBB2_7-.Ltmp3, $4  }
0xdf: {  	[tilespmem:s24+$0x13AA0] =	vst v14;
	v13 =	vmax.f32 v13, $0.0e+00;
	v14 =	vadd.f32 v11, v21;
	v11 =	vld [tilespmem:s24+$0x13B20]  }
0xe0: {  	[tilespmem:s24+$0x13AB0] =	vst v13;
	v13 =	vmax.f32 v15, $0.0e+00;
	v15 =	vadd.f32 v10, v17;
	v10 =	vld [tilespmem:s24+$0x13B30]  }
0xe1: {  	[tilespmem:s24+$0x13AC0] =	vst v13;
	v13 =	vmax.f32 v14, $0.0e+00;
	v14 =	vadd.f32 v9, v18;
	v9 =	vld [tilespmem:s24+$0x13B40]  }
0xe2: {  	s13 =	sadd.s32 $0x800, s13;
	[tilespmem:s24+$0x13AD0] =	vst v13;
	v15 =	vmax.f32 v15, $0.0e+00;
	v13 =	vadd.f32 v8, v16;
	v8 =	vld [tilespmem:s24+$0x13B50]  }
0xe3: {  	[tilespmem:s24+$0x13AE0] =	vst v15;
	v14 =	vmax.f32 v14, $0.0e+00;
	v7 =	vadd.f32 v7, v12;
	v12 =	vld [tilespmem:s24+$0x13B60]  }
0xe4: {  	[tilespmem:s24+$0x13AF0] =	vst v14;
	v13 =	vmax.f32 v13, $0.0e+00;
	v6 =	vadd.f32 v6, v11  }
0xe5: {  	[tilespmem:s24+$0x13B00] =	vst v13;
	v7 =	vmax.f32 v7, $0.0e+00;
	v5 =	vadd.f32 v5, v10  }
0xe6: {  	[tilespmem:s24+$0x13B10] =	vst v7;
	v6 =	vmax.f32 v6, $0.0e+00;
	v4 =	vadd.f32 v4, v9  }
0xe7: {  	[tilespmem:s24+$0x13B20] =	vst v6;
	v5 =	vmax.f32 v5, $0.0e+00;
	v3 =	vadd.f32 v3, v8  }
0xe8: {  	[tilespmem:s24+$0x13B30] =	vst v5;
	v4 =	vmax.f32 v4, $0.0e+00;
	v2 =	vadd.f32 v2, v12  }
0xe9: {  	[tilespmem:s24+$0x13B40] =	vst v4;
	v3 =	vmax.f32 v3, $0.0e+00  }
0xea: {  	[tilespmem:s24+$0x13B50] =	vst v3;
	v2 =	vmax.f32 v2, $0.0e+00  }
0xeb: {  	[tilespmem:s24+$0x13B60] =	vst v2;
	s24 =	sshll.u32 s19, $0x1  }
0xec: {  	[spmem:s3] =	stream.indirect.scatter.add.f32 [tilespmem:s29], [sflag:$0x5], $0x80, s30, s26, $0xb8;
	[tilespmem:$0x1E260] =	vst v63  }
0xed: {  	s7 =	sadd.s32 $0x2, s24  }
0xee: {  	s13 =	sadd.s32 s9, s7  }
0xef: {  	_ =	swait.ge [sflag:s21], $0x2800;
	s13 =	smul.u32 $0x14, s13  }
0xf0: {  	[sflag:s21] =	ssyncset.done $0x0  }
0xf1: {  	p1 =	seq.s32 s19, $0x3D;
	[sflag:s21] =	ssyncadd.s32 $0xFFFFD800;
	s13 =	sadd.s32 s6, s13  }
0xf2: {  	[tilespmem:s22], [sflag:$0x2] =	stream.linear.gather [hbm4b:s13+s4], $0xA0, $0x38;
	[tilespmem:$0x1E260] =	vst v63  }
0xf3: {  	s13 =	simm.s32 @!p1 $0x2  }
0xf4: {  	_ =	swait.ge @!p1 [sflag:s13], $0xA0  }
0xf5: {  	[sflag:s13] =	ssyncset.done @!p1 $0x0  }
0xf6: {  	[sflag:s13] =	ssyncadd.s32 @!p1 $0xFFFFFF60  }
0xf7: {  	v2 =	vld @!p1 [tilespmem:$0x13880]  }
0xf8: {  	v3 =	vld @!p1 [tilespmem:$0x13890]  }
0xf9: {  	v4 =	vld @!p1 [tilespmem:$0x138A0]  }
0xfa: {  	v5 =	vld @!p1 [tilespmem:$0x138B0]  }
0xfb: {  	v6 =	vld @!p1 [tilespmem:$0x138C0]  }
0xfc: {  	v2 =	vadd.s32 @!p1 v0, v2  }
0xfd: {  	s7 =	smul.u32 @!p1 $0x50, s7;
	[tilespmem:$0x13920] =	vst @!p1 v2;
	v2 =	vadd.s32 @!p1 v0, v3  }
0xfe: {  	[tilespmem:$0x13930] =	vst @!p1 v2;
	v2 =	vadd.s32 @!p1 v0, v4  }
0xff: {  	s7 =	sadd.s32 @!p1 s7, s10;
	[tilespmem:$0x13940] =	vst @!p1 v2;
	v2 =	vadd.s32 @!p1 v0, v5  }
0x100: {  	s8 =	simm.s32 @!p1 $0x13920;
	s7 =	sshll.u32 @!p1 s7, $0x4;
	[tilespmem:$0x13950] =	vst @!p1 v2;
	v2 =	vadd.s32 @!p1 v0, v6  }
0x101: {  	s25 =	simm.s32 @!p1 $0x13970;
	s7 =	sand.u32 @!p1 $0x1FFFFF00, s7;
	s13 =	simm.s32 @!p1 $0x50;
	[tilespmem:$0x13960] =	vst @!p1 v2  }
0x102: {  	[tilespmem:s25], [sflag:$0x1] =	stream.indirect.gather @!p1 [hbm4b:s1+s13], $0x80, s8, s13, $0xb8;
	[tilespmem:$0x1E260] =	vst v63  }
0x103: {  	s7 =	sadd.s32 @!p1 s5, s7;
	s8 =	simm.s32 @!p1 $0x0;
	s13 =	simm.s32 @!p1 $0x16170  }
0x104: {  	[tilespmem:s13], [sflag:$0x1] =	stream.linear.gather @!p1 [hbm4b:s7+s8], $0x2800, $0x38;
	[tilespmem:$0x1E260] =	vst v63  }
0x105: {  	_ =	swait.ge [sflag:s12], $0x2800  }
0x106: {  	[sflag:s12] =	ssyncset.done $0x0  }
0x107: {  	[sflag:s12] =	ssyncadd.s32 $0xFFFFD800  }
0x108: {  	_ =	swait.ge [sflag:s12], $0x2800  }
0x109: {  	[sflag:s12] =	ssyncset.done $0x0  }
0x10a: {  	s13 =	simm.s32 $0x0;
	[sflag:s12] =	ssyncadd.s32 $0xFFFFD800  }
0x10b: {  	v8 =	vld [tilespmem:s13+$0x1B260]  }
0x10c: {  	v9 =	vld [tilespmem:s13+$0x1B270]  }
0x10d: {  	v10 =	vld [tilespmem:s13+$0x1B280]  }
0x10e: {  	v11 =	vld [tilespmem:s13+$0x1B290]  }
0x10f: {  	v12 =	vld [tilespmem:s13+$0x1B2A0]  }
0x110: {  	v13 =	vld [tilespmem:s13+$0x1B2B0]  }
0x111: {  	v14 =	vld [tilespmem:s13+$0x1B2C0]  }
0x112: {  	v15 =	vld [tilespmem:s13+$0x1B2D0]  }
0x113: {  	v16 =	vld [tilespmem:s13+$0x1B2E0]  }
0x114: {  	v17 =	vld [tilespmem:s13+$0x1B2F0]  }
0x115: {  	v18 =	vld [tilespmem:s13+$0x1B300]  }
0x116: {  	v19 =	vld [tilespmem:s13+$0x1B310]  }
0x117: {  	v20 =	vld [tilespmem:s13+$0x1B320]  }
0x118: {  	v21 =	vld [tilespmem:s13+$0x1B330]  }
0x119: {  	v22 =	vld [tilespmem:s13+$0x1B340]  }
0x11a: {  	v23 =	vld [tilespmem:s13+$0x1B350]  }
0x11b: {  	v24 =	vld [tilespmem:s13+$0x1B360]  }
0x11c: {  	v25 =	vld [tilespmem:s13+$0x1B370]  }
0x11d: {  	v26 =	vld [tilespmem:s13+$0x1B380]  }
0x11e: {  	v27 =	vld [tilespmem:s13+$0x1B390]  }
0x11f: {  	v28 =	vld [tilespmem:s13+$0x1B3A0]  }
0x120: {  	v34 =	vld [tilespmem:s13+$0x18A60]  }
0x121: {  	v29 =	vld [tilespmem:s13+$0x1B3B0]  }
0x122: {  	v35 =	vld [tilespmem:s13+$0x18A70]  }
0x123: {  	v36 =	vld [tilespmem:s13+$0x18A80]  }
0x124: {  	v30 =	vld [tilespmem:s13+$0x1B3C0]  }
0x125: {  	v37 =	vld [tilespmem:s13+$0x18A90];
	v8 =	vadd.f32 v8, v34  }
0x126: {  	v38 =	vld [tilespmem:s13+$0x18AA0]  }
0x127: {  	v31 =	vld [tilespmem:s13+$0x1B3D0];
	v9 =	vadd.f32 v9, v35;
	v8 =	vmax.f32 v8, $0.0e+00  }
0x128: {  	v62 =	vld [tilespmem:s13+$0x18AB0];
	[tilespmem:s13+$0x18A60] =	vst v8;
	v8 =	vadd.f32 v10, v36  }
0x129: {  	v39 =	vld [tilespmem:s13+$0x18AC0];
	v9 =	vmax.f32 v9, $0.0e+00  }
0x12a: {  	v32 =	vld [tilespmem:s13+$0x1B3E0];
	[tilespmem:s13+$0x18A70] =	vst v9;
	v9 =	vadd.f32 v11, v37;
	v8 =	vmax.f32 v8, $0.0e+00  }
0x12b: {  	v63 =	vld [tilespmem:s13+$0x18AD0];
	[tilespmem:s13+$0x18A80] =	vst v8;
	v8 =	vadd.f32 v12, v38  }
0x12c: {  	v10 =	vld [tilespmem:s13+$0x18AE0];
	v9 =	vmax.f32 v9, $0.0e+00  }
0x12d: {  	v33 =	vld [tilespmem:s13+$0x1B3F0];
	[tilespmem:s13+$0x18A90] =	vst v9;
	v9 =	vadd.f32 v13, v62;
	v8 =	vmax.f32 v8, $0.0e+00  }
0x12e: {  	v11 =	vld [tilespmem:s13+$0x18AF0];
	[tilespmem:s13+$0x18AA0] =	vst v8;
	v8 =	vadd.f32 v14, v39  }
0x12f: {  	v12 =	vld [tilespmem:s13+$0x18B00];
	v9 =	vmax.f32 v9, $0.0e+00  }
0x130: {  	v7 =	vld [tilespmem:s13+$0x1B400];
	[tilespmem:s13+$0x18AB0] =	vst v9;
	v9 =	vadd.f32 v15, v63;
	v8 =	vmax.f32 v8, $0.0e+00  }
0x131: {  	v13 =	vld [tilespmem:s13+$0x18B10];
	[tilespmem:s13+$0x18AC0] =	vst v8;
	v8 =	vadd.f32 v16, v10  }
0x132: {  	v14 =	vld [tilespmem:s13+$0x18B20];
	v9 =	vmax.f32 v9, $0.0e+00  }
0x133: {  	v6 =	vld [tilespmem:s13+$0x1B410];
	[tilespmem:s13+$0x18AD0] =	vst v9;
	v9 =	vadd.f32 v17, v11;
	v8 =	vmax.f32 v8, $0.0e+00  }
0x134: {  	v15 =	vld [tilespmem:s13+$0x18B30];
	[tilespmem:s13+$0x18AE0] =	vst v8;
	v8 =	vadd.f32 v18, v12  }
0x135: {  	v10 =	vld [tilespmem:s13+$0x18B40];
	v9 =	vmax.f32 v9, $0.0e+00  }
0x136: {  	v5 =	vld [tilespmem:s13+$0x1B420];
	[tilespmem:s13+$0x18AF0] =	vst v9;
	v9 =	vadd.f32 v19, v13;
	v8 =	vmax.f32 v8, $0.0e+00  }
0x137: {  	v11 =	vld [tilespmem:s13+$0x18B50];
	[tilespmem:s13+$0x18B00] =	vst v8;
	v8 =	vadd.f32 v20, v14  }
0x138: {  	v12 =	vld [tilespmem:s13+$0x18B60];
	v9 =	vmax.f32 v9, $0.0e+00  }
0x139: {  	v4 =	vld [tilespmem:s13+$0x1B430];
	[tilespmem:s13+$0x18B10] =	vst v9;
	v9 =	vadd.f32 v21, v15;
	v8 =	vmax.f32 v8, $0.0e+00  }
0x13a: {  	v13 =	vld [tilespmem:s13+$0x18B70];
	[tilespmem:s13+$0x18B20] =	vst v8;
	v8 =	vadd.f32 v22, v10  }
0x13b: {  	v14 =	vld [tilespmem:s13+$0x18B80];
	v9 =	vmax.f32 v9, $0.0e+00  }
0x13c: {  	v3 =	vld [tilespmem:s13+$0x1B440];
	[tilespmem:s13+$0x18B30] =	vst v9;
	v9 =	vadd.f32 v23, v11;
	v8 =	vmax.f32 v8, $0.0e+00  }
0x13d: {  	v15 =	vld [tilespmem:s13+$0x18B90];
	[tilespmem:s13+$0x18B40] =	vst v8;
	v8 =	vadd.f32 v24, v12  }
0x13e: {  	v10 =	vld [tilespmem:s13+$0x18BA0];
	v9 =	vmax.f32 v9, $0.0e+00  }
0x13f: {  	v2 =	vld [tilespmem:s13+$0x1B450];
	[tilespmem:s13+$0x18B50] =	vst v9;
	v9 =	vadd.f32 v25, v13;
	v8 =	vmax.f32 v8, $0.0e+00  }
0x140: {  	v11 =	vld [tilespmem:s13+$0x18BB0];
	[tilespmem:s13+$0x18B60] =	vst v8;
	v8 =	vadd.f32 v26, v14  }
0x141: {  	v16 =	vld [tilespmem:s13+$0x18BC0];
	v9 =	vmax.f32 v9, $0.0e+00  }
0x142: {  	v13 =	vld [tilespmem:s13+$0x18BD0];
	[tilespmem:s13+$0x18B70] =	vst v9;
	v9 =	vadd.f32 v27, v15;
	v8 =	vmax.f32 v8, $0.0e+00  }
0x143: {  	v14 =	vld [tilespmem:s13+$0x18BE0];
	[tilespmem:s13+$0x18B80] =	vst v8;
	v8 =	vadd.f32 v28, v10  }
0x144: {  	v17 =	vld [tilespmem:s13+$0x18BF0];
	v9 =	vmax.f32 v9, $0.0e+00  }
0x145: {  	v12 =	vld [tilespmem:s13+$0x18C00];
	[tilespmem:s13+$0x18B90] =	vst v9;
	v9 =	vadd.f32 v29, v11;
	v8 =	vmax.f32 v8, $0.0e+00  }
0x146: {  	v11 =	vld [tilespmem:s13+$0x18C10];
	[tilespmem:s13+$0x18BA0] =	vst v8;
	v8 =	vadd.f32 v30, v16  }
0x147: {  	v13 =	vadd.f32 v31, v13;
	v10 =	vld [tilespmem:s13+$0x18C20];
	v9 =	vmax.f32 v9, $0.0e+00  }
0x148: {  	v14 =	vadd.f32 v32, v14;
	[tilespmem:s13+$0x18BB0] =	vst v9;
	v9 =	vld [tilespmem:s13+$0x18C30];
	v8 =	vmax.f32 v8, $0.0e+00  }
0x149: {  	s7 =	simm.s32 $0x800;
	v15 =	vmax.f32 v13, $0.0e+00;
	v13 =	vadd.f32 v33, v17;
	[tilespmem:s13+$0x18BC0] =	vst v8;
	v8 =	vld [tilespmem:s13+$0x18C40]  }
.LBB2_9:
0x14a: {  	s8 =	sshra.s32 s7, $0x2;
	p2 =	sne.s32 s7, $0x9800;
	[tilespmem:s13+$0x18BD0] =	vst v15;
	v14 =	vmax.f32 v14, $0.0e+00;
	v7 =	vadd.f32 v7, v12;
	v12 =	vld [tilespmem:s13+$0x18C50]  }
0x14b: {  	v15 =	vld [tilespmem:s8+$0x1B260];
	[tilespmem:s13+$0x18BE0] =	vst v14;
	v13 =	vmax.f32 v13, $0.0e+00;
	v6 =	vadd.f32 v6, v11  }
0x14c: {  	v14 =	vld [tilespmem:s8+$0x1B270];
	[tilespmem:s13+$0x18BF0] =	vst v13;
	v7 =	vmax.f32 v7, $0.0e+00;
	v5 =	vadd.f32 v5, v10  }
0x14d: {  	v16 =	vld [tilespmem:s8+$0x1B280];
	[tilespmem:s13+$0x18C00] =	vst v7;
	v6 =	vmax.f32 v6, $0.0e+00;
	v4 =	vadd.f32 v4, v9  }
0x14e: {  	v17 =	vld [tilespmem:s8+$0x1B290];
	[tilespmem:s13+$0x18C10] =	vst v6;
	v5 =	vmax.f32 v5, $0.0e+00;
	v3 =	vadd.f32 v3, v8  }
0x14f: {  	v18 =	vld [tilespmem:s8+$0x1B2A0];
	[tilespmem:s13+$0x18C20] =	vst v5;
	v4 =	vmax.f32 v4, $0.0e+00;
	v2 =	vadd.f32 v2, v12  }
0x150: {  	v19 =	vld [tilespmem:s8+$0x1B2B0];
	[tilespmem:s13+$0x18C30] =	vst v4;
	v3 =	vmax.f32 v3, $0.0e+00  }
0x151: {  	v20 =	vld [tilespmem:s8+$0x1B2C0];
	[tilespmem:s13+$0x18C40] =	vst v3;
	v2 =	vmax.f32 v2, $0.0e+00  }
0x152: {  	v21 =	vld [tilespmem:s8+$0x1B2D0];
	[tilespmem:s13+$0x18C50] =	vst v2;
	s13 =	smov.u32 s8  }
0x153: {  	v22 =	vld [tilespmem:s13+$0x1B2E0]  }
0x154: {  	v23 =	vld [tilespmem:s13+$0x1B2F0]  }
0x155: {  	v24 =	vld [tilespmem:s13+$0x1B300]  }
0x156: {  	v25 =	vld [tilespmem:s13+$0x1B310]  }
0x157: {  	v26 =	vld [tilespmem:s13+$0x1B320]  }
0x158: {  	v27 =	vld [tilespmem:s13+$0x1B330]  }
0x159: {  	v28 =	vld [tilespmem:s13+$0x1B340]  }
0x15a: {  	v29 =	vld [tilespmem:s13+$0x1B350]  }
0x15b: {  	v30 =	vld [tilespmem:s13+$0x1B360]  }
0x15c: {  	v31 =	vld [tilespmem:s13+$0x1B370]  }
0x15d: {  	v32 =	vld [tilespmem:s13+$0x1B380]  }
0x15e: {  	v33 =	vld [tilespmem:s13+$0x1B390]  }
0x15f: {  	v13 =	vld [tilespmem:s13+$0x1B3A0]  }
0x160: {  	v12 =	vld [tilespmem:s13+$0x1B3B0]  }
0x161: {  	v11 =	vld [tilespmem:s13+$0x1B3C0]  }
0x162: {  	v10 =	vld [tilespmem:s13+$0x1B3D0]  }
0x163: {  	v9 =	vld [tilespmem:s13+$0x1B3E0]  }
0x164: {  	v8 =	vld [tilespmem:s13+$0x1B3F0]  }
0x165: {  	v7 =	vld [tilespmem:s13+$0x1B400]  }
0x166: {  	v6 =	vld [tilespmem:s13+$0x1B410]  }
0x167: {  	v5 =	vld [tilespmem:s13+$0x1B420]  }
0x168: {  	v4 =	vld [tilespmem:s13+$0x1B430]  }
0x169: {  	v3 =	vld [tilespmem:s13+$0x1B440]  }
0x16a: {  	v2 =	vld [tilespmem:s13+$0x1B450]  }
0x16b: {  	v34 =	vld [tilespmem:s13+$0x18A60]  }
0x16c: {  	v35 =	vld [tilespmem:s13+$0x18A70]  }
0x16d: {  	v36 =	vld [tilespmem:s13+$0x18A80]  }
0x16e: {  	v37 =	vld [tilespmem:s13+$0x18A90]  }
0x16f: {  	v38 =	vld [tilespmem:s13+$0x18AA0]  }
0x170: {  	v15 =	vadd.f32 v15, v34;
	v34 =	vld [tilespmem:s13+$0x18AB0]  }
0x171: {  	v14 =	vadd.f32 v14, v35;
	v35 =	vld [tilespmem:s13+$0x18AC0]  }
0x172: {  	v15 =	vmax.f32 v15, $0.0e+00;
	v16 =	vadd.f32 v16, v36;
	v36 =	vld [tilespmem:s13+$0x18AD0]  }
0x173: {  	[tilespmem:s13+$0x18A60] =	vst v15;
	v14 =	vmax.f32 v14, $0.0e+00;
	v15 =	vadd.f32 v17, v37;
	v17 =	vld [tilespmem:s13+$0x18AE0]  }
0x174: {  	[tilespmem:s13+$0x18A70] =	vst v14;
	v14 =	vmax.f32 v16, $0.0e+00;
	v16 =	vadd.f32 v18, v38;
	v18 =	vld [tilespmem:s13+$0x18AF0]  }
0x175: {  	[tilespmem:s13+$0x18A80] =	vst v14;
	v14 =	vmax.f32 v15, $0.0e+00;
	v15 =	vadd.f32 v19, v34;
	v19 =	vld [tilespmem:s13+$0x18B00]  }
0x176: {  	[tilespmem:s13+$0x18A90] =	vst v14;
	v14 =	vmax.f32 v16, $0.0e+00;
	v16 =	vadd.f32 v20, v35;
	v20 =	vld [tilespmem:s13+$0x18B10]  }
0x177: {  	[tilespmem:s13+$0x18AA0] =	vst v14;
	v14 =	vmax.f32 v15, $0.0e+00;
	v15 =	vadd.f32 v21, v36;
	v21 =	vld [tilespmem:s13+$0x18B20]  }
0x178: {  	[tilespmem:s13+$0x18AB0] =	vst v14;
	v14 =	vmax.f32 v16, $0.0e+00;
	v16 =	vadd.f32 v22, v17;
	v17 =	vld [tilespmem:s13+$0x18B30]  }
0x179: {  	[tilespmem:s13+$0x18AC0] =	vst v14;
	v14 =	vmax.f32 v15, $0.0e+00;
	v15 =	vadd.f32 v23, v18;
	v18 =	vld [tilespmem:s13+$0x18B40]  }
0x17a: {  	[tilespmem:s13+$0x18AD0] =	vst v14;
	v14 =	vmax.f32 v16, $0.0e+00;
	v16 =	vadd.f32 v24, v19;
	v19 =	vld [tilespmem:s13+$0x18B50]  }
0x17b: {  	[tilespmem:s13+$0x18AE0] =	vst v14;
	v14 =	vmax.f32 v15, $0.0e+00;
	v15 =	vadd.f32 v25, v20;
	v20 =	vld [tilespmem:s13+$0x18B60]  }
0x17c: {  	[tilespmem:s13+$0x18AF0] =	vst v14;
	v14 =	vmax.f32 v16, $0.0e+00;
	v16 =	vadd.f32 v26, v21;
	v21 =	vld [tilespmem:s13+$0x18B70]  }
0x17d: {  	[tilespmem:s13+$0x18B00] =	vst v14;
	v14 =	vmax.f32 v15, $0.0e+00;
	v15 =	vadd.f32 v27, v17;
	v17 =	vld [tilespmem:s13+$0x18B80]  }
0x17e: {  	[tilespmem:s13+$0x18B10] =	vst v14;
	v14 =	vmax.f32 v16, $0.0e+00;
	v16 =	vadd.f32 v28, v18;
	v18 =	vld [tilespmem:s13+$0x18B90]  }
0x17f: {  	[tilespmem:s13+$0x18B20] =	vst v14;
	v14 =	vmax.f32 v15, $0.0e+00;
	v15 =	vadd.f32 v29, v19;
	v19 =	vld [tilespmem:s13+$0x18BA0]  }
0x180: {  	[tilespmem:s13+$0x18B30] =	vst v14;
	v14 =	vmax.f32 v16, $0.0e+00;
	v16 =	vadd.f32 v30, v20;
	v20 =	vld [tilespmem:s13+$0x18BB0]  }
0x181: {  	[tilespmem:s13+$0x18B40] =	vst v14;
	v14 =	vmax.f32 v15, $0.0e+00;
	v15 =	vadd.f32 v31, v21;
	v21 =	vld [tilespmem:s13+$0x18BC0]  }
0x182: {  	[tilespmem:s13+$0x18B50] =	vst v14;
	v14 =	vmax.f32 v16, $0.0e+00;
	v16 =	vadd.f32 v32, v17;
	v17 =	vld [tilespmem:s13+$0x18BD0]  }
0x183: {  	[tilespmem:s13+$0x18B60] =	vst v14;
	v14 =	vmax.f32 v15, $0.0e+00;
	v15 =	vadd.f32 v33, v18;
	v18 =	vld [tilespmem:s13+$0x18BE0]  }
0x184: {  	[tilespmem:s13+$0x18B70] =	vst v14;
	v14 =	vmax.f32 v16, $0.0e+00;
	v13 =	vadd.f32 v13, v19;
	v16 =	vld [tilespmem:s13+$0x18BF0]  }
.Ltmp4:
0x185: {  	[tilespmem:s13+$0x18B80] =	vst v14;
	v14 =	vmax.f32 v15, $0.0e+00;
	v15 =	vadd.f32 v12, v20;
	v12 =	vld [tilespmem:s13+$0x18C00];
	(pc) =	sbr.rel @p2 .LBB2_9-.Ltmp4, $4  }
0x186: {  	[tilespmem:s13+$0x18B90] =	vst v14;
	v13 =	vmax.f32 v13, $0.0e+00;
	v14 =	vadd.f32 v11, v21;
	v11 =	vld [tilespmem:s13+$0x18C10]  }
0x187: {  	[tilespmem:s13+$0x18BA0] =	vst v13;
	v13 =	vmax.f32 v15, $0.0e+00;
	v15 =	vadd.f32 v10, v17;
	v10 =	vld [tilespmem:s13+$0x18C20]  }
0x188: {  	[tilespmem:s13+$0x18BB0] =	vst v13;
	v13 =	vmax.f32 v14, $0.0e+00;
	v14 =	vadd.f32 v9, v18;
	v9 =	vld [tilespmem:s13+$0x18C30]  }
0x189: {  	s7 =	sadd.s32 $0x800, s7;
	[tilespmem:s13+$0x18BC0] =	vst v13;
	v15 =	vmax.f32 v15, $0.0e+00;
	v13 =	vadd.f32 v8, v16;
	v8 =	vld [tilespmem:s13+$0x18C40]  }
0x18a: {  	[tilespmem:s13+$0x18BD0] =	vst v15;
	v14 =	vmax.f32 v14, $0.0e+00;
	v7 =	vadd.f32 v7, v12;
	v63 =	vld [tilespmem:s13+$0x18C50]  }
0x18b: {  	[tilespmem:s13+$0x18BE0] =	vst v14;
	v13 =	vmax.f32 v13, $0.0e+00;
	v6 =	vadd.f32 v6, v11  }
0x18c: {  	[tilespmem:s13+$0x18BF0] =	vst v13;
	v7 =	vmax.f32 v7, $0.0e+00;
	v5 =	vadd.f32 v5, v10  }
0x18d: {  	[tilespmem:s13+$0x18C00] =	vst v7;
	v6 =	vmax.f32 v6, $0.0e+00;
	v4 =	vadd.f32 v4, v9  }
0x18e: {  	[tilespmem:s13+$0x18C10] =	vst v6;
	v5 =	vmax.f32 v5, $0.0e+00;
	v3 =	vadd.f32 v3, v8  }
0x18f: {  	[tilespmem:s13+$0x18C20] =	vst v5;
	v4 =	vmax.f32 v4, $0.0e+00;
	v2 =	vadd.f32 v2, v63  }
0x190: {  	[tilespmem:s13+$0x18C30] =	vst v4;
	v3 =	vmax.f32 v3, $0.0e+00  }
0x191: {  	[tilespmem:s13+$0x18C40] =	vst v3;
	v2 =	vmax.f32 v2, $0.0e+00  }
.Ltmp5:
0x192: {  	[tilespmem:s13+$0x18C50] =	vst v2;
	(pc) =	sbr.rel @p1 .LBB2_12-.Ltmp5, $4  }
0x193: {  	[spmem:s3] =	stream.indirect.scatter.add.f32 [tilespmem:s2], [sflag:$0x5], $0x80, s16, s26, $0xb8;
	[tilespmem:$0x1E260] =	vst v63  }
0x194: {  	_ =	swait.ge [sflag:s21], $0x2800  }
0x195: {  	[sflag:s21] =	ssyncset.done $0x0  }
0x196: {  	[sflag:s21] =	ssyncadd.s32 $0xFFFFD800  }
.Ltmp6:
0x197: {  	s7 =	sadd.s32 s24, s15;
	(pc) =	sbr.rel .LBB2_6-.Ltmp6, $3  }
0x198: {  	s7 =	smul.u32 $0x14, s7;
	_ =	sdelay $0x1  }
0x199: {  	s19 =	sadd.s32 $0x1, s19;
	s7 =	sadd.s32 s6, s7  }
0x19a: {  	[tilespmem:s23], [sflag:$0x4] =	stream.linear.gather [hbm4b:s7+s4], $0xA0, $0x38;
	[tilespmem:$0x1E260] =	vst v63  }
.LBB2_12:
0x19b: {  	s19 =	simm.s32 $0x2  }
0x19c: {  	_ =	swait.ge [sflag:s19], $0xA0  }
0x19d: {  	[sflag:s19] =	ssyncset.done $0x0  }
0x19e: {  	[sflag:s19] =	ssyncadd.s32 $0xFFFFFF60  }
0x19f: {  	v2 =	vld [tilespmem:$0x13880]  }
0x1a0: {  	v3 =	vld [tilespmem:$0x13890]  }
0x1a1: {  	v4 =	vld [tilespmem:$0x138A0]  }
0x1a2: {  	v5 =	vld [tilespmem:$0x138B0]  }
0x1a3: {  	v6 =	vld [tilespmem:$0x138C0]  }
0x1a4: {  	v2 =	vadd.s32 v0, v2  }
0x1a5: {  	[tilespmem:$0x13920] =	vst v2;
	v2 =	vadd.s32 v0, v3  }
0x1a6: {  	[tilespmem:$0x13930] =	vst v2;
	v2 =	vadd.s32 v0, v4  }
0x1a7: {  	[tilespmem:$0x13940] =	vst v2;
	v2 =	vadd.s32 v0, v5  }
0x1a8: {  	[tilespmem:$0x13950] =	vst v2;
	v2 =	vadd.s32 v0, v6  }
0x1a9: {  	s24 =	simm.s32 $0x13920;
	[tilespmem:$0x13960] =	vst v2  }
0x1aa: {  	[tilespmem:s29], [sflag:$0x1] =	stream.indirect.gather [hbm4b:s1+s26], $0x80, s24, s26, $0xb8;
	[tilespmem:$0x1E260] =	vst v63  }
0x1ab: {  	s7 =	simm.s32 $0x0;
	s13 =	simm.s32 $0x16170;
	s8 =	rddreg [dreg:$0x9]  }
0x1ac: {  	[tilespmem:s13], [sflag:$0x1] =	stream.linear.gather [hbm4b:s8+s7], $0x2800, $0x38;
	[tilespmem:$0x1E260] =	vst v63  }
0x1ad: {  	_ =	swait.ge [sflag:s11], $0x2800  }
0x1ae: {  	[sflag:s11] =	ssyncset.done $0x0  }
0x1af: {  	[sflag:s11] =	ssyncadd.s32 $0xFFFFD800  }
0x1b0: {  	_ =	swait.ge [sflag:s11], $0x2800  }
0x1b1: {  	[sflag:s11] =	ssyncset.done $0x0  }
0x1b2: {  	s13 =	simm.s32 $0x0;
	[sflag:s11] =	ssyncadd.s32 $0xFFFFD800  }
0x1b3: {  	v8 =	vld [tilespmem:s13+$0x16170]  }
0x1b4: {  	v9 =	vld [tilespmem:s13+$0x16180]  }
0x1b5: {  	v10 =	vld [tilespmem:s13+$0x16190]  }
0x1b6: {  	v11 =	vld [tilespmem:s13+$0x161A0]  }
0x1b7: {  	v12 =	vld [tilespmem:s13+$0x161B0]  }
0x1b8: {  	v13 =	vld [tilespmem:s13+$0x161C0]  }
0x1b9: {  	v14 =	vld [tilespmem:s13+$0x161D0]  }
0x1ba: {  	v15 =	vld [tilespmem:s13+$0x161E0]  }
0x1bb: {  	v16 =	vld [tilespmem:s13+$0x161F0]  }
0x1bc: {  	v17 =	vld [tilespmem:s13+$0x16200]  }
0x1bd: {  	v18 =	vld [tilespmem:s13+$0x16210]  }
0x1be: {  	v19 =	vld [tilespmem:s13+$0x16220]  }
0x1bf: {  	v20 =	vld [tilespmem:s13+$0x16230]  }
0x1c0: {  	v21 =	vld [tilespmem:s13+$0x16240]  }
0x1c1: {  	v22 =	vld [tilespmem:s13+$0x16250]  }
0x1c2: {  	v23 =	vld [tilespmem:s13+$0x16260]  }
0x1c3: {  	v24 =	vld [tilespmem:s13+$0x16270]  }
0x1c4: {  	v25 =	vld [tilespmem:s13+$0x16280]  }
0x1c5: {  	v26 =	vld [tilespmem:s13+$0x16290]  }
0x1c6: {  	v27 =	vld [tilespmem:s13+$0x162A0]  }
0x1c7: {  	v28 =	vld [tilespmem:s13+$0x162B0]  }
0x1c8: {  	v34 =	vld [tilespmem:s13+$0x13970]  }
0x1c9: {  	v29 =	vld [tilespmem:s13+$0x162C0]  }
0x1ca: {  	v35 =	vld [tilespmem:s13+$0x13980]  }
0x1cb: {  	v36 =	vld [tilespmem:s13+$0x13990]  }
0x1cc: {  	v30 =	vld [tilespmem:s13+$0x162D0]  }
0x1cd: {  	v37 =	vld [tilespmem:s13+$0x139A0];
	v8 =	vadd.f32 v8, v34  }
0x1ce: {  	v38 =	vld [tilespmem:s13+$0x139B0]  }
0x1cf: {  	v31 =	vld [tilespmem:s13+$0x162E0];
	v9 =	vadd.f32 v9, v35;
	v8 =	vmax.f32 v8, $0.0e+00  }
0x1d0: {  	v62 =	vld [tilespmem:s13+$0x139C0];
	[tilespmem:s13+$0x13970] =	vst v8;
	v8 =	vadd.f32 v10, v36  }
0x1d1: {  	v39 =	vld [tilespmem:s13+$0x139D0];
	v9 =	vmax.f32 v9, $0.0e+00  }
0x1d2: {  	v32 =	vld [tilespmem:s13+$0x162F0];
	[tilespmem:s13+$0x13980] =	vst v9;
	v9 =	vadd.f32 v11, v37;
	v8 =	vmax.f32 v8, $0.0e+00  }
0x1d3: {  	v63 =	vld [tilespmem:s13+$0x139E0];
	[tilespmem:s13+$0x13990] =	vst v8;
	v8 =	vadd.f32 v12, v38  }
0x1d4: {  	v10 =	vld [tilespmem:s13+$0x139F0];
	v9 =	vmax.f32 v9, $0.0e+00  }
0x1d5: {  	v33 =	vld [tilespmem:s13+$0x16300];
	[tilespmem:s13+$0x139A0] =	vst v9;
	v9 =	vadd.f32 v13, v62;
	v8 =	vmax.f32 v8, $0.0e+00  }
0x1d6: {  	v11 =	vld [tilespmem:s13+$0x13A00];
	[tilespmem:s13+$0x139B0] =	vst v8;
	v8 =	vadd.f32 v14, v39  }
0x1d7: {  	v12 =	vld [tilespmem:s13+$0x13A10];
	v9 =	vmax.f32 v9, $0.0e+00  }
0x1d8: {  	v7 =	vld [tilespmem:s13+$0x16310];
	[tilespmem:s13+$0x139C0] =	vst v9;
	v9 =	vadd.f32 v15, v63;
	v8 =	vmax.f32 v8, $0.0e+00  }
0x1d9: {  	v13 =	vld [tilespmem:s13+$0x13A20];
	[tilespmem:s13+$0x139D0] =	vst v8;
	v8 =	vadd.f32 v16, v10  }
0x1da: {  	v14 =	vld [tilespmem:s13+$0x13A30];
	v9 =	vmax.f32 v9, $0.0e+00  }
0x1db: {  	v6 =	vld [tilespmem:s13+$0x16320];
	[tilespmem:s13+$0x139E0] =	vst v9;
	v9 =	vadd.f32 v17, v11;
	v8 =	vmax.f32 v8, $0.0e+00  }
0x1dc: {  	v15 =	vld [tilespmem:s13+$0x13A40];
	[tilespmem:s13+$0x139F0] =	vst v8;
	v8 =	vadd.f32 v18, v12  }
0x1dd: {  	v10 =	vld [tilespmem:s13+$0x13A50];
	v9 =	vmax.f32 v9, $0.0e+00  }
0x1de: {  	v5 =	vld [tilespmem:s13+$0x16330];
	[tilespmem:s13+$0x13A00] =	vst v9;
	v9 =	vadd.f32 v19, v13;
	v8 =	vmax.f32 v8, $0.0e+00  }
0x1df: {  	v11 =	vld [tilespmem:s13+$0x13A60];
	[tilespmem:s13+$0x13A10] =	vst v8;
	v8 =	vadd.f32 v20, v14  }
0x1e0: {  	v12 =	vld [tilespmem:s13+$0x13A70];
	v9 =	vmax.f32 v9, $0.0e+00  }
0x1e1: {  	v4 =	vld [tilespmem:s13+$0x16340];
	[tilespmem:s13+$0x13A20] =	vst v9;
	v9 =	vadd.f32 v21, v15;
	v8 =	vmax.f32 v8, $0.0e+00  }
0x1e2: {  	v13 =	vld [tilespmem:s13+$0x13A80];
	[tilespmem:s13+$0x13A30] =	vst v8;
	v8 =	vadd.f32 v22, v10  }
0x1e3: {  	v14 =	vld [tilespmem:s13+$0x13A90];
	v9 =	vmax.f32 v9, $0.0e+00  }
0x1e4: {  	v3 =	vld [tilespmem:s13+$0x16350];
	[tilespmem:s13+$0x13A40] =	vst v9;
	v9 =	vadd.f32 v23, v11;
	v8 =	vmax.f32 v8, $0.0e+00  }
0x1e5: {  	v15 =	vld [tilespmem:s13+$0x13AA0];
	[tilespmem:s13+$0x13A50] =	vst v8;
	v8 =	vadd.f32 v24, v12  }
0x1e6: {  	v10 =	vld [tilespmem:s13+$0x13AB0];
	v9 =	vmax.f32 v9, $0.0e+00  }
0x1e7: {  	v2 =	vld [tilespmem:s13+$0x16360];
	[tilespmem:s13+$0x13A60] =	vst v9;
	v9 =	vadd.f32 v25, v13;
	v8 =	vmax.f32 v8, $0.0e+00  }
0x1e8: {  	v11 =	vld [tilespmem:s13+$0x13AC0];
	[tilespmem:s13+$0x13A70] =	vst v8;
	v8 =	vadd.f32 v26, v14  }
0x1e9: {  	v16 =	vld [tilespmem:s13+$0x13AD0];
	v9 =	vmax.f32 v9, $0.0e+00  }
0x1ea: {  	v13 =	vld [tilespmem:s13+$0x13AE0];
	[tilespmem:s13+$0x13A80] =	vst v9;
	v9 =	vadd.f32 v27, v15;
	v8 =	vmax.f32 v8, $0.0e+00  }
0x1eb: {  	v14 =	vld [tilespmem:s13+$0x13AF0];
	[tilespmem:s13+$0x13A90] =	vst v8;
	v8 =	vadd.f32 v28, v10  }
0x1ec: {  	v17 =	vld [tilespmem:s13+$0x13B00];
	v9 =	vmax.f32 v9, $0.0e+00  }
0x1ed: {  	v12 =	vld [tilespmem:s13+$0x13B10];
	[tilespmem:s13+$0x13AA0] =	vst v9;
	v9 =	vadd.f32 v29, v11;
	v8 =	vmax.f32 v8, $0.0e+00  }
0x1ee: {  	v11 =	vld [tilespmem:s13+$0x13B20];
	[tilespmem:s13+$0x13AB0] =	vst v8;
	v8 =	vadd.f32 v30, v16  }
0x1ef: {  	v13 =	vadd.f32 v31, v13;
	v10 =	vld [tilespmem:s13+$0x13B30];
	v9 =	vmax.f32 v9, $0.0e+00  }
0x1f0: {  	v14 =	vadd.f32 v32, v14;
	[tilespmem:s13+$0x13AC0] =	vst v9;
	v9 =	vld [tilespmem:s13+$0x13B40];
	v8 =	vmax.f32 v8, $0.0e+00  }
0x1f1: {  	s7 =	simm.s32 $0x800;
	v15 =	vmax.f32 v13, $0.0e+00;
	v13 =	vadd.f32 v33, v17;
	[tilespmem:s13+$0x13AD0] =	vst v8;
	v8 =	vld [tilespmem:s13+$0x13B50]  }
.LBB2_13:
0x1f2: {  	s8 =	sshra.s32 s7, $0x2;
	p1 =	sne.s32 s7, $0x9800;
	[tilespmem:s13+$0x13AE0] =	vst v15;
	v14 =	vmax.f32 v14, $0.0e+00;
	v7 =	vadd.f32 v7, v12;
	v12 =	vld [tilespmem:s13+$0x13B60]  }
0x1f3: {  	v15 =	vld [tilespmem:s8+$0x16170];
	[tilespmem:s13+$0x13AF0] =	vst v14;
	v13 =	vmax.f32 v13, $0.0e+00;
	v6 =	vadd.f32 v6, v11  }
0x1f4: {  	v14 =	vld [tilespmem:s8+$0x16180];
	[tilespmem:s13+$0x13B00] =	vst v13;
	v7 =	vmax.f32 v7, $0.0e+00;
	v5 =	vadd.f32 v5, v10  }
0x1f5: {  	v16 =	vld [tilespmem:s8+$0x16190];
	[tilespmem:s13+$0x13B10] =	vst v7;
	v6 =	vmax.f32 v6, $0.0e+00;
	v4 =	vadd.f32 v4, v9  }
0x1f6: {  	v17 =	vld [tilespmem:s8+$0x161A0];
	[tilespmem:s13+$0x13B20] =	vst v6;
	v5 =	vmax.f32 v5, $0.0e+00;
	v3 =	vadd.f32 v3, v8  }
0x1f7: {  	v18 =	vld [tilespmem:s8+$0x161B0];
	[tilespmem:s13+$0x13B30] =	vst v5;
	v4 =	vmax.f32 v4, $0.0e+00;
	v2 =	vadd.f32 v2, v12  }
0x1f8: {  	v19 =	vld [tilespmem:s8+$0x161C0];
	[tilespmem:s13+$0x13B40] =	vst v4;
	v3 =	vmax.f32 v3, $0.0e+00  }
0x1f9: {  	v20 =	vld [tilespmem:s8+$0x161D0];
	[tilespmem:s13+$0x13B50] =	vst v3;
	v2 =	vmax.f32 v2, $0.0e+00  }
0x1fa: {  	v21 =	vld [tilespmem:s8+$0x161E0];
	[tilespmem:s13+$0x13B60] =	vst v2;
	s13 =	smov.u32 s8  }
0x1fb: {  	v22 =	vld [tilespmem:s13+$0x161F0]  }
0x1fc: {  	v23 =	vld [tilespmem:s13+$0x16200]  }
0x1fd: {  	v24 =	vld [tilespmem:s13+$0x16210]  }
0x1fe: {  	v25 =	vld [tilespmem:s13+$0x16220]  }
0x1ff: {  	v26 =	vld [tilespmem:s13+$0x16230]  }
0x200: {  	v27 =	vld [tilespmem:s13+$0x16240]  }
0x201: {  	v28 =	vld [tilespmem:s13+$0x16250]  }
0x202: {  	v29 =	vld [tilespmem:s13+$0x16260]  }
0x203: {  	v30 =	vld [tilespmem:s13+$0x16270]  }
0x204: {  	v31 =	vld [tilespmem:s13+$0x16280]  }
0x205: {  	v32 =	vld [tilespmem:s13+$0x16290]  }
0x206: {  	v33 =	vld [tilespmem:s13+$0x162A0]  }
0x207: {  	v13 =	vld [tilespmem:s13+$0x162B0]  }
0x208: {  	v12 =	vld [tilespmem:s13+$0x162C0]  }
0x209: {  	v11 =	vld [tilespmem:s13+$0x162D0]  }
0x20a: {  	v10 =	vld [tilespmem:s13+$0x162E0]  }
0x20b: {  	v9 =	vld [tilespmem:s13+$0x162F0]  }
0x20c: {  	v8 =	vld [tilespmem:s13+$0x16300]  }
0x20d: {  	v7 =	vld [tilespmem:s13+$0x16310]  }
0x20e: {  	v6 =	vld [tilespmem:s13+$0x16320]  }
0x20f: {  	v5 =	vld [tilespmem:s13+$0x16330]  }
0x210: {  	v4 =	vld [tilespmem:s13+$0x16340]  }
0x211: {  	v3 =	vld [tilespmem:s13+$0x16350]  }
0x212: {  	v2 =	vld [tilespmem:s13+$0x16360]  }
0x213: {  	v34 =	vld [tilespmem:s13+$0x13970]  }
0x214: {  	v35 =	vld [tilespmem:s13+$0x13980]  }
0x215: {  	v36 =	vld [tilespmem:s13+$0x13990]  }
0x216: {  	v37 =	vld [tilespmem:s13+$0x139A0]  }
0x217: {  	v38 =	vld [tilespmem:s13+$0x139B0]  }
0x218: {  	v15 =	vadd.f32 v15, v34;
	v34 =	vld [tilespmem:s13+$0x139C0]  }
0x219: {  	v14 =	vadd.f32 v14, v35;
	v35 =	vld [tilespmem:s13+$0x139D0]  }
0x21a: {  	v15 =	vmax.f32 v15, $0.0e+00;
	v16 =	vadd.f32 v16, v36;
	v36 =	vld [tilespmem:s13+$0x139E0]  }
0x21b: {  	[tilespmem:s13+$0x13970] =	vst v15;
	v14 =	vmax.f32 v14, $0.0e+00;
	v15 =	vadd.f32 v17, v37;
	v17 =	vld [tilespmem:s13+$0x139F0]  }
0x21c: {  	[tilespmem:s13+$0x13980] =	vst v14;
	v14 =	vmax.f32 v16, $0.0e+00;
	v16 =	vadd.f32 v18, v38;
	v18 =	vld [tilespmem:s13+$0x13A00]  }
0x21d: {  	[tilespmem:s13+$0x13990] =	vst v14;
	v14 =	vmax.f32 v15, $0.0e+00;
	v15 =	vadd.f32 v19, v34;
	v19 =	vld [tilespmem:s13+$0x13A10]  }
0x21e: {  	[tilespmem:s13+$0x139A0] =	vst v14;
	v14 =	vmax.f32 v16, $0.0e+00;
	v16 =	vadd.f32 v20, v35;
	v20 =	vld [tilespmem:s13+$0x13A20]  }
0x21f: {  	[tilespmem:s13+$0x139B0] =	vst v14;
	v14 =	vmax.f32 v15, $0.0e+00;
	v15 =	vadd.f32 v21, v36;
	v21 =	vld [tilespmem:s13+$0x13A30]  }
0x220: {  	[tilespmem:s13+$0x139C0] =	vst v14;
	v14 =	vmax.f32 v16, $0.0e+00;
	v16 =	vadd.f32 v22, v17;
	v17 =	vld [tilespmem:s13+$0x13A40]  }
0x221: {  	[tilespmem:s13+$0x139D0] =	vst v14;
	v14 =	vmax.f32 v15, $0.0e+00;
	v15 =	vadd.f32 v23, v18;
	v18 =	vld [tilespmem:s13+$0x13A50]  }
0x222: {  	[tilespmem:s13+$0x139E0] =	vst v14;
	v14 =	vmax.f32 v16, $0.0e+00;
	v16 =	vadd.f32 v24, v19;
	v19 =	vld [tilespmem:s13+$0x13A60]  }
0x223: {  	[tilespmem:s13+$0x139F0] =	vst v14;
	v14 =	vmax.f32 v15, $0.0e+00;
	v15 =	vadd.f32 v25, v20;
	v20 =	vld [tilespmem:s13+$0x13A70]  }
0x224: {  	[tilespmem:s13+$0x13A00] =	vst v14;
	v14 =	vmax.f32 v16, $0.0e+00;
	v16 =	vadd.f32 v26, v21;
	v21 =	vld [tilespmem:s13+$0x13A80]  }
0x225: {  	[tilespmem:s13+$0x13A10] =	vst v14;
	v14 =	vmax.f32 v15, $0.0e+00;
	v15 =	vadd.f32 v27, v17;
	v17 =	vld [tilespmem:s13+$0x13A90]  }
0x226: {  	[tilespmem:s13+$0x13A20] =	vst v14;
	v14 =	vmax.f32 v16, $0.0e+00;
	v16 =	vadd.f32 v28, v18;
	v18 =	vld [tilespmem:s13+$0x13AA0]  }
0x227: {  	[tilespmem:s13+$0x13A30] =	vst v14;
	v14 =	vmax.f32 v15, $0.0e+00;
	v15 =	vadd.f32 v29, v19;
	v19 =	vld [tilespmem:s13+$0x13AB0]  }
0x228: {  	[tilespmem:s13+$0x13A40] =	vst v14;
	v14 =	vmax.f32 v16, $0.0e+00;
	v16 =	vadd.f32 v30, v20;
	v20 =	vld [tilespmem:s13+$0x13AC0]  }
0x229: {  	[tilespmem:s13+$0x13A50] =	vst v14;
	v14 =	vmax.f32 v15, $0.0e+00;
	v15 =	vadd.f32 v31, v21;
	v21 =	vld [tilespmem:s13+$0x13AD0]  }
0x22a: {  	[tilespmem:s13+$0x13A60] =	vst v14;
	v14 =	vmax.f32 v16, $0.0e+00;
	v16 =	vadd.f32 v32, v17;
	v17 =	vld [tilespmem:s13+$0x13AE0]  }
0x22b: {  	[tilespmem:s13+$0x13A70] =	vst v14;
	v14 =	vmax.f32 v15, $0.0e+00;
	v15 =	vadd.f32 v33, v18;
	v18 =	vld [tilespmem:s13+$0x13AF0]  }
0x22c: {  	[tilespmem:s13+$0x13A80] =	vst v14;
	v14 =	vmax.f32 v16, $0.0e+00;
	v13 =	vadd.f32 v13, v19;
	v16 =	vld [tilespmem:s13+$0x13B00]  }
.Ltmp7:
0x22d: {  	[tilespmem:s13+$0x13A90] =	vst v14;
	v14 =	vmax.f32 v15, $0.0e+00;
	v15 =	vadd.f32 v12, v20;
	v12 =	vld [tilespmem:s13+$0x13B10];
	(pc) =	sbr.rel @p1 .LBB2_13-.Ltmp7, $4  }
0x22e: {  	[tilespmem:s13+$0x13AA0] =	vst v14;
	v13 =	vmax.f32 v13, $0.0e+00;
	v14 =	vadd.f32 v11, v21;
	v11 =	vld [tilespmem:s13+$0x13B20]  }
0x22f: {  	[tilespmem:s13+$0x13AB0] =	vst v13;
	v13 =	vmax.f32 v15, $0.0e+00;
	v15 =	vadd.f32 v10, v17;
	v10 =	vld [tilespmem:s13+$0x13B30]  }
0x230: {  	[tilespmem:s13+$0x13AC0] =	vst v13;
	v13 =	vmax.f32 v14, $0.0e+00;
	v14 =	vadd.f32 v9, v18;
	v9 =	vld [tilespmem:s13+$0x13B40]  }
0x231: {  	s7 =	sadd.s32 $0x800, s7;
	[tilespmem:s13+$0x13AD0] =	vst v13;
	v15 =	vmax.f32 v15, $0.0e+00;
	v13 =	vadd.f32 v8, v16;
	v8 =	vld [tilespmem:s13+$0x13B50]  }
0x232: {  	[tilespmem:s13+$0x13AE0] =	vst v15;
	v14 =	vmax.f32 v14, $0.0e+00;
	v7 =	vadd.f32 v7, v12;
	v63 =	vld [tilespmem:s13+$0x13B60]  }
0x233: {  	[tilespmem:s13+$0x13AF0] =	vst v14;
	v13 =	vmax.f32 v13, $0.0e+00;
	v6 =	vadd.f32 v6, v11  }
0x234: {  	[tilespmem:s13+$0x13B00] =	vst v13;
	v7 =	vmax.f32 v7, $0.0e+00;
	v5 =	vadd.f32 v5, v10  }
0x235: {  	[tilespmem:s13+$0x13B10] =	vst v7;
	v6 =	vmax.f32 v6, $0.0e+00;
	v4 =	vadd.f32 v4, v9  }
0x236: {  	[tilespmem:s13+$0x13B20] =	vst v6;
	v5 =	vmax.f32 v5, $0.0e+00;
	v3 =	vadd.f32 v3, v8  }
0x237: {  	[tilespmem:s13+$0x13B30] =	vst v5;
	v4 =	vmax.f32 v4, $0.0e+00;
	v2 =	vadd.f32 v2, v63  }
0x238: {  	[tilespmem:s13+$0x13B40] =	vst v4;
	v3 =	vmax.f32 v3, $0.0e+00  }
0x239: {  	[tilespmem:s13+$0x13B50] =	vst v3;
	v2 =	vmax.f32 v2, $0.0e+00  }
0x23a: {  	[tilespmem:s13+$0x13B60] =	vst v2  }
0x23b: {  	[spmem:s3] =	stream.indirect.scatter.add.f32 [tilespmem:s29], [sflag:$0x5], $0x80, s30, s26, $0xb8;
	[tilespmem:$0x1E260] =	vst v63  }
0x23c: {  	_ =	swait.ge [sflag:s21], $0x2800  }
0x23d: {  	[sflag:s21] =	ssyncset.done $0x0  }
0x23e: {  	[sflag:s21] =	ssyncadd.s32 $0xFFFFD800  }
0x23f: {  	[bflag:$0x0] =	sbarrier.arrive $0xFFFF  }
0x240: {  	s8 =	rddreg [dreg:$0xb]  }
0x241: {  	s7 =	simm.s32 @p0 $0x1FC5;
	s13 =	rddreg [dreg:$0xd]  }
0x242: {  	[hbm:s8], [sflag:s7] =	dma.local @p0 [spmem:s13], $0x2800  }
0x243: {  	s7 =	simm.s32 @p0 $0x5  }
0x244: {  	_ =	swait.ge @p0 [sflag:s7], $0x2800  }
0x245: {  	s8 =	stileid.u32;
	s18 =	rddreg [dreg:$0x5]  }
0x246: {  	s8 =	sshll.u32 @!p0 s8, $0x6;
	[sflag:s7] =	ssyncset.done @p0 $0x0;
	s13 =	rddreg [dreg:$0xa]  }
0x247: {  	[sflag:s7] =	ssyncadd.s32 @p0 $0xFFFFD800;
	s7 =	sor.u32 @!p0 $0x1C05, s8;
	s8 =	sshrl.u32 @!p0 s18, $0x3  }
0x248: {  	[hbm:s13], [sflag:s7] =	dma.local @!p0 [spmem:s8], $0x2700  }
0x249: {  	s7 =	simm.s32 @!p0 $0x5  }
0x24a: {  	_ =	swait.ge @!p0 [sflag:s7], $0x2700  }
0x24b: {  	s17 =	sadd.s32 $0x1, s17;
	s25 =	rddreg [dreg:$0xc]  }
0x24c: {  	p1 =	sne.s32 s17, s25  }
.Ltmp8:
0x24d: {  	_ = 	snop;
	(pc) =	sbr.rel @p1 .LBB2_1-.Ltmp8, $3  }
0x24e: {  	_ =	sdelay $0x1  }
0x24f: {  	[sflag:s7] =	ssyncset.done @!p0 $0x0  }
0x250: {  	[sflag:s7] =	ssyncadd.s32 @!p0 $0xFFFFD900  }
0x251: {  	_ =	sfence.sel $0x180000  }
0x252: {  	[bflag:$0x0] =	sbarrier.arrive $0xFFFF  }
0x253: {  	_ =	strace $0x9000004A  }
0x254: {  	s0 =	stileid.u32;
	[bflag:$0x2] =	sbarrier.arrive $0xFFFF  }
0x255: {  	p0 =	sne.s32 s0, $0x0;
	s0 =	rddreg [dreg:$0x3]  }
0x256: {  	s0 =	sadd.s32 @!p0 $0x100000, s0  }
0x257: {  	[sflag:s0] =	ssyncadd.tile.s32 @!p0 $0x1;
	_ =	shalt  }
.Lfunc_end2:
_tile_overlayer_lowered:
.L_overlay_start_2:
0x258: {  	(tag) =	ssettag $0x2  }
0x259: {  	s0 =	rddreg [dreg:$0x0];
	s2 =	stileid.u32  }
0x25a: {  	s1 =	rddreg [dreg:$0x1];
	p0 =	sne.s32 s2, $0x0  }
0x25b: {  	s3 =	rddreg [dreg:$0x2];
	[bflag:$0x3] =	sbarrier.arrive $0xFFFF;
	s2 =	simm.s32 @!p0 $0x1C05  }
0x25c: {  	[timem:s3], [sflag:s2] =	dma.local @!p0 [hbm:s0], s1  }
0x25d: {  	s0 =	simm.s32 @!p0 $0x5  }
0x25e: {  	_ =	swait.ge @!p0 [sflag:s0], s1  }
0x25f: {  	s1 =	ssub.s32 @!p0 $0x0, s1;
	[sflag:s0] =	ssyncset.done @!p0 $0x0  }
0x260: {  	[sflag:s0] =	ssyncadd.s32 @!p0 s1  }
0x261: {  	[bflag:$0x3] =	sbarrier.arrive $0xFFFF  }
0x262: {  	_ =	shalt  }

// kernel: kernel.8.cloned.1.call-start
scs
__scs_entry_jumppad:
0x0: {  	(pc) =	sbr.rel $0x88, $3  }
0x1: {  	(tag) =	ssettag $0x0;
	lr =	simm.s32 $0x1  }
0x2: {  	[smem:$0x3F98] =	sst lr;
	_ =	strace $0xD0000000  }
0x3: {  	_ = 	snop  }
0x4: {  	_ = 	snop  }
0x5: {  	_ = 	snop  }
0x6: {  	_ = 	snop  }
0x7: {  	_ = 	snop  }
__scs_overlays_trampoline_lowered:
0x8: {  	[smem:$0x3FA7] =	sst s0  }
0x9: {  	[smem:$0x3FA8] =	sst s1  }
0xa: {  	[smem:$0x3FA9] =	sst s2  }
0xb: {  	[smem:$0x3FAA] =	sst s3  }
0xc: {  	[smem:$0x3FAB] =	sst s4  }
0xd: {  	[smem:$0x3FAC] =	sst s5  }
0xe: {  	[smem:$0x3FAD] =	sst s6  }
0xf: {  	[smem:$0x3FAE] =	sst s7  }
0x10: {  	[smem:$0x3FAF] =	sst s8  }
0x11: {  	[smem:$0x3FB0] =	sst s9;
	s0 =	simm.s32 @!p0 $0x0  }
0x12: {  	s1 =	sld [smem:$0x3F96];
	s0 =	simm.s32 @p0 $0x1  }
0x13: {  	[smem:$0x3FB1] =	sst s0;
	s0 =	simm.s32 @!p1 $0x0  }
0x14: {  	s2 =	sld [smem:$0x3F95];
	s0 =	simm.s32 @p1 $0x1  }
0x15: {  	[smem:$0x3FB2] =	sst s0;
	s0 =	simm.s32 @!p2 $0x0  }
0x16: {  	s3 =	sld [smem:$0x3FDB];
	s0 =	simm.s32 @p2 $0x1  }
0x17: {  	s4 =	simm.s32 $0x1BF5;
	[smem:$0x3FB4] =	sst s0  }
0x18: {  	s0 =	sld [smem:$0x3F97];
	_ =	swait.ge [sflag:s4], $0x0  }
0x19: {  	s7 =	sld [smem:$0x3F98]  }
0x1a: {  	s8 =	sadd.s32 $0xFFFFE003, lr  }
0x1b: {  	s9 =	sadd.s32 $0xFFFFFEF7, lr;
	s5 =	simm.s32 $0xFFFFFFFF;
	p2 =	slt.u32 s8, $0xFFFFF086  }
0x1c: {  	p1 =	slt.u32 s9, $0xF7A;
	s5 =	simm.s32 @!p2 $0x0  }
0x1d: {  	s5 =	simm.s32 @p1 $0x1;
	p0 =	seq.s32 s7, s2  }
0x1e: {  	s7 =	smul.u32 @!p0 $0xF7A, s2;
	p2 =	seq.s32 @!p0 s5, $0x0  }
0x1f: {  	s9 =	smul.u32 $0xF7A, s1;
	s8 =	simm.s32 @!p0 $0x1BF5;
	p2 =	por !p2, p0  }
0x20: {  	[sflag:s8] =	ssyncset.s32 @!p0 $0xFFFFF086;
	s6 =	sadd.s32 @!p0 s3, s7;
	s7 =	simm.s32 @!p0 $0x108  }
0x21: {  	s3 =	sadd.s32 s3, s9;
	s6 =	sadd.s32 @!p0 $0x88, s6;
	s7 =	simm.s32 @p2 $0x1082  }
0x22: {  	[simem:s7], [sflag:s8] =	dma.local @!p0 [hbm:s6], $0xF7A  }
0x23: {  	s9 =	sor.u32 $0xD0000000, s2;
	s6 =	simm.s32 $0x108;
	_ =	swait.ge @!p0 [sflag:s8], $0x0  }
0x24: {  	s3 =	sadd.s32 $0x88, s3;
	s6 =	simm.s32 @!p1 $0x1082;
	[sflag:s4] =	ssyncset.s32 $0xFFFFF086  }
0x25: {  	[simem:s6], [sflag:s4] =	dma.local [hbm:s3], $0xF7A  }
0x26: {  	[smem:$0x3F98] =	sst s1;
	(tag) =	ssettag s2;
	_ =	strace s9  }
0x27: {  	s1 =	sld [smem:$0x3FA8]  }
0x28: {  	s2 =	sld [smem:$0x3FA9]  }
0x29: {  	s4 =	sld [smem:$0x3FAB]  }
0x2a: {  	p0 =	seq.s32 s5, $0x0;
	s5 =	sld [smem:$0x3FAC]  }
0x2b: {  	s6 =	sld [smem:$0x3FAD]  }
0x2c: {  	s7 =	sld [smem:$0x3FAE]  }
0x2d: {  	s3 =	simm.s32 $0x108;
	s8 =	sld [smem:$0x3FAF]  }
0x2e: {  	s3 =	simm.s32 @!p0 $0x1082;
	s9 =	sld [smem:$0x3FB0]  }
0x2f: {  	lr =	sadd.s32 s0, s3;
	s0 =	sld [smem:$0x3FA7]  }
0x30: {  	s3 =	sld [smem:$0x3FAA]  }
0x31: {  	[smem:$0x3FB3] =	sst s10  }
0x32: {  	s10 =	sld [smem:$0x3FB1];
	_ =	sdelay $0x3  }
0x33: {  	p0 =	seq.s32 s10, $0x1;
	s10 =	sld [smem:$0x3FB3];
	_ =	sdelay $0x3  }
0x34: {  	[smem:$0x3FB3] =	sst s10  }
0x35: {  	s10 =	sld [smem:$0x3FB2];
	_ =	sdelay $0x3  }
0x36: {  	p1 =	seq.s32 s10, $0x1;
	s10 =	sld [smem:$0x3FB3];
	_ =	sdelay $0x3  }
0x37: {  	[smem:$0x3FB3] =	sst s10  }
0x38: {  	s10 =	sld [smem:$0x3FB4]  }
0x39: {  	_ = 	snop;
	(pc) =	sbr.ind lr, $3  }
0x3a: {  	_ = 	snop  }
0x3b: {  	_ = 	snop  }
0x3c: {  	p2 =	seq.s32 s10, $0x1;
	s10 =	sld [smem:$0x3FB3]  }
0x3d: {  	_ =	shalt  }
0x3e: {  	_ =	shalt  }
0x3f: {  	_ =	shalt  }
0x40: {  	_ =	shalt  }
0x41: {  	_ =	shalt  }
0x42: {  	_ =	shalt  }
0x43: {  	_ =	shalt  }
0x44: {  	_ =	shalt  }
0x45: {  	_ =	shalt  }
0x46: {  	_ =	shalt  }
0x47: {  	_ =	shalt  }
0x48: {  	_ =	shalt  }
0x49: {  	_ =	shalt  }
0x4a: {  	_ =	shalt  }
0x4b: {  	_ =	shalt  }
0x4c: {  	_ =	shalt  }
0x4d: {  	_ =	shalt  }
0x4e: {  	_ =	shalt  }
0x4f: {  	_ =	shalt  }
0x50: {  	_ =	shalt  }
0x51: {  	_ =	shalt  }
0x52: {  	_ =	shalt  }
0x53: {  	_ =	shalt  }
0x54: {  	_ =	shalt  }
0x55: {  	_ =	shalt  }
0x56: {  	_ =	shalt  }
0x57: {  	_ =	shalt  }
0x58: {  	_ =	shalt  }
0x59: {  	_ =	shalt  }
0x5a: {  	_ =	shalt  }
0x5b: {  	_ =	shalt  }
0x5c: {  	_ =	shalt  }
0x5d: {  	_ =	shalt  }
0x5e: {  	_ =	shalt  }
0x5f: {  	_ =	shalt  }
0x60: {  	_ =	shalt  }
0x61: {  	_ =	shalt  }
0x62: {  	_ =	shalt  }
0x63: {  	_ =	shalt  }
0x64: {  	_ =	shalt  }
0x65: {  	_ =	shalt  }
0x66: {  	_ =	shalt  }
0x67: {  	_ =	shalt  }
0x68: {  	_ =	shalt  }
0x69: {  	_ =	shalt  }
0x6a: {  	_ =	shalt  }
0x6b: {  	_ =	shalt  }
0x6c: {  	_ =	shalt  }
0x6d: {  	_ =	shalt  }
0x6e: {  	_ =	shalt  }
0x6f: {  	_ =	shalt  }
0x70: {  	_ =	shalt  }
0x71: {  	_ =	shalt  }
0x72: {  	_ =	shalt  }
0x73: {  	_ =	shalt  }
0x74: {  	_ =	shalt  }
0x75: {  	_ =	shalt  }
0x76: {  	_ =	shalt  }
0x77: {  	_ =	shalt  }
0x78: {  	_ =	shalt  }
0x79: {  	_ =	shalt  }
0x7a: {  	_ =	shalt  }
0x7b: {  	_ =	shalt  }
0x7c: {  	_ =	shalt  }
0x7d: {  	_ =	shalt  }
0x7e: {  	_ =	shalt  }
0x7f: {  	_ =	shalt  }
0x80: {  	_ =	shalt  }
0x81: {  	_ =	shalt  }
0x82: {  	_ =	shalt  }
0x83: {  	_ =	shalt  }
0x84: {  	_ =	shalt  }
0x85: {  	_ =	shalt  }
0x86: {  	_ =	shalt  }
0x87: {  	_ =	shalt  }
.Lfunc_end0:
.L_simem_size_0:
called_computation_lowered:
.L_overlay_start_0:
0x88: {  	s2 =	sld [smem:$0x3FD9]  }
0x89: {  	s3 =	sld [smem:$0x3FFE];
	_ =	sdelay $0x1  }
0x8a: {  	s1 =	srdreg.scid  }
0x8b: {  	s0 =	sand.u32 $0x1, s1  }
0x8c: {  	s14 =	sshll.u32 s0, $0xA;
	s2 =	sadd.s32 s3, s2  }
0x8d: {  	s2 =	sadd.s32 s2, s14  }
0x8e: {  	[smem:$0x3FBF] =	sst s2  }
0x8f: {  	_ = 	snop  }
0x90: {  	s2 =	sld [smem:$0x3FD0];
	_ =	sdelay $0x2  }
0x91: {  	s15 =	simm.s32 $0xB;
	s4 =	simm.s32 $0x10  }
0x92: {  	[smem:s4], [sflag:s15] =	dma.local [hbm:s2], $0x1  }
0x93: {  	_ =	swait.eq [sflag:s15], $0x1  }
0x94: {  	[sflag:s15] =	ssyncset.done $0x0  }
0x95: {  	[sflag:s15] =	ssyncadd.s32 $0xFFFFFFFF  }
0x96: {  	s16 =	sld [smem:$0x11];
	(tm) =	ssettm $0x1  }
0x97: {  	s17 =	sld [smem:$0x3FFB];
	_ =	sdelay $0x3  }
0x98: {  	_ =	strace s17  }
0x99: {  	s3 =	sld [smem:$0x3FFC];
	_ =	sdelay $0x3  }
0x9a: {  	_ =	strace s3  }
0x9b: {  	s3 =	sld [smem:$0x3FFD];
	_ =	sdelay $0x3  }
0x9c: {  	_ =	strace s3  }
0x9d: {  	_ =	strace $0x8FFFFFFF  }
0x9e: {  	s18 =	sld [smem:$0x3FDB];
	_ =	sdelay $0x1  }
0x9f: {  	s19 =	simm.s32 $_scs_section_size  }
0xa0: {  	s5 =	simm.s32 $_size__tile_overlayer_lowered;
	s6 =	simm.s32 $_tile_overlayer_lowered  }
0xa1: {  	s22 =	simm.s32 $0x1BFF;
	s21 =	sshll.u32 s6, $0x1;
	s3 =	sadd.s32 s19, s18  }
0xa2: {  	s7 =	simm.s32 $0x0;
	s20 =	sshll.u32 s5, $0x1;
	s5 =	sadd.s32 s21, s3  }
0xa3: {  	[timem:s7], [sflag:s22] =	dma.local [hbm:s5], s20  }
0xa4: {  	_ =	swait.ge [sflag:s22], s20  }
0xa5: {  	s4 =	ssub.s32 $0x0, s20;
	[sflag:s22] =	ssyncset.done $0x0  }
0xa6: {  	[sflag:s22] =	ssyncadd.s32 s4;
	_ =	sdelay $0x1  }
0xa7: {  	s23 =	simm.s32 $0x1B8B  }
0xa8: {  	_ =	swait.ge [sflag:s23], $0x1  }
0xa9: {  	[sflag:s23] =	ssyncset.done $0x0  }
0xaa: {  	s25 =	simm.s32 $0x1B8E;
	s24 =	sld [smem:$0x3FFE];
	[sflag:s23] =	ssyncadd.s32 $0xFFFFFFFF  }
0xab: {  	s26 =	simm.s32 $execute0_lowered;
	[smem:$0x3FD2] =	sst s25  }
0xac: {  	s5 =	sshll.u32 s26, $0x1;
	_ =	strace $0x80000046;
	[dreg:$0x1] =	wrdreg $0xFFFFFFFF  }
0xad: {  	s28 =	simm.s32 $_size_execute0_lowered;
	s3 =	sadd.s32 s3, s5;
	[dreg:$0x0] =	wrdreg $0x0  }
0xae: {  	s5 =	sshll.u32 s28, $0x1;
	[dreg:$0x2] =	wrdreg s3  }
0xaf: {  	[dreg:$0x3] =	wrdreg s5  }
0xb0: {  	[dreg:$0x4] =	wrdreg $0xC0  }
0xb1: {  	_ =	task [dreg:s7], $0x5FFFF  }
0xb2: {  	[dreg:$0x1] =	wrdreg $0xFFFFFFFF  }
0xb3: {  	[dreg:$0x0] =	wrdreg $0x60  }
0xb4: {  	[dreg:$0x2] =	wrdreg s24  }
0xb5: {  	[dreg:$0x3] =	wrdreg s16  }
0xb6: {  	[dreg:$0x4] =	wrdreg $0x0  }
0xb7: {  	[dreg:$0x5] =	wrdreg $0x9  }
0xb8: {  	_ =	task.clear_ibuf [dreg:s7], $0x6FFFF;
	_ =	strace $0x90000046  }
0xb9: {  	s29 =	simm.s32 $0x9;
	_ =	strace $0x80000048  }
0xba: {  	_ =	swait.ge [sflag:s29], $0x1  }
0xbb: {  	[sflag:s29] =	ssyncadd.s32 $0xFFFFFFFF  }
0xbc: {  	_ =	strace $0x90000048  }
0xbd: {  	_ =	sfence  }
0xbe: {  	s30 =	sld [smem:$0x0];
	_ =	sdelay $0x2  }
0xbf: {  	s31 =	sshll.u32 s1, $0xD;
	s1 =	sshrl.u32 s1, $0x2  }
0xc0: {  	s3 =	sand.u32 $0x4000, s31;
	s1 =	sadd.s32 s1, s30  }
0xc1: {  	s0 =	sor.u32 s3, s0;
	s1 =	sshll.u32 s1, $0x11  }
0xc2: {  	s0 =	sor.u32 s1, s0  }
0xc3: {  	s0 =	sadd.s32 $0x8F2B, s0  }
0xc4: {  	[sflag:s0] =	ssyncadd.remote.s32 $0x1  }
0xc5: {  	_ =	sfence.sel $0xFFFF  }
0xc6: {  	[dreg:$0x0] =	wrdreg $0xFFFFFFFF;
	(pc) =	sbr.abs _section_cstart, $3  }
0xc7: {  	[dreg:$0x1] =	wrdreg $0xFFFFFFFF  }
0xc8: {  	_ =	task.clear_ibuf [dreg:s7], $0x2FFFF;
	_ =	strace $0x9FFFFFFF  }
0xc9: {  	(tm) =	ssettm $0x7FFFFFFF  }
tec
execute0_lowered:
.L_overlay_start_1:
0x0: {  	(tag) =	ssettag $0x1  }
0x1: {  	s0 =	rddreg [dreg:$0x0]  }
0x2: {  	s1 =	rddreg [dreg:$0x1]  }
0x3: {  	s2 =	rddreg [dreg:$0x2];
	s3 =	simm.s32 $0x0  }
0x4: {  	s5 =	srdreg.scid;
	s14 =	stileid.u32;
	s13 =	simm.s32 $0x28  }
0x5: {  	s28 =	simm.s32 $0x6110;
	s29 =	simm.s32 $0x5;
	s31 =	simm.s32 $0x4010  }
0x6: {  	[smem:$0x7FF] =	sst s3;
	s4 =	sadd.s32 $0x27EE00, s0;
	s6 =	sadd.s32 $0x8E00, s0  }
0x7: {  	s7 =	sadd.s32 $0x3E00, s0;
	s8 =	sadd.s32 $0x292A00, s0;
	s11 =	smul.u32 $0x4E0, s14  }
0x8: {  	s5 =	sand.u32 $0x1, s5;
	s0 =	sadd.s32 $0x288C00, s0;
	s12 =	smul.u32 $0x9C00, s14  }
0x9: {  	p0 =	seq.s32 s14, $0xF;
	s21 =	sor.u32 $0x4E0, s14;
	s26 =	sadd.s32 $0x24900, s2  }
0xa: {  	_ =	strace $0x80000047;
	s9 =	ssub.s32 $0x2, s5;
	s22 =	smul.u32 $0x4E20, s5  }
0xb: {  	s17 =	sshll.u32 s5, $0x4;
	s13 =	simm.s32 @!p0 $0x27;
	s5 =	smul.u32 $0x27100, s5  }
0xc: {  	s24 =	sshll.u32 s21, $0x8;
	s10 =	sshrl.u32 s9, $0x1;
	[dreg:$0x4] =	wrdreg s13  }
0xd: {  	s12 =	sshrl.u32 s12, $0x2;
	s9 =	ssub.s32 s9, s10;
	s10 =	sor.u32 s14, s17  }
0xe: {  	s12 =	sadd.s32 s12, s2;
	s17 =	sshll.u32 s21, $0x5;
	s11 =	sadd.s32 s11, s22  }
0xf: {  	s5 =	sshrl.u32 s5, $0x3;
	s14 =	simm.s32 $0x2;
	s22 =	simm.s32 $0x2810  }
0x10: {  	s21 =	simm.s32 $0x4;
	s18 =	sshll.u32 s10, $0x5;
	[dreg:$0x5] =	wrdreg s12  }
0x11: {  	s19 =	sshll.u32 s10, $0x8;
	s15 =	sor.u32 $0x40, s10;
	s23 =	sadd.s32 s4, s17  }
0x12: {  	s5 =	sadd.s32 s0, s5;
	s0 =	sadd.s32 s0, s11;
	s30 =	smax.u32 s9, $0x1  }
0x13: {  	p1 =	sgt.u32 s10, $0x1;
	s17 =	simm.s32 $0x5110;
	[dreg:$0xb] =	wrdreg s23  }
0x14: {  	s13 =	sadd.s32 s4, s18;
	s20 =	sadd.s32 s1, s19;
	[dreg:$0xe] =	wrdreg s0  }
0x15: {  	s16 =	sadd.s32 s8, s19;
	s12 =	sor.u32 $0x4C000, s19;
	[dreg:$0x10] =	wrdreg s30  }
0x16: {  	s25 =	sadd.s32 $0x4920, s5;
	s0 =	sshrl.u32 s26, $0x3;
	[dreg:$0x6] =	wrdreg s13  }
0x17: {  	s26 =	sor.u32 $0x60, s10;
	s23 =	simm.s32 $0x80;
	[dreg:$0x8] =	wrdreg s20  }
0x18: {  	s5 =	simm.s32 $0x0;
	s19 =	simm.s32 $0x0;
	[dreg:$0xf] =	wrdreg s25  }
0x19: {  	s13 =	sadd.s32 $0x400, s13;
	s18 =	sadd.s32 s1, s12;
	[dreg:$0x11] =	wrdreg s0  }
.Ltmp0:
0x1a: {  	s12 =	sadd.s32 s8, s12;
	[dreg:$0x7] =	wrdreg s13;
	(pc) =	sbr.rel .LBB2_1-.Ltmp0, $4  }
0x1b: {  	s25 =	simm.s32 $0x3010;
	s20 =	simm.s32 $0x3810;
	[dreg:$0x9] =	wrdreg s18  }
0x1c: {  	[dreg:$0xa] =	wrdreg s12;
	s13 =	sadd.s32 s1, s24;
	s12 =	sadd.s32 s8, s24  }
0x1d: {  	s18 =	simm.s32 $0x1;
	s24 =	simm.s32 $0x3;
	[dreg:$0xc] =	wrdreg s13  }
0x1e: {  	v0 =	vimm.f32 $0.0e+00;
	v1 =	vimm.f32 $1.000000000e+00;
	[dreg:$0xd] =	wrdreg s12;
	s13 =	simm.s32 $0x4090;
	s12 =	simm.s32 $0x5910  }
.LBB2_20:
0x1f: {  	s0 =	rddreg [dreg:$0xf]  }
0x20: {  	s9 =	rddreg [dreg:$0x11];
	s5 =	simm.s32 $0x1FC5  }
0x21: {  	[hbm:s0], [sflag:s5] =	dma.local [spmem:s9], $0x500  }
0x22: {  	_ =	swait.ge [sflag:s29], $0x500  }
0x23: {  	[sflag:s29] =	ssyncset.done $0x0  }
0x24: {  	s5 =	rddreg [dreg:$0x12];
	[sflag:s29] =	ssyncadd.s32 $0xFFFFFB00  }
.LBB2_21:
0x25: {  	s5 =	sadd.s32 $0x1, s5;
	s0 =	rddreg [dreg:$0x10]  }
0x26: {  	p2 =	sne.s32 s5, s0  }
.Ltmp1:
0x27: {  	_ = 	snop;
	(pc) =	sbr.rel @!p2 .LBB2_22-.Ltmp1, $1  }
0x28: {  	_ =	sdelay $0x3  }
.LBB2_1:
0x29: {  	[tilespmem:$0x6110] =	vst v0  }
0x2a: {  	[tilespmem:$0x6120] =	vst v0  }
0x2b: {  	[tilespmem:$0x6130] =	vst v0  }
0x2c: {  	[tilespmem:$0x6140] =	vst v0  }
0x2d: {  	[tilespmem:$0x6150] =	vst v0  }
0x2e: {  	[tilespmem:$0x6160] =	vst v0  }
0x2f: {  	[tilespmem:$0x6170] =	vst v0  }
0x30: {  	[tilespmem:$0x6180] =	vst v0  }
0x31: {  	[tilespmem:$0x6190] =	vst v0  }
0x32: {  	[tilespmem:$0x61A0] =	vst v0  }
0x33: {  	[tilespmem:$0x61B0] =	vst v0  }
0x34: {  	[tilespmem:$0x61C0] =	vst v0  }
0x35: {  	[tilespmem:$0x61D0] =	vst v0  }
0x36: {  	[tilespmem:$0x61E0] =	vst v0  }
0x37: {  	[tilespmem:$0x61F0] =	vst v0  }
0x38: {  	[dreg:$0x12] =	wrdreg s5;
	[tilespmem:$0x6200] =	vst v0;
	s0 =	simm.s32 $0x40;
	s9 =	simm.s32 $0x0  }
.LBB2_2:
0x39: {  	p2 =	sne.s32 s0, $0x1FC0;
	[tilespmem:s9+$0x5910] =	vst v1;
	s9 =	smov.u32 s0;
	s0 =	sadd.s32 $0x40, s0  }
.Ltmp2:
0x3a: {  	(pc) =	sbr.rel @p2 .LBB2_2-.Ltmp2, $2  }
0x3b: {  	_ =	sdelay $0x2  }
0x3c: {  	s9 =	sshra.s32 s9, $0x2  }
0x3d: {  	s0 =	rddreg [dreg:$0x4]  }
0x3e: {  	p2 =	sne.s32 s0, $0x1  }
.Ltmp3:
0x3f: {  	_ = 	snop;
	(pc) =	sbr.rel @!p2 .LBB2_5-.Ltmp3, $4  }
0x40: {  	[tilespmem:s9+$0x5910] =	vst v1;
	s9 =	rddreg [dreg:$0x5]  }
0x41: {  	[spmem:s9] =	stream.linear.scatter [tilespmem:s28], [sflag:$0x5], $0x100, $0x38;
	[tilespmem:$0x6210] =	vst v63  }
0x42: {  	_ =	swait.ge [sflag:s29], $0x100  }
0x43: {  	s0 =	sadd.s32 $0xFFFFFFFF, s0;
	[sflag:s29] =	ssyncset.done $0x0  }
.LBB2_4:
0x44: {  	p2 =	sne.s32 s0, $0x1;
	[sflag:s29] =	ssyncadd.s32 $0xFFFFFF00;
	s9 =	sadd.s32 $0x100, s9  }
.Ltmp4:
0x45: {  	s0 =	sadd.s32 $0xFFFFFFFF, s0;
	(pc) =	sbr.rel @p2 .LBB2_4-.Ltmp4, $4  }
0x46: {  	_ = 	snop  }
0x47: {  	[spmem:s9] =	stream.linear.scatter [tilespmem:s28], [sflag:$0x5], $0x100, $0x38;
	[tilespmem:$0x6210] =	vst v63  }
0x48: {  	_ =	swait.ge [sflag:s29], $0x100  }
0x49: {  	[sflag:s29] =	ssyncset.done $0x0  }
.LBB2_5:
0x4a: {  	[sflag:s29] =	ssyncadd.s32 $0xFFFFFF00  }
0x4b: {  	[bflag:$0x0] =	sbarrier.arrive $0xFFFF  }
0x4c: {  	s9 =	simm.s32 $0x2710;
	s0 =	rddreg [dreg:$0x6]  }
0x4d: {  	[tilespmem:s9], [sflag:$0x2] =	stream.linear.gather [hbm4b:s0+s19], $0x100, $0x38;
	[tilespmem:$0x6210] =	vst v63  }
0x4e: {  	s11 =	rddreg [dreg:$0x7]  }
0x4f: {  	[tilespmem:s31], [sflag:$0x4] =	stream.linear.gather [hbm4b:s11+s19], $0x100, $0x38;
	[tilespmem:$0x6210] =	vst v63  }
0x50: {  	_ =	swait.ge [sflag:s14], $0x100  }
0x51: {  	[sflag:s14] =	ssyncset.done $0x0  }
0x52: {  	[sflag:s14] =	ssyncadd.s32 $0xFFFFFF00  }
0x53: {  	[tilespmem:s22], [sflag:$0x1] =	stream.indirect.gather [hbm4b:s6+s23], $0x10, s9, s23, $0xb8;
	[tilespmem:$0x6210] =	vst v63  }
0x54: {  	s22 =	simm.s32 $0x2790  }
0x55: {  	[tilespmem:s25], [sflag:$0x1] =	stream.indirect.gather [hbm4b:s7+s23], $0x10, s22, s23, $0xb8;
	[tilespmem:$0x6210] =	vst v63  }
0x56: {  	s5 =	simm.s32 $0x2710;
	s30 =	rddreg [dreg:$0x8];
	s9 =	simm.s32 $0x0  }
0x57: {  	[tilespmem:s20], [sflag:$0x1] =	stream.linear.gather [hbm4b:s30+s19], $0x800, $0x38;
	[tilespmem:$0x6210] =	vst v63  }
.LBB2_6:
0x58: {  	_ =	swait.ge [sflag:s21], $0x100  }
0x59: {  	s11 =	sshll.u32 s9, $0x6;
	[sflag:s21] =	ssyncset.done $0x0  }
0x5a: {  	s0 =	simm.s32 $0x4110;
	s30 =	sor.u32 s11, s10;
	[sflag:s21] =	ssyncadd.s32 $0xFFFFFF00  }
0x5b: {  	[tilespmem:s0], [sflag:$0x3] =	stream.indirect.gather [hbm4b:s6+s23], $0x10, s31, s23, $0xb8;
	[tilespmem:$0x6210] =	vst v63  }
0x5c: {  	s0 =	sshll.u32 s30, $0x8  }
0x5d: {  	s25 =	simm.s32 $0x4910;
	s0 =	sor.u32 $0x2000, s0  }
0x5e: {  	[tilespmem:s25], [sflag:$0x3] =	stream.indirect.gather [hbm4b:s7+s23], $0x10, s13, s23, $0xb8;
	[tilespmem:$0x6210] =	vst v63  }
0x5f: {  	s22 =	sadd.s32 s1, s0  }
0x60: {  	[tilespmem:s17], [sflag:$0x3] =	stream.linear.gather [hbm4b:s22+s19], $0x800, $0x38;
	[tilespmem:$0x6210] =	vst v63  }
0x61: {  	_ =	swait.ge [sflag:s18], $0x800  }
0x62: {  	[sflag:s18] =	ssyncset.done $0x0  }
0x63: {  	[sflag:s18] =	ssyncadd.s32 $0xFFFFF800  }
0x64: {  	_ =	swait.ge [sflag:s18], $0x800  }
0x65: {  	[sflag:s18] =	ssyncset.done $0x0  }
0x66: {  	[sflag:s18] =	ssyncadd.s32 $0xFFFFF800  }
0x67: {  	_ =	swait.ge [sflag:s18], $0x800  }
0x68: {  	[sflag:s18] =	ssyncset.done $0x0  }
0x69: {  	s25 =	simm.s32 $0x0;
	[sflag:s18] =	ssyncadd.s32 $0xFFFFF800  }
0x6a: {  	s22 =	simm.s32 $0x40;
	v2 =	vld [tilespmem:s25+$0x2810]  }
.LBB2_7:
0x6b: {  	p2 =	sne.s32 s22, $0x1FC0;
	v3 =	vld [tilespmem:s25+$0x3810];
	_ =	sdelay $0x1  }
0x6c: {  	v4 =	vld [tilespmem:s25+$0x3010];
	_ =	sdelay $0x2  }
0x6d: {  	v2 =	vadd.f32 v2, v3  }
.Ltmp5:
0x6e: {  	(pc) =	sbr.rel @p2 .LBB2_7-.Ltmp5, $3  }
0x6f: {  	v2 =	vadd.f32 v4, v2;
	_ =	sdelay $0x1  }
0x70: {  	s14 =	sshra.s32 s22, $0x2;
	v3 =	vmax.f32 v2, $0.0e+00  }
0x71: {  	s22 =	sadd.s32 $0x40, s22;
	v2 =	vld [tilespmem:s14+$0x2810];
	[tilespmem:s25+$0x3810] =	vst v3;
	s25 =	smov.u32 s14  }
0x72: {  	v3 =	vld [tilespmem:s25+$0x3810];
	_ =	sdelay $0x1  }
0x73: {  	v4 =	vld [tilespmem:s25+$0x3010];
	_ =	sdelay $0x2  }
0x74: {  	v2 =	vadd.f32 v2, v3;
	_ =	sdelay $0x1  }
0x75: {  	v2 =	vadd.f32 v4, v2;
	_ =	sdelay $0x1  }
0x76: {  	s14 =	sshll.u32 s9, $0xE;
	v2 =	vmax.f32 v2, $0.0e+00  }
0x77: {  	s14 =	sadd.s32 s14, s16;
	[tilespmem:s25+$0x3810] =	vst v2  }
0x78: {  	[hbm4b:s14+s3] =	stream.linear.scatter [tilespmem:s20], [sflag:$0x5], $0x800, $0x38;
	[tilespmem:$0x6210] =	vst v63  }
0x79: {  	_ =	swait.ge [sflag:s29], $0x800  }
0x7a: {  	[sflag:s29] =	ssyncset.done $0x0  }
0x7b: {  	s30 =	simm.s32 $0x2790;
	[sflag:s29] =	ssyncadd.s32 $0xFFFFF800  }
0x7c: {  	[spmem:s2] =	stream.indirect.scatter.add.f32 [tilespmem:s12], [sflag:$0x5], $0x10, s30, s23, $0xb8;
	[tilespmem:$0x6210] =	vst v63  }
0x7d: {  	s14 =	sadd.s32 s15, s11;
	_ =	swait.ge [sflag:s29], $0x800  }
0x7e: {  	s22 =	sshll.u32 s14, $0x5;
	[sflag:s29] =	ssyncset.done $0x0  }
0x7f: {  	p2 =	seq.s32 s9, $0x12;
	s22 =	sadd.s32 s4, s22;
	[sflag:s29] =	ssyncadd.s32 $0xFFFFF800  }
0x80: {  	[tilespmem:s5], [sflag:$0x2] =	stream.linear.gather [hbm4b:s22+s3], $0x100, $0x38;
	[tilespmem:$0x6210] =	vst v63  }
0x81: {  	s22 =	simm.s32 @!p2 $0x2  }
0x82: {  	_ =	swait.ge @!p2 [sflag:s22], $0x100  }
0x83: {  	s25 =	simm.s32 @!p2 $0x2710;
	[sflag:s22] =	ssyncset.done @!p2 $0x0  }
0x84: {  	s30 =	simm.s32 @!p2 $0x2810;
	[sflag:s22] =	ssyncadd.s32 @!p2 $0xFFFFFF00;
	s22 =	simm.s32 @!p2 $0x80  }
0x85: {  	[tilespmem:s30], [sflag:$0x1] =	stream.indirect.gather @!p2 [hbm4b:s6+s22], $0x10, s25, s22, $0xb8;
	[tilespmem:$0x6210] =	vst v63  }
0x86: {  	s14 =	sshll.u32 @!p2 s14, $0x8;
	s25 =	simm.s32 @!p2 $0x2790;
	s30 =	simm.s32 @!p2 $0x3010  }
0x87: {  	[tilespmem:s30], [sflag:$0x1] =	stream.indirect.gather @!p2 [hbm4b:s7+s22], $0x10, s25, s22, $0xb8;
	[tilespmem:$0x6210] =	vst v63  }
0x88: {  	s14 =	sadd.s32 @!p2 s1, s14;
	s22 =	simm.s32 @!p2 $0x0;
	s25 =	simm.s32 @!p2 $0x3810  }
0x89: {  	[tilespmem:s25], [sflag:$0x1] =	stream.linear.gather @!p2 [hbm4b:s14+s22], $0x800, $0x38;
	[tilespmem:$0x6210] =	vst v63  }
0x8a: {  	_ =	swait.ge [sflag:s24], $0x800  }
0x8b: {  	[sflag:s24] =	ssyncset.done $0x0  }
0x8c: {  	[sflag:s24] =	ssyncadd.s32 $0xFFFFF800  }
0x8d: {  	_ =	swait.ge [sflag:s24], $0x800  }
0x8e: {  	[sflag:s24] =	ssyncset.done $0x0  }
0x8f: {  	[sflag:s24] =	ssyncadd.s32 $0xFFFFF800  }
0x90: {  	_ =	swait.ge [sflag:s24], $0x800  }
0x91: {  	[sflag:s24] =	ssyncset.done $0x0  }
0x92: {  	s25 =	simm.s32 $0x0;
	[sflag:s24] =	ssyncadd.s32 $0xFFFFF800  }
0x93: {  	s22 =	simm.s32 $0x40;
	v2 =	vld [tilespmem:s25+$0x4110]  }
.LBB2_9:
0x94: {  	p3 =	sne.s32 s22, $0x1FC0;
	v3 =	vld [tilespmem:s25+$0x5110];
	_ =	sdelay $0x1  }
0x95: {  	v4 =	vld [tilespmem:s25+$0x4910];
	_ =	sdelay $0x2  }
0x96: {  	v2 =	vadd.f32 v2, v3  }
.Ltmp6:
0x97: {  	(pc) =	sbr.rel @p3 .LBB2_9-.Ltmp6, $3  }
0x98: {  	v2 =	vadd.f32 v4, v2;
	_ =	sdelay $0x1  }
0x99: {  	s14 =	sshra.s32 s22, $0x2;
	v3 =	vmax.f32 v2, $0.0e+00  }
0x9a: {  	s22 =	sadd.s32 $0x40, s22;
	v2 =	vld [tilespmem:s14+$0x4110];
	[tilespmem:s25+$0x5110] =	vst v3;
	s25 =	smov.u32 s14  }
0x9b: {  	v3 =	vld [tilespmem:s25+$0x5110];
	_ =	sdelay $0x1  }
0x9c: {  	v4 =	vld [tilespmem:s25+$0x4910];
	_ =	sdelay $0x2  }
0x9d: {  	v2 =	vadd.f32 v2, v3;
	_ =	sdelay $0x1  }
0x9e: {  	v2 =	vadd.f32 v4, v2;
	_ =	sdelay $0x1  }
0x9f: {  	v2 =	vmax.f32 v2, $0.0e+00  }
0xa0: {  	s0 =	sadd.s32 s8, s0;
	[tilespmem:s25+$0x5110] =	vst v2  }
0xa1: {  	[hbm4b:s0+s3] =	stream.linear.scatter [tilespmem:s17], [sflag:$0x5], $0x800, $0x38;
	[tilespmem:$0x6210] =	vst v63  }
0xa2: {  	_ =	swait.ge [sflag:s29], $0x800  }
0xa3: {  	[sflag:s29] =	ssyncset.done $0x0  }
.Ltmp7:
0xa4: {  	[sflag:s29] =	ssyncadd.s32 $0xFFFFF800;
	(pc) =	sbr.rel @p2 .LBB2_12-.Ltmp7, $4  }
0xa5: {  	[spmem:s2] =	stream.indirect.scatter.add.f32 [tilespmem:s12], [sflag:$0x5], $0x10, s13, s23, $0xb8;
	[tilespmem:$0x6210] =	vst v63  }
0xa6: {  	_ =	swait.ge [sflag:s29], $0x800  }
0xa7: {  	[sflag:s29] =	ssyncset.done $0x0  }
0xa8: {  	[sflag:s29] =	ssyncadd.s32 $0xFFFFF800  }
.Ltmp8:
0xa9: {  	(pc) =	sbr.rel .LBB2_6-.Ltmp8, $4  }
0xaa: {  	s0 =	sadd.s32 s26, s11  }
0xab: {  	s0 =	sshll.u32 s0, $0x5  }
0xac: {  	s9 =	sadd.s32 $0x1, s9;
	s0 =	sadd.s32 s4, s0  }
0xad: {  	[tilespmem:s31], [sflag:$0x4] =	stream.linear.gather [hbm4b:s0+s3], $0x100, $0x38;
	[tilespmem:$0x6210] =	vst v63  }
.LBB2_12:
0xae: {  	s14 =	simm.s32 $0x2  }
0xaf: {  	_ =	swait.ge [sflag:s14], $0x100  }
0xb0: {  	[sflag:s14] =	ssyncset.done $0x0  }
0xb1: {  	s22 =	simm.s32 $0x2810;
	[sflag:s14] =	ssyncadd.s32 $0xFFFFFF00  }
0xb2: {  	[tilespmem:s22], [sflag:$0x1] =	stream.indirect.gather [hbm4b:s6+s23], $0x10, s5, s23, $0xb8;
	[tilespmem:$0x6210] =	vst v63  }
0xb3: {  	s0 =	simm.s32 $0x2790;
	s25 =	simm.s32 $0x3010  }
0xb4: {  	[tilespmem:s25], [sflag:$0x1] =	stream.indirect.gather [hbm4b:s7+s23], $0x10, s0, s23, $0xb8;
	[tilespmem:$0x6210] =	vst v63  }
0xb5: {  	s30 =	simm.s32 $0x0;
	s9 =	rddreg [dreg:$0x9]  }
0xb6: {  	[tilespmem:s20], [sflag:$0x1] =	stream.linear.gather [hbm4b:s9+s30], $0x800, $0x38;
	[tilespmem:$0x6210] =	vst v63  }
0xb7: {  	_ =	swait.ge [sflag:s18], $0x800  }
0xb8: {  	[sflag:s18] =	ssyncset.done $0x0  }
0xb9: {  	[sflag:s18] =	ssyncadd.s32 $0xFFFFF800  }
0xba: {  	_ =	swait.ge [sflag:s18], $0x800  }
0xbb: {  	[sflag:s18] =	ssyncset.done $0x0  }
0xbc: {  	[sflag:s18] =	ssyncadd.s32 $0xFFFFF800  }
0xbd: {  	_ =	swait.ge [sflag:s18], $0x800  }
0xbe: {  	[sflag:s18] =	ssyncset.done $0x0  }
0xbf: {  	s0 =	simm.s32 $0x0;
	[sflag:s18] =	ssyncadd.s32 $0xFFFFF800  }
0xc0: {  	s9 =	simm.s32 $0x40;
	v2 =	vld [tilespmem:s0+$0x2810]  }
.LBB2_13:
0xc1: {  	p2 =	sne.s32 s9, $0x1FC0;
	v3 =	vld [tilespmem:s0+$0x3810];
	_ =	sdelay $0x1  }
0xc2: {  	v4 =	vld [tilespmem:s0+$0x3010];
	_ =	sdelay $0x2  }
0xc3: {  	v2 =	vadd.f32 v2, v3  }
.Ltmp9:
0xc4: {  	(pc) =	sbr.rel @p2 .LBB2_13-.Ltmp9, $3  }
0xc5: {  	v2 =	vadd.f32 v4, v2;
	_ =	sdelay $0x1  }
0xc6: {  	s11 =	sshra.s32 s9, $0x2;
	v3 =	vmax.f32 v2, $0.0e+00  }
0xc7: {  	s9 =	sadd.s32 $0x40, s9;
	v2 =	vld [tilespmem:s11+$0x2810];
	[tilespmem:s0+$0x3810] =	vst v3;
	s0 =	smov.u32 s11  }
0xc8: {  	v3 =	vld [tilespmem:s0+$0x3810];
	_ =	sdelay $0x1  }
0xc9: {  	v4 =	vld [tilespmem:s0+$0x3010];
	_ =	sdelay $0x2  }
0xca: {  	v2 =	vadd.f32 v2, v3;
	_ =	sdelay $0x1  }
0xcb: {  	v2 =	vadd.f32 v4, v2;
	_ =	sdelay $0x1  }
0xcc: {  	v2 =	vmax.f32 v2, $0.0e+00  }
0xcd: {  	s11 =	rddreg [dreg:$0xa];
	[tilespmem:s0+$0x3810] =	vst v2  }
0xce: {  	[hbm4b:s11+s3] =	stream.linear.scatter [tilespmem:s20], [sflag:$0x5], $0x800, $0x38;
	[tilespmem:$0x6210] =	vst v63  }
0xcf: {  	_ =	swait.ge [sflag:s29], $0x800  }
0xd0: {  	[sflag:s29] =	ssyncset.done $0x0  }
.Ltmp10:
0xd1: {  	s30 =	simm.s32 $0x2790;
	[sflag:s29] =	ssyncadd.s32 $0xFFFFF800;
	(pc) =	sbr.rel @p1 .LBB2_18-.Ltmp10, $4  }
0xd2: {  	[spmem:s2] =	stream.indirect.scatter.add.f32 [tilespmem:s12], [sflag:$0x5], $0x10, s30, s23, $0xb8;
	[tilespmem:$0x6210] =	vst v63  }
0xd3: {  	_ =	swait.ge [sflag:s29], $0x800  }
0xd4: {  	[sflag:s29] =	ssyncset.done $0x0  }
0xd5: {  	[sflag:s29] =	ssyncadd.s32 $0xFFFFF800  }
0xd6: {  	s0 =	simm.s32 $0x0;
	s9 =	rddreg [dreg:$0xb]  }
0xd7: {  	[tilespmem:s31], [sflag:$0x4] =	stream.linear.gather [hbm4b:s9+s0], $0x100, $0x38;
	[tilespmem:$0x6210] =	vst v63  }
0xd8: {  	_ =	swait.ge [sflag:s21], $0x100  }
0xd9: {  	[sflag:s21] =	ssyncset.done $0x0  }
0xda: {  	s5 =	simm.s32 $0x4110;
	[sflag:s21] =	ssyncadd.s32 $0xFFFFFF00  }
0xdb: {  	[tilespmem:s5], [sflag:$0x3] =	stream.indirect.gather [hbm4b:s6+s23], $0x10, s31, s23, $0xb8;
	[tilespmem:$0x6210] =	vst v63  }
0xdc: {  	s11 =	simm.s32 $0x4910  }
0xdd: {  	[tilespmem:s11], [sflag:$0x3] =	stream.indirect.gather [hbm4b:s7+s23], $0x10, s13, s23, $0xb8;
	[tilespmem:$0x6210] =	vst v63  }
0xde: {  	s30 =	rddreg [dreg:$0xc]  }
0xdf: {  	[tilespmem:s17], [sflag:$0x3] =	stream.linear.gather [hbm4b:s30+s0], $0x800, $0x38;
	[tilespmem:$0x6210] =	vst v63  }
0xe0: {  	_ =	swait.ge [sflag:s24], $0x800  }
0xe1: {  	[sflag:s24] =	ssyncset.done $0x0  }
0xe2: {  	[sflag:s24] =	ssyncadd.s32 $0xFFFFF800  }
0xe3: {  	_ =	swait.ge [sflag:s24], $0x800  }
0xe4: {  	[sflag:s24] =	ssyncset.done $0x0  }
0xe5: {  	[sflag:s24] =	ssyncadd.s32 $0xFFFFF800  }
0xe6: {  	_ =	swait.ge [sflag:s24], $0x800  }
0xe7: {  	[sflag:s24] =	ssyncset.done $0x0  }
0xe8: {  	s0 =	simm.s32 $0x0;
	[sflag:s24] =	ssyncadd.s32 $0xFFFFF800  }
0xe9: {  	s9 =	simm.s32 $0x40;
	v2 =	vld [tilespmem:s0+$0x4110]  }
.LBB2_16:
0xea: {  	p2 =	sne.s32 s9, $0x1FC0;
	v3 =	vld [tilespmem:s0+$0x5110];
	_ =	sdelay $0x1  }
0xeb: {  	v4 =	vld [tilespmem:s0+$0x4910];
	_ =	sdelay $0x2  }
0xec: {  	v2 =	vadd.f32 v2, v3  }
.Ltmp11:
0xed: {  	(pc) =	sbr.rel @p2 .LBB2_16-.Ltmp11, $3  }
0xee: {  	v2 =	vadd.f32 v4, v2;
	_ =	sdelay $0x1  }
0xef: {  	s11 =	sshra.s32 s9, $0x2;
	v3 =	vmax.f32 v2, $0.0e+00  }
0xf0: {  	s9 =	sadd.s32 $0x40, s9;
	v2 =	vld [tilespmem:s11+$0x4110];
	[tilespmem:s0+$0x5110] =	vst v3;
	s0 =	smov.u32 s11  }
0xf1: {  	v3 =	vld [tilespmem:s0+$0x5110];
	_ =	sdelay $0x1  }
0xf2: {  	v4 =	vld [tilespmem:s0+$0x4910];
	_ =	sdelay $0x2  }
0xf3: {  	v2 =	vadd.f32 v2, v3;
	_ =	sdelay $0x1  }
0xf4: {  	v2 =	vadd.f32 v4, v2;
	_ =	sdelay $0x1  }
0xf5: {  	v2 =	vmax.f32 v2, $0.0e+00  }
0xf6: {  	s30 =	rddreg [dreg:$0xd];
	[tilespmem:s0+$0x5110] =	vst v2  }
0xf7: {  	[hbm4b:s30+s3] =	stream.linear.scatter [tilespmem:s17], [sflag:$0x5], $0x800, $0x38;
	[tilespmem:$0x6210] =	vst v63  }
0xf8: {  	_ =	swait.ge [sflag:s29], $0x800  }
0xf9: {  	[sflag:s29] =	ssyncset.done $0x0  }
0xfa: {  	[sflag:s29] =	ssyncadd.s32 $0xFFFFF800  }
0xfb: {  	[spmem:s2] =	stream.indirect.scatter.add.f32 [tilespmem:s12], [sflag:$0x5], $0x10, s13, s23, $0xb8;
	[tilespmem:$0x6210] =	vst v63  }
.Ltmp12:
0xfc: {  	_ =	swait.ge [sflag:s29], $0x800;
	(pc) =	sbr.rel .LBB2_19-.Ltmp12, $3  }
0xfd: {  	[sflag:s29] =	ssyncset.done $0x0  }
0xfe: {  	[sflag:s29] =	ssyncadd.s32 $0xFFFFF800  }
0xff: {  	[bflag:$0x0] =	sbarrier.arrive $0xFFFF;
	_ =	sdelay $0x1  }
.LBB2_18:
.Ltmp13:
0x100: {  	(pc) =	sbr.rel @p0 .LBB2_20-.Ltmp13, $2  }
0x101: {  	_ =	sdelay $0x1  }
0x102: {  	[bflag:$0x0] =	sbarrier.arrive $0xFFFF;
	_ =	sdelay $0x1  }
.LBB2_19:
0x103: {  	s0 =	stileid.u32;
	s9 =	rddreg [dreg:$0x5]  }
0x104: {  	s11 =	rddreg [dreg:$0xe];
	s0 =	sshll.u32 s0, $0x6  }
.Ltmp14:
0x105: {  	s9 =	sshrl.u32 s9, $0x3;
	s0 =	sor.u32 $0x1C05, s0;
	(pc) =	sbr.rel .LBB2_21-.Ltmp14, $4  }
0x106: {  	[hbm:s11], [sflag:s0] =	dma.local [spmem:s9], $0x4E0  }
0x107: {  	_ =	swait.ge [sflag:s29], $0x4E0  }
0x108: {  	[sflag:s29] =	ssyncset.done $0x0  }
0x109: {  	s5 =	rddreg [dreg:$0x12];
	[sflag:s29] =	ssyncadd.s32 $0xFFFFFB20  }
.LBB2_22:
0x10a: {  	_ =	sfence.sel $0x180000  }
0x10b: {  	[bflag:$0x0] =	sbarrier.arrive $0xFFFF  }
0x10c: {  	_ =	strace $0x90000047  }
0x10d: {  	s0 =	stileid.u32;
	[bflag:$0x2] =	sbarrier.arrive $0xFFFF  }
0x10e: {  	p0 =	sne.s32 s0, $0x0;
	s0 =	rddreg [dreg:$0x3]  }
0x10f: {  	s0 =	sadd.s32 @!p0 $0x100000, s0  }
0x110: {  	[sflag:s0] =	ssyncadd.tile.s32 @!p0 $0x1;
	_ =	shalt  }
.Lfunc_end2:
_tile_overlayer_lowered:
.L_overlay_start_2:
0x111: {  	(tag) =	ssettag $0x2  }
0x112: {  	s0 =	rddreg [dreg:$0x0];
	s2 =	stileid.u32  }
0x113: {  	s1 =	rddreg [dreg:$0x1];
	p0 =	sne.s32 s2, $0x0  }
0x114: {  	s3 =	rddreg [dreg:$0x2];
	[bflag:$0x3] =	sbarrier.arrive $0xFFFF;
	s2 =	simm.s32 @!p0 $0x1C05  }
0x115: {  	[timem:s3], [sflag:s2] =	dma.local @!p0 [hbm:s0], s1  }
0x116: {  	s0 =	simm.s32 @!p0 $0x5  }
0x117: {  	_ =	swait.ge @!p0 [sflag:s0], s1  }
0x118: {  	s1 =	ssub.s32 @!p0 $0x0, s1;
	[sflag:s0] =	ssyncset.done @!p0 $0x0  }
0x119: {  	[sflag:s0] =	ssyncadd.s32 @!p0 s1  }
0x11a: {  	[bflag:$0x3] =	sbarrier.arrive $0xFFFF  }
0x11b: {  	_ =	shalt  }

</sc_bundles>
